<compile_context>
chip_gen: v7x
topology: tpu7x:2x2x1
jax: 0.10.2.dev20260603
libtpu: 0.0.44.dev20260713+nightly
codegen_flags: <defaults>
</compile_context>

<pallas_src>
import jax
import jax.numpy as jnp
from jax import lax
from jax.experimental import pallas as pl
from jax.experimental.pallas import tpu as pltpu
from jax.experimental.pallas import tpu_sc as plsc

_DELTA_V = 1.0
_DELTA_D = 6.0

_B = 8
_C = 8
_N = 144 * 256
_NSUB = 32
_P = (_B * _N) // _NSUB
_NV = _P // 16


def _vec_sqrt(s):
  ibits = plsc.bitcast(s, jnp.int32)
  y = plsc.bitcast(jnp.int32(0x5F3759DF) - (ibits >> 1), jnp.float32)
  for _ in range(3):
    y = y * (1.5 - 0.5 * s * y * y)
  return s * y


def _sc_body(e_hbm, t_hbm, out_hbm, e_v, t_v, acc_v, comb_v, pub_s, mean_v,
             w_v, outv_v):
  c_id = lax.axis_index("c")
  s_id = lax.axis_index("s")
  wid = c_id * 16 + s_id
  b = c_id * 4 + s_id // 4
  q = s_id % 4
  base = q * _P

  pltpu.sync_copy(e_hbm.at[b, :, pl.ds(base, _P)], e_v)
  pltpu.sync_copy(t_hbm.at[b, pl.ds(base, _P)], t_v)

  zeros = jnp.zeros((16,), jnp.float32)

  def slot(l, j):
    return pl.ds((l * 9 + j) * 16, 16)

  for l in range(6):
    for j in range(9):
      acc_v[slot(l, j)] = zeros

  def p1(i, carry):
    off = pl.multiple_of(i * 16, 16)
    t_vec = t_v[pl.ds(off, 16)]
    for l in range(1, 6):
      m = t_vec == l
      for c in range(_C):
        e_vec = e_v[c, pl.ds(off, 16)]
        plsc.addupdate(acc_v.at[slot(l, c)], jnp.where(m, e_vec, 0.0))
      plsc.addupdate(acc_v.at[slot(l, 8)], jnp.where(m, 1.0, 0.0))
    return carry

  lax.fori_loop(0, _NV, p1, jnp.float32(0.0))

  pltpu.sync_copy(acc_v, pub_s.at[s_id])
  plsc.subcore_barrier()
  g0 = (s_id // 4) * 4
  pltpu.sync_copy(pub_s.at[g0], comb_v)
  for k in range(1, 4):
    pltpu.sync_copy(pub_s.at[g0 + k], acc_v)
    for l in range(1, 6):
      for j in range(9):
        comb_v[slot(l, j)] = comb_v[slot(l, j)] + acc_v[slot(l, j)]

  p = lax.iota(jnp.int32, 16)

  def splat(x):
    return jnp.broadcast_to(x, (16,))

  mean_v[pl.ds(0, 16)] = zeros
  w_row = zeros
  pc_vec = zeros
  for l in range(1, 6):
    cntv = splat(jnp.sum(comb_v[slot(l, 8)]))
    safe = jnp.maximum(cntv, 1.0)
    w_lv = jnp.where(cntv > 1.5, 1.0, 0.0).astype(jnp.float32)
    w_row = jnp.where(p == l, w_lv, w_row)
    pc_vec = pc_vec + w_lv * cntv
    row = zeros
    for c in range(_C):
      row = jnp.where(p == c, splat(jnp.sum(comb_v[slot(l, c)])), row)
    mean_v[pl.ds(l * 16, 16)] = row / safe
  w_v[...] = w_row

  def p2(i, acc):
    off = pl.multiple_of(i * 16, 16)
    t_vec = t_v[pl.ds(off, 16)]
    idx16 = t_vec * 16
    s = jnp.full((16,), 1e-12, jnp.float32)
    for c in range(_C):
      e_vec = e_v[c, pl.ds(off, 16)]
      m_vec = plsc.load_gather(mean_v, [idx16 + c])
      d = e_vec - m_vec
      s = s + d * d
    n = _vec_sqrt(s)
    h = jnp.maximum(n - _DELTA_V, 0.0)
    wvec = plsc.load_gather(w_v, [t_vec])
    return acc + wvec * h * h

  dist_acc = lax.fori_loop(0, _NV, p2, zeros)
  tot_dist_part = jnp.sum(dist_acc)

  ge4 = jnp.where(p >= 4, 1, 0)
  ge7 = jnp.where(p >= 7, 1, 0)
  ge9 = jnp.where(p >= 9, 1, 0)
  i_vec = ge4 + ge7 + ge9 + 1
  j_vec = jnp.minimum(p + 2 - (3 * ge4 + 2 * ge7 + ge9), 5)
  d2 = jnp.full((16,), 1e-12, jnp.float32)
  for c in range(_C):
    va = plsc.load_gather(mean_v, [i_vec * 16 + c])
    vb = plsc.load_gather(mean_v, [j_vec * 16 + c])
    dd = va - vb
    d2 = d2 + dd * dd
  pd = _vec_sqrt(d2)
  pen = jnp.maximum(_DELTA_D - pd, 0.0)
  pen = pen * pen
  wi = plsc.load_gather(w_v, [i_vec])
  wj = plsc.load_gather(w_v, [j_vec])
  pm = wi * wj * jnp.where(p < 10, 1.0, 0.0)
  pen_sum_v = splat(jnp.sum(pen * pm))
  n_pairs_v = splat(jnp.sum(pm))
  tv_v = jnp.where(n_pairs_v > 0.5,
                   pen_sum_v / jnp.maximum(n_pairs_v, 1.0), 0.0)

  flag_v = jnp.where(splat(q) == 0, 1.0, 0.0).astype(jnp.float32)
  outvec = jnp.where(p == 0, splat(tot_dist_part),
                     jnp.where(p == 1, flag_v * tv_v,
                               jnp.where(p == 2, flag_v * pc_vec, 0.0)))
  outv_v[...] = outvec
  pltpu.sync_copy(outv_v, out_hbm.at[wid])


@jax.jit
def kernel(targets, embedding_vector):
  e = embedding_vector.reshape(_B, _C, _N)
  t = targets.reshape(_B, _N)

  mesh = plsc.VectorSubcoreMesh(core_axis_name="c", subcore_axis_name="s",
                                num_cores=2, num_subcores=16)
  parts = pl.kernel(
      _sc_body,
      out_type=jax.ShapeDtypeStruct((_NSUB, 16), jnp.float32),
      mesh=mesh,
      compiler_params=pltpu.CompilerParams(needs_layout_passes=False),
      scratch_types=[
          pltpu.VMEM((_C, _P), jnp.float32),
          pltpu.VMEM((_P,), jnp.int32),
          pltpu.VMEM((864,), jnp.float32),
          pltpu.VMEM((864,), jnp.float32),
          pltpu.VMEM_SHARED((16, 864), jnp.float32),
          pltpu.VMEM((96,), jnp.float32),
          pltpu.VMEM((16,), jnp.float32),
          pltpu.VMEM((16,), jnp.float32),
      ],
  )(e, t)

  tot_dist = jnp.sum(parts[:, 0])
  tot_var = jnp.sum(parts[:, 1])
  pc = jnp.sum(parts[:, 2])
  dist_term = jnp.where(pc > 0, tot_dist / jnp.maximum(pc, 1.0), 0.0)
  loss = dist_term + tot_var / _B
  return loss.reshape(1)

# --- scband reference (transcript-rebuilt; emitter-appended) ---
"""Pipeline reference for scband-clustering-loss-90280212561992 (READ-ONLY COPY).

The authoritative reference and input builder live on the scoring server;
editing this copy changes nothing except your own understanding.
"""

import jax, jax.numpy as jnp
import numpy as np

MAX_LANE_COUNT = 5
DELTA_V = 1.0
DELTA_D = 6.0


def setup_inputs(seed: int = 0) -> dict:
    key = jax.random.key(seed)
    k1, k2 = jax.random.split(key)
    targets = jax.random.randint(k1, (8, 144, 256), 0, 6, dtype=jnp.int32)
    embedding_vector = jax.random.normal(k2, (8, 8, 144, 256), dtype=jnp.float32)
    return {"targets": targets, "embedding_vector": embedding_vector}


def _clustering_loss(targets, emb):
    B, C, H, W = emb.shape
    L = MAX_LANE_COUNT
    N = H * W
    t = targets.reshape(B, N)
    e = emb.reshape(B, C, N)
    classes = jnp.arange(1, L + 1)
    # mask[b, l, n] = 1 if pixel n of image b belongs to lane class l+1
    mask = (t[:, None, :] == classes[None, :, None]).astype(emb.dtype)  # [B, L, N]
    count = mask.sum(axis=-1)  # [B, L]
    safe = jnp.maximum(count, 1.0)
    # per-class mean embedding vector (masked mean over selected pixels)
    means = jnp.einsum('bln,bcn->blc', mask, e) / safe[:, :, None]  # [B, L, C]
    # variance (pull) term: relu(||e - mean|| - delta_v)^2 over masked pixels
    diff = e[:, None, :, :] - means[:, :, :, None]  # [B, L, C, N]
    norm = jnp.sqrt(jnp.sum(diff * diff, axis=2) + 1e-12)  # [B, L, N]
    hinge = jnp.maximum(norm - DELTA_V, 0.0)
    var_sum = jnp.sum(hinge * hinge * mask, axis=-1)  # [B, L]
    valid = count > 1.5  # torch: vs.numel() > 1
    tot_dist = jnp.sum(jnp.where(valid, var_sum, 0.0))
    point_count = jnp.sum(jnp.where(valid, count, 0.0))
    # distance (push) term: mean over pdist pairs of relu(delta_d - d)^2 per batch
    mdiff = means[:, :, None, :] - means[:, None, :, :]  # [B, L, L, C]
    pd = jnp.sqrt(jnp.sum(mdiff * mdiff, axis=-1) + 1e-12)  # [B, L, L]
    iu = jnp.triu(jnp.ones((L, L), dtype=bool), k=1)
    pmask = (valid[:, :, None] & valid[:, None, :] & iu[None]).astype(emb.dtype)
    pen = jnp.maximum(DELTA_D - pd, 0.0) ** 2
    pen_sum = jnp.sum(pen * pmask, axis=(1, 2))  # [B]
    n_pairs = jnp.sum(pmask, axis=(1, 2))  # [B]
    tot_var = jnp.sum(jnp.where(n_pairs > 0, pen_sum / jnp.maximum(n_pairs, 1.0), 0.0))
    dist_term = jnp.where(point_count > 0, tot_dist / jnp.maximum(point_count, 1.0), 0.0)
    loss = dist_term + tot_var / B
    return loss.reshape(1)


def reference(targets, embedding_vector):
    return _clustering_loss(targets, embedding_vector)

if __name__ == "__main__":
    import jax
    _d = setup_inputs()
    print(jax.jit(kernel)(*tuple(_d.values())))

</pallas_src>

<mosaic_0001>
#map = affine_map<(d0, d1) -> (0, 0, 0)>
#map1 = affine_map<(d0, d1) -> (0, 0)>
module attributes {stable_mosaic.version = 14 : i64} {
  func.func @_sc_body(%arg0: i32, %arg1: i32, %arg2: memref<8x8x36864xf32, #tpu.memory_space<hbm>>, %arg3: memref<8x36864xi32, #tpu.memory_space<hbm>>, %arg4: memref<32x16xf32, #tpu.memory_space<hbm>>, %arg5: memref<8x9216xf32, #tpu.memory_space<vmem>>, %arg6: memref<9216xi32, #tpu.memory_space<vmem>>, %arg7: memref<864xf32, #tpu.memory_space<vmem>>, %arg8: memref<864xf32, #tpu.memory_space<vmem>>, %arg9: memref<16x864xf32, #tpu.memory_space<vmem_shared>>, %arg10: memref<96xf32, #tpu.memory_space<vmem>>, %arg11: memref<16xf32, #tpu.memory_space<vmem>>, %arg12: memref<16xf32, #tpu.memory_space<vmem>>) attributes {dimension_semantics = [#tpu.dimension_semantics<core_parallel>, #tpu.dimension_semantics<subcore_parallel>], iteration_bounds = array<i64: 2, 16>, scalar_prefetch = 0 : i64, scratch_operands = 8 : i64, tpu.core_type = #tpu.core_type<sc_vector_subcore>, window_params = [{transform_indices = #map}, {transform_indices = #map1}, {transform_indices = #map1}]} {
    %mul3A = arith.constant 16 : i32
    %mul3A_0 = arith.muli %arg0, %mul3A : i32
    %add3A = arith.addi %mul3A_0, %arg1 : i32
    %mul3A_1 = arith.constant 4 : i32
    %mul3A_2 = arith.muli %arg0, %mul3A_1 : i32
    %jit3A = arith.constant 4 : i32
    %div3A = arith.divsi %arg1, %jit3A : i32
    %sign3A = arith.constant 0 : i32
    %sign3A_3 = arith.cmpi sgt, %arg1, %sign3A : i32
    %sign3A_4 = arith.extui %sign3A_3 : i1 to i32
    %sign3A_5 = arith.constant 0 : i32
    %sign3A_6 = arith.cmpi slt, %arg1, %sign3A_5 : i32
    %sign3A_7 = arith.extui %sign3A_6 : i1 to i32
    %sign3A_8 = arith.subi %sign3A_4, %sign3A_7 : i32
    %sign3A_9 = arith.constant 0 : i32
    %sign3A_10 = arith.cmpi sgt, %jit3A, %sign3A_9 : i32
    %sign3A_11 = arith.extui %sign3A_10 : i1 to i32
    %sign3A_12 = arith.constant 0 : i32
    %sign3A_13 = arith.cmpi slt, %jit3A, %sign3A_12 : i32
    %sign3A_14 = arith.extui %sign3A_13 : i1 to i32
    %sign3A_15 = arith.subi %sign3A_11, %sign3A_14 : i32
    %ne3A = arith.cmpi ne, %sign3A_8, %sign3A_15 : i32
    %rem3A = arith.remsi %arg1, %jit3A : i32
    %ne3A_16 = arith.constant 0 : i32
    %ne3A_17 = arith.cmpi ne, %rem3A, %ne3A_16 : i32
    %and3A = arith.andi %ne3A, %ne3A_17 : i1
    %sub3A = arith.constant 1 : i32
    %sub3A_18 = arith.subi %div3A, %sub3A : i32
    %select_n3A = arith.select %and3A, %sub3A_18, %div3A : i32
    %add3A_19 = arith.addi %mul3A_2, %select_n3A : i32
    %jit3A_20 = arith.constant 4 : i32
    %eq3A = arith.constant 0 : i32
    %eq3A_21 = arith.cmpi eq, %jit3A_20, %eq3A : i32
    %jit3A_22 = arith.constant 1 : i32
    %select_n3A_23 = arith.select %eq3A_21, %jit3A_22, %jit3A_20 : i32
    %rem3A_24 = arith.remsi %arg1, %select_n3A_23 : i32
    %ne3A_25 = arith.constant 0 : i32
    %ne3A_26 = arith.cmpi ne, %rem3A_24, %ne3A_25 : i32
    %lt3A = arith.constant 0 : i32
    %lt3A_27 = arith.cmpi slt, %rem3A_24, %lt3A : i32
    %lt3A_28 = arith.constant 0 : i32
    %lt3A_29 = arith.cmpi slt, %select_n3A_23, %lt3A_28 : i32
    %ne3A_30 = arith.xori %lt3A_27, %lt3A_29 : i1
    %and3A_31 = arith.andi %ne3A_30, %ne3A_26 : i1
    %add3A_32 = arith.addi %rem3A_24, %select_n3A_23 : i32
    %select_n3A_33 = arith.select %and3A_31, %add3A_32, %rem3A_24 : i32
    %mul3A_34 = arith.constant 9216 : i32
    %mul3A_35 = arith.muli %select_n3A_33, %mul3A_34 : i32
    "tpu.region"() ({
      %run_scoped3A = tpu.sem_alloc : memref<!tpu.dma_semaphore, #tpu.memory_space<semaphore_mem>>
      %dma_start3A = arith.constant 0 : i32
      %dma_start3A_1992 = tpu.memref_slice %arg2[%add3A_19, %dma_start3A, %mul3A_35] : memref<8x8x36864xf32, #tpu.memory_space<hbm>> -> memref<1x8x9216xf32, #tpu.memory_space<hbm>>
      %dma_start3A_1993 = tpu.memref_squeeze %dma_start3A_1992 : memref<1x8x9216xf32, #tpu.memory_space<hbm>> -> memref<8x9216xf32, #tpu.memory_space<hbm>>
      %dma_start3A_1994 = arith.constant 0 : i32
      %dma_start3A_1995 = tpu.memref_slice %arg2[%add3A_19, %dma_start3A_1994, %mul3A_35] : memref<8x8x36864xf32, #tpu.memory_space<hbm>> -> memref<1x8x9216xf32, #tpu.memory_space<hbm>>
      %dma_start3A_1996 = tpu.memref_squeeze %dma_start3A_1995 : memref<1x8x9216xf32, #tpu.memory_space<hbm>> -> memref<8x9216xf32, #tpu.memory_space<hbm>>
      tpu.enqueue_dma source(%dma_start3A_1996 : memref<8x9216xf32, #tpu.memory_space<hbm>>) target(%arg5 : memref<8x9216xf32, #tpu.memory_space<vmem>>) target_semaphore(%run_scoped3A : memref<!tpu.dma_semaphore, #tpu.memory_space<semaphore_mem>>)
      %dma_wait3A = arith.constant 0 : i32
      %dma_wait3A_1997 = tpu.memref_slice %arg2[%add3A_19, %dma_wait3A, %mul3A_35] : memref<8x8x36864xf32, #tpu.memory_space<hbm>> -> memref<1x8x9216xf32, #tpu.memory_space<hbm>>
      %dma_wait3A_1998 = tpu.memref_squeeze %dma_wait3A_1997 : memref<1x8x9216xf32, #tpu.memory_space<hbm>> -> memref<8x9216xf32, #tpu.memory_space<hbm>>
      %dma_wait3A_1999 = arith.constant 0 : i32
      %dma_wait3A_2000 = tpu.memref_slice %arg2[%add3A_19, %dma_wait3A_1999, %mul3A_35] : memref<8x8x36864xf32, #tpu.memory_space<hbm>> -> memref<1x8x9216xf32, #tpu.memory_space<hbm>>
      %dma_wait3A_2001 = tpu.memref_squeeze %dma_wait3A_2000 : memref<1x8x9216xf32, #tpu.memory_space<hbm>> -> memref<8x9216xf32, #tpu.memory_space<hbm>>
      tpu.wait_dma2 semaphore(%run_scoped3A : memref<!tpu.dma_semaphore, #tpu.memory_space<semaphore_mem>>) src(%dma_wait3A_2001 : memref<8x9216xf32, #tpu.memory_space<hbm>>) dst(%arg5 : memref<8x9216xf32, #tpu.memory_space<vmem>>)
      tpu.yield
    }) : () -> ()
    "tpu.region"() ({
      %run_scoped3A = tpu.sem_alloc : memref<!tpu.dma_semaphore, #tpu.memory_space<semaphore_mem>>
      %dma_start3A = tpu.memref_slice %arg3[%add3A_19, %mul3A_35] : memref<8x36864xi32, #tpu.memory_space<hbm>> -> memref<1x9216xi32, #tpu.memory_space<hbm>>
      %dma_start3A_1992 = tpu.memref_squeeze %dma_start3A : memref<1x9216xi32, #tpu.memory_space<hbm>> -> memref<9216xi32, #tpu.memory_space<hbm>>
      %dma_start3A_1993 = tpu.memref_slice %arg3[%add3A_19, %mul3A_35] : memref<8x36864xi32, #tpu.memory_space<hbm>> -> memref<1x9216xi32, #tpu.memory_space<hbm>>
      %dma_start3A_1994 = tpu.memref_squeeze %dma_start3A_1993 : memref<1x9216xi32, #tpu.memory_space<hbm>> -> memref<9216xi32, #tpu.memory_space<hbm>>
      tpu.enqueue_dma source(%dma_start3A_1994 : memref<9216xi32, #tpu.memory_space<hbm>>) target(%arg6 : memref<9216xi32, #tpu.memory_space<vmem>>) target_semaphore(%run_scoped3A : memref<!tpu.dma_semaphore, #tpu.memory_space<semaphore_mem>>)
      %dma_wait3A = tpu.memref_slice %arg3[%add3A_19, %mul3A_35] : memref<8x36864xi32, #tpu.memory_space<hbm>> -> memref<1x9216xi32, #tpu.memory_space<hbm>>
      %dma_wait3A_1995 = tpu.memref_squeeze %dma_wait3A : memref<1x9216xi32, #tpu.memory_space<hbm>> -> memref<9216xi32, #tpu.memory_space<hbm>>
      %dma_wait3A_1996 = tpu.memref_slice %arg3[%add3A_19, %mul3A_35] : memref<8x36864xi32, #tpu.memory_space<hbm>> -> memref<1x9216xi32, #tpu.memory_space<hbm>>
      %dma_wait3A_1997 = tpu.memref_squeeze %dma_wait3A_1996 : memref<1x9216xi32, #tpu.memory_space<hbm>> -> memref<9216xi32, #tpu.memory_space<hbm>>
      tpu.wait_dma2 semaphore(%run_scoped3A : memref<!tpu.dma_semaphore, #tpu.memory_space<semaphore_mem>>) src(%dma_wait3A_1997 : memref<9216xi32, #tpu.memory_space<hbm>>) dst(%arg6 : memref<9216xi32, #tpu.memory_space<vmem>>)
      tpu.yield
    }) : () -> ()
    %broadcast_in_dim3A = arith.constant 0.000000e+00 : f32
    %broadcast_in_dim3A_36 = vector.broadcast %broadcast_in_dim3A : f32 to vector<16xf32>
    %swap3A = arith.constant 0 : index
    %swap3A_37 = tpu.vector_load %arg7[%swap3A] {strides = array<i32>} : memref<864xf32, #tpu.memory_space<vmem>>, vector<16xf32>,
    tpu.vector_store %arg7[%swap3A], %broadcast_in_dim3A_36 {strides = array<i32>} : memref<864xf32, #tpu.memory_space<vmem>>, vector<16xf32>,
    %swap3A_38 = arith.constant 16 : index
    %swap3A_39 = tpu.vector_load %arg7[%swap3A_38] {strides = array<i32>} : memref<864xf32, #tpu.memory_space<vmem>>, vector<16xf32>,
    tpu.vector_store %arg7[%swap3A_38], %broadcast_in_dim3A_36 {strides = array<i32>} : memref<864xf32, #tpu.memory_space<vmem>>, vector<16xf32>,
    %swap3A_40 = arith.constant 32 : index
    %swap3A_41 = tpu.vector_load %arg7[%swap3A_40] {strides = array<i32>} : memref<864xf32, #tpu.memory_space<vmem>>, vector<16xf32>,
    tpu.vector_store %arg7[%swap3A_40], %broadcast_in_dim3A_36 {strides = array<i32>} : memref<864xf32, #tpu.memory_space<vmem>>, vector<16xf32>,
    %swap3A_42 = arith.constant 48 : index
    %swap3A_43 = tpu.vector_load %arg7[%swap3A_42] {strides = array<i32>} : memref<864xf32, #tpu.memory_space<vmem>>, vector<16xf32>,
    tpu.vector_store %arg7[%swap3A_42], %broadcast_in_dim3A_36 {strides = array<i32>} : memref<864xf32, #tpu.memory_space<vmem>>, vector<16xf32>,
    %swap3A_44 = arith.constant 64 : index
    %swap3A_45 = tpu.vector_load %arg7[%swap3A_44] {strides = array<i32>} : memref<864xf32, #tpu.memory_space<vmem>>, vector<16xf32>,
    tpu.vector_store %arg7[%swap3A_44], %broadcast_in_dim3A_36 {strides = array<i32>} : memref<864xf32, #tpu.memory_space<vmem>>, vector<16xf32>,
    %swap3A_46 = arith.constant 80 : index
    %swap3A_47 = tpu.vector_load %arg7[%swap3A_46] {strides = array<i32>} : memref<864xf32, #tpu.memory_space<vmem>>, vector<16xf32>,
    tpu.vector_store %arg7[%swap3A_46], %broadcast_in_dim3A_36 {strides = array<i32>} : memref<864xf32, #tpu.memory_space<vmem>>, vector<16xf32>,
    %swap3A_48 = arith.constant 96 : index
    %swap3A_49 = tpu.vector_load %arg7[%swap3A_48] {strides = array<i32>} : memref<864xf32, #tpu.memory_space<vmem>>, vector<16xf32>,
    tpu.vector_store %arg7[%swap3A_48], %broadcast_in_dim3A_36 {strides = array<i32>} : memref<864xf32, #tpu.memory_space<vmem>>, vector<16xf32>,
    %swap3A_50 = arith.constant 112 : index
    %swap3A_51 = tpu.vector_load %arg7[%swap3A_50] {strides = array<i32>} : memref<864xf32, #tpu.memory_space<vmem>>, vector<16xf32>,
    tpu.vector_store %arg7[%swap3A_50], %broadcast_in_dim3A_36 {strides = array<i32>} : memref<864xf32, #tpu.memory_space<vmem>>, vector<16xf32>,
    %swap3A_52 = arith.constant 128 : index
    %swap3A_53 = tpu.vector_load %arg7[%swap3A_52] {strides = array<i32>} : memref<864xf32, #tpu.memory_space<vmem>>, vector<16xf32>,
    tpu.vector_store %arg7[%swap3A_52], %broadcast_in_dim3A_36 {strides = array<i32>} : memref<864xf32, #tpu.memory_space<vmem>>, vector<16xf32>,
    %swap3A_54 = arith.constant 144 : index
    %swap3A_55 = tpu.vector_load %arg7[%swap3A_54] {strides = array<i32>} : memref<864xf32, #tpu.memory_space<vmem>>, vector<16xf32>,
    tpu.vector_store %arg7[%swap3A_54], %broadcast_in_dim3A_36 {strides = array<i32>} : memref<864xf32, #tpu.memory_space<vmem>>, vector<16xf32>,
    %swap3A_56 = arith.constant 160 : index
    %swap3A_57 = tpu.vector_load %arg7[%swap3A_56] {strides = array<i32>} : memref<864xf32, #tpu.memory_space<vmem>>, vector<16xf32>,
    tpu.vector_store %arg7[%swap3A_56], %broadcast_in_dim3A_36 {strides = array<i32>} : memref<864xf32, #tpu.memory_space<vmem>>, vector<16xf32>,
    %swap3A_58 = arith.constant 176 : index
    %swap3A_59 = tpu.vector_load %arg7[%swap3A_58] {strides = array<i32>} : memref<864xf32, #tpu.memory_space<vmem>>, vector<16xf32>,
    tpu.vector_store %arg7[%swap3A_58], %broadcast_in_dim3A_36 {strides = array<i32>} : memref<864xf32, #tpu.memory_space<vmem>>, vector<16xf32>,
    %swap3A_60 = arith.constant 192 : index
    %swap3A_61 = tpu.vector_load %arg7[%swap3A_60] {strides = array<i32>} : memref<864xf32, #tpu.memory_space<vmem>>, vector<16xf32>,
    tpu.vector_store %arg7[%swap3A_60], %broadcast_in_dim3A_36 {strides = array<i32>} : memref<864xf32, #tpu.memory_space<vmem>>, vector<16xf32>,
    %swap3A_62 = arith.constant 208 : index
    %swap3A_63 = tpu.vector_load %arg7[%swap3A_62] {strides = array<i32>} : memref<864xf32, #tpu.memory_space<vmem>>, vector<16xf32>,
    tpu.vector_store %arg7[%swap3A_62], %broadcast_in_dim3A_36 {strides = array<i32>} : memref<864xf32, #tpu.memory_space<vmem>>, vector<16xf32>,
    %swap3A_64 = arith.constant 224 : index
    %swap3A_65 = tpu.vector_load %arg7[%swap3A_64] {strides = array<i32>} : memref<864xf32, #tpu.memory_space<vmem>>, vector<16xf32>,
    tpu.vector_store %arg7[%swap3A_64], %broadcast_in_dim3A_36 {strides = array<i32>} : memref<864xf32, #tpu.memory_space<vmem>>, vector<16xf32>,
    %swap3A_66 = arith.constant 240 : index
    %swap3A_67 = tpu.vector_load %arg7[%swap3A_66] {strides = array<i32>} : memref<864xf32, #tpu.memory_space<vmem>>, vector<16xf32>,
    tpu.vector_store %arg7[%swap3A_66], %broadcast_in_dim3A_36 {strides = array<i32>} : memref<864xf32, #tpu.memory_space<vmem>>, vector<16xf32>,
    %swap3A_68 = arith.constant 256 : index
    %swap3A_69 = tpu.vector_load %arg7[%swap3A_68] {strides = array<i32>} : memref<864xf32, #tpu.memory_space<vmem>>, vector<16xf32>,
    tpu.vector_store %arg7[%swap3A_68], %broadcast_in_dim3A_36 {strides = array<i32>} : memref<864xf32, #tpu.memory_space<vmem>>, vector<16xf32>,
    %swap3A_70 = arith.constant 272 : index
    %swap3A_71 = tpu.vector_load %arg7[%swap3A_70] {strides = array<i32>} : memref<864xf32, #tpu.memory_space<vmem>>, vector<16xf32>,
    tpu.vector_store %arg7[%swap3A_70], %broadcast_in_dim3A_36 {strides = array<i32>} : memref<864xf32, #tpu.memory_space<vmem>>, vector<16xf32>,
    %swap3A_72 = arith.constant 288 : index
    %swap3A_73 = tpu.vector_load %arg7[%swap3A_72] {strides = array<i32>} : memref<864xf32, #tpu.memory_space<vmem>>, vector<16xf32>,
    tpu.vector_store %arg7[%swap3A_72], %broadcast_in_dim3A_36 {strides = array<i32>} : memref<864xf32, #tpu.memory_space<vmem>>, vector<16xf32>,
    %swap3A_74 = arith.constant 304 : index
    %swap3A_75 = tpu.vector_load %arg7[%swap3A_74] {strides = array<i32>} : memref<864xf32, #tpu.memory_space<vmem>>, vector<16xf32>,
    tpu.vector_store %arg7[%swap3A_74], %broadcast_in_dim3A_36 {strides = array<i32>} : memref<864xf32, #tpu.memory_space<vmem>>, vector<16xf32>,
    %swap3A_76 = arith.constant 320 : index
    %swap3A_77 = tpu.vector_load %arg7[%swap3A_76] {strides = array<i32>} : memref<864xf32, #tpu.memory_space<vmem>>, vector<16xf32>,
    tpu.vector_store %arg7[%swap3A_76], %broadcast_in_dim3A_36 {strides = array<i32>} : memref<864xf32, #tpu.memory_space<vmem>>, vector<16xf32>,
    %swap3A_78 = arith.constant 336 : index
    %swap3A_79 = tpu.vector_load %arg7[%swap3A_78] {strides = array<i32>} : memref<864xf32, #tpu.memory_space<vmem>>, vector<16xf32>,
    tpu.vector_store %arg7[%swap3A_78], %broadcast_in_dim3A_36 {strides = array<i32>} : memref<864xf32, #tpu.memory_space<vmem>>, vector<16xf32>,
    %swap3A_80 = arith.constant 352 : index
    %swap3A_81 = tpu.vector_load %arg7[%swap3A_80] {strides = array<i32>} : memref<864xf32, #tpu.memory_space<vmem>>, vector<16xf32>,
    tpu.vector_store %arg7[%swap3A_80], %broadcast_in_dim3A_36 {strides = array<i32>} : memref<864xf32, #tpu.memory_space<vmem>>, vector<16xf32>,
    %swap3A_82 = arith.constant 368 : index
    %swap3A_83 = tpu.vector_load %arg7[%swap3A_82] {strides = array<i32>} : memref<864xf32, #tpu.memory_space<vmem>>, vector<16xf32>,
    tpu.vector_store %arg7[%swap3A_82], %broadcast_in_dim3A_36 {strides = array<i32>} : memref<864xf32, #tpu.memory_space<vmem>>, vector<16xf32>,
    %swap3A_84 = arith.constant 384 : index
    %swap3A_85 = tpu.vector_load %arg7[%swap3A_84] {strides = array<i32>} : memref<864xf32, #tpu.memory_space<vmem>>, vector<16xf32>,
    tpu.vector_store %arg7[%swap3A_84], %broadcast_in_dim3A_36 {strides = array<i32>} : memref<864xf32, #tpu.memory_space<vmem>>, vector<16xf32>,
    %swap3A_86 = arith.constant 400 : index
    %swap3A_87 = tpu.vector_load %arg7[%swap3A_86] {strides = array<i32>} : memref<864xf32, #tpu.memory_space<vmem>>, vector<16xf32>,
    tpu.vector_store %arg7[%swap3A_86], %broadcast_in_dim3A_36 {strides = array<i32>} : memref<864xf32, #tpu.memory_space<vmem>>, vector<16xf32>,
    %swap3A_88 = arith.constant 416 : index
    %swap3A_89 = tpu.vector_load %arg7[%swap3A_88] {strides = array<i32>} : memref<864xf32, #tpu.memory_space<vmem>>, vector<16xf32>,
    tpu.vector_store %arg7[%swap3A_88], %broadcast_in_dim3A_36 {strides = array<i32>} : memref<864xf32, #tpu.memory_space<vmem>>, vector<16xf32>,
    %swap3A_90 = arith.constant 432 : index
    %swap3A_91 = tpu.vector_load %arg7[%swap3A_90] {strides = array<i32>} : memref<864xf32, #tpu.memory_space<vmem>>, vector<16xf32>,
    tpu.vector_store %arg7[%swap3A_90], %broadcast_in_dim3A_36 {strides = array<i32>} : memref<864xf32, #tpu.memory_space<vmem>>, vector<16xf32>,
    %swap3A_92 = arith.constant 448 : index
    %swap3A_93 = tpu.vector_load %arg7[%swap3A_92] {strides = array<i32>} : memref<864xf32, #tpu.memory_space<vmem>>, vector<16xf32>,
    tpu.vector_store %arg7[%swap3A_92], %broadcast_in_dim3A_36 {strides = array<i32>} : memref<864xf32, #tpu.memory_space<vmem>>, vector<16xf32>,
    %swap3A_94 = arith.constant 464 : index
    %swap3A_95 = tpu.vector_load %arg7[%swap3A_94] {strides = array<i32>} : memref<864xf32, #tpu.memory_space<vmem>>, vector<16xf32>,
    tpu.vector_store %arg7[%swap3A_94], %broadcast_in_dim3A_36 {strides = array<i32>} : memref<864xf32, #tpu.memory_space<vmem>>, vector<16xf32>,
    %swap3A_96 = arith.constant 480 : index
    %swap3A_97 = tpu.vector_load %arg7[%swap3A_96] {strides = array<i32>} : memref<864xf32, #tpu.memory_space<vmem>>, vector<16xf32>,
    tpu.vector_store %arg7[%swap3A_96], %broadcast_in_dim3A_36 {strides = array<i32>} : memref<864xf32, #tpu.memory_space<vmem>>, vector<16xf32>,
    %swap3A_98 = arith.constant 496 : index
    %swap3A_99 = tpu.vector_load %arg7[%swap3A_98] {strides = array<i32>} : memref<864xf32, #tpu.memory_space<vmem>>, vector<16xf32>,
    tpu.vector_store %arg7[%swap3A_98], %broadcast_in_dim3A_36 {strides = array<i32>} : memref<864xf32, #tpu.memory_space<vmem>>, vector<16xf32>,
    %swap3A_100 = arith.constant 512 : index
    %swap3A_101 = tpu.vector_load %arg7[%swap3A_100] {strides = array<i32>} : memref<864xf32, #tpu.memory_space<vmem>>, vector<16xf32>,
    tpu.vector_store %arg7[%swap3A_100], %broadcast_in_dim3A_36 {strides = array<i32>} : memref<864xf32, #tpu.memory_space<vmem>>, vector<16xf32>,
    %swap3A_102 = arith.constant 528 : index
    %swap3A_103 = tpu.vector_load %arg7[%swap3A_102] {strides = array<i32>} : memref<864xf32, #tpu.memory_space<vmem>>, vector<16xf32>,
    tpu.vector_store %arg7[%swap3A_102], %broadcast_in_dim3A_36 {strides = array<i32>} : memref<864xf32, #tpu.memory_space<vmem>>, vector<16xf32>,
    %swap3A_104 = arith.constant 544 : index
    %swap3A_105 = tpu.vector_load %arg7[%swap3A_104] {strides = array<i32>} : memref<864xf32, #tpu.memory_space<vmem>>, vector<16xf32>,
    tpu.vector_store %arg7[%swap3A_104], %broadcast_in_dim3A_36 {strides = array<i32>} : memref<864xf32, #tpu.memory_space<vmem>>, vector<16xf32>,
    %swap3A_106 = arith.constant 560 : index
    %swap3A_107 = tpu.vector_load %arg7[%swap3A_106] {strides = array<i32>} : memref<864xf32, #tpu.memory_space<vmem>>, vector<16xf32>,
    tpu.vector_store %arg7[%swap3A_106], %broadcast_in_dim3A_36 {strides = array<i32>} : memref<864xf32, #tpu.memory_space<vmem>>, vector<16xf32>,
    %swap3A_108 = arith.constant 576 : index
    %swap3A_109 = tpu.vector_load %arg7[%swap3A_108] {strides = array<i32>} : memref<864xf32, #tpu.memory_space<vmem>>, vector<16xf32>,
    tpu.vector_store %arg7[%swap3A_108], %broadcast_in_dim3A_36 {strides = array<i32>} : memref<864xf32, #tpu.memory_space<vmem>>, vector<16xf32>,
    %swap3A_110 = arith.constant 592 : index
    %swap3A_111 = tpu.vector_load %arg7[%swap3A_110] {strides = array<i32>} : memref<864xf32, #tpu.memory_space<vmem>>, vector<16xf32>,
    tpu.vector_store %arg7[%swap3A_110], %broadcast_in_dim3A_36 {strides = array<i32>} : memref<864xf32, #tpu.memory_space<vmem>>, vector<16xf32>,
    %swap3A_112 = arith.constant 608 : index
    %swap3A_113 = tpu.vector_load %arg7[%swap3A_112] {strides = array<i32>} : memref<864xf32, #tpu.memory_space<vmem>>, vector<16xf32>,
    tpu.vector_store %arg7[%swap3A_112], %broadcast_in_dim3A_36 {strides = array<i32>} : memref<864xf32, #tpu.memory_space<vmem>>, vector<16xf32>,
    %swap3A_114 = arith.constant 624 : index
    %swap3A_115 = tpu.vector_load %arg7[%swap3A_114] {strides = array<i32>} : memref<864xf32, #tpu.memory_space<vmem>>, vector<16xf32>,
    tpu.vector_store %arg7[%swap3A_114], %broadcast_in_dim3A_36 {strides = array<i32>} : memref<864xf32, #tpu.memory_space<vmem>>, vector<16xf32>,
    %swap3A_116 = arith.constant 640 : index
    %swap3A_117 = tpu.vector_load %arg7[%swap3A_116] {strides = array<i32>} : memref<864xf32, #tpu.memory_space<vmem>>, vector<16xf32>,
    tpu.vector_store %arg7[%swap3A_116], %broadcast_in_dim3A_36 {strides = array<i32>} : memref<864xf32, #tpu.memory_space<vmem>>, vector<16xf32>,
    %swap3A_118 = arith.constant 656 : index
    %swap3A_119 = tpu.vector_load %arg7[%swap3A_118] {strides = array<i32>} : memref<864xf32, #tpu.memory_space<vmem>>, vector<16xf32>,
    tpu.vector_store %arg7[%swap3A_118], %broadcast_in_dim3A_36 {strides = array<i32>} : memref<864xf32, #tpu.memory_space<vmem>>, vector<16xf32>,
    %swap3A_120 = arith.constant 672 : index
    %swap3A_121 = tpu.vector_load %arg7[%swap3A_120] {strides = array<i32>} : memref<864xf32, #tpu.memory_space<vmem>>, vector<16xf32>,
    tpu.vector_store %arg7[%swap3A_120], %broadcast_in_dim3A_36 {strides = array<i32>} : memref<864xf32, #tpu.memory_space<vmem>>, vector<16xf32>,
    %swap3A_122 = arith.constant 688 : index
    %swap3A_123 = tpu.vector_load %arg7[%swap3A_122] {strides = array<i32>} : memref<864xf32, #tpu.memory_space<vmem>>, vector<16xf32>,
    tpu.vector_store %arg7[%swap3A_122], %broadcast_in_dim3A_36 {strides = array<i32>} : memref<864xf32, #tpu.memory_space<vmem>>, vector<16xf32>,
    %swap3A_124 = arith.constant 704 : index
    %swap3A_125 = tpu.vector_load %arg7[%swap3A_124] {strides = array<i32>} : memref<864xf32, #tpu.memory_space<vmem>>, vector<16xf32>,
    tpu.vector_store %arg7[%swap3A_124], %broadcast_in_dim3A_36 {strides = array<i32>} : memref<864xf32, #tpu.memory_space<vmem>>, vector<16xf32>,
    %swap3A_126 = arith.constant 720 : index
    %swap3A_127 = tpu.vector_load %arg7[%swap3A_126] {strides = array<i32>} : memref<864xf32, #tpu.memory_space<vmem>>, vector<16xf32>,
    tpu.vector_store %arg7[%swap3A_126], %broadcast_in_dim3A_36 {strides = array<i32>} : memref<864xf32, #tpu.memory_space<vmem>>, vector<16xf32>,
    %swap3A_128 = arith.constant 736 : index
    %swap3A_129 = tpu.vector_load %arg7[%swap3A_128] {strides = array<i32>} : memref<864xf32, #tpu.memory_space<vmem>>, vector<16xf32>,
    tpu.vector_store %arg7[%swap3A_128], %broadcast_in_dim3A_36 {strides = array<i32>} : memref<864xf32, #tpu.memory_space<vmem>>, vector<16xf32>,
    %swap3A_130 = arith.constant 752 : index
    %swap3A_131 = tpu.vector_load %arg7[%swap3A_130] {strides = array<i32>} : memref<864xf32, #tpu.memory_space<vmem>>, vector<16xf32>,
    tpu.vector_store %arg7[%swap3A_130], %broadcast_in_dim3A_36 {strides = array<i32>} : memref<864xf32, #tpu.memory_space<vmem>>, vector<16xf32>,
    %swap3A_132 = arith.constant 768 : index
    %swap3A_133 = tpu.vector_load %arg7[%swap3A_132] {strides = array<i32>} : memref<864xf32, #tpu.memory_space<vmem>>, vector<16xf32>,
    tpu.vector_store %arg7[%swap3A_132], %broadcast_in_dim3A_36 {strides = array<i32>} : memref<864xf32, #tpu.memory_space<vmem>>, vector<16xf32>,
    %swap3A_134 = arith.constant 784 : index
    %swap3A_135 = tpu.vector_load %arg7[%swap3A_134] {strides = array<i32>} : memref<864xf32, #tpu.memory_space<vmem>>, vector<16xf32>,
    tpu.vector_store %arg7[%swap3A_134], %broadcast_in_dim3A_36 {strides = array<i32>} : memref<864xf32, #tpu.memory_space<vmem>>, vector<16xf32>,
    %swap3A_136 = arith.constant 800 : index
    %swap3A_137 = tpu.vector_load %arg7[%swap3A_136] {strides = array<i32>} : memref<864xf32, #tpu.memory_space<vmem>>, vector<16xf32>,
    tpu.vector_store %arg7[%swap3A_136], %broadcast_in_dim3A_36 {strides = array<i32>} : memref<864xf32, #tpu.memory_space<vmem>>, vector<16xf32>,
    %swap3A_138 = arith.constant 816 : index
    %swap3A_139 = tpu.vector_load %arg7[%swap3A_138] {strides = array<i32>} : memref<864xf32, #tpu.memory_space<vmem>>, vector<16xf32>,
    tpu.vector_store %arg7[%swap3A_138], %broadcast_in_dim3A_36 {strides = array<i32>} : memref<864xf32, #tpu.memory_space<vmem>>, vector<16xf32>,
    %swap3A_140 = arith.constant 832 : index
    %swap3A_141 = tpu.vector_load %arg7[%swap3A_140] {strides = array<i32>} : memref<864xf32, #tpu.memory_space<vmem>>, vector<16xf32>,
    tpu.vector_store %arg7[%swap3A_140], %broadcast_in_dim3A_36 {strides = array<i32>} : memref<864xf32, #tpu.memory_space<vmem>>, vector<16xf32>,
    %swap3A_142 = arith.constant 848 : index
    %swap3A_143 = tpu.vector_load %arg7[%swap3A_142] {strides = array<i32>} : memref<864xf32, #tpu.memory_space<vmem>>, vector<16xf32>,
    tpu.vector_store %arg7[%swap3A_142], %broadcast_in_dim3A_36 {strides = array<i32>} : memref<864xf32, #tpu.memory_space<vmem>>, vector<16xf32>,
    %scan3A = arith.constant 0.000000e+00 : f32
    %scan3A_144 = arith.constant 0 : i32
    %scan3A_145 = arith.constant 576 : i32
    %scan3A_146 = arith.addi %scan3A_144, %scan3A_145 : i32
    %scan3A_147 = arith.constant 1 : i32
    scf.for %scan3A_1992 = %scan3A_144 to %scan3A_146 step %scan3A_147  : i32 {
      %mul3A_1993 = arith.constant 16 : i32
      %mul3A_1994 = arith.muli %scan3A_1992, %mul3A_1993 : i32
      %multiple_of3A = tpu.assume_multiple %mul3A_1994, 16 : i32
      %get3A_1995 = arith.index_cast %multiple_of3A : i32 to index
      %get3A_1996 = tpu.vector_load %arg6[%get3A_1995] {strides = array<i32>} : memref<9216xi32, #tpu.memory_space<vmem>>, vector<16xi32>,
      %eq3A_1997 = arith.constant 1 : i32
      %eq3A_1998 = vector.broadcast %eq3A_1997 : i32 to vector<16xi32>
      %eq3A_1999 = arith.cmpi eq, %get3A_1996, %eq3A_1998 : vector<16xi32>
      %get3A_2000 = arith.constant 0 : i32
      %get3A_2001 = arith.index_cast %get3A_2000 : i32 to index
      %get3A_2002 = arith.index_cast %multiple_of3A : i32 to index
      %get3A_2003 = tpu.vector_load %arg5[%get3A_2001, %get3A_2002] {strides = array<i32>} : memref<8x9216xf32, #tpu.memory_space<vmem>>, vector<16xf32>,
      %jit3A_2004 = arith.constant 0.000000e+00 : f32
      %broadcast_in_dim3A_2005 = vector.broadcast %jit3A_2004 : f32 to vector<16xf32>
      %select_n3A_2006 = arith.select %eq3A_1999, %get3A_2003, %broadcast_in_dim3A_2005 : vector<16xi1>, vector<16xf32>
      %swap3A_2007 = arith.constant 144 : index
      %swap3A_2008 = tpu.vector_load %arg7[%swap3A_2007] {strides = array<i32>} : memref<864xf32, #tpu.memory_space<vmem>>, vector<16xf32>,
      tpu.vector_store %arg7[%swap3A_2007], %select_n3A_2006 {add = true, strides = array<i32>} : memref<864xf32, #tpu.memory_space<vmem>>, vector<16xf32>,
      %get3A_2009 = arith.constant 1 : i32
      %get3A_2010 = arith.index_cast %get3A_2009 : i32 to index
      %get3A_2011 = arith.index_cast %multiple_of3A : i32 to index
      %get3A_2012 = tpu.vector_load %arg5[%get3A_2010, %get3A_2011] {strides = array<i32>} : memref<8x9216xf32, #tpu.memory_space<vmem>>, vector<16xf32>,
      %jit3A_2013 = arith.constant 0.000000e+00 : f32
      %broadcast_in_dim3A_2014 = vector.broadcast %jit3A_2013 : f32 to vector<16xf32>
      %select_n3A_2015 = arith.select %eq3A_1999, %get3A_2012, %broadcast_in_dim3A_2014 : vector<16xi1>, vector<16xf32>
      %swap3A_2016 = arith.constant 160 : index
      %swap3A_2017 = tpu.vector_load %arg7[%swap3A_2016] {strides = array<i32>} : memref<864xf32, #tpu.memory_space<vmem>>, vector<16xf32>,
      tpu.vector_store %arg7[%swap3A_2016], %select_n3A_2015 {add = true, strides = array<i32>} : memref<864xf32, #tpu.memory_space<vmem>>, vector<16xf32>,
      %get3A_2018 = arith.constant 2 : i32
      %get3A_2019 = arith.index_cast %get3A_2018 : i32 to index
      %get3A_2020 = arith.index_cast %multiple_of3A : i32 to index
      %get3A_2021 = tpu.vector_load %arg5[%get3A_2019, %get3A_2020] {strides = array<i32>} : memref<8x9216xf32, #tpu.memory_space<vmem>>, vector<16xf32>,
      %jit3A_2022 = arith.constant 0.000000e+00 : f32
      %broadcast_in_dim3A_2023 = vector.broadcast %jit3A_2022 : f32 to vector<16xf32>
      %select_n3A_2024 = arith.select %eq3A_1999, %get3A_2021, %broadcast_in_dim3A_2023 : vector<16xi1>, vector<16xf32>
      %swap3A_2025 = arith.constant 176 : index
      %swap3A_2026 = tpu.vector_load %arg7[%swap3A_2025] {strides = array<i32>} : memref<864xf32, #tpu.memory_space<vmem>>, vector<16xf32>,
      tpu.vector_store %arg7[%swap3A_2025], %select_n3A_2024 {add = true, strides = array<i32>} : memref<864xf32, #tpu.memory_space<vmem>>, vector<16xf32>,
      %get3A_2027 = arith.constant 3 : i32
      %get3A_2028 = arith.index_cast %get3A_2027 : i32 to index
      %get3A_2029 = arith.index_cast %multiple_of3A : i32 to index
      %get3A_2030 = tpu.vector_load %arg5[%get3A_2028, %get3A_2029] {strides = array<i32>} : memref<8x9216xf32, #tpu.memory_space<vmem>>, vector<16xf32>,
      %jit3A_2031 = arith.constant 0.000000e+00 : f32
      %broadcast_in_dim3A_2032 = vector.broadcast %jit3A_2031 : f32 to vector<16xf32>
      %select_n3A_2033 = arith.select %eq3A_1999, %get3A_2030, %broadcast_in_dim3A_2032 : vector<16xi1>, vector<16xf32>
      %swap3A_2034 = arith.constant 192 : index
      %swap3A_2035 = tpu.vector_load %arg7[%swap3A_2034] {strides = array<i32>} : memref<864xf32, #tpu.memory_space<vmem>>, vector<16xf32>,
      tpu.vector_store %arg7[%swap3A_2034], %select_n3A_2033 {add = true, strides = array<i32>} : memref<864xf32, #tpu.memory_space<vmem>>, vector<16xf32>,
      %get3A_2036 = arith.constant 4 : i32
      %get3A_2037 = arith.index_cast %get3A_2036 : i32 to index
      %get3A_2038 = arith.index_cast %multiple_of3A : i32 to index
      %get3A_2039 = tpu.vector_load %arg5[%get3A_2037, %get3A_2038] {strides = array<i32>} : memref<8x9216xf32, #tpu.memory_space<vmem>>, vector<16xf32>,
      %jit3A_2040 = arith.constant 0.000000e+00 : f32
      %broadcast_in_dim3A_2041 = vector.broadcast %jit3A_2040 : f32 to vector<16xf32>
      %select_n3A_2042 = arith.select %eq3A_1999, %get3A_2039, %broadcast_in_dim3A_2041 : vector<16xi1>, vector<16xf32>
      %swap3A_2043 = arith.constant 208 : index
      %swap3A_2044 = tpu.vector_load %arg7[%swap3A_2043] {strides = array<i32>} : memref<864xf32, #tpu.memory_space<vmem>>, vector<16xf32>,
      tpu.vector_store %arg7[%swap3A_2043], %select_n3A_2042 {add = true, strides = array<i32>} : memref<864xf32, #tpu.memory_space<vmem>>, vector<16xf32>,
      %get3A_2045 = arith.constant 5 : i32
      %get3A_2046 = arith.index_cast %get3A_2045 : i32 to index
      %get3A_2047 = arith.index_cast %multiple_of3A : i32 to index
      %get3A_2048 = tpu.vector_load %arg5[%get3A_2046, %get3A_2047] {strides = array<i32>} : memref<8x9216xf32, #tpu.memory_space<vmem>>, vector<16xf32>,
      %jit3A_2049 = arith.constant 0.000000e+00 : f32
      %broadcast_in_dim3A_2050 = vector.broadcast %jit3A_2049 : f32 to vector<16xf32>
      %select_n3A_2051 = arith.select %eq3A_1999, %get3A_2048, %broadcast_in_dim3A_2050 : vector<16xi1>, vector<16xf32>
      %swap3A_2052 = arith.constant 224 : index
      %swap3A_2053 = tpu.vector_load %arg7[%swap3A_2052] {strides = array<i32>} : memref<864xf32, #tpu.memory_space<vmem>>, vector<16xf32>,
      tpu.vector_store %arg7[%swap3A_2052], %select_n3A_2051 {add = true, strides = array<i32>} : memref<864xf32, #tpu.memory_space<vmem>>, vector<16xf32>,
      %get3A_2054 = arith.constant 6 : i32
      %get3A_2055 = arith.index_cast %get3A_2054 : i32 to index
      %get3A_2056 = arith.index_cast %multiple_of3A : i32 to index
      %get3A_2057 = tpu.vector_load %arg5[%get3A_2055, %get3A_2056] {strides = array<i32>} : memref<8x9216xf32, #tpu.memory_space<vmem>>, vector<16xf32>,
      %jit3A_2058 = arith.constant 0.000000e+00 : f32
      %broadcast_in_dim3A_2059 = vector.broadcast %jit3A_2058 : f32 to vector<16xf32>
      %select_n3A_2060 = arith.select %eq3A_1999, %get3A_2057, %broadcast_in_dim3A_2059 : vector<16xi1>, vector<16xf32>
      %swap3A_2061 = arith.constant 240 : index
      %swap3A_2062 = tpu.vector_load %arg7[%swap3A_2061] {strides = array<i32>} : memref<864xf32, #tpu.memory_space<vmem>>, vector<16xf32>,
      tpu.vector_store %arg7[%swap3A_2061], %select_n3A_2060 {add = true, strides = array<i32>} : memref<864xf32, #tpu.memory_space<vmem>>, vector<16xf32>,
      %get3A_2063 = arith.constant 7 : i32
      %get3A_2064 = arith.index_cast %get3A_2063 : i32 to index
      %get3A_2065 = arith.index_cast %multiple_of3A : i32 to index
      %get3A_2066 = tpu.vector_load %arg5[%get3A_2064, %get3A_2065] {strides = array<i32>} : memref<8x9216xf32, #tpu.memory_space<vmem>>, vector<16xf32>,
      %jit3A_2067 = arith.constant 0.000000e+00 : f32
      %broadcast_in_dim3A_2068 = vector.broadcast %jit3A_2067 : f32 to vector<16xf32>
      %select_n3A_2069 = arith.select %eq3A_1999, %get3A_2066, %broadcast_in_dim3A_2068 : vector<16xi1>, vector<16xf32>
      %swap3A_2070 = arith.constant 256 : index
      %swap3A_2071 = tpu.vector_load %arg7[%swap3A_2070] {strides = array<i32>} : memref<864xf32, #tpu.memory_space<vmem>>, vector<16xf32>,
      tpu.vector_store %arg7[%swap3A_2070], %select_n3A_2069 {add = true, strides = array<i32>} : memref<864xf32, #tpu.memory_space<vmem>>, vector<16xf32>,
      %jit3A_2072 = arith.constant 1.000000e+00 : f32
      %jit3A_2073 = arith.constant 0.000000e+00 : f32
      %broadcast_in_dim3A_2074 = vector.broadcast %jit3A_2072 : f32 to vector<16xf32>
      %broadcast_in_dim3A_2075 = vector.broadcast %jit3A_2073 : f32 to vector<16xf32>
      %select_n3A_2076 = arith.select %eq3A_1999, %broadcast_in_dim3A_2074, %broadcast_in_dim3A_2075 : vector<16xi1>, vector<16xf32>
      %swap3A_2077 = arith.constant 272 : index
      %swap3A_2078 = tpu.vector_load %arg7[%swap3A_2077] {strides = array<i32>} : memref<864xf32, #tpu.memory_space<vmem>>, vector<16xf32>,
      tpu.vector_store %arg7[%swap3A_2077], %select_n3A_2076 {add = true, strides = array<i32>} : memref<864xf32, #tpu.memory_space<vmem>>, vector<16xf32>,
      %eq3A_2079 = arith.constant 2 : i32
      %eq3A_2080 = vector.broadcast %eq3A_2079 : i32 to vector<16xi32>
      %eq3A_2081 = arith.cmpi eq, %get3A_1996, %eq3A_2080 : vector<16xi32>
      %get3A_2082 = arith.constant 0 : i32
      %get3A_2083 = arith.index_cast %get3A_2082 : i32 to index
      %get3A_2084 = arith.index_cast %multiple_of3A : i32 to index
      %get3A_2085 = tpu.vector_load %arg5[%get3A_2083, %get3A_2084] {strides = array<i32>} : memref<8x9216xf32, #tpu.memory_space<vmem>>, vector<16xf32>,
      %jit3A_2086 = arith.constant 0.000000e+00 : f32
      %broadcast_in_dim3A_2087 = vector.broadcast %jit3A_2086 : f32 to vector<16xf32>
      %select_n3A_2088 = arith.select %eq3A_2081, %get3A_2085, %broadcast_in_dim3A_2087 : vector<16xi1>, vector<16xf32>
      %swap3A_2089 = arith.constant 288 : index
      %swap3A_2090 = tpu.vector_load %arg7[%swap3A_2089] {strides = array<i32>} : memref<864xf32, #tpu.memory_space<vmem>>, vector<16xf32>,
      tpu.vector_store %arg7[%swap3A_2089], %select_n3A_2088 {add = true, strides = array<i32>} : memref<864xf32, #tpu.memory_space<vmem>>, vector<16xf32>,
      %get3A_2091 = arith.constant 1 : i32
      %get3A_2092 = arith.index_cast %get3A_2091 : i32 to index
      %get3A_2093 = arith.index_cast %multiple_of3A : i32 to index
      %get3A_2094 = tpu.vector_load %arg5[%get3A_2092, %get3A_2093] {strides = array<i32>} : memref<8x9216xf32, #tpu.memory_space<vmem>>, vector<16xf32>,
      %jit3A_2095 = arith.constant 0.000000e+00 : f32
      %broadcast_in_dim3A_2096 = vector.broadcast %jit3A_2095 : f32 to vector<16xf32>
      %select_n3A_2097 = arith.select %eq3A_2081, %get3A_2094, %broadcast_in_dim3A_2096 : vector<16xi1>, vector<16xf32>
      %swap3A_2098 = arith.constant 304 : index
      %swap3A_2099 = tpu.vector_load %arg7[%swap3A_2098] {strides = array<i32>} : memref<864xf32, #tpu.memory_space<vmem>>, vector<16xf32>,
      tpu.vector_store %arg7[%swap3A_2098], %select_n3A_2097 {add = true, strides = array<i32>} : memref<864xf32, #tpu.memory_space<vmem>>, vector<16xf32>,
      %get3A_2100 = arith.constant 2 : i32
      %get3A_2101 = arith.index_cast %get3A_2100 : i32 to index
      %get3A_2102 = arith.index_cast %multiple_of3A : i32 to index
      %get3A_2103 = tpu.vector_load %arg5[%get3A_2101, %get3A_2102] {strides = array<i32>} : memref<8x9216xf32, #tpu.memory_space<vmem>>, vector<16xf32>,
      %jit3A_2104 = arith.constant 0.000000e+00 : f32
      %broadcast_in_dim3A_2105 = vector.broadcast %jit3A_2104 : f32 to vector<16xf32>
      %select_n3A_2106 = arith.select %eq3A_2081, %get3A_2103, %broadcast_in_dim3A_2105 : vector<16xi1>, vector<16xf32>
      %swap3A_2107 = arith.constant 320 : index
      %swap3A_2108 = tpu.vector_load %arg7[%swap3A_2107] {strides = array<i32>} : memref<864xf32, #tpu.memory_space<vmem>>, vector<16xf32>,
      tpu.vector_store %arg7[%swap3A_2107], %select_n3A_2106 {add = true, strides = array<i32>} : memref<864xf32, #tpu.memory_space<vmem>>, vector<16xf32>,
      %get3A_2109 = arith.constant 3 : i32
      %get3A_2110 = arith.index_cast %get3A_2109 : i32 to index
      %get3A_2111 = arith.index_cast %multiple_of3A : i32 to index
      %get3A_2112 = tpu.vector_load %arg5[%get3A_2110, %get3A_2111] {strides = array<i32>} : memref<8x9216xf32, #tpu.memory_space<vmem>>, vector<16xf32>,
      %jit3A_2113 = arith.constant 0.000000e+00 : f32
      %broadcast_in_dim3A_2114 = vector.broadcast %jit3A_2113 : f32 to vector<16xf32>
      %select_n3A_2115 = arith.select %eq3A_2081, %get3A_2112, %broadcast_in_dim3A_2114 : vector<16xi1>, vector<16xf32>
      %swap3A_2116 = arith.constant 336 : index
      %swap3A_2117 = tpu.vector_load %arg7[%swap3A_2116] {strides = array<i32>} : memref<864xf32, #tpu.memory_space<vmem>>, vector<16xf32>,
      tpu.vector_store %arg7[%swap3A_2116], %select_n3A_2115 {add = true, strides = array<i32>} : memref<864xf32, #tpu.memory_space<vmem>>, vector<16xf32>,
      %get3A_2118 = arith.constant 4 : i32
      %get3A_2119 = arith.index_cast %get3A_2118 : i32 to index
      %get3A_2120 = arith.index_cast %multiple_of3A : i32 to index
      %get3A_2121 = tpu.vector_load %arg5[%get3A_2119, %get3A_2120] {strides = array<i32>} : memref<8x9216xf32, #tpu.memory_space<vmem>>, vector<16xf32>,
      %jit3A_2122 = arith.constant 0.000000e+00 : f32
      %broadcast_in_dim3A_2123 = vector.broadcast %jit3A_2122 : f32 to vector<16xf32>
      %select_n3A_2124 = arith.select %eq3A_2081, %get3A_2121, %broadcast_in_dim3A_2123 : vector<16xi1>, vector<16xf32>
      %swap3A_2125 = arith.constant 352 : index
      %swap3A_2126 = tpu.vector_load %arg7[%swap3A_2125] {strides = array<i32>} : memref<864xf32, #tpu.memory_space<vmem>>, vector<16xf32>,
      tpu.vector_store %arg7[%swap3A_2125], %select_n3A_2124 {add = true, strides = array<i32>} : memref<864xf32, #tpu.memory_space<vmem>>, vector<16xf32>,
      %get3A_2127 = arith.constant 5 : i32
      %get3A_2128 = arith.index_cast %get3A_2127 : i32 to index
      %get3A_2129 = arith.index_cast %multiple_of3A : i32 to index
      %get3A_2130 = tpu.vector_load %arg5[%get3A_2128, %get3A_2129] {strides = array<i32>} : memref<8x9216xf32, #tpu.memory_space<vmem>>, vector<16xf32>,
      %jit3A_2131 = arith.constant 0.000000e+00 : f32
      %broadcast_in_dim3A_2132 = vector.broadcast %jit3A_2131 : f32 to vector<16xf32>
      %select_n3A_2133 = arith.select %eq3A_2081, %get3A_2130, %broadcast_in_dim3A_2132 : vector<16xi1>, vector<16xf32>
      %swap3A_2134 = arith.constant 368 : index
      %swap3A_2135 = tpu.vector_load %arg7[%swap3A_2134] {strides = array<i32>} : memref<864xf32, #tpu.memory_space<vmem>>, vector<16xf32>,
      tpu.vector_store %arg7[%swap3A_2134], %select_n3A_2133 {add = true, strides = array<i32>} : memref<864xf32, #tpu.memory_space<vmem>>, vector<16xf32>,
      %get3A_2136 = arith.constant 6 : i32
      %get3A_2137 = arith.index_cast %get3A_2136 : i32 to index
      %get3A_2138 = arith.index_cast %multiple_of3A : i32 to index
      %get3A_2139 = tpu.vector_load %arg5[%get3A_2137, %get3A_2138] {strides = array<i32>} : memref<8x9216xf32, #tpu.memory_space<vmem>>, vector<16xf32>,
      %jit3A_2140 = arith.constant 0.000000e+00 : f32
      %broadcast_in_dim3A_2141 = vector.broadcast %jit3A_2140 : f32 to vector<16xf32>
      %select_n3A_2142 = arith.select %eq3A_2081, %get3A_2139, %broadcast_in_dim3A_2141 : vector<16xi1>, vector<16xf32>
      %swap3A_2143 = arith.constant 384 : index
      %swap3A_2144 = tpu.vector_load %arg7[%swap3A_2143] {strides = array<i32>} : memref<864xf32, #tpu.memory_space<vmem>>, vector<16xf32>,
      tpu.vector_store %arg7[%swap3A_2143], %select_n3A_2142 {add = true, strides = array<i32>} : memref<864xf32, #tpu.memory_space<vmem>>, vector<16xf32>,
      %get3A_2145 = arith.constant 7 : i32
      %get3A_2146 = arith.index_cast %get3A_2145 : i32 to index
      %get3A_2147 = arith.index_cast %multiple_of3A : i32 to index
      %get3A_2148 = tpu.vector_load %arg5[%get3A_2146, %get3A_2147] {strides = array<i32>} : memref<8x9216xf32, #tpu.memory_space<vmem>>, vector<16xf32>,
      %jit3A_2149 = arith.constant 0.000000e+00 : f32
      %broadcast_in_dim3A_2150 = vector.broadcast %jit3A_2149 : f32 to vector<16xf32>
      %select_n3A_2151 = arith.select %eq3A_2081, %get3A_2148, %broadcast_in_dim3A_2150 : vector<16xi1>, vector<16xf32>
      %swap3A_2152 = arith.constant 400 : index
      %swap3A_2153 = tpu.vector_load %arg7[%swap3A_2152] {strides = array<i32>} : memref<864xf32, #tpu.memory_space<vmem>>, vector<16xf32>,
      tpu.vector_store %arg7[%swap3A_2152], %select_n3A_2151 {add = true, strides = array<i32>} : memref<864xf32, #tpu.memory_space<vmem>>, vector<16xf32>,
      %jit3A_2154 = arith.constant 1.000000e+00 : f32
      %jit3A_2155 = arith.constant 0.000000e+00 : f32
      %broadcast_in_dim3A_2156 = vector.broadcast %jit3A_2154 : f32 to vector<16xf32>
      %broadcast_in_dim3A_2157 = vector.broadcast %jit3A_2155 : f32 to vector<16xf32>
      %select_n3A_2158 = arith.select %eq3A_2081, %broadcast_in_dim3A_2156, %broadcast_in_dim3A_2157 : vector<16xi1>, vector<16xf32>
      %swap3A_2159 = arith.constant 416 : index
      %swap3A_2160 = tpu.vector_load %arg7[%swap3A_2159] {strides = array<i32>} : memref<864xf32, #tpu.memory_space<vmem>>, vector<16xf32>,
      tpu.vector_store %arg7[%swap3A_2159], %select_n3A_2158 {add = true, strides = array<i32>} : memref<864xf32, #tpu.memory_space<vmem>>, vector<16xf32>,
      %eq3A_2161 = arith.constant 3 : i32
      %eq3A_2162 = vector.broadcast %eq3A_2161 : i32 to vector<16xi32>
      %eq3A_2163 = arith.cmpi eq, %get3A_1996, %eq3A_2162 : vector<16xi32>
      %get3A_2164 = arith.constant 0 : i32
      %get3A_2165 = arith.index_cast %get3A_2164 : i32 to index
      %get3A_2166 = arith.index_cast %multiple_of3A : i32 to index
      %get3A_2167 = tpu.vector_load %arg5[%get3A_2165, %get3A_2166] {strides = array<i32>} : memref<8x9216xf32, #tpu.memory_space<vmem>>, vector<16xf32>,
      %jit3A_2168 = arith.constant 0.000000e+00 : f32
      %broadcast_in_dim3A_2169 = vector.broadcast %jit3A_2168 : f32 to vector<16xf32>
      %select_n3A_2170 = arith.select %eq3A_2163, %get3A_2167, %broadcast_in_dim3A_2169 : vector<16xi1>, vector<16xf32>
      %swap3A_2171 = arith.constant 432 : index
      %swap3A_2172 = tpu.vector_load %arg7[%swap3A_2171] {strides = array<i32>} : memref<864xf32, #tpu.memory_space<vmem>>, vector<16xf32>,
      tpu.vector_store %arg7[%swap3A_2171], %select_n3A_2170 {add = true, strides = array<i32>} : memref<864xf32, #tpu.memory_space<vmem>>, vector<16xf32>,
      %get3A_2173 = arith.constant 1 : i32
      %get3A_2174 = arith.index_cast %get3A_2173 : i32 to index
      %get3A_2175 = arith.index_cast %multiple_of3A : i32 to index
      %get3A_2176 = tpu.vector_load %arg5[%get3A_2174, %get3A_2175] {strides = array<i32>} : memref<8x9216xf32, #tpu.memory_space<vmem>>, vector<16xf32>,
      %jit3A_2177 = arith.constant 0.000000e+00 : f32
      %broadcast_in_dim3A_2178 = vector.broadcast %jit3A_2177 : f32 to vector<16xf32>
      %select_n3A_2179 = arith.select %eq3A_2163, %get3A_2176, %broadcast_in_dim3A_2178 : vector<16xi1>, vector<16xf32>
      %swap3A_2180 = arith.constant 448 : index
      %swap3A_2181 = tpu.vector_load %arg7[%swap3A_2180] {strides = array<i32>} : memref<864xf32, #tpu.memory_space<vmem>>, vector<16xf32>,
      tpu.vector_store %arg7[%swap3A_2180], %select_n3A_2179 {add = true, strides = array<i32>} : memref<864xf32, #tpu.memory_space<vmem>>, vector<16xf32>,
      %get3A_2182 = arith.constant 2 : i32
      %get3A_2183 = arith.index_cast %get3A_2182 : i32 to index
      %get3A_2184 = arith.index_cast %multiple_of3A : i32 to index
      %get3A_2185 = tpu.vector_load %arg5[%get3A_2183, %get3A_2184] {strides = array<i32>} : memref<8x9216xf32, #tpu.memory_space<vmem>>, vector<16xf32>,
      %jit3A_2186 = arith.constant 0.000000e+00 : f32
      %broadcast_in_dim3A_2187 = vector.broadcast %jit3A_2186 : f32 to vector<16xf32>
      %select_n3A_2188 = arith.select %eq3A_2163, %get3A_2185, %broadcast_in_dim3A_2187 : vector<16xi1>, vector<16xf32>
      %swap3A_2189 = arith.constant 464 : index
      %swap3A_2190 = tpu.vector_load %arg7[%swap3A_2189] {strides = array<i32>} : memref<864xf32, #tpu.memory_space<vmem>>, vector<16xf32>,
      tpu.vector_store %arg7[%swap3A_2189], %select_n3A_2188 {add = true, strides = array<i32>} : memref<864xf32, #tpu.memory_space<vmem>>, vector<16xf32>,
      %get3A_2191 = arith.constant 3 : i32
      %get3A_2192 = arith.index_cast %get3A_2191 : i32 to index
      %get3A_2193 = arith.index_cast %multiple_of3A : i32 to index
      %get3A_2194 = tpu.vector_load %arg5[%get3A_2192, %get3A_2193] {strides = array<i32>} : memref<8x9216xf32, #tpu.memory_space<vmem>>, vector<16xf32>,
      %jit3A_2195 = arith.constant 0.000000e+00 : f32
      %broadcast_in_dim3A_2196 = vector.broadcast %jit3A_2195 : f32 to vector<16xf32>
      %select_n3A_2197 = arith.select %eq3A_2163, %get3A_2194, %broadcast_in_dim3A_2196 : vector<16xi1>, vector<16xf32>
      %swap3A_2198 = arith.constant 480 : index
      %swap3A_2199 = tpu.vector_load %arg7[%swap3A_2198] {strides = array<i32>} : memref<864xf32, #tpu.memory_space<vmem>>, vector<16xf32>,
      tpu.vector_store %arg7[%swap3A_2198], %select_n3A_2197 {add = true, strides = array<i32>} : memref<864xf32, #tpu.memory_space<vmem>>, vector<16xf32>,
      %get3A_2200 = arith.constant 4 : i32
      %get3A_2201 = arith.index_cast %get3A_2200 : i32 to index
      %get3A_2202 = arith.index_cast %multiple_of3A : i32 to index
      %get3A_2203 = tpu.vector_load %arg5[%get3A_2201, %get3A_2202] {strides = array<i32>} : memref<8x9216xf32, #tpu.memory_space<vmem>>, vector<16xf32>,
      %jit3A_2204 = arith.constant 0.000000e+00 : f32
      %broadcast_in_dim3A_2205 = vector.broadcast %jit3A_2204 : f32 to vector<16xf32>
      %select_n3A_2206 = arith.select %eq3A_2163, %get3A_2203, %broadcast_in_dim3A_2205 : vector<16xi1>, vector<16xf32>
      %swap3A_2207 = arith.constant 496 : index
      %swap3A_2208 = tpu.vector_load %arg7[%swap3A_2207] {strides = array<i32>} : memref<864xf32, #tpu.memory_space<vmem>>, vector<16xf32>,
      tpu.vector_store %arg7[%swap3A_2207], %select_n3A_2206 {add = true, strides = array<i32>} : memref<864xf32, #tpu.memory_space<vmem>>, vector<16xf32>,
      %get3A_2209 = arith.constant 5 : i32
      %get3A_2210 = arith.index_cast %get3A_2209 : i32 to index
      %get3A_2211 = arith.index_cast %multiple_of3A : i32 to index
      %get3A_2212 = tpu.vector_load %arg5[%get3A_2210, %get3A_2211] {strides = array<i32>} : memref<8x9216xf32, #tpu.memory_space<vmem>>, vector<16xf32>,
      %jit3A_2213 = arith.constant 0.000000e+00 : f32
      %broadcast_in_dim3A_2214 = vector.broadcast %jit3A_2213 : f32 to vector<16xf32>
      %select_n3A_2215 = arith.select %eq3A_2163, %get3A_2212, %broadcast_in_dim3A_2214 : vector<16xi1>, vector<16xf32>
      %swap3A_2216 = arith.constant 512 : index
      %swap3A_2217 = tpu.vector_load %arg7[%swap3A_2216] {strides = array<i32>} : memref<864xf32, #tpu.memory_space<vmem>>, vector<16xf32>,
      tpu.vector_store %arg7[%swap3A_2216], %select_n3A_2215 {add = true, strides = array<i32>} : memref<864xf32, #tpu.memory_space<vmem>>, vector<16xf32>,
      %get3A_2218 = arith.constant 6 : i32
      %get3A_2219 = arith.index_cast %get3A_2218 : i32 to index
      %get3A_2220 = arith.index_cast %multiple_of3A : i32 to index
      %get3A_2221 = tpu.vector_load %arg5[%get3A_2219, %get3A_2220] {strides = array<i32>} : memref<8x9216xf32, #tpu.memory_space<vmem>>, vector<16xf32>,
      %jit3A_2222 = arith.constant 0.000000e+00 : f32
      %broadcast_in_dim3A_2223 = vector.broadcast %jit3A_2222 : f32 to vector<16xf32>
      %select_n3A_2224 = arith.select %eq3A_2163, %get3A_2221, %broadcast_in_dim3A_2223 : vector<16xi1>, vector<16xf32>
      %swap3A_2225 = arith.constant 528 : index
      %swap3A_2226 = tpu.vector_load %arg7[%swap3A_2225] {strides = array<i32>} : memref<864xf32, #tpu.memory_space<vmem>>, vector<16xf32>,
      tpu.vector_store %arg7[%swap3A_2225], %select_n3A_2224 {add = true, strides = array<i32>} : memref<864xf32, #tpu.memory_space<vmem>>, vector<16xf32>,
      %get3A_2227 = arith.constant 7 : i32
      %get3A_2228 = arith.index_cast %get3A_2227 : i32 to index
      %get3A_2229 = arith.index_cast %multiple_of3A : i32 to index
      %get3A_2230 = tpu.vector_load %arg5[%get3A_2228, %get3A_2229] {strides = array<i32>} : memref<8x9216xf32, #tpu.memory_space<vmem>>, vector<16xf32>,
      %jit3A_2231 = arith.constant 0.000000e+00 : f32
      %broadcast_in_dim3A_2232 = vector.broadcast %jit3A_2231 : f32 to vector<16xf32>
      %select_n3A_2233 = arith.select %eq3A_2163, %get3A_2230, %broadcast_in_dim3A_2232 : vector<16xi1>, vector<16xf32>
      %swap3A_2234 = arith.constant 544 : index
      %swap3A_2235 = tpu.vector_load %arg7[%swap3A_2234] {strides = array<i32>} : memref<864xf32, #tpu.memory_space<vmem>>, vector<16xf32>,
      tpu.vector_store %arg7[%swap3A_2234], %select_n3A_2233 {add = true, strides = array<i32>} : memref<864xf32, #tpu.memory_space<vmem>>, vector<16xf32>,
      %jit3A_2236 = arith.constant 1.000000e+00 : f32
      %jit3A_2237 = arith.constant 0.000000e+00 : f32
      %broadcast_in_dim3A_2238 = vector.broadcast %jit3A_2236 : f32 to vector<16xf32>
      %broadcast_in_dim3A_2239 = vector.broadcast %jit3A_2237 : f32 to vector<16xf32>
      %select_n3A_2240 = arith.select %eq3A_2163, %broadcast_in_dim3A_2238, %broadcast_in_dim3A_2239 : vector<16xi1>, vector<16xf32>
      %swap3A_2241 = arith.constant 560 : index
      %swap3A_2242 = tpu.vector_load %arg7[%swap3A_2241] {strides = array<i32>} : memref<864xf32, #tpu.memory_space<vmem>>, vector<16xf32>,
      tpu.vector_store %arg7[%swap3A_2241], %select_n3A_2240 {add = true, strides = array<i32>} : memref<864xf32, #tpu.memory_space<vmem>>, vector<16xf32>,
      %eq3A_2243 = arith.constant 4 : i32
      %eq3A_2244 = vector.broadcast %eq3A_2243 : i32 to vector<16xi32>
      %eq3A_2245 = arith.cmpi eq, %get3A_1996, %eq3A_2244 : vector<16xi32>
      %get3A_2246 = arith.constant 0 : i32
      %get3A_2247 = arith.index_cast %get3A_2246 : i32 to index
      %get3A_2248 = arith.index_cast %multiple_of3A : i32 to index
      %get3A_2249 = tpu.vector_load %arg5[%get3A_2247, %get3A_2248] {strides = array<i32>} : memref<8x9216xf32, #tpu.memory_space<vmem>>, vector<16xf32>,
      %jit3A_2250 = arith.constant 0.000000e+00 : f32
      %broadcast_in_dim3A_2251 = vector.broadcast %jit3A_2250 : f32 to vector<16xf32>
      %select_n3A_2252 = arith.select %eq3A_2245, %get3A_2249, %broadcast_in_dim3A_2251 : vector<16xi1>, vector<16xf32>
      %swap3A_2253 = arith.constant 576 : index
      %swap3A_2254 = tpu.vector_load %arg7[%swap3A_2253] {strides = array<i32>} : memref<864xf32, #tpu.memory_space<vmem>>, vector<16xf32>,
      tpu.vector_store %arg7[%swap3A_2253], %select_n3A_2252 {add = true, strides = array<i32>} : memref<864xf32, #tpu.memory_space<vmem>>, vector<16xf32>,
      %get3A_2255 = arith.constant 1 : i32
      %get3A_2256 = arith.index_cast %get3A_2255 : i32 to index
      %get3A_2257 = arith.index_cast %multiple_of3A : i32 to index
      %get3A_2258 = tpu.vector_load %arg5[%get3A_2256, %get3A_2257] {strides = array<i32>} : memref<8x9216xf32, #tpu.memory_space<vmem>>, vector<16xf32>,
      %jit3A_2259 = arith.constant 0.000000e+00 : f32
      %broadcast_in_dim3A_2260 = vector.broadcast %jit3A_2259 : f32 to vector<16xf32>
      %select_n3A_2261 = arith.select %eq3A_2245, %get3A_2258, %broadcast_in_dim3A_2260 : vector<16xi1>, vector<16xf32>
      %swap3A_2262 = arith.constant 592 : index
      %swap3A_2263 = tpu.vector_load %arg7[%swap3A_2262] {strides = array<i32>} : memref<864xf32, #tpu.memory_space<vmem>>, vector<16xf32>,
      tpu.vector_store %arg7[%swap3A_2262], %select_n3A_2261 {add = true, strides = array<i32>} : memref<864xf32, #tpu.memory_space<vmem>>, vector<16xf32>,
      %get3A_2264 = arith.constant 2 : i32
      %get3A_2265 = arith.index_cast %get3A_2264 : i32 to index
      %get3A_2266 = arith.index_cast %multiple_of3A : i32 to index
      %get3A_2267 = tpu.vector_load %arg5[%get3A_2265, %get3A_2266] {strides = array<i32>} : memref<8x9216xf32, #tpu.memory_space<vmem>>, vector<16xf32>,
      %jit3A_2268 = arith.constant 0.000000e+00 : f32
      %broadcast_in_dim3A_2269 = vector.broadcast %jit3A_2268 : f32 to vector<16xf32>
      %select_n3A_2270 = arith.select %eq3A_2245, %get3A_2267, %broadcast_in_dim3A_2269 : vector<16xi1>, vector<16xf32>
      %swap3A_2271 = arith.constant 608 : index
      %swap3A_2272 = tpu.vector_load %arg7[%swap3A_2271] {strides = array<i32>} : memref<864xf32, #tpu.memory_space<vmem>>, vector<16xf32>,
      tpu.vector_store %arg7[%swap3A_2271], %select_n3A_2270 {add = true, strides = array<i32>} : memref<864xf32, #tpu.memory_space<vmem>>, vector<16xf32>,
      %get3A_2273 = arith.constant 3 : i32
      %get3A_2274 = arith.index_cast %get3A_2273 : i32 to index
      %get3A_2275 = arith.index_cast %multiple_of3A : i32 to index
      %get3A_2276 = tpu.vector_load %arg5[%get3A_2274, %get3A_2275] {strides = array<i32>} : memref<8x9216xf32, #tpu.memory_space<vmem>>, vector<16xf32>,
      %jit3A_2277 = arith.constant 0.000000e+00 : f32
      %broadcast_in_dim3A_2278 = vector.broadcast %jit3A_2277 : f32 to vector<16xf32>
      %select_n3A_2279 = arith.select %eq3A_2245, %get3A_2276, %broadcast_in_dim3A_2278 : vector<16xi1>, vector<16xf32>
      %swap3A_2280 = arith.constant 624 : index
      %swap3A_2281 = tpu.vector_load %arg7[%swap3A_2280] {strides = array<i32>} : memref<864xf32, #tpu.memory_space<vmem>>, vector<16xf32>,
      tpu.vector_store %arg7[%swap3A_2280], %select_n3A_2279 {add = true, strides = array<i32>} : memref<864xf32, #tpu.memory_space<vmem>>, vector<16xf32>,
      %get3A_2282 = arith.constant 4 : i32
      %get3A_2283 = arith.index_cast %get3A_2282 : i32 to index
      %get3A_2284 = arith.index_cast %multiple_of3A : i32 to index
      %get3A_2285 = tpu.vector_load %arg5[%get3A_2283, %get3A_2284] {strides = array<i32>} : memref<8x9216xf32, #tpu.memory_space<vmem>>, vector<16xf32>,
      %jit3A_2286 = arith.constant 0.000000e+00 : f32
      %broadcast_in_dim3A_2287 = vector.broadcast %jit3A_2286 : f32 to vector<16xf32>
      %select_n3A_2288 = arith.select %eq3A_2245, %get3A_2285, %broadcast_in_dim3A_2287 : vector<16xi1>, vector<16xf32>
      %swap3A_2289 = arith.constant 640 : index
      %swap3A_2290 = tpu.vector_load %arg7[%swap3A_2289] {strides = array<i32>} : memref<864xf32, #tpu.memory_space<vmem>>, vector<16xf32>,
      tpu.vector_store %arg7[%swap3A_2289], %select_n3A_2288 {add = true, strides = array<i32>} : memref<864xf32, #tpu.memory_space<vmem>>, vector<16xf32>,
      %get3A_2291 = arith.constant 5 : i32
      %get3A_2292 = arith.index_cast %get3A_2291 : i32 to index
      %get3A_2293 = arith.index_cast %multiple_of3A : i32 to index
      %get3A_2294 = tpu.vector_load %arg5[%get3A_2292, %get3A_2293] {strides = array<i32>} : memref<8x9216xf32, #tpu.memory_space<vmem>>, vector<16xf32>,
      %jit3A_2295 = arith.constant 0.000000e+00 : f32
      %broadcast_in_dim3A_2296 = vector.broadcast %jit3A_2295 : f32 to vector<16xf32>
      %select_n3A_2297 = arith.select %eq3A_2245, %get3A_2294, %broadcast_in_dim3A_2296 : vector<16xi1>, vector<16xf32>
      %swap3A_2298 = arith.constant 656 : index
      %swap3A_2299 = tpu.vector_load %arg7[%swap3A_2298] {strides = array<i32>} : memref<864xf32, #tpu.memory_space<vmem>>, vector<16xf32>,
      tpu.vector_store %arg7[%swap3A_2298], %select_n3A_2297 {add = true, strides = array<i32>} : memref<864xf32, #tpu.memory_space<vmem>>, vector<16xf32>,
      %get3A_2300 = arith.constant 6 : i32
      %get3A_2301 = arith.index_cast %get3A_2300 : i32 to index
      %get3A_2302 = arith.index_cast %multiple_of3A : i32 to index
      %get3A_2303 = tpu.vector_load %arg5[%get3A_2301, %get3A_2302] {strides = array<i32>} : memref<8x9216xf32, #tpu.memory_space<vmem>>, vector<16xf32>,
      %jit3A_2304 = arith.constant 0.000000e+00 : f32
      %broadcast_in_dim3A_2305 = vector.broadcast %jit3A_2304 : f32 to vector<16xf32>
      %select_n3A_2306 = arith.select %eq3A_2245, %get3A_2303, %broadcast_in_dim3A_2305 : vector<16xi1>, vector<16xf32>
      %swap3A_2307 = arith.constant 672 : index
      %swap3A_2308 = tpu.vector_load %arg7[%swap3A_2307] {strides = array<i32>} : memref<864xf32, #tpu.memory_space<vmem>>, vector<16xf32>,
      tpu.vector_store %arg7[%swap3A_2307], %select_n3A_2306 {add = true, strides = array<i32>} : memref<864xf32, #tpu.memory_space<vmem>>, vector<16xf32>,
      %get3A_2309 = arith.constant 7 : i32
      %get3A_2310 = arith.index_cast %get3A_2309 : i32 to index
      %get3A_2311 = arith.index_cast %multiple_of3A : i32 to index
      %get3A_2312 = tpu.vector_load %arg5[%get3A_2310, %get3A_2311] {strides = array<i32>} : memref<8x9216xf32, #tpu.memory_space<vmem>>, vector<16xf32>,
      %jit3A_2313 = arith.constant 0.000000e+00 : f32
      %broadcast_in_dim3A_2314 = vector.broadcast %jit3A_2313 : f32 to vector<16xf32>
      %select_n3A_2315 = arith.select %eq3A_2245, %get3A_2312, %broadcast_in_dim3A_2314 : vector<16xi1>, vector<16xf32>
      %swap3A_2316 = arith.constant 688 : index
      %swap3A_2317 = tpu.vector_load %arg7[%swap3A_2316] {strides = array<i32>} : memref<864xf32, #tpu.memory_space<vmem>>, vector<16xf32>,
      tpu.vector_store %arg7[%swap3A_2316], %select_n3A_2315 {add = true, strides = array<i32>} : memref<864xf32, #tpu.memory_space<vmem>>, vector<16xf32>,
      %jit3A_2318 = arith.constant 1.000000e+00 : f32
      %jit3A_2319 = arith.constant 0.000000e+00 : f32
      %broadcast_in_dim3A_2320 = vector.broadcast %jit3A_2318 : f32 to vector<16xf32>
      %broadcast_in_dim3A_2321 = vector.broadcast %jit3A_2319 : f32 to vector<16xf32>
      %select_n3A_2322 = arith.select %eq3A_2245, %broadcast_in_dim3A_2320, %broadcast_in_dim3A_2321 : vector<16xi1>, vector<16xf32>
      %swap3A_2323 = arith.constant 704 : index
      %swap3A_2324 = tpu.vector_load %arg7[%swap3A_2323] {strides = array<i32>} : memref<864xf32, #tpu.memory_space<vmem>>, vector<16xf32>,
      tpu.vector_store %arg7[%swap3A_2323], %select_n3A_2322 {add = true, strides = array<i32>} : memref<864xf32, #tpu.memory_space<vmem>>, vector<16xf32>,
      %eq3A_2325 = arith.constant 5 : i32
      %eq3A_2326 = vector.broadcast %eq3A_2325 : i32 to vector<16xi32>
      %eq3A_2327 = arith.cmpi eq, %get3A_1996, %eq3A_2326 : vector<16xi32>
      %get3A_2328 = arith.constant 0 : i32
      %get3A_2329 = arith.index_cast %get3A_2328 : i32 to index
      %get3A_2330 = arith.index_cast %multiple_of3A : i32 to index
      %get3A_2331 = tpu.vector_load %arg5[%get3A_2329, %get3A_2330] {strides = array<i32>} : memref<8x9216xf32, #tpu.memory_space<vmem>>, vector<16xf32>,
      %jit3A_2332 = arith.constant 0.000000e+00 : f32
      %broadcast_in_dim3A_2333 = vector.broadcast %jit3A_2332 : f32 to vector<16xf32>
      %select_n3A_2334 = arith.select %eq3A_2327, %get3A_2331, %broadcast_in_dim3A_2333 : vector<16xi1>, vector<16xf32>
      %swap3A_2335 = arith.constant 720 : index
      %swap3A_2336 = tpu.vector_load %arg7[%swap3A_2335] {strides = array<i32>} : memref<864xf32, #tpu.memory_space<vmem>>, vector<16xf32>,
      tpu.vector_store %arg7[%swap3A_2335], %select_n3A_2334 {add = true, strides = array<i32>} : memref<864xf32, #tpu.memory_space<vmem>>, vector<16xf32>,
      %get3A_2337 = arith.constant 1 : i32
      %get3A_2338 = arith.index_cast %get3A_2337 : i32 to index
      %get3A_2339 = arith.index_cast %multiple_of3A : i32 to index
      %get3A_2340 = tpu.vector_load %arg5[%get3A_2338, %get3A_2339] {strides = array<i32>} : memref<8x9216xf32, #tpu.memory_space<vmem>>, vector<16xf32>,
      %jit3A_2341 = arith.constant 0.000000e+00 : f32
      %broadcast_in_dim3A_2342 = vector.broadcast %jit3A_2341 : f32 to vector<16xf32>
      %select_n3A_2343 = arith.select %eq3A_2327, %get3A_2340, %broadcast_in_dim3A_2342 : vector<16xi1>, vector<16xf32>
      %swap3A_2344 = arith.constant 736 : index
      %swap3A_2345 = tpu.vector_load %arg7[%swap3A_2344] {strides = array<i32>} : memref<864xf32, #tpu.memory_space<vmem>>, vector<16xf32>,
      tpu.vector_store %arg7[%swap3A_2344], %select_n3A_2343 {add = true, strides = array<i32>} : memref<864xf32, #tpu.memory_space<vmem>>, vector<16xf32>,
      %get3A_2346 = arith.constant 2 : i32
      %get3A_2347 = arith.index_cast %get3A_2346 : i32 to index
      %get3A_2348 = arith.index_cast %multiple_of3A : i32 to index
      %get3A_2349 = tpu.vector_load %arg5[%get3A_2347, %get3A_2348] {strides = array<i32>} : memref<8x9216xf32, #tpu.memory_space<vmem>>, vector<16xf32>,
      %jit3A_2350 = arith.constant 0.000000e+00 : f32
      %broadcast_in_dim3A_2351 = vector.broadcast %jit3A_2350 : f32 to vector<16xf32>
      %select_n3A_2352 = arith.select %eq3A_2327, %get3A_2349, %broadcast_in_dim3A_2351 : vector<16xi1>, vector<16xf32>
      %swap3A_2353 = arith.constant 752 : index
      %swap3A_2354 = tpu.vector_load %arg7[%swap3A_2353] {strides = array<i32>} : memref<864xf32, #tpu.memory_space<vmem>>, vector<16xf32>,
      tpu.vector_store %arg7[%swap3A_2353], %select_n3A_2352 {add = true, strides = array<i32>} : memref<864xf32, #tpu.memory_space<vmem>>, vector<16xf32>,
      %get3A_2355 = arith.constant 3 : i32
      %get3A_2356 = arith.index_cast %get3A_2355 : i32 to index
      %get3A_2357 = arith.index_cast %multiple_of3A : i32 to index
      %get3A_2358 = tpu.vector_load %arg5[%get3A_2356, %get3A_2357] {strides = array<i32>} : memref<8x9216xf32, #tpu.memory_space<vmem>>, vector<16xf32>,
      %jit3A_2359 = arith.constant 0.000000e+00 : f32
      %broadcast_in_dim3A_2360 = vector.broadcast %jit3A_2359 : f32 to vector<16xf32>
      %select_n3A_2361 = arith.select %eq3A_2327, %get3A_2358, %broadcast_in_dim3A_2360 : vector<16xi1>, vector<16xf32>
      %swap3A_2362 = arith.constant 768 : index
      %swap3A_2363 = tpu.vector_load %arg7[%swap3A_2362] {strides = array<i32>} : memref<864xf32, #tpu.memory_space<vmem>>, vector<16xf32>,
      tpu.vector_store %arg7[%swap3A_2362], %select_n3A_2361 {add = true, strides = array<i32>} : memref<864xf32, #tpu.memory_space<vmem>>, vector<16xf32>,
      %get3A_2364 = arith.constant 4 : i32
      %get3A_2365 = arith.index_cast %get3A_2364 : i32 to index
      %get3A_2366 = arith.index_cast %multiple_of3A : i32 to index
      %get3A_2367 = tpu.vector_load %arg5[%get3A_2365, %get3A_2366] {strides = array<i32>} : memref<8x9216xf32, #tpu.memory_space<vmem>>, vector<16xf32>,
      %jit3A_2368 = arith.constant 0.000000e+00 : f32
      %broadcast_in_dim3A_2369 = vector.broadcast %jit3A_2368 : f32 to vector<16xf32>
      %select_n3A_2370 = arith.select %eq3A_2327, %get3A_2367, %broadcast_in_dim3A_2369 : vector<16xi1>, vector<16xf32>
      %swap3A_2371 = arith.constant 784 : index
      %swap3A_2372 = tpu.vector_load %arg7[%swap3A_2371] {strides = array<i32>} : memref<864xf32, #tpu.memory_space<vmem>>, vector<16xf32>,
      tpu.vector_store %arg7[%swap3A_2371], %select_n3A_2370 {add = true, strides = array<i32>} : memref<864xf32, #tpu.memory_space<vmem>>, vector<16xf32>,
      %get3A_2373 = arith.constant 5 : i32
      %get3A_2374 = arith.index_cast %get3A_2373 : i32 to index
      %get3A_2375 = arith.index_cast %multiple_of3A : i32 to index
      %get3A_2376 = tpu.vector_load %arg5[%get3A_2374, %get3A_2375] {strides = array<i32>} : memref<8x9216xf32, #tpu.memory_space<vmem>>, vector<16xf32>,
      %jit3A_2377 = arith.constant 0.000000e+00 : f32
      %broadcast_in_dim3A_2378 = vector.broadcast %jit3A_2377 : f32 to vector<16xf32>
      %select_n3A_2379 = arith.select %eq3A_2327, %get3A_2376, %broadcast_in_dim3A_2378 : vector<16xi1>, vector<16xf32>
      %swap3A_2380 = arith.constant 800 : index
      %swap3A_2381 = tpu.vector_load %arg7[%swap3A_2380] {strides = array<i32>} : memref<864xf32, #tpu.memory_space<vmem>>, vector<16xf32>,
      tpu.vector_store %arg7[%swap3A_2380], %select_n3A_2379 {add = true, strides = array<i32>} : memref<864xf32, #tpu.memory_space<vmem>>, vector<16xf32>,
      %get3A_2382 = arith.constant 6 : i32
      %get3A_2383 = arith.index_cast %get3A_2382 : i32 to index
      %get3A_2384 = arith.index_cast %multiple_of3A : i32 to index
      %get3A_2385 = tpu.vector_load %arg5[%get3A_2383, %get3A_2384] {strides = array<i32>} : memref<8x9216xf32, #tpu.memory_space<vmem>>, vector<16xf32>,
      %jit3A_2386 = arith.constant 0.000000e+00 : f32
      %broadcast_in_dim3A_2387 = vector.broadcast %jit3A_2386 : f32 to vector<16xf32>
      %select_n3A_2388 = arith.select %eq3A_2327, %get3A_2385, %broadcast_in_dim3A_2387 : vector<16xi1>, vector<16xf32>
      %swap3A_2389 = arith.constant 816 : index
      %swap3A_2390 = tpu.vector_load %arg7[%swap3A_2389] {strides = array<i32>} : memref<864xf32, #tpu.memory_space<vmem>>, vector<16xf32>,
      tpu.vector_store %arg7[%swap3A_2389], %select_n3A_2388 {add = true, strides = array<i32>} : memref<864xf32, #tpu.memory_space<vmem>>, vector<16xf32>,
      %get3A_2391 = arith.constant 7 : i32
      %get3A_2392 = arith.index_cast %get3A_2391 : i32 to index
      %get3A_2393 = arith.index_cast %multiple_of3A : i32 to index
      %get3A_2394 = tpu.vector_load %arg5[%get3A_2392, %get3A_2393] {strides = array<i32>} : memref<8x9216xf32, #tpu.memory_space<vmem>>, vector<16xf32>,
      %jit3A_2395 = arith.constant 0.000000e+00 : f32
      %broadcast_in_dim3A_2396 = vector.broadcast %jit3A_2395 : f32 to vector<16xf32>
      %select_n3A_2397 = arith.select %eq3A_2327, %get3A_2394, %broadcast_in_dim3A_2396 : vector<16xi1>, vector<16xf32>
      %swap3A_2398 = arith.constant 832 : index
      %swap3A_2399 = tpu.vector_load %arg7[%swap3A_2398] {strides = array<i32>} : memref<864xf32, #tpu.memory_space<vmem>>, vector<16xf32>,
      tpu.vector_store %arg7[%swap3A_2398], %select_n3A_2397 {add = true, strides = array<i32>} : memref<864xf32, #tpu.memory_space<vmem>>, vector<16xf32>,
      %jit3A_2400 = arith.constant 1.000000e+00 : f32
      %jit3A_2401 = arith.constant 0.000000e+00 : f32
      %broadcast_in_dim3A_2402 = vector.broadcast %jit3A_2400 : f32 to vector<16xf32>
      %broadcast_in_dim3A_2403 = vector.broadcast %jit3A_2401 : f32 to vector<16xf32>
      %select_n3A_2404 = arith.select %eq3A_2327, %broadcast_in_dim3A_2402, %broadcast_in_dim3A_2403 : vector<16xi1>, vector<16xf32>
      %swap3A_2405 = arith.constant 848 : index
      %swap3A_2406 = tpu.vector_load %arg7[%swap3A_2405] {strides = array<i32>} : memref<864xf32, #tpu.memory_space<vmem>>, vector<16xf32>,
      tpu.vector_store %arg7[%swap3A_2405], %select_n3A_2404 {add = true, strides = array<i32>} : memref<864xf32, #tpu.memory_space<vmem>>, vector<16xf32>,
    }
    %scan3A_148 = arith.constant 576 : i32
    "tpu.region"() ({
      %run_scoped3A = tpu.sem_alloc : memref<!tpu.dma_semaphore, #tpu.memory_space<semaphore_mem>>
      %dma_start3A = arith.constant 0 : i32
      %dma_start3A_1992 = tpu.memref_slice %arg9[%arg1, %dma_start3A] : memref<16x864xf32, #tpu.memory_space<vmem_shared>> -> memref<1x864xf32, #tpu.memory_space<vmem_shared>>
      %dma_start3A_1993 = tpu.memref_squeeze %dma_start3A_1992 : memref<1x864xf32, #tpu.memory_space<vmem_shared>> -> memref<864xf32, #tpu.memory_space<vmem_shared>>
      %dma_start3A_1994 = arith.constant 0 : i32
      %dma_start3A_1995 = tpu.memref_slice %arg9[%arg1, %dma_start3A_1994] : memref<16x864xf32, #tpu.memory_space<vmem_shared>> -> memref<1x864xf32, #tpu.memory_space<vmem_shared>>
      %dma_start3A_1996 = tpu.memref_squeeze %dma_start3A_1995 : memref<1x864xf32, #tpu.memory_space<vmem_shared>> -> memref<864xf32, #tpu.memory_space<vmem_shared>>
      tpu.enqueue_dma source(%arg7 : memref<864xf32, #tpu.memory_space<vmem>>) target(%dma_start3A_1996 : memref<864xf32, #tpu.memory_space<vmem_shared>>) target_semaphore(%run_scoped3A : memref<!tpu.dma_semaphore, #tpu.memory_space<semaphore_mem>>)
      %dma_wait3A = arith.constant 0 : i32
      %dma_wait3A_1997 = tpu.memref_slice %arg9[%arg1, %dma_wait3A] : memref<16x864xf32, #tpu.memory_space<vmem_shared>> -> memref<1x864xf32, #tpu.memory_space<vmem_shared>>
      %dma_wait3A_1998 = tpu.memref_squeeze %dma_wait3A_1997 : memref<1x864xf32, #tpu.memory_space<vmem_shared>> -> memref<864xf32, #tpu.memory_space<vmem_shared>>
      %dma_wait3A_1999 = arith.constant 0 : i32
      %dma_wait3A_2000 = tpu.memref_slice %arg9[%arg1, %dma_wait3A_1999] : memref<16x864xf32, #tpu.memory_space<vmem_shared>> -> memref<1x864xf32, #tpu.memory_space<vmem_shared>>
      %dma_wait3A_2001 = tpu.memref_squeeze %dma_wait3A_2000 : memref<1x864xf32, #tpu.memory_space<vmem_shared>> -> memref<864xf32, #tpu.memory_space<vmem_shared>>
      tpu.wait_dma2 semaphore(%run_scoped3A : memref<!tpu.dma_semaphore, #tpu.memory_space<semaphore_mem>>) src(%arg7 : memref<864xf32, #tpu.memory_space<vmem>>) dst(%dma_wait3A_2001 : memref<864xf32, #tpu.memory_space<vmem_shared>>)
      tpu.yield
    }) : () -> ()
    %barrier3A = arith.constant 0 : index
    tpu.barrier barrier_id(%barrier3A)
    %jit3A_149 = arith.constant 4 : i32
    %div3A_150 = arith.divsi %arg1, %jit3A_149 : i32
    %sign3A_151 = arith.constant 0 : i32
    %sign3A_152 = arith.cmpi sgt, %arg1, %sign3A_151 : i32
    %sign3A_153 = arith.extui %sign3A_152 : i1 to i32
    %sign3A_154 = arith.constant 0 : i32
    %sign3A_155 = arith.cmpi slt, %arg1, %sign3A_154 : i32
    %sign3A_156 = arith.extui %sign3A_155 : i1 to i32
    %sign3A_157 = arith.subi %sign3A_153, %sign3A_156 : i32
    %sign3A_158 = arith.constant 0 : i32
    %sign3A_159 = arith.cmpi sgt, %jit3A_149, %sign3A_158 : i32
    %sign3A_160 = arith.extui %sign3A_159 : i1 to i32
    %sign3A_161 = arith.constant 0 : i32
    %sign3A_162 = arith.cmpi slt, %jit3A_149, %sign3A_161 : i32
    %sign3A_163 = arith.extui %sign3A_162 : i1 to i32
    %sign3A_164 = arith.subi %sign3A_160, %sign3A_163 : i32
    %ne3A_165 = arith.cmpi ne, %sign3A_157, %sign3A_164 : i32
    %rem3A_166 = arith.remsi %arg1, %jit3A_149 : i32
    %ne3A_167 = arith.constant 0 : i32
    %ne3A_168 = arith.cmpi ne, %rem3A_166, %ne3A_167 : i32
    %and3A_169 = arith.andi %ne3A_165, %ne3A_168 : i1
    %sub3A_170 = arith.constant 1 : i32
    %sub3A_171 = arith.subi %div3A_150, %sub3A_170 : i32
    %select_n3A_172 = arith.select %and3A_169, %sub3A_171, %div3A_150 : i32
    %mul3A_173 = arith.constant 4 : i32
    %mul3A_174 = arith.muli %select_n3A_172, %mul3A_173 : i32
    "tpu.region"() ({
      %run_scoped3A = tpu.sem_alloc : memref<!tpu.dma_semaphore, #tpu.memory_space<semaphore_mem>>
      %dma_start3A = arith.constant 0 : i32
      %dma_start3A_1992 = tpu.memref_slice %arg9[%mul3A_174, %dma_start3A] : memref<16x864xf32, #tpu.memory_space<vmem_shared>> -> memref<1x864xf32, #tpu.memory_space<vmem_shared>>
      %dma_start3A_1993 = tpu.memref_squeeze %dma_start3A_1992 : memref<1x864xf32, #tpu.memory_space<vmem_shared>> -> memref<864xf32, #tpu.memory_space<vmem_shared>>
      %dma_start3A_1994 = arith.constant 0 : i32
      %dma_start3A_1995 = tpu.memref_slice %arg9[%mul3A_174, %dma_start3A_1994] : memref<16x864xf32, #tpu.memory_space<vmem_shared>> -> memref<1x864xf32, #tpu.memory_space<vmem_shared>>
      %dma_start3A_1996 = tpu.memref_squeeze %dma_start3A_1995 : memref<1x864xf32, #tpu.memory_space<vmem_shared>> -> memref<864xf32, #tpu.memory_space<vmem_shared>>
      tpu.enqueue_dma source(%dma_start3A_1996 : memref<864xf32, #tpu.memory_space<vmem_shared>>) target(%arg8 : memref<864xf32, #tpu.memory_space<vmem>>) target_semaphore(%run_scoped3A : memref<!tpu.dma_semaphore, #tpu.memory_space<semaphore_mem>>)
      %dma_wait3A = arith.constant 0 : i32
      %dma_wait3A_1997 = tpu.memref_slice %arg9[%mul3A_174, %dma_wait3A] : memref<16x864xf32, #tpu.memory_space<vmem_shared>> -> memref<1x864xf32, #tpu.memory_space<vmem_shared>>
      %dma_wait3A_1998 = tpu.memref_squeeze %dma_wait3A_1997 : memref<1x864xf32, #tpu.memory_space<vmem_shared>> -> memref<864xf32, #tpu.memory_space<vmem_shared>>
      %dma_wait3A_1999 = arith.constant 0 : i32
      %dma_wait3A_2000 = tpu.memref_slice %arg9[%mul3A_174, %dma_wait3A_1999] : memref<16x864xf32, #tpu.memory_space<vmem_shared>> -> memref<1x864xf32, #tpu.memory_space<vmem_shared>>
      %dma_wait3A_2001 = tpu.memref_squeeze %dma_wait3A_2000 : memref<1x864xf32, #tpu.memory_space<vmem_shared>> -> memref<864xf32, #tpu.memory_space<vmem_shared>>
      tpu.wait_dma2 semaphore(%run_scoped3A : memref<!tpu.dma_semaphore, #tpu.memory_space<semaphore_mem>>) src(%dma_wait3A_2001 : memref<864xf32, #tpu.memory_space<vmem_shared>>) dst(%arg8 : memref<864xf32, #tpu.memory_space<vmem>>)
      tpu.yield
    }) : () -> ()
    %add3A_175 = arith.constant 1 : i32
    %add3A_176 = arith.addi %mul3A_174, %add3A_175 : i32
    "tpu.region"() ({
      %run_scoped3A = tpu.sem_alloc : memref<!tpu.dma_semaphore, #tpu.memory_space<semaphore_mem>>
      %dma_start3A = arith.constant 0 : i32
      %dma_start3A_1992 = tpu.memref_slice %arg9[%add3A_176, %dma_start3A] : memref<16x864xf32, #tpu.memory_space<vmem_shared>> -> memref<1x864xf32, #tpu.memory_space<vmem_shared>>
      %dma_start3A_1993 = tpu.memref_squeeze %dma_start3A_1992 : memref<1x864xf32, #tpu.memory_space<vmem_shared>> -> memref<864xf32, #tpu.memory_space<vmem_shared>>
      %dma_start3A_1994 = arith.constant 0 : i32
      %dma_start3A_1995 = tpu.memref_slice %arg9[%add3A_176, %dma_start3A_1994] : memref<16x864xf32, #tpu.memory_space<vmem_shared>> -> memref<1x864xf32, #tpu.memory_space<vmem_shared>>
      %dma_start3A_1996 = tpu.memref_squeeze %dma_start3A_1995 : memref<1x864xf32, #tpu.memory_space<vmem_shared>> -> memref<864xf32, #tpu.memory_space<vmem_shared>>
      tpu.enqueue_dma source(%dma_start3A_1996 : memref<864xf32, #tpu.memory_space<vmem_shared>>) target(%arg7 : memref<864xf32, #tpu.memory_space<vmem>>) target_semaphore(%run_scoped3A : memref<!tpu.dma_semaphore, #tpu.memory_space<semaphore_mem>>)
      %dma_wait3A = arith.constant 0 : i32
      %dma_wait3A_1997 = tpu.memref_slice %arg9[%add3A_176, %dma_wait3A] : memref<16x864xf32, #tpu.memory_space<vmem_shared>> -> memref<1x864xf32, #tpu.memory_space<vmem_shared>>
      %dma_wait3A_1998 = tpu.memref_squeeze %dma_wait3A_1997 : memref<1x864xf32, #tpu.memory_space<vmem_shared>> -> memref<864xf32, #tpu.memory_space<vmem_shared>>
      %dma_wait3A_1999 = arith.constant 0 : i32
      %dma_wait3A_2000 = tpu.memref_slice %arg9[%add3A_176, %dma_wait3A_1999] : memref<16x864xf32, #tpu.memory_space<vmem_shared>> -> memref<1x864xf32, #tpu.memory_space<vmem_shared>>
      %dma_wait3A_2001 = tpu.memref_squeeze %dma_wait3A_2000 : memref<1x864xf32, #tpu.memory_space<vmem_shared>> -> memref<864xf32, #tpu.memory_space<vmem_shared>>
      tpu.wait_dma2 semaphore(%run_scoped3A : memref<!tpu.dma_semaphore, #tpu.memory_space<semaphore_mem>>) src(%dma_wait3A_2001 : memref<864xf32, #tpu.memory_space<vmem_shared>>) dst(%arg7 : memref<864xf32, #tpu.memory_space<vmem>>)
      tpu.yield
    }) : () -> ()
    %get3A = arith.constant 144 : index
    %get3A_177 = tpu.vector_load %arg8[%get3A] {strides = array<i32>} : memref<864xf32, #tpu.memory_space<vmem>>, vector<16xf32>,
    %get3A_178 = arith.constant 144 : index
    %get3A_179 = tpu.vector_load %arg7[%get3A_178] {strides = array<i32>} : memref<864xf32, #tpu.memory_space<vmem>>, vector<16xf32>,
    %add3A_180 = arith.addf %get3A_177, %get3A_179 : vector<16xf32>
    %swap3A_181 = arith.constant 144 : index
    %swap3A_182 = tpu.vector_load %arg8[%swap3A_181] {strides = array<i32>} : memref<864xf32, #tpu.memory_space<vmem>>, vector<16xf32>,
    tpu.vector_store %arg8[%swap3A_181], %add3A_180 {strides = array<i32>} : memref<864xf32, #tpu.memory_space<vmem>>, vector<16xf32>,
    %get3A_183 = arith.constant 160 : index
    %get3A_184 = tpu.vector_load %arg8[%get3A_183] {strides = array<i32>} : memref<864xf32, #tpu.memory_space<vmem>>, vector<16xf32>,
    %get3A_185 = arith.constant 160 : index
    %get3A_186 = tpu.vector_load %arg7[%get3A_185] {strides = array<i32>} : memref<864xf32, #tpu.memory_space<vmem>>, vector<16xf32>,
    %add3A_187 = arith.addf %get3A_184, %get3A_186 : vector<16xf32>
    %swap3A_188 = arith.constant 160 : index
    %swap3A_189 = tpu.vector_load %arg8[%swap3A_188] {strides = array<i32>} : memref<864xf32, #tpu.memory_space<vmem>>, vector<16xf32>,
    tpu.vector_store %arg8[%swap3A_188], %add3A_187 {strides = array<i32>} : memref<864xf32, #tpu.memory_space<vmem>>, vector<16xf32>,
    %get3A_190 = arith.constant 176 : index
    %get3A_191 = tpu.vector_load %arg8[%get3A_190] {strides = array<i32>} : memref<864xf32, #tpu.memory_space<vmem>>, vector<16xf32>,
    %get3A_192 = arith.constant 176 : index
    %get3A_193 = tpu.vector_load %arg7[%get3A_192] {strides = array<i32>} : memref<864xf32, #tpu.memory_space<vmem>>, vector<16xf32>,
    %add3A_194 = arith.addf %get3A_191, %get3A_193 : vector<16xf32>
    %swap3A_195 = arith.constant 176 : index
    %swap3A_196 = tpu.vector_load %arg8[%swap3A_195] {strides = array<i32>} : memref<864xf32, #tpu.memory_space<vmem>>, vector<16xf32>,
    tpu.vector_store %arg8[%swap3A_195], %add3A_194 {strides = array<i32>} : memref<864xf32, #tpu.memory_space<vmem>>, vector<16xf32>,
    %get3A_197 = arith.constant 192 : index
    %get3A_198 = tpu.vector_load %arg8[%get3A_197] {strides = array<i32>} : memref<864xf32, #tpu.memory_space<vmem>>, vector<16xf32>,
    %get3A_199 = arith.constant 192 : index
    %get3A_200 = tpu.vector_load %arg7[%get3A_199] {strides = array<i32>} : memref<864xf32, #tpu.memory_space<vmem>>, vector<16xf32>,
    %add3A_201 = arith.addf %get3A_198, %get3A_200 : vector<16xf32>
    %swap3A_202 = arith.constant 192 : index
    %swap3A_203 = tpu.vector_load %arg8[%swap3A_202] {strides = array<i32>} : memref<864xf32, #tpu.memory_space<vmem>>, vector<16xf32>,
    tpu.vector_store %arg8[%swap3A_202], %add3A_201 {strides = array<i32>} : memref<864xf32, #tpu.memory_space<vmem>>, vector<16xf32>,
    %get3A_204 = arith.constant 208 : index
    %get3A_205 = tpu.vector_load %arg8[%get3A_204] {strides = array<i32>} : memref<864xf32, #tpu.memory_space<vmem>>, vector<16xf32>,
    %get3A_206 = arith.constant 208 : index
    %get3A_207 = tpu.vector_load %arg7[%get3A_206] {strides = array<i32>} : memref<864xf32, #tpu.memory_space<vmem>>, vector<16xf32>,
    %add3A_208 = arith.addf %get3A_205, %get3A_207 : vector<16xf32>
    %swap3A_209 = arith.constant 208 : index
    %swap3A_210 = tpu.vector_load %arg8[%swap3A_209] {strides = array<i32>} : memref<864xf32, #tpu.memory_space<vmem>>, vector<16xf32>,
    tpu.vector_store %arg8[%swap3A_209], %add3A_208 {strides = array<i32>} : memref<864xf32, #tpu.memory_space<vmem>>, vector<16xf32>,
    %get3A_211 = arith.constant 224 : index
    %get3A_212 = tpu.vector_load %arg8[%get3A_211] {strides = array<i32>} : memref<864xf32, #tpu.memory_space<vmem>>, vector<16xf32>,
    %get3A_213 = arith.constant 224 : index
    %get3A_214 = tpu.vector_load %arg7[%get3A_213] {strides = array<i32>} : memref<864xf32, #tpu.memory_space<vmem>>, vector<16xf32>,
    %add3A_215 = arith.addf %get3A_212, %get3A_214 : vector<16xf32>
    %swap3A_216 = arith.constant 224 : index
    %swap3A_217 = tpu.vector_load %arg8[%swap3A_216] {strides = array<i32>} : memref<864xf32, #tpu.memory_space<vmem>>, vector<16xf32>,
    tpu.vector_store %arg8[%swap3A_216], %add3A_215 {strides = array<i32>} : memref<864xf32, #tpu.memory_space<vmem>>, vector<16xf32>,
    %get3A_218 = arith.constant 240 : index
    %get3A_219 = tpu.vector_load %arg8[%get3A_218] {strides = array<i32>} : memref<864xf32, #tpu.memory_space<vmem>>, vector<16xf32>,
    %get3A_220 = arith.constant 240 : index
    %get3A_221 = tpu.vector_load %arg7[%get3A_220] {strides = array<i32>} : memref<864xf32, #tpu.memory_space<vmem>>, vector<16xf32>,
    %add3A_222 = arith.addf %get3A_219, %get3A_221 : vector<16xf32>
    %swap3A_223 = arith.constant 240 : index
    %swap3A_224 = tpu.vector_load %arg8[%swap3A_223] {strides = array<i32>} : memref<864xf32, #tpu.memory_space<vmem>>, vector<16xf32>,
    tpu.vector_store %arg8[%swap3A_223], %add3A_222 {strides = array<i32>} : memref<864xf32, #tpu.memory_space<vmem>>, vector<16xf32>,
    %get3A_225 = arith.constant 256 : index
    %get3A_226 = tpu.vector_load %arg8[%get3A_225] {strides = array<i32>} : memref<864xf32, #tpu.memory_space<vmem>>, vector<16xf32>,
    %get3A_227 = arith.constant 256 : index
    %get3A_228 = tpu.vector_load %arg7[%get3A_227] {strides = array<i32>} : memref<864xf32, #tpu.memory_space<vmem>>, vector<16xf32>,
    %add3A_229 = arith.addf %get3A_226, %get3A_228 : vector<16xf32>
    %swap3A_230 = arith.constant 256 : index
    %swap3A_231 = tpu.vector_load %arg8[%swap3A_230] {strides = array<i32>} : memref<864xf32, #tpu.memory_space<vmem>>, vector<16xf32>,
    tpu.vector_store %arg8[%swap3A_230], %add3A_229 {strides = array<i32>} : memref<864xf32, #tpu.memory_space<vmem>>, vector<16xf32>,
    %get3A_232 = arith.constant 272 : index
    %get3A_233 = tpu.vector_load %arg8[%get3A_232] {strides = array<i32>} : memref<864xf32, #tpu.memory_space<vmem>>, vector<16xf32>,
    %get3A_234 = arith.constant 272 : index
    %get3A_235 = tpu.vector_load %arg7[%get3A_234] {strides = array<i32>} : memref<864xf32, #tpu.memory_space<vmem>>, vector<16xf32>,
    %add3A_236 = arith.addf %get3A_233, %get3A_235 : vector<16xf32>
    %swap3A_237 = arith.constant 272 : index
    %swap3A_238 = tpu.vector_load %arg8[%swap3A_237] {strides = array<i32>} : memref<864xf32, #tpu.memory_space<vmem>>, vector<16xf32>,
    tpu.vector_store %arg8[%swap3A_237], %add3A_236 {strides = array<i32>} : memref<864xf32, #tpu.memory_space<vmem>>, vector<16xf32>,
    %get3A_239 = arith.constant 288 : index
    %get3A_240 = tpu.vector_load %arg8[%get3A_239] {strides = array<i32>} : memref<864xf32, #tpu.memory_space<vmem>>, vector<16xf32>,
    %get3A_241 = arith.constant 288 : index
    %get3A_242 = tpu.vector_load %arg7[%get3A_241] {strides = array<i32>} : memref<864xf32, #tpu.memory_space<vmem>>, vector<16xf32>,
    %add3A_243 = arith.addf %get3A_240, %get3A_242 : vector<16xf32>
    %swap3A_244 = arith.constant 288 : index
    %swap3A_245 = tpu.vector_load %arg8[%swap3A_244] {strides = array<i32>} : memref<864xf32, #tpu.memory_space<vmem>>, vector<16xf32>,
    tpu.vector_store %arg8[%swap3A_244], %add3A_243 {strides = array<i32>} : memref<864xf32, #tpu.memory_space<vmem>>, vector<16xf32>,
    %get3A_246 = arith.constant 304 : index
    %get3A_247 = tpu.vector_load %arg8[%get3A_246] {strides = array<i32>} : memref<864xf32, #tpu.memory_space<vmem>>, vector<16xf32>,
    %get3A_248 = arith.constant 304 : index
    %get3A_249 = tpu.vector_load %arg7[%get3A_248] {strides = array<i32>} : memref<864xf32, #tpu.memory_space<vmem>>, vector<16xf32>,
    %add3A_250 = arith.addf %get3A_247, %get3A_249 : vector<16xf32>
    %swap3A_251 = arith.constant 304 : index
    %swap3A_252 = tpu.vector_load %arg8[%swap3A_251] {strides = array<i32>} : memref<864xf32, #tpu.memory_space<vmem>>, vector<16xf32>,
    tpu.vector_store %arg8[%swap3A_251], %add3A_250 {strides = array<i32>} : memref<864xf32, #tpu.memory_space<vmem>>, vector<16xf32>,
    %get3A_253 = arith.constant 320 : index
    %get3A_254 = tpu.vector_load %arg8[%get3A_253] {strides = array<i32>} : memref<864xf32, #tpu.memory_space<vmem>>, vector<16xf32>,
    %get3A_255 = arith.constant 320 : index
    %get3A_256 = tpu.vector_load %arg7[%get3A_255] {strides = array<i32>} : memref<864xf32, #tpu.memory_space<vmem>>, vector<16xf32>,
    %add3A_257 = arith.addf %get3A_254, %get3A_256 : vector<16xf32>
    %swap3A_258 = arith.constant 320 : index
    %swap3A_259 = tpu.vector_load %arg8[%swap3A_258] {strides = array<i32>} : memref<864xf32, #tpu.memory_space<vmem>>, vector<16xf32>,
    tpu.vector_store %arg8[%swap3A_258], %add3A_257 {strides = array<i32>} : memref<864xf32, #tpu.memory_space<vmem>>, vector<16xf32>,
    %get3A_260 = arith.constant 336 : index
    %get3A_261 = tpu.vector_load %arg8[%get3A_260] {strides = array<i32>} : memref<864xf32, #tpu.memory_space<vmem>>, vector<16xf32>,
    %get3A_262 = arith.constant 336 : index
    %get3A_263 = tpu.vector_load %arg7[%get3A_262] {strides = array<i32>} : memref<864xf32, #tpu.memory_space<vmem>>, vector<16xf32>,
    %add3A_264 = arith.addf %get3A_261, %get3A_263 : vector<16xf32>
    %swap3A_265 = arith.constant 336 : index
    %swap3A_266 = tpu.vector_load %arg8[%swap3A_265] {strides = array<i32>} : memref<864xf32, #tpu.memory_space<vmem>>, vector<16xf32>,
    tpu.vector_store %arg8[%swap3A_265], %add3A_264 {strides = array<i32>} : memref<864xf32, #tpu.memory_space<vmem>>, vector<16xf32>,
    %get3A_267 = arith.constant 352 : index
    %get3A_268 = tpu.vector_load %arg8[%get3A_267] {strides = array<i32>} : memref<864xf32, #tpu.memory_space<vmem>>, vector<16xf32>,
    %get3A_269 = arith.constant 352 : index
    %get3A_270 = tpu.vector_load %arg7[%get3A_269] {strides = array<i32>} : memref<864xf32, #tpu.memory_space<vmem>>, vector<16xf32>,
    %add3A_271 = arith.addf %get3A_268, %get3A_270 : vector<16xf32>
    %swap3A_272 = arith.constant 352 : index
    %swap3A_273 = tpu.vector_load %arg8[%swap3A_272] {strides = array<i32>} : memref<864xf32, #tpu.memory_space<vmem>>, vector<16xf32>,
    tpu.vector_store %arg8[%swap3A_272], %add3A_271 {strides = array<i32>} : memref<864xf32, #tpu.memory_space<vmem>>, vector<16xf32>,
    %get3A_274 = arith.constant 368 : index
    %get3A_275 = tpu.vector_load %arg8[%get3A_274] {strides = array<i32>} : memref<864xf32, #tpu.memory_space<vmem>>, vector<16xf32>,
    %get3A_276 = arith.constant 368 : index
    %get3A_277 = tpu.vector_load %arg7[%get3A_276] {strides = array<i32>} : memref<864xf32, #tpu.memory_space<vmem>>, vector<16xf32>,
    %add3A_278 = arith.addf %get3A_275, %get3A_277 : vector<16xf32>
    %swap3A_279 = arith.constant 368 : index
    %swap3A_280 = tpu.vector_load %arg8[%swap3A_279] {strides = array<i32>} : memref<864xf32, #tpu.memory_space<vmem>>, vector<16xf32>,
    tpu.vector_store %arg8[%swap3A_279], %add3A_278 {strides = array<i32>} : memref<864xf32, #tpu.memory_space<vmem>>, vector<16xf32>,
    %get3A_281 = arith.constant 384 : index
    %get3A_282 = tpu.vector_load %arg8[%get3A_281] {strides = array<i32>} : memref<864xf32, #tpu.memory_space<vmem>>, vector<16xf32>,
    %get3A_283 = arith.constant 384 : index
    %get3A_284 = tpu.vector_load %arg7[%get3A_283] {strides = array<i32>} : memref<864xf32, #tpu.memory_space<vmem>>, vector<16xf32>,
    %add3A_285 = arith.addf %get3A_282, %get3A_284 : vector<16xf32>
    %swap3A_286 = arith.constant 384 : index
    %swap3A_287 = tpu.vector_load %arg8[%swap3A_286] {strides = array<i32>} : memref<864xf32, #tpu.memory_space<vmem>>, vector<16xf32>,
    tpu.vector_store %arg8[%swap3A_286], %add3A_285 {strides = array<i32>} : memref<864xf32, #tpu.memory_space<vmem>>, vector<16xf32>,
    %get3A_288 = arith.constant 400 : index
    %get3A_289 = tpu.vector_load %arg8[%get3A_288] {strides = array<i32>} : memref<864xf32, #tpu.memory_space<vmem>>, vector<16xf32>,
    %get3A_290 = arith.constant 400 : index
    %get3A_291 = tpu.vector_load %arg7[%get3A_290] {strides = array<i32>} : memref<864xf32, #tpu.memory_space<vmem>>, vector<16xf32>,
    %add3A_292 = arith.addf %get3A_289, %get3A_291 : vector<16xf32>
    %swap3A_293 = arith.constant 400 : index
    %swap3A_294 = tpu.vector_load %arg8[%swap3A_293] {strides = array<i32>} : memref<864xf32, #tpu.memory_space<vmem>>, vector<16xf32>,
    tpu.vector_store %arg8[%swap3A_293], %add3A_292 {strides = array<i32>} : memref<864xf32, #tpu.memory_space<vmem>>, vector<16xf32>,
    %get3A_295 = arith.constant 416 : index
    %get3A_296 = tpu.vector_load %arg8[%get3A_295] {strides = array<i32>} : memref<864xf32, #tpu.memory_space<vmem>>, vector<16xf32>,
    %get3A_297 = arith.constant 416 : index
    %get3A_298 = tpu.vector_load %arg7[%get3A_297] {strides = array<i32>} : memref<864xf32, #tpu.memory_space<vmem>>, vector<16xf32>,
    %add3A_299 = arith.addf %get3A_296, %get3A_298 : vector<16xf32>
    %swap3A_300 = arith.constant 416 : index
    %swap3A_301 = tpu.vector_load %arg8[%swap3A_300] {strides = array<i32>} : memref<864xf32, #tpu.memory_space<vmem>>, vector<16xf32>,
    tpu.vector_store %arg8[%swap3A_300], %add3A_299 {strides = array<i32>} : memref<864xf32, #tpu.memory_space<vmem>>, vector<16xf32>,
    %get3A_302 = arith.constant 432 : index
    %get3A_303 = tpu.vector_load %arg8[%get3A_302] {strides = array<i32>} : memref<864xf32, #tpu.memory_space<vmem>>, vector<16xf32>,
    %get3A_304 = arith.constant 432 : index
    %get3A_305 = tpu.vector_load %arg7[%get3A_304] {strides = array<i32>} : memref<864xf32, #tpu.memory_space<vmem>>, vector<16xf32>,
    %add3A_306 = arith.addf %get3A_303, %get3A_305 : vector<16xf32>
    %swap3A_307 = arith.constant 432 : index
    %swap3A_308 = tpu.vector_load %arg8[%swap3A_307] {strides = array<i32>} : memref<864xf32, #tpu.memory_space<vmem>>, vector<16xf32>,
    tpu.vector_store %arg8[%swap3A_307], %add3A_306 {strides = array<i32>} : memref<864xf32, #tpu.memory_space<vmem>>, vector<16xf32>,
    %get3A_309 = arith.constant 448 : index
    %get3A_310 = tpu.vector_load %arg8[%get3A_309] {strides = array<i32>} : memref<864xf32, #tpu.memory_space<vmem>>, vector<16xf32>,
    %get3A_311 = arith.constant 448 : index
    %get3A_312 = tpu.vector_load %arg7[%get3A_311] {strides = array<i32>} : memref<864xf32, #tpu.memory_space<vmem>>, vector<16xf32>,
    %add3A_313 = arith.addf %get3A_310, %get3A_312 : vector<16xf32>
    %swap3A_314 = arith.constant 448 : index
    %swap3A_315 = tpu.vector_load %arg8[%swap3A_314] {strides = array<i32>} : memref<864xf32, #tpu.memory_space<vmem>>, vector<16xf32>,
    tpu.vector_store %arg8[%swap3A_314], %add3A_313 {strides = array<i32>} : memref<864xf32, #tpu.memory_space<vmem>>, vector<16xf32>,
    %get3A_316 = arith.constant 464 : index
    %get3A_317 = tpu.vector_load %arg8[%get3A_316] {strides = array<i32>} : memref<864xf32, #tpu.memory_space<vmem>>, vector<16xf32>,
    %get3A_318 = arith.constant 464 : index
    %get3A_319 = tpu.vector_load %arg7[%get3A_318] {strides = array<i32>} : memref<864xf32, #tpu.memory_space<vmem>>, vector<16xf32>,
    %add3A_320 = arith.addf %get3A_317, %get3A_319 : vector<16xf32>
    %swap3A_321 = arith.constant 464 : index
    %swap3A_322 = tpu.vector_load %arg8[%swap3A_321] {strides = array<i32>} : memref<864xf32, #tpu.memory_space<vmem>>, vector<16xf32>,
    tpu.vector_store %arg8[%swap3A_321], %add3A_320 {strides = array<i32>} : memref<864xf32, #tpu.memory_space<vmem>>, vector<16xf32>,
    %get3A_323 = arith.constant 480 : index
    %get3A_324 = tpu.vector_load %arg8[%get3A_323] {strides = array<i32>} : memref<864xf32, #tpu.memory_space<vmem>>, vector<16xf32>,
    %get3A_325 = arith.constant 480 : index
    %get3A_326 = tpu.vector_load %arg7[%get3A_325] {strides = array<i32>} : memref<864xf32, #tpu.memory_space<vmem>>, vector<16xf32>,
    %add3A_327 = arith.addf %get3A_324, %get3A_326 : vector<16xf32>
    %swap3A_328 = arith.constant 480 : index
    %swap3A_329 = tpu.vector_load %arg8[%swap3A_328] {strides = array<i32>} : memref<864xf32, #tpu.memory_space<vmem>>, vector<16xf32>,
    tpu.vector_store %arg8[%swap3A_328], %add3A_327 {strides = array<i32>} : memref<864xf32, #tpu.memory_space<vmem>>, vector<16xf32>,
    %get3A_330 = arith.constant 496 : index
    %get3A_331 = tpu.vector_load %arg8[%get3A_330] {strides = array<i32>} : memref<864xf32, #tpu.memory_space<vmem>>, vector<16xf32>,
    %get3A_332 = arith.constant 496 : index
    %get3A_333 = tpu.vector_load %arg7[%get3A_332] {strides = array<i32>} : memref<864xf32, #tpu.memory_space<vmem>>, vector<16xf32>,
    %add3A_334 = arith.addf %get3A_331, %get3A_333 : vector<16xf32>
    %swap3A_335 = arith.constant 496 : index
    %swap3A_336 = tpu.vector_load %arg8[%swap3A_335] {strides = array<i32>} : memref<864xf32, #tpu.memory_space<vmem>>, vector<16xf32>,
    tpu.vector_store %arg8[%swap3A_335], %add3A_334 {strides = array<i32>} : memref<864xf32, #tpu.memory_space<vmem>>, vector<16xf32>,
    %get3A_337 = arith.constant 512 : index
    %get3A_338 = tpu.vector_load %arg8[%get3A_337] {strides = array<i32>} : memref<864xf32, #tpu.memory_space<vmem>>, vector<16xf32>,
    %get3A_339 = arith.constant 512 : index
    %get3A_340 = tpu.vector_load %arg7[%get3A_339] {strides = array<i32>} : memref<864xf32, #tpu.memory_space<vmem>>, vector<16xf32>,
    %add3A_341 = arith.addf %get3A_338, %get3A_340 : vector<16xf32>
    %swap3A_342 = arith.constant 512 : index
    %swap3A_343 = tpu.vector_load %arg8[%swap3A_342] {strides = array<i32>} : memref<864xf32, #tpu.memory_space<vmem>>, vector<16xf32>,
    tpu.vector_store %arg8[%swap3A_342], %add3A_341 {strides = array<i32>} : memref<864xf32, #tpu.memory_space<vmem>>, vector<16xf32>,
    %get3A_344 = arith.constant 528 : index
    %get3A_345 = tpu.vector_load %arg8[%get3A_344] {strides = array<i32>} : memref<864xf32, #tpu.memory_space<vmem>>, vector<16xf32>,
    %get3A_346 = arith.constant 528 : index
    %get3A_347 = tpu.vector_load %arg7[%get3A_346] {strides = array<i32>} : memref<864xf32, #tpu.memory_space<vmem>>, vector<16xf32>,
    %add3A_348 = arith.addf %get3A_345, %get3A_347 : vector<16xf32>
    %swap3A_349 = arith.constant 528 : index
    %swap3A_350 = tpu.vector_load %arg8[%swap3A_349] {strides = array<i32>} : memref<864xf32, #tpu.memory_space<vmem>>, vector<16xf32>,
    tpu.vector_store %arg8[%swap3A_349], %add3A_348 {strides = array<i32>} : memref<864xf32, #tpu.memory_space<vmem>>, vector<16xf32>,
    %get3A_351 = arith.constant 544 : index
    %get3A_352 = tpu.vector_load %arg8[%get3A_351] {strides = array<i32>} : memref<864xf32, #tpu.memory_space<vmem>>, vector<16xf32>,
    %get3A_353 = arith.constant 544 : index
    %get3A_354 = tpu.vector_load %arg7[%get3A_353] {strides = array<i32>} : memref<864xf32, #tpu.memory_space<vmem>>, vector<16xf32>,
    %add3A_355 = arith.addf %get3A_352, %get3A_354 : vector<16xf32>
    %swap3A_356 = arith.constant 544 : index
    %swap3A_357 = tpu.vector_load %arg8[%swap3A_356] {strides = array<i32>} : memref<864xf32, #tpu.memory_space<vmem>>, vector<16xf32>,
    tpu.vector_store %arg8[%swap3A_356], %add3A_355 {strides = array<i32>} : memref<864xf32, #tpu.memory_space<vmem>>, vector<16xf32>,
    %get3A_358 = arith.constant 560 : index
    %get3A_359 = tpu.vector_load %arg8[%get3A_358] {strides = array<i32>} : memref<864xf32, #tpu.memory_space<vmem>>, vector<16xf32>,
    %get3A_360 = arith.constant 560 : index
    %get3A_361 = tpu.vector_load %arg7[%get3A_360] {strides = array<i32>} : memref<864xf32, #tpu.memory_space<vmem>>, vector<16xf32>,
    %add3A_362 = arith.addf %get3A_359, %get3A_361 : vector<16xf32>
    %swap3A_363 = arith.constant 560 : index
    %swap3A_364 = tpu.vector_load %arg8[%swap3A_363] {strides = array<i32>} : memref<864xf32, #tpu.memory_space<vmem>>, vector<16xf32>,
    tpu.vector_store %arg8[%swap3A_363], %add3A_362 {strides = array<i32>} : memref<864xf32, #tpu.memory_space<vmem>>, vector<16xf32>,
    %get3A_365 = arith.constant 576 : index
    %get3A_366 = tpu.vector_load %arg8[%get3A_365] {strides = array<i32>} : memref<864xf32, #tpu.memory_space<vmem>>, vector<16xf32>,
    %get3A_367 = arith.constant 576 : index
    %get3A_368 = tpu.vector_load %arg7[%get3A_367] {strides = array<i32>} : memref<864xf32, #tpu.memory_space<vmem>>, vector<16xf32>,
    %add3A_369 = arith.addf %get3A_366, %get3A_368 : vector<16xf32>
    %swap3A_370 = arith.constant 576 : index
    %swap3A_371 = tpu.vector_load %arg8[%swap3A_370] {strides = array<i32>} : memref<864xf32, #tpu.memory_space<vmem>>, vector<16xf32>,
    tpu.vector_store %arg8[%swap3A_370], %add3A_369 {strides = array<i32>} : memref<864xf32, #tpu.memory_space<vmem>>, vector<16xf32>,
    %get3A_372 = arith.constant 592 : index
    %get3A_373 = tpu.vector_load %arg8[%get3A_372] {strides = array<i32>} : memref<864xf32, #tpu.memory_space<vmem>>, vector<16xf32>,
    %get3A_374 = arith.constant 592 : index
    %get3A_375 = tpu.vector_load %arg7[%get3A_374] {strides = array<i32>} : memref<864xf32, #tpu.memory_space<vmem>>, vector<16xf32>,
    %add3A_376 = arith.addf %get3A_373, %get3A_375 : vector<16xf32>
    %swap3A_377 = arith.constant 592 : index
    %swap3A_378 = tpu.vector_load %arg8[%swap3A_377] {strides = array<i32>} : memref<864xf32, #tpu.memory_space<vmem>>, vector<16xf32>,
    tpu.vector_store %arg8[%swap3A_377], %add3A_376 {strides = array<i32>} : memref<864xf32, #tpu.memory_space<vmem>>, vector<16xf32>,
    %get3A_379 = arith.constant 608 : index
    %get3A_380 = tpu.vector_load %arg8[%get3A_379] {strides = array<i32>} : memref<864xf32, #tpu.memory_space<vmem>>, vector<16xf32>,
    %get3A_381 = arith.constant 608 : index
    %get3A_382 = tpu.vector_load %arg7[%get3A_381] {strides = array<i32>} : memref<864xf32, #tpu.memory_space<vmem>>, vector<16xf32>,
    %add3A_383 = arith.addf %get3A_380, %get3A_382 : vector<16xf32>
    %swap3A_384 = arith.constant 608 : index
    %swap3A_385 = tpu.vector_load %arg8[%swap3A_384] {strides = array<i32>} : memref<864xf32, #tpu.memory_space<vmem>>, vector<16xf32>,
    tpu.vector_store %arg8[%swap3A_384], %add3A_383 {strides = array<i32>} : memref<864xf32, #tpu.memory_space<vmem>>, vector<16xf32>,
    %get3A_386 = arith.constant 624 : index
    %get3A_387 = tpu.vector_load %arg8[%get3A_386] {strides = array<i32>} : memref<864xf32, #tpu.memory_space<vmem>>, vector<16xf32>,
    %get3A_388 = arith.constant 624 : index
    %get3A_389 = tpu.vector_load %arg7[%get3A_388] {strides = array<i32>} : memref<864xf32, #tpu.memory_space<vmem>>, vector<16xf32>,
    %add3A_390 = arith.addf %get3A_387, %get3A_389 : vector<16xf32>
    %swap3A_391 = arith.constant 624 : index
    %swap3A_392 = tpu.vector_load %arg8[%swap3A_391] {strides = array<i32>} : memref<864xf32, #tpu.memory_space<vmem>>, vector<16xf32>,
    tpu.vector_store %arg8[%swap3A_391], %add3A_390 {strides = array<i32>} : memref<864xf32, #tpu.memory_space<vmem>>, vector<16xf32>,
    %get3A_393 = arith.constant 640 : index
    %get3A_394 = tpu.vector_load %arg8[%get3A_393] {strides = array<i32>} : memref<864xf32, #tpu.memory_space<vmem>>, vector<16xf32>,
    %get3A_395 = arith.constant 640 : index
    %get3A_396 = tpu.vector_load %arg7[%get3A_395] {strides = array<i32>} : memref<864xf32, #tpu.memory_space<vmem>>, vector<16xf32>,
    %add3A_397 = arith.addf %get3A_394, %get3A_396 : vector<16xf32>
    %swap3A_398 = arith.constant 640 : index
    %swap3A_399 = tpu.vector_load %arg8[%swap3A_398] {strides = array<i32>} : memref<864xf32, #tpu.memory_space<vmem>>, vector<16xf32>,
    tpu.vector_store %arg8[%swap3A_398], %add3A_397 {strides = array<i32>} : memref<864xf32, #tpu.memory_space<vmem>>, vector<16xf32>,
    %get3A_400 = arith.constant 656 : index
    %get3A_401 = tpu.vector_load %arg8[%get3A_400] {strides = array<i32>} : memref<864xf32, #tpu.memory_space<vmem>>, vector<16xf32>,
    %get3A_402 = arith.constant 656 : index
    %get3A_403 = tpu.vector_load %arg7[%get3A_402] {strides = array<i32>} : memref<864xf32, #tpu.memory_space<vmem>>, vector<16xf32>,
    %add3A_404 = arith.addf %get3A_401, %get3A_403 : vector<16xf32>
    %swap3A_405 = arith.constant 656 : index
    %swap3A_406 = tpu.vector_load %arg8[%swap3A_405] {strides = array<i32>} : memref<864xf32, #tpu.memory_space<vmem>>, vector<16xf32>,
    tpu.vector_store %arg8[%swap3A_405], %add3A_404 {strides = array<i32>} : memref<864xf32, #tpu.memory_space<vmem>>, vector<16xf32>,
    %get3A_407 = arith.constant 672 : index
    %get3A_408 = tpu.vector_load %arg8[%get3A_407] {strides = array<i32>} : memref<864xf32, #tpu.memory_space<vmem>>, vector<16xf32>,
    %get3A_409 = arith.constant 672 : index
    %get3A_410 = tpu.vector_load %arg7[%get3A_409] {strides = array<i32>} : memref<864xf32, #tpu.memory_space<vmem>>, vector<16xf32>,
    %add3A_411 = arith.addf %get3A_408, %get3A_410 : vector<16xf32>
    %swap3A_412 = arith.constant 672 : index
    %swap3A_413 = tpu.vector_load %arg8[%swap3A_412] {strides = array<i32>} : memref<864xf32, #tpu.memory_space<vmem>>, vector<16xf32>,
    tpu.vector_store %arg8[%swap3A_412], %add3A_411 {strides = array<i32>} : memref<864xf32, #tpu.memory_space<vmem>>, vector<16xf32>,
    %get3A_414 = arith.constant 688 : index
    %get3A_415 = tpu.vector_load %arg8[%get3A_414] {strides = array<i32>} : memref<864xf32, #tpu.memory_space<vmem>>, vector<16xf32>,
    %get3A_416 = arith.constant 688 : index
    %get3A_417 = tpu.vector_load %arg7[%get3A_416] {strides = array<i32>} : memref<864xf32, #tpu.memory_space<vmem>>, vector<16xf32>,
    %add3A_418 = arith.addf %get3A_415, %get3A_417 : vector<16xf32>
    %swap3A_419 = arith.constant 688 : index
    %swap3A_420 = tpu.vector_load %arg8[%swap3A_419] {strides = array<i32>} : memref<864xf32, #tpu.memory_space<vmem>>, vector<16xf32>,
    tpu.vector_store %arg8[%swap3A_419], %add3A_418 {strides = array<i32>} : memref<864xf32, #tpu.memory_space<vmem>>, vector<16xf32>,
    %get3A_421 = arith.constant 704 : index
    %get3A_422 = tpu.vector_load %arg8[%get3A_421] {strides = array<i32>} : memref<864xf32, #tpu.memory_space<vmem>>, vector<16xf32>,
    %get3A_423 = arith.constant 704 : index
    %get3A_424 = tpu.vector_load %arg7[%get3A_423] {strides = array<i32>} : memref<864xf32, #tpu.memory_space<vmem>>, vector<16xf32>,
    %add3A_425 = arith.addf %get3A_422, %get3A_424 : vector<16xf32>
    %swap3A_426 = arith.constant 704 : index
    %swap3A_427 = tpu.vector_load %arg8[%swap3A_426] {strides = array<i32>} : memref<864xf32, #tpu.memory_space<vmem>>, vector<16xf32>,
    tpu.vector_store %arg8[%swap3A_426], %add3A_425 {strides = array<i32>} : memref<864xf32, #tpu.memory_space<vmem>>, vector<16xf32>,
    %get3A_428 = arith.constant 720 : index
    %get3A_429 = tpu.vector_load %arg8[%get3A_428] {strides = array<i32>} : memref<864xf32, #tpu.memory_space<vmem>>, vector<16xf32>,
    %get3A_430 = arith.constant 720 : index
    %get3A_431 = tpu.vector_load %arg7[%get3A_430] {strides = array<i32>} : memref<864xf32, #tpu.memory_space<vmem>>, vector<16xf32>,
    %add3A_432 = arith.addf %get3A_429, %get3A_431 : vector<16xf32>
    %swap3A_433 = arith.constant 720 : index
    %swap3A_434 = tpu.vector_load %arg8[%swap3A_433] {strides = array<i32>} : memref<864xf32, #tpu.memory_space<vmem>>, vector<16xf32>,
    tpu.vector_store %arg8[%swap3A_433], %add3A_432 {strides = array<i32>} : memref<864xf32, #tpu.memory_space<vmem>>, vector<16xf32>,
    %get3A_435 = arith.constant 736 : index
    %get3A_436 = tpu.vector_load %arg8[%get3A_435] {strides = array<i32>} : memref<864xf32, #tpu.memory_space<vmem>>, vector<16xf32>,
    %get3A_437 = arith.constant 736 : index
    %get3A_438 = tpu.vector_load %arg7[%get3A_437] {strides = array<i32>} : memref<864xf32, #tpu.memory_space<vmem>>, vector<16xf32>,
    %add3A_439 = arith.addf %get3A_436, %get3A_438 : vector<16xf32>
    %swap3A_440 = arith.constant 736 : index
    %swap3A_441 = tpu.vector_load %arg8[%swap3A_440] {strides = array<i32>} : memref<864xf32, #tpu.memory_space<vmem>>, vector<16xf32>,
    tpu.vector_store %arg8[%swap3A_440], %add3A_439 {strides = array<i32>} : memref<864xf32, #tpu.memory_space<vmem>>, vector<16xf32>,
    %get3A_442 = arith.constant 752 : index
    %get3A_443 = tpu.vector_load %arg8[%get3A_442] {strides = array<i32>} : memref<864xf32, #tpu.memory_space<vmem>>, vector<16xf32>,
    %get3A_444 = arith.constant 752 : index
    %get3A_445 = tpu.vector_load %arg7[%get3A_444] {strides = array<i32>} : memref<864xf32, #tpu.memory_space<vmem>>, vector<16xf32>,
    %add3A_446 = arith.addf %get3A_443, %get3A_445 : vector<16xf32>
    %swap3A_447 = arith.constant 752 : index
    %swap3A_448 = tpu.vector_load %arg8[%swap3A_447] {strides = array<i32>} : memref<864xf32, #tpu.memory_space<vmem>>, vector<16xf32>,
    tpu.vector_store %arg8[%swap3A_447], %add3A_446 {strides = array<i32>} : memref<864xf32, #tpu.memory_space<vmem>>, vector<16xf32>,
    %get3A_449 = arith.constant 768 : index
    %get3A_450 = tpu.vector_load %arg8[%get3A_449] {strides = array<i32>} : memref<864xf32, #tpu.memory_space<vmem>>, vector<16xf32>,
    %get3A_451 = arith.constant 768 : index
    %get3A_452 = tpu.vector_load %arg7[%get3A_451] {strides = array<i32>} : memref<864xf32, #tpu.memory_space<vmem>>, vector<16xf32>,
    %add3A_453 = arith.addf %get3A_450, %get3A_452 : vector<16xf32>
    %swap3A_454 = arith.constant 768 : index
    %swap3A_455 = tpu.vector_load %arg8[%swap3A_454] {strides = array<i32>} : memref<864xf32, #tpu.memory_space<vmem>>, vector<16xf32>,
    tpu.vector_store %arg8[%swap3A_454], %add3A_453 {strides = array<i32>} : memref<864xf32, #tpu.memory_space<vmem>>, vector<16xf32>,
    %get3A_456 = arith.constant 784 : index
    %get3A_457 = tpu.vector_load %arg8[%get3A_456] {strides = array<i32>} : memref<864xf32, #tpu.memory_space<vmem>>, vector<16xf32>,
    %get3A_458 = arith.constant 784 : index
    %get3A_459 = tpu.vector_load %arg7[%get3A_458] {strides = array<i32>} : memref<864xf32, #tpu.memory_space<vmem>>, vector<16xf32>,
    %add3A_460 = arith.addf %get3A_457, %get3A_459 : vector<16xf32>
    %swap3A_461 = arith.constant 784 : index
    %swap3A_462 = tpu.vector_load %arg8[%swap3A_461] {strides = array<i32>} : memref<864xf32, #tpu.memory_space<vmem>>, vector<16xf32>,
    tpu.vector_store %arg8[%swap3A_461], %add3A_460 {strides = array<i32>} : memref<864xf32, #tpu.memory_space<vmem>>, vector<16xf32>,
    %get3A_463 = arith.constant 800 : index
    %get3A_464 = tpu.vector_load %arg8[%get3A_463] {strides = array<i32>} : memref<864xf32, #tpu.memory_space<vmem>>, vector<16xf32>,
    %get3A_465 = arith.constant 800 : index
    %get3A_466 = tpu.vector_load %arg7[%get3A_465] {strides = array<i32>} : memref<864xf32, #tpu.memory_space<vmem>>, vector<16xf32>,
    %add3A_467 = arith.addf %get3A_464, %get3A_466 : vector<16xf32>
    %swap3A_468 = arith.constant 800 : index
    %swap3A_469 = tpu.vector_load %arg8[%swap3A_468] {strides = array<i32>} : memref<864xf32, #tpu.memory_space<vmem>>, vector<16xf32>,
    tpu.vector_store %arg8[%swap3A_468], %add3A_467 {strides = array<i32>} : memref<864xf32, #tpu.memory_space<vmem>>, vector<16xf32>,
    %get3A_470 = arith.constant 816 : index
    %get3A_471 = tpu.vector_load %arg8[%get3A_470] {strides = array<i32>} : memref<864xf32, #tpu.memory_space<vmem>>, vector<16xf32>,
    %get3A_472 = arith.constant 816 : index
    %get3A_473 = tpu.vector_load %arg7[%get3A_472] {strides = array<i32>} : memref<864xf32, #tpu.memory_space<vmem>>, vector<16xf32>,
    %add3A_474 = arith.addf %get3A_471, %get3A_473 : vector<16xf32>
    %swap3A_475 = arith.constant 816 : index
    %swap3A_476 = tpu.vector_load %arg8[%swap3A_475] {strides = array<i32>} : memref<864xf32, #tpu.memory_space<vmem>>, vector<16xf32>,
    tpu.vector_store %arg8[%swap3A_475], %add3A_474 {strides = array<i32>} : memref<864xf32, #tpu.memory_space<vmem>>, vector<16xf32>,
    %get3A_477 = arith.constant 832 : index
    %get3A_478 = tpu.vector_load %arg8[%get3A_477] {strides = array<i32>} : memref<864xf32, #tpu.memory_space<vmem>>, vector<16xf32>,
    %get3A_479 = arith.constant 832 : index
    %get3A_480 = tpu.vector_load %arg7[%get3A_479] {strides = array<i32>} : memref<864xf32, #tpu.memory_space<vmem>>, vector<16xf32>,
    %add3A_481 = arith.addf %get3A_478, %get3A_480 : vector<16xf32>
    %swap3A_482 = arith.constant 832 : index
    %swap3A_483 = tpu.vector_load %arg8[%swap3A_482] {strides = array<i32>} : memref<864xf32, #tpu.memory_space<vmem>>, vector<16xf32>,
    tpu.vector_store %arg8[%swap3A_482], %add3A_481 {strides = array<i32>} : memref<864xf32, #tpu.memory_space<vmem>>, vector<16xf32>,
    %get3A_484 = arith.constant 848 : index
    %get3A_485 = tpu.vector_load %arg8[%get3A_484] {strides = array<i32>} : memref<864xf32, #tpu.memory_space<vmem>>, vector<16xf32>,
    %get3A_486 = arith.constant 848 : index
    %get3A_487 = tpu.vector_load %arg7[%get3A_486] {strides = array<i32>} : memref<864xf32, #tpu.memory_space<vmem>>, vector<16xf32>,
    %add3A_488 = arith.addf %get3A_485, %get3A_487 : vector<16xf32>
    %swap3A_489 = arith.constant 848 : index
    %swap3A_490 = tpu.vector_load %arg8[%swap3A_489] {strides = array<i32>} : memref<864xf32, #tpu.memory_space<vmem>>, vector<16xf32>,
    tpu.vector_store %arg8[%swap3A_489], %add3A_488 {strides = array<i32>} : memref<864xf32, #tpu.memory_space<vmem>>, vector<16xf32>,
    %add3A_491 = arith.constant 2 : i32
    %add3A_492 = arith.addi %mul3A_174, %add3A_491 : i32
    "tpu.region"() ({
      %run_scoped3A = tpu.sem_alloc : memref<!tpu.dma_semaphore, #tpu.memory_space<semaphore_mem>>
      %dma_start3A = arith.constant 0 : i32
      %dma_start3A_1992 = tpu.memref_slice %arg9[%add3A_492, %dma_start3A] : memref<16x864xf32, #tpu.memory_space<vmem_shared>> -> memref<1x864xf32, #tpu.memory_space<vmem_shared>>
      %dma_start3A_1993 = tpu.memref_squeeze %dma_start3A_1992 : memref<1x864xf32, #tpu.memory_space<vmem_shared>> -> memref<864xf32, #tpu.memory_space<vmem_shared>>
      %dma_start3A_1994 = arith.constant 0 : i32
      %dma_start3A_1995 = tpu.memref_slice %arg9[%add3A_492, %dma_start3A_1994] : memref<16x864xf32, #tpu.memory_space<vmem_shared>> -> memref<1x864xf32, #tpu.memory_space<vmem_shared>>
      %dma_start3A_1996 = tpu.memref_squeeze %dma_start3A_1995 : memref<1x864xf32, #tpu.memory_space<vmem_shared>> -> memref<864xf32, #tpu.memory_space<vmem_shared>>
      tpu.enqueue_dma source(%dma_start3A_1996 : memref<864xf32, #tpu.memory_space<vmem_shared>>) target(%arg7 : memref<864xf32, #tpu.memory_space<vmem>>) target_semaphore(%run_scoped3A : memref<!tpu.dma_semaphore, #tpu.memory_space<semaphore_mem>>)
      %dma_wait3A = arith.constant 0 : i32
      %dma_wait3A_1997 = tpu.memref_slice %arg9[%add3A_492, %dma_wait3A] : memref<16x864xf32, #tpu.memory_space<vmem_shared>> -> memref<1x864xf32, #tpu.memory_space<vmem_shared>>
      %dma_wait3A_1998 = tpu.memref_squeeze %dma_wait3A_1997 : memref<1x864xf32, #tpu.memory_space<vmem_shared>> -> memref<864xf32, #tpu.memory_space<vmem_shared>>
      %dma_wait3A_1999 = arith.constant 0 : i32
      %dma_wait3A_2000 = tpu.memref_slice %arg9[%add3A_492, %dma_wait3A_1999] : memref<16x864xf32, #tpu.memory_space<vmem_shared>> -> memref<1x864xf32, #tpu.memory_space<vmem_shared>>
      %dma_wait3A_2001 = tpu.memref_squeeze %dma_wait3A_2000 : memref<1x864xf32, #tpu.memory_space<vmem_shared>> -> memref<864xf32, #tpu.memory_space<vmem_shared>>
      tpu.wait_dma2 semaphore(%run_scoped3A : memref<!tpu.dma_semaphore, #tpu.memory_space<semaphore_mem>>) src(%dma_wait3A_2001 : memref<864xf32, #tpu.memory_space<vmem_shared>>) dst(%arg7 : memref<864xf32, #tpu.memory_space<vmem>>)
      tpu.yield
    }) : () -> ()
    %get3A_493 = arith.constant 144 : index
    %get3A_494 = tpu.vector_load %arg8[%get3A_493] {strides = array<i32>} : memref<864xf32, #tpu.memory_space<vmem>>, vector<16xf32>,
    %get3A_495 = arith.constant 144 : index
    %get3A_496 = tpu.vector_load %arg7[%get3A_495] {strides = array<i32>} : memref<864xf32, #tpu.memory_space<vmem>>, vector<16xf32>,
    %add3A_497 = arith.addf %get3A_494, %get3A_496 : vector<16xf32>
    %swap3A_498 = arith.constant 144 : index
    %swap3A_499 = tpu.vector_load %arg8[%swap3A_498] {strides = array<i32>} : memref<864xf32, #tpu.memory_space<vmem>>, vector<16xf32>,
    tpu.vector_store %arg8[%swap3A_498], %add3A_497 {strides = array<i32>} : memref<864xf32, #tpu.memory_space<vmem>>, vector<16xf32>,
    %get3A_500 = arith.constant 160 : index
    %get3A_501 = tpu.vector_load %arg8[%get3A_500] {strides = array<i32>} : memref<864xf32, #tpu.memory_space<vmem>>, vector<16xf32>,
    %get3A_502 = arith.constant 160 : index
    %get3A_503 = tpu.vector_load %arg7[%get3A_502] {strides = array<i32>} : memref<864xf32, #tpu.memory_space<vmem>>, vector<16xf32>,
    %add3A_504 = arith.addf %get3A_501, %get3A_503 : vector<16xf32>
    %swap3A_505 = arith.constant 160 : index
    %swap3A_506 = tpu.vector_load %arg8[%swap3A_505] {strides = array<i32>} : memref<864xf32, #tpu.memory_space<vmem>>, vector<16xf32>,
    tpu.vector_store %arg8[%swap3A_505], %add3A_504 {strides = array<i32>} : memref<864xf32, #tpu.memory_space<vmem>>, vector<16xf32>,
    %get3A_507 = arith.constant 176 : index
    %get3A_508 = tpu.vector_load %arg8[%get3A_507] {strides = array<i32>} : memref<864xf32, #tpu.memory_space<vmem>>, vector<16xf32>,
    %get3A_509 = arith.constant 176 : index
    %get3A_510 = tpu.vector_load %arg7[%get3A_509] {strides = array<i32>} : memref<864xf32, #tpu.memory_space<vmem>>, vector<16xf32>,
    %add3A_511 = arith.addf %get3A_508, %get3A_510 : vector<16xf32>
    %swap3A_512 = arith.constant 176 : index
    %swap3A_513 = tpu.vector_load %arg8[%swap3A_512] {strides = array<i32>} : memref<864xf32, #tpu.memory_space<vmem>>, vector<16xf32>,
    tpu.vector_store %arg8[%swap3A_512], %add3A_511 {strides = array<i32>} : memref<864xf32, #tpu.memory_space<vmem>>, vector<16xf32>,
    %get3A_514 = arith.constant 192 : index
    %get3A_515 = tpu.vector_load %arg8[%get3A_514] {strides = array<i32>} : memref<864xf32, #tpu.memory_space<vmem>>, vector<16xf32>,
    %get3A_516 = arith.constant 192 : index
    %get3A_517 = tpu.vector_load %arg7[%get3A_516] {strides = array<i32>} : memref<864xf32, #tpu.memory_space<vmem>>, vector<16xf32>,
    %add3A_518 = arith.addf %get3A_515, %get3A_517 : vector<16xf32>
    %swap3A_519 = arith.constant 192 : index
    %swap3A_520 = tpu.vector_load %arg8[%swap3A_519] {strides = array<i32>} : memref<864xf32, #tpu.memory_space<vmem>>, vector<16xf32>,
    tpu.vector_store %arg8[%swap3A_519], %add3A_518 {strides = array<i32>} : memref<864xf32, #tpu.memory_space<vmem>>, vector<16xf32>,
    %get3A_521 = arith.constant 208 : index
    %get3A_522 = tpu.vector_load %arg8[%get3A_521] {strides = array<i32>} : memref<864xf32, #tpu.memory_space<vmem>>, vector<16xf32>,
    %get3A_523 = arith.constant 208 : index
    %get3A_524 = tpu.vector_load %arg7[%get3A_523] {strides = array<i32>} : memref<864xf32, #tpu.memory_space<vmem>>, vector<16xf32>,
    %add3A_525 = arith.addf %get3A_522, %get3A_524 : vector<16xf32>
    %swap3A_526 = arith.constant 208 : index
    %swap3A_527 = tpu.vector_load %arg8[%swap3A_526] {strides = array<i32>} : memref<864xf32, #tpu.memory_space<vmem>>, vector<16xf32>,
    tpu.vector_store %arg8[%swap3A_526], %add3A_525 {strides = array<i32>} : memref<864xf32, #tpu.memory_space<vmem>>, vector<16xf32>,
    %get3A_528 = arith.constant 224 : index
    %get3A_529 = tpu.vector_load %arg8[%get3A_528] {strides = array<i32>} : memref<864xf32, #tpu.memory_space<vmem>>, vector<16xf32>,
    %get3A_530 = arith.constant 224 : index
    %get3A_531 = tpu.vector_load %arg7[%get3A_530] {strides = array<i32>} : memref<864xf32, #tpu.memory_space<vmem>>, vector<16xf32>,
    %add3A_532 = arith.addf %get3A_529, %get3A_531 : vector<16xf32>
    %swap3A_533 = arith.constant 224 : index
    %swap3A_534 = tpu.vector_load %arg8[%swap3A_533] {strides = array<i32>} : memref<864xf32, #tpu.memory_space<vmem>>, vector<16xf32>,
    tpu.vector_store %arg8[%swap3A_533], %add3A_532 {strides = array<i32>} : memref<864xf32, #tpu.memory_space<vmem>>, vector<16xf32>,
    %get3A_535 = arith.constant 240 : index
    %get3A_536 = tpu.vector_load %arg8[%get3A_535] {strides = array<i32>} : memref<864xf32, #tpu.memory_space<vmem>>, vector<16xf32>,
    %get3A_537 = arith.constant 240 : index
    %get3A_538 = tpu.vector_load %arg7[%get3A_537] {strides = array<i32>} : memref<864xf32, #tpu.memory_space<vmem>>, vector<16xf32>,
    %add3A_539 = arith.addf %get3A_536, %get3A_538 : vector<16xf32>
    %swap3A_540 = arith.constant 240 : index
    %swap3A_541 = tpu.vector_load %arg8[%swap3A_540] {strides = array<i32>} : memref<864xf32, #tpu.memory_space<vmem>>, vector<16xf32>,
    tpu.vector_store %arg8[%swap3A_540], %add3A_539 {strides = array<i32>} : memref<864xf32, #tpu.memory_space<vmem>>, vector<16xf32>,
    %get3A_542 = arith.constant 256 : index
    %get3A_543 = tpu.vector_load %arg8[%get3A_542] {strides = array<i32>} : memref<864xf32, #tpu.memory_space<vmem>>, vector<16xf32>,
    %get3A_544 = arith.constant 256 : index
    %get3A_545 = tpu.vector_load %arg7[%get3A_544] {strides = array<i32>} : memref<864xf32, #tpu.memory_space<vmem>>, vector<16xf32>,
    %add3A_546 = arith.addf %get3A_543, %get3A_545 : vector<16xf32>
    %swap3A_547 = arith.constant 256 : index
    %swap3A_548 = tpu.vector_load %arg8[%swap3A_547] {strides = array<i32>} : memref<864xf32, #tpu.memory_space<vmem>>, vector<16xf32>,
    tpu.vector_store %arg8[%swap3A_547], %add3A_546 {strides = array<i32>} : memref<864xf32, #tpu.memory_space<vmem>>, vector<16xf32>,
    %get3A_549 = arith.constant 272 : index
    %get3A_550 = tpu.vector_load %arg8[%get3A_549] {strides = array<i32>} : memref<864xf32, #tpu.memory_space<vmem>>, vector<16xf32>,
    %get3A_551 = arith.constant 272 : index
    %get3A_552 = tpu.vector_load %arg7[%get3A_551] {strides = array<i32>} : memref<864xf32, #tpu.memory_space<vmem>>, vector<16xf32>,
    %add3A_553 = arith.addf %get3A_550, %get3A_552 : vector<16xf32>
    %swap3A_554 = arith.constant 272 : index
    %swap3A_555 = tpu.vector_load %arg8[%swap3A_554] {strides = array<i32>} : memref<864xf32, #tpu.memory_space<vmem>>, vector<16xf32>,
    tpu.vector_store %arg8[%swap3A_554], %add3A_553 {strides = array<i32>} : memref<864xf32, #tpu.memory_space<vmem>>, vector<16xf32>,
    %get3A_556 = arith.constant 288 : index
    %get3A_557 = tpu.vector_load %arg8[%get3A_556] {strides = array<i32>} : memref<864xf32, #tpu.memory_space<vmem>>, vector<16xf32>,
    %get3A_558 = arith.constant 288 : index
    %get3A_559 = tpu.vector_load %arg7[%get3A_558] {strides = array<i32>} : memref<864xf32, #tpu.memory_space<vmem>>, vector<16xf32>,
    %add3A_560 = arith.addf %get3A_557, %get3A_559 : vector<16xf32>
    %swap3A_561 = arith.constant 288 : index
    %swap3A_562 = tpu.vector_load %arg8[%swap3A_561] {strides = array<i32>} : memref<864xf32, #tpu.memory_space<vmem>>, vector<16xf32>,
    tpu.vector_store %arg8[%swap3A_561], %add3A_560 {strides = array<i32>} : memref<864xf32, #tpu.memory_space<vmem>>, vector<16xf32>,
    %get3A_563 = arith.constant 304 : index
    %get3A_564 = tpu.vector_load %arg8[%get3A_563] {strides = array<i32>} : memref<864xf32, #tpu.memory_space<vmem>>, vector<16xf32>,
    %get3A_565 = arith.constant 304 : index
    %get3A_566 = tpu.vector_load %arg7[%get3A_565] {strides = array<i32>} : memref<864xf32, #tpu.memory_space<vmem>>, vector<16xf32>,
    %add3A_567 = arith.addf %get3A_564, %get3A_566 : vector<16xf32>
    %swap3A_568 = arith.constant 304 : index
    %swap3A_569 = tpu.vector_load %arg8[%swap3A_568] {strides = array<i32>} : memref<864xf32, #tpu.memory_space<vmem>>, vector<16xf32>,
    tpu.vector_store %arg8[%swap3A_568], %add3A_567 {strides = array<i32>} : memref<864xf32, #tpu.memory_space<vmem>>, vector<16xf32>,
    %get3A_570 = arith.constant 320 : index
    %get3A_571 = tpu.vector_load %arg8[%get3A_570] {strides = array<i32>} : memref<864xf32, #tpu.memory_space<vmem>>, vector<16xf32>,
    %get3A_572 = arith.constant 320 : index
    %get3A_573 = tpu.vector_load %arg7[%get3A_572] {strides = array<i32>} : memref<864xf32, #tpu.memory_space<vmem>>, vector<16xf32>,
    %add3A_574 = arith.addf %get3A_571, %get3A_573 : vector<16xf32>
    %swap3A_575 = arith.constant 320 : index
    %swap3A_576 = tpu.vector_load %arg8[%swap3A_575] {strides = array<i32>} : memref<864xf32, #tpu.memory_space<vmem>>, vector<16xf32>,
    tpu.vector_store %arg8[%swap3A_575], %add3A_574 {strides = array<i32>} : memref<864xf32, #tpu.memory_space<vmem>>, vector<16xf32>,
    %get3A_577 = arith.constant 336 : index
    %get3A_578 = tpu.vector_load %arg8[%get3A_577] {strides = array<i32>} : memref<864xf32, #tpu.memory_space<vmem>>, vector<16xf32>,
    %get3A_579 = arith.constant 336 : index
    %get3A_580 = tpu.vector_load %arg7[%get3A_579] {strides = array<i32>} : memref<864xf32, #tpu.memory_space<vmem>>, vector<16xf32>,
    %add3A_581 = arith.addf %get3A_578, %get3A_580 : vector<16xf32>
    %swap3A_582 = arith.constant 336 : index
    %swap3A_583 = tpu.vector_load %arg8[%swap3A_582] {strides = array<i32>} : memref<864xf32, #tpu.memory_space<vmem>>, vector<16xf32>,
    tpu.vector_store %arg8[%swap3A_582], %add3A_581 {strides = array<i32>} : memref<864xf32, #tpu.memory_space<vmem>>, vector<16xf32>,
    %get3A_584 = arith.constant 352 : index
    %get3A_585 = tpu.vector_load %arg8[%get3A_584] {strides = array<i32>} : memref<864xf32, #tpu.memory_space<vmem>>, vector<16xf32>,
    %get3A_586 = arith.constant 352 : index
    %get3A_587 = tpu.vector_load %arg7[%get3A_586] {strides = array<i32>} : memref<864xf32, #tpu.memory_space<vmem>>, vector<16xf32>,
    %add3A_588 = arith.addf %get3A_585, %get3A_587 : vector<16xf32>
    %swap3A_589 = arith.constant 352 : index
    %swap3A_590 = tpu.vector_load %arg8[%swap3A_589] {strides = array<i32>} : memref<864xf32, #tpu.memory_space<vmem>>, vector<16xf32>,
    tpu.vector_store %arg8[%swap3A_589], %add3A_588 {strides = array<i32>} : memref<864xf32, #tpu.memory_space<vmem>>, vector<16xf32>,
    %get3A_591 = arith.constant 368 : index
    %get3A_592 = tpu.vector_load %arg8[%get3A_591] {strides = array<i32>} : memref<864xf32, #tpu.memory_space<vmem>>, vector<16xf32>,
    %get3A_593 = arith.constant 368 : index
    %get3A_594 = tpu.vector_load %arg7[%get3A_593] {strides = array<i32>} : memref<864xf32, #tpu.memory_space<vmem>>, vector<16xf32>,
    %add3A_595 = arith.addf %get3A_592, %get3A_594 : vector<16xf32>
    %swap3A_596 = arith.constant 368 : index
    %swap3A_597 = tpu.vector_load %arg8[%swap3A_596] {strides = array<i32>} : memref<864xf32, #tpu.memory_space<vmem>>, vector<16xf32>,
    tpu.vector_store %arg8[%swap3A_596], %add3A_595 {strides = array<i32>} : memref<864xf32, #tpu.memory_space<vmem>>, vector<16xf32>,
    %get3A_598 = arith.constant 384 : index
    %get3A_599 = tpu.vector_load %arg8[%get3A_598] {strides = array<i32>} : memref<864xf32, #tpu.memory_space<vmem>>, vector<16xf32>,
    %get3A_600 = arith.constant 384 : index
    %get3A_601 = tpu.vector_load %arg7[%get3A_600] {strides = array<i32>} : memref<864xf32, #tpu.memory_space<vmem>>, vector<16xf32>,
    %add3A_602 = arith.addf %get3A_599, %get3A_601 : vector<16xf32>
    %swap3A_603 = arith.constant 384 : index
    %swap3A_604 = tpu.vector_load %arg8[%swap3A_603] {strides = array<i32>} : memref<864xf32, #tpu.memory_space<vmem>>, vector<16xf32>,
    tpu.vector_store %arg8[%swap3A_603], %add3A_602 {strides = array<i32>} : memref<864xf32, #tpu.memory_space<vmem>>, vector<16xf32>,
    %get3A_605 = arith.constant 400 : index
    %get3A_606 = tpu.vector_load %arg8[%get3A_605] {strides = array<i32>} : memref<864xf32, #tpu.memory_space<vmem>>, vector<16xf32>,
    %get3A_607 = arith.constant 400 : index
    %get3A_608 = tpu.vector_load %arg7[%get3A_607] {strides = array<i32>} : memref<864xf32, #tpu.memory_space<vmem>>, vector<16xf32>,
    %add3A_609 = arith.addf %get3A_606, %get3A_608 : vector<16xf32>
    %swap3A_610 = arith.constant 400 : index
    %swap3A_611 = tpu.vector_load %arg8[%swap3A_610] {strides = array<i32>} : memref<864xf32, #tpu.memory_space<vmem>>, vector<16xf32>,
    tpu.vector_store %arg8[%swap3A_610], %add3A_609 {strides = array<i32>} : memref<864xf32, #tpu.memory_space<vmem>>, vector<16xf32>,
    %get3A_612 = arith.constant 416 : index
    %get3A_613 = tpu.vector_load %arg8[%get3A_612] {strides = array<i32>} : memref<864xf32, #tpu.memory_space<vmem>>, vector<16xf32>,
    %get3A_614 = arith.constant 416 : index
    %get3A_615 = tpu.vector_load %arg7[%get3A_614] {strides = array<i32>} : memref<864xf32, #tpu.memory_space<vmem>>, vector<16xf32>,
    %add3A_616 = arith.addf %get3A_613, %get3A_615 : vector<16xf32>
    %swap3A_617 = arith.constant 416 : index
    %swap3A_618 = tpu.vector_load %arg8[%swap3A_617] {strides = array<i32>} : memref<864xf32, #tpu.memory_space<vmem>>, vector<16xf32>,
    tpu.vector_store %arg8[%swap3A_617], %add3A_616 {strides = array<i32>} : memref<864xf32, #tpu.memory_space<vmem>>, vector<16xf32>,
    %get3A_619 = arith.constant 432 : index
    %get3A_620 = tpu.vector_load %arg8[%get3A_619] {strides = array<i32>} : memref<864xf32, #tpu.memory_space<vmem>>, vector<16xf32>,
    %get3A_621 = arith.constant 432 : index
    %get3A_622 = tpu.vector_load %arg7[%get3A_621] {strides = array<i32>} : memref<864xf32, #tpu.memory_space<vmem>>, vector<16xf32>,
    %add3A_623 = arith.addf %get3A_620, %get3A_622 : vector<16xf32>
    %swap3A_624 = arith.constant 432 : index
    %swap3A_625 = tpu.vector_load %arg8[%swap3A_624] {strides = array<i32>} : memref<864xf32, #tpu.memory_space<vmem>>, vector<16xf32>,
    tpu.vector_store %arg8[%swap3A_624], %add3A_623 {strides = array<i32>} : memref<864xf32, #tpu.memory_space<vmem>>, vector<16xf32>,
    %get3A_626 = arith.constant 448 : index
    %get3A_627 = tpu.vector_load %arg8[%get3A_626] {strides = array<i32>} : memref<864xf32, #tpu.memory_space<vmem>>, vector<16xf32>,
    %get3A_628 = arith.constant 448 : index
    %get3A_629 = tpu.vector_load %arg7[%get3A_628] {strides = array<i32>} : memref<864xf32, #tpu.memory_space<vmem>>, vector<16xf32>,
    %add3A_630 = arith.addf %get3A_627, %get3A_629 : vector<16xf32>
    %swap3A_631 = arith.constant 448 : index
    %swap3A_632 = tpu.vector_load %arg8[%swap3A_631] {strides = array<i32>} : memref<864xf32, #tpu.memory_space<vmem>>, vector<16xf32>,
    tpu.vector_store %arg8[%swap3A_631], %add3A_630 {strides = array<i32>} : memref<864xf32, #tpu.memory_space<vmem>>, vector<16xf32>,
    %get3A_633 = arith.constant 464 : index
    %get3A_634 = tpu.vector_load %arg8[%get3A_633] {strides = array<i32>} : memref<864xf32, #tpu.memory_space<vmem>>, vector<16xf32>,
    %get3A_635 = arith.constant 464 : index
    %get3A_636 = tpu.vector_load %arg7[%get3A_635] {strides = array<i32>} : memref<864xf32, #tpu.memory_space<vmem>>, vector<16xf32>,
    %add3A_637 = arith.addf %get3A_634, %get3A_636 : vector<16xf32>
    %swap3A_638 = arith.constant 464 : index
    %swap3A_639 = tpu.vector_load %arg8[%swap3A_638] {strides = array<i32>} : memref<864xf32, #tpu.memory_space<vmem>>, vector<16xf32>,
    tpu.vector_store %arg8[%swap3A_638], %add3A_637 {strides = array<i32>} : memref<864xf32, #tpu.memory_space<vmem>>, vector<16xf32>,
    %get3A_640 = arith.constant 480 : index
    %get3A_641 = tpu.vector_load %arg8[%get3A_640] {strides = array<i32>} : memref<864xf32, #tpu.memory_space<vmem>>, vector<16xf32>,
    %get3A_642 = arith.constant 480 : index
    %get3A_643 = tpu.vector_load %arg7[%get3A_642] {strides = array<i32>} : memref<864xf32, #tpu.memory_space<vmem>>, vector<16xf32>,
    %add3A_644 = arith.addf %get3A_641, %get3A_643 : vector<16xf32>
    %swap3A_645 = arith.constant 480 : index
    %swap3A_646 = tpu.vector_load %arg8[%swap3A_645] {strides = array<i32>} : memref<864xf32, #tpu.memory_space<vmem>>, vector<16xf32>,
    tpu.vector_store %arg8[%swap3A_645], %add3A_644 {strides = array<i32>} : memref<864xf32, #tpu.memory_space<vmem>>, vector<16xf32>,
    %get3A_647 = arith.constant 496 : index
    %get3A_648 = tpu.vector_load %arg8[%get3A_647] {strides = array<i32>} : memref<864xf32, #tpu.memory_space<vmem>>, vector<16xf32>,
    %get3A_649 = arith.constant 496 : index
    %get3A_650 = tpu.vector_load %arg7[%get3A_649] {strides = array<i32>} : memref<864xf32, #tpu.memory_space<vmem>>, vector<16xf32>,
    %add3A_651 = arith.addf %get3A_648, %get3A_650 : vector<16xf32>
    %swap3A_652 = arith.constant 496 : index
    %swap3A_653 = tpu.vector_load %arg8[%swap3A_652] {strides = array<i32>} : memref<864xf32, #tpu.memory_space<vmem>>, vector<16xf32>,
    tpu.vector_store %arg8[%swap3A_652], %add3A_651 {strides = array<i32>} : memref<864xf32, #tpu.memory_space<vmem>>, vector<16xf32>,
    %get3A_654 = arith.constant 512 : index
    %get3A_655 = tpu.vector_load %arg8[%get3A_654] {strides = array<i32>} : memref<864xf32, #tpu.memory_space<vmem>>, vector<16xf32>,
    %get3A_656 = arith.constant 512 : index
    %get3A_657 = tpu.vector_load %arg7[%get3A_656] {strides = array<i32>} : memref<864xf32, #tpu.memory_space<vmem>>, vector<16xf32>,
    %add3A_658 = arith.addf %get3A_655, %get3A_657 : vector<16xf32>
    %swap3A_659 = arith.constant 512 : index
    %swap3A_660 = tpu.vector_load %arg8[%swap3A_659] {strides = array<i32>} : memref<864xf32, #tpu.memory_space<vmem>>, vector<16xf32>,
    tpu.vector_store %arg8[%swap3A_659], %add3A_658 {strides = array<i32>} : memref<864xf32, #tpu.memory_space<vmem>>, vector<16xf32>,
    %get3A_661 = arith.constant 528 : index
    %get3A_662 = tpu.vector_load %arg8[%get3A_661] {strides = array<i32>} : memref<864xf32, #tpu.memory_space<vmem>>, vector<16xf32>,
    %get3A_663 = arith.constant 528 : index
    %get3A_664 = tpu.vector_load %arg7[%get3A_663] {strides = array<i32>} : memref<864xf32, #tpu.memory_space<vmem>>, vector<16xf32>,
    %add3A_665 = arith.addf %get3A_662, %get3A_664 : vector<16xf32>
    %swap3A_666 = arith.constant 528 : index
    %swap3A_667 = tpu.vector_load %arg8[%swap3A_666] {strides = array<i32>} : memref<864xf32, #tpu.memory_space<vmem>>, vector<16xf32>,
    tpu.vector_store %arg8[%swap3A_666], %add3A_665 {strides = array<i32>} : memref<864xf32, #tpu.memory_space<vmem>>, vector<16xf32>,
    %get3A_668 = arith.constant 544 : index
    %get3A_669 = tpu.vector_load %arg8[%get3A_668] {strides = array<i32>} : memref<864xf32, #tpu.memory_space<vmem>>, vector<16xf32>,
    %get3A_670 = arith.constant 544 : index
    %get3A_671 = tpu.vector_load %arg7[%get3A_670] {strides = array<i32>} : memref<864xf32, #tpu.memory_space<vmem>>, vector<16xf32>,
    %add3A_672 = arith.addf %get3A_669, %get3A_671 : vector<16xf32>
    %swap3A_673 = arith.constant 544 : index
    %swap3A_674 = tpu.vector_load %arg8[%swap3A_673] {strides = array<i32>} : memref<864xf32, #tpu.memory_space<vmem>>, vector<16xf32>,
    tpu.vector_store %arg8[%swap3A_673], %add3A_672 {strides = array<i32>} : memref<864xf32, #tpu.memory_space<vmem>>, vector<16xf32>,
    %get3A_675 = arith.constant 560 : index
    %get3A_676 = tpu.vector_load %arg8[%get3A_675] {strides = array<i32>} : memref<864xf32, #tpu.memory_space<vmem>>, vector<16xf32>,
    %get3A_677 = arith.constant 560 : index
    %get3A_678 = tpu.vector_load %arg7[%get3A_677] {strides = array<i32>} : memref<864xf32, #tpu.memory_space<vmem>>, vector<16xf32>,
    %add3A_679 = arith.addf %get3A_676, %get3A_678 : vector<16xf32>
    %swap3A_680 = arith.constant 560 : index
    %swap3A_681 = tpu.vector_load %arg8[%swap3A_680] {strides = array<i32>} : memref<864xf32, #tpu.memory_space<vmem>>, vector<16xf32>,
    tpu.vector_store %arg8[%swap3A_680], %add3A_679 {strides = array<i32>} : memref<864xf32, #tpu.memory_space<vmem>>, vector<16xf32>,
    %get3A_682 = arith.constant 576 : index
    %get3A_683 = tpu.vector_load %arg8[%get3A_682] {strides = array<i32>} : memref<864xf32, #tpu.memory_space<vmem>>, vector<16xf32>,
    %get3A_684 = arith.constant 576 : index
    %get3A_685 = tpu.vector_load %arg7[%get3A_684] {strides = array<i32>} : memref<864xf32, #tpu.memory_space<vmem>>, vector<16xf32>,
    %add3A_686 = arith.addf %get3A_683, %get3A_685 : vector<16xf32>
    %swap3A_687 = arith.constant 576 : index
    %swap3A_688 = tpu.vector_load %arg8[%swap3A_687] {strides = array<i32>} : memref<864xf32, #tpu.memory_space<vmem>>, vector<16xf32>,
    tpu.vector_store %arg8[%swap3A_687], %add3A_686 {strides = array<i32>} : memref<864xf32, #tpu.memory_space<vmem>>, vector<16xf32>,
    %get3A_689 = arith.constant 592 : index
    %get3A_690 = tpu.vector_load %arg8[%get3A_689] {strides = array<i32>} : memref<864xf32, #tpu.memory_space<vmem>>, vector<16xf32>,
    %get3A_691 = arith.constant 592 : index
    %get3A_692 = tpu.vector_load %arg7[%get3A_691] {strides = array<i32>} : memref<864xf32, #tpu.memory_space<vmem>>, vector<16xf32>,
    %add3A_693 = arith.addf %get3A_690, %get3A_692 : vector<16xf32>
    %swap3A_694 = arith.constant 592 : index
    %swap3A_695 = tpu.vector_load %arg8[%swap3A_694] {strides = array<i32>} : memref<864xf32, #tpu.memory_space<vmem>>, vector<16xf32>,
    tpu.vector_store %arg8[%swap3A_694], %add3A_693 {strides = array<i32>} : memref<864xf32, #tpu.memory_space<vmem>>, vector<16xf32>,
    %get3A_696 = arith.constant 608 : index
    %get3A_697 = tpu.vector_load %arg8[%get3A_696] {strides = array<i32>} : memref<864xf32, #tpu.memory_space<vmem>>, vector<16xf32>,
    %get3A_698 = arith.constant 608 : index
    %get3A_699 = tpu.vector_load %arg7[%get3A_698] {strides = array<i32>} : memref<864xf32, #tpu.memory_space<vmem>>, vector<16xf32>,
    %add3A_700 = arith.addf %get3A_697, %get3A_699 : vector<16xf32>
    %swap3A_701 = arith.constant 608 : index
    %swap3A_702 = tpu.vector_load %arg8[%swap3A_701] {strides = array<i32>} : memref<864xf32, #tpu.memory_space<vmem>>, vector<16xf32>,
    tpu.vector_store %arg8[%swap3A_701], %add3A_700 {strides = array<i32>} : memref<864xf32, #tpu.memory_space<vmem>>, vector<16xf32>,
    %get3A_703 = arith.constant 624 : index
    %get3A_704 = tpu.vector_load %arg8[%get3A_703] {strides = array<i32>} : memref<864xf32, #tpu.memory_space<vmem>>, vector<16xf32>,
    %get3A_705 = arith.constant 624 : index
    %get3A_706 = tpu.vector_load %arg7[%get3A_705] {strides = array<i32>} : memref<864xf32, #tpu.memory_space<vmem>>, vector<16xf32>,
    %add3A_707 = arith.addf %get3A_704, %get3A_706 : vector<16xf32>
    %swap3A_708 = arith.constant 624 : index
    %swap3A_709 = tpu.vector_load %arg8[%swap3A_708] {strides = array<i32>} : memref<864xf32, #tpu.memory_space<vmem>>, vector<16xf32>,
    tpu.vector_store %arg8[%swap3A_708], %add3A_707 {strides = array<i32>} : memref<864xf32, #tpu.memory_space<vmem>>, vector<16xf32>,
    %get3A_710 = arith.constant 640 : index
    %get3A_711 = tpu.vector_load %arg8[%get3A_710] {strides = array<i32>} : memref<864xf32, #tpu.memory_space<vmem>>, vector<16xf32>,
    %get3A_712 = arith.constant 640 : index
    %get3A_713 = tpu.vector_load %arg7[%get3A_712] {strides = array<i32>} : memref<864xf32, #tpu.memory_space<vmem>>, vector<16xf32>,
    %add3A_714 = arith.addf %get3A_711, %get3A_713 : vector<16xf32>
    %swap3A_715 = arith.constant 640 : index
    %swap3A_716 = tpu.vector_load %arg8[%swap3A_715] {strides = array<i32>} : memref<864xf32, #tpu.memory_space<vmem>>, vector<16xf32>,
    tpu.vector_store %arg8[%swap3A_715], %add3A_714 {strides = array<i32>} : memref<864xf32, #tpu.memory_space<vmem>>, vector<16xf32>,
    %get3A_717 = arith.constant 656 : index
    %get3A_718 = tpu.vector_load %arg8[%get3A_717] {strides = array<i32>} : memref<864xf32, #tpu.memory_space<vmem>>, vector<16xf32>,
    %get3A_719 = arith.constant 656 : index
    %get3A_720 = tpu.vector_load %arg7[%get3A_719] {strides = array<i32>} : memref<864xf32, #tpu.memory_space<vmem>>, vector<16xf32>,
    %add3A_721 = arith.addf %get3A_718, %get3A_720 : vector<16xf32>
    %swap3A_722 = arith.constant 656 : index
    %swap3A_723 = tpu.vector_load %arg8[%swap3A_722] {strides = array<i32>} : memref<864xf32, #tpu.memory_space<vmem>>, vector<16xf32>,
    tpu.vector_store %arg8[%swap3A_722], %add3A_721 {strides = array<i32>} : memref<864xf32, #tpu.memory_space<vmem>>, vector<16xf32>,
    %get3A_724 = arith.constant 672 : index
    %get3A_725 = tpu.vector_load %arg8[%get3A_724] {strides = array<i32>} : memref<864xf32, #tpu.memory_space<vmem>>, vector<16xf32>,
    %get3A_726 = arith.constant 672 : index
    %get3A_727 = tpu.vector_load %arg7[%get3A_726] {strides = array<i32>} : memref<864xf32, #tpu.memory_space<vmem>>, vector<16xf32>,
    %add3A_728 = arith.addf %get3A_725, %get3A_727 : vector<16xf32>
    %swap3A_729 = arith.constant 672 : index
    %swap3A_730 = tpu.vector_load %arg8[%swap3A_729] {strides = array<i32>} : memref<864xf32, #tpu.memory_space<vmem>>, vector<16xf32>,
    tpu.vector_store %arg8[%swap3A_729], %add3A_728 {strides = array<i32>} : memref<864xf32, #tpu.memory_space<vmem>>, vector<16xf32>,
    %get3A_731 = arith.constant 688 : index
    %get3A_732 = tpu.vector_load %arg8[%get3A_731] {strides = array<i32>} : memref<864xf32, #tpu.memory_space<vmem>>, vector<16xf32>,
    %get3A_733 = arith.constant 688 : index
    %get3A_734 = tpu.vector_load %arg7[%get3A_733] {strides = array<i32>} : memref<864xf32, #tpu.memory_space<vmem>>, vector<16xf32>,
    %add3A_735 = arith.addf %get3A_732, %get3A_734 : vector<16xf32>
    %swap3A_736 = arith.constant 688 : index
    %swap3A_737 = tpu.vector_load %arg8[%swap3A_736] {strides = array<i32>} : memref<864xf32, #tpu.memory_space<vmem>>, vector<16xf32>,
    tpu.vector_store %arg8[%swap3A_736], %add3A_735 {strides = array<i32>} : memref<864xf32, #tpu.memory_space<vmem>>, vector<16xf32>,
    %get3A_738 = arith.constant 704 : index
    %get3A_739 = tpu.vector_load %arg8[%get3A_738] {strides = array<i32>} : memref<864xf32, #tpu.memory_space<vmem>>, vector<16xf32>,
    %get3A_740 = arith.constant 704 : index
    %get3A_741 = tpu.vector_load %arg7[%get3A_740] {strides = array<i32>} : memref<864xf32, #tpu.memory_space<vmem>>, vector<16xf32>,
    %add3A_742 = arith.addf %get3A_739, %get3A_741 : vector<16xf32>
    %swap3A_743 = arith.constant 704 : index
    %swap3A_744 = tpu.vector_load %arg8[%swap3A_743] {strides = array<i32>} : memref<864xf32, #tpu.memory_space<vmem>>, vector<16xf32>,
    tpu.vector_store %arg8[%swap3A_743], %add3A_742 {strides = array<i32>} : memref<864xf32, #tpu.memory_space<vmem>>, vector<16xf32>,
    %get3A_745 = arith.constant 720 : index
    %get3A_746 = tpu.vector_load %arg8[%get3A_745] {strides = array<i32>} : memref<864xf32, #tpu.memory_space<vmem>>, vector<16xf32>,
    %get3A_747 = arith.constant 720 : index
    %get3A_748 = tpu.vector_load %arg7[%get3A_747] {strides = array<i32>} : memref<864xf32, #tpu.memory_space<vmem>>, vector<16xf32>,
    %add3A_749 = arith.addf %get3A_746, %get3A_748 : vector<16xf32>
    %swap3A_750 = arith.constant 720 : index
    %swap3A_751 = tpu.vector_load %arg8[%swap3A_750] {strides = array<i32>} : memref<864xf32, #tpu.memory_space<vmem>>, vector<16xf32>,
    tpu.vector_store %arg8[%swap3A_750], %add3A_749 {strides = array<i32>} : memref<864xf32, #tpu.memory_space<vmem>>, vector<16xf32>,
    %get3A_752 = arith.constant 736 : index
    %get3A_753 = tpu.vector_load %arg8[%get3A_752] {strides = array<i32>} : memref<864xf32, #tpu.memory_space<vmem>>, vector<16xf32>,
    %get3A_754 = arith.constant 736 : index
    %get3A_755 = tpu.vector_load %arg7[%get3A_754] {strides = array<i32>} : memref<864xf32, #tpu.memory_space<vmem>>, vector<16xf32>,
    %add3A_756 = arith.addf %get3A_753, %get3A_755 : vector<16xf32>
    %swap3A_757 = arith.constant 736 : index
    %swap3A_758 = tpu.vector_load %arg8[%swap3A_757] {strides = array<i32>} : memref<864xf32, #tpu.memory_space<vmem>>, vector<16xf32>,
    tpu.vector_store %arg8[%swap3A_757], %add3A_756 {strides = array<i32>} : memref<864xf32, #tpu.memory_space<vmem>>, vector<16xf32>,
    %get3A_759 = arith.constant 752 : index
    %get3A_760 = tpu.vector_load %arg8[%get3A_759] {strides = array<i32>} : memref<864xf32, #tpu.memory_space<vmem>>, vector<16xf32>,
    %get3A_761 = arith.constant 752 : index
    %get3A_762 = tpu.vector_load %arg7[%get3A_761] {strides = array<i32>} : memref<864xf32, #tpu.memory_space<vmem>>, vector<16xf32>,
    %add3A_763 = arith.addf %get3A_760, %get3A_762 : vector<16xf32>
    %swap3A_764 = arith.constant 752 : index
    %swap3A_765 = tpu.vector_load %arg8[%swap3A_764] {strides = array<i32>} : memref<864xf32, #tpu.memory_space<vmem>>, vector<16xf32>,
    tpu.vector_store %arg8[%swap3A_764], %add3A_763 {strides = array<i32>} : memref<864xf32, #tpu.memory_space<vmem>>, vector<16xf32>,
    %get3A_766 = arith.constant 768 : index
    %get3A_767 = tpu.vector_load %arg8[%get3A_766] {strides = array<i32>} : memref<864xf32, #tpu.memory_space<vmem>>, vector<16xf32>,
    %get3A_768 = arith.constant 768 : index
    %get3A_769 = tpu.vector_load %arg7[%get3A_768] {strides = array<i32>} : memref<864xf32, #tpu.memory_space<vmem>>, vector<16xf32>,
    %add3A_770 = arith.addf %get3A_767, %get3A_769 : vector<16xf32>
    %swap3A_771 = arith.constant 768 : index
    %swap3A_772 = tpu.vector_load %arg8[%swap3A_771] {strides = array<i32>} : memref<864xf32, #tpu.memory_space<vmem>>, vector<16xf32>,
    tpu.vector_store %arg8[%swap3A_771], %add3A_770 {strides = array<i32>} : memref<864xf32, #tpu.memory_space<vmem>>, vector<16xf32>,
    %get3A_773 = arith.constant 784 : index
    %get3A_774 = tpu.vector_load %arg8[%get3A_773] {strides = array<i32>} : memref<864xf32, #tpu.memory_space<vmem>>, vector<16xf32>,
    %get3A_775 = arith.constant 784 : index
    %get3A_776 = tpu.vector_load %arg7[%get3A_775] {strides = array<i32>} : memref<864xf32, #tpu.memory_space<vmem>>, vector<16xf32>,
    %add3A_777 = arith.addf %get3A_774, %get3A_776 : vector<16xf32>
    %swap3A_778 = arith.constant 784 : index
    %swap3A_779 = tpu.vector_load %arg8[%swap3A_778] {strides = array<i32>} : memref<864xf32, #tpu.memory_space<vmem>>, vector<16xf32>,
    tpu.vector_store %arg8[%swap3A_778], %add3A_777 {strides = array<i32>} : memref<864xf32, #tpu.memory_space<vmem>>, vector<16xf32>,
    %get3A_780 = arith.constant 800 : index
    %get3A_781 = tpu.vector_load %arg8[%get3A_780] {strides = array<i32>} : memref<864xf32, #tpu.memory_space<vmem>>, vector<16xf32>,
    %get3A_782 = arith.constant 800 : index
    %get3A_783 = tpu.vector_load %arg7[%get3A_782] {strides = array<i32>} : memref<864xf32, #tpu.memory_space<vmem>>, vector<16xf32>,
    %add3A_784 = arith.addf %get3A_781, %get3A_783 : vector<16xf32>
    %swap3A_785 = arith.constant 800 : index
    %swap3A_786 = tpu.vector_load %arg8[%swap3A_785] {strides = array<i32>} : memref<864xf32, #tpu.memory_space<vmem>>, vector<16xf32>,
    tpu.vector_store %arg8[%swap3A_785], %add3A_784 {strides = array<i32>} : memref<864xf32, #tpu.memory_space<vmem>>, vector<16xf32>,
    %get3A_787 = arith.constant 816 : index
    %get3A_788 = tpu.vector_load %arg8[%get3A_787] {strides = array<i32>} : memref<864xf32, #tpu.memory_space<vmem>>, vector<16xf32>,
    %get3A_789 = arith.constant 816 : index
    %get3A_790 = tpu.vector_load %arg7[%get3A_789] {strides = array<i32>} : memref<864xf32, #tpu.memory_space<vmem>>, vector<16xf32>,
    %add3A_791 = arith.addf %get3A_788, %get3A_790 : vector<16xf32>
    %swap3A_792 = arith.constant 816 : index
    %swap3A_793 = tpu.vector_load %arg8[%swap3A_792] {strides = array<i32>} : memref<864xf32, #tpu.memory_space<vmem>>, vector<16xf32>,
    tpu.vector_store %arg8[%swap3A_792], %add3A_791 {strides = array<i32>} : memref<864xf32, #tpu.memory_space<vmem>>, vector<16xf32>,
    %get3A_794 = arith.constant 832 : index
    %get3A_795 = tpu.vector_load %arg8[%get3A_794] {strides = array<i32>} : memref<864xf32, #tpu.memory_space<vmem>>, vector<16xf32>,
    %get3A_796 = arith.constant 832 : index
    %get3A_797 = tpu.vector_load %arg7[%get3A_796] {strides = array<i32>} : memref<864xf32, #tpu.memory_space<vmem>>, vector<16xf32>,
    %add3A_798 = arith.addf %get3A_795, %get3A_797 : vector<16xf32>
    %swap3A_799 = arith.constant 832 : index
    %swap3A_800 = tpu.vector_load %arg8[%swap3A_799] {strides = array<i32>} : memref<864xf32, #tpu.memory_space<vmem>>, vector<16xf32>,
    tpu.vector_store %arg8[%swap3A_799], %add3A_798 {strides = array<i32>} : memref<864xf32, #tpu.memory_space<vmem>>, vector<16xf32>,
    %get3A_801 = arith.constant 848 : index
    %get3A_802 = tpu.vector_load %arg8[%get3A_801] {strides = array<i32>} : memref<864xf32, #tpu.memory_space<vmem>>, vector<16xf32>,
    %get3A_803 = arith.constant 848 : index
    %get3A_804 = tpu.vector_load %arg7[%get3A_803] {strides = array<i32>} : memref<864xf32, #tpu.memory_space<vmem>>, vector<16xf32>,
    %add3A_805 = arith.addf %get3A_802, %get3A_804 : vector<16xf32>
    %swap3A_806 = arith.constant 848 : index
    %swap3A_807 = tpu.vector_load %arg8[%swap3A_806] {strides = array<i32>} : memref<864xf32, #tpu.memory_space<vmem>>, vector<16xf32>,
    tpu.vector_store %arg8[%swap3A_806], %add3A_805 {strides = array<i32>} : memref<864xf32, #tpu.memory_space<vmem>>, vector<16xf32>,
    %add3A_808 = arith.constant 3 : i32
    %add3A_809 = arith.addi %mul3A_174, %add3A_808 : i32
    "tpu.region"() ({
      %run_scoped3A = tpu.sem_alloc : memref<!tpu.dma_semaphore, #tpu.memory_space<semaphore_mem>>
      %dma_start3A = arith.constant 0 : i32
      %dma_start3A_1992 = tpu.memref_slice %arg9[%add3A_809, %dma_start3A] : memref<16x864xf32, #tpu.memory_space<vmem_shared>> -> memref<1x864xf32, #tpu.memory_space<vmem_shared>>
      %dma_start3A_1993 = tpu.memref_squeeze %dma_start3A_1992 : memref<1x864xf32, #tpu.memory_space<vmem_shared>> -> memref<864xf32, #tpu.memory_space<vmem_shared>>
      %dma_start3A_1994 = arith.constant 0 : i32
      %dma_start3A_1995 = tpu.memref_slice %arg9[%add3A_809, %dma_start3A_1994] : memref<16x864xf32, #tpu.memory_space<vmem_shared>> -> memref<1x864xf32, #tpu.memory_space<vmem_shared>>
      %dma_start3A_1996 = tpu.memref_squeeze %dma_start3A_1995 : memref<1x864xf32, #tpu.memory_space<vmem_shared>> -> memref<864xf32, #tpu.memory_space<vmem_shared>>
      tpu.enqueue_dma source(%dma_start3A_1996 : memref<864xf32, #tpu.memory_space<vmem_shared>>) target(%arg7 : memref<864xf32, #tpu.memory_space<vmem>>) target_semaphore(%run_scoped3A : memref<!tpu.dma_semaphore, #tpu.memory_space<semaphore_mem>>)
      %dma_wait3A = arith.constant 0 : i32
      %dma_wait3A_1997 = tpu.memref_slice %arg9[%add3A_809, %dma_wait3A] : memref<16x864xf32, #tpu.memory_space<vmem_shared>> -> memref<1x864xf32, #tpu.memory_space<vmem_shared>>
      %dma_wait3A_1998 = tpu.memref_squeeze %dma_wait3A_1997 : memref<1x864xf32, #tpu.memory_space<vmem_shared>> -> memref<864xf32, #tpu.memory_space<vmem_shared>>
      %dma_wait3A_1999 = arith.constant 0 : i32
      %dma_wait3A_2000 = tpu.memref_slice %arg9[%add3A_809, %dma_wait3A_1999] : memref<16x864xf32, #tpu.memory_space<vmem_shared>> -> memref<1x864xf32, #tpu.memory_space<vmem_shared>>
      %dma_wait3A_2001 = tpu.memref_squeeze %dma_wait3A_2000 : memref<1x864xf32, #tpu.memory_space<vmem_shared>> -> memref<864xf32, #tpu.memory_space<vmem_shared>>
      tpu.wait_dma2 semaphore(%run_scoped3A : memref<!tpu.dma_semaphore, #tpu.memory_space<semaphore_mem>>) src(%dma_wait3A_2001 : memref<864xf32, #tpu.memory_space<vmem_shared>>) dst(%arg7 : memref<864xf32, #tpu.memory_space<vmem>>)
      tpu.yield
    }) : () -> ()
    %get3A_810 = arith.constant 144 : index
    %get3A_811 = tpu.vector_load %arg8[%get3A_810] {strides = array<i32>} : memref<864xf32, #tpu.memory_space<vmem>>, vector<16xf32>,
    %get3A_812 = arith.constant 144 : index
    %get3A_813 = tpu.vector_load %arg7[%get3A_812] {strides = array<i32>} : memref<864xf32, #tpu.memory_space<vmem>>, vector<16xf32>,
    %add3A_814 = arith.addf %get3A_811, %get3A_813 : vector<16xf32>
    %swap3A_815 = arith.constant 144 : index
    %swap3A_816 = tpu.vector_load %arg8[%swap3A_815] {strides = array<i32>} : memref<864xf32, #tpu.memory_space<vmem>>, vector<16xf32>,
    tpu.vector_store %arg8[%swap3A_815], %add3A_814 {strides = array<i32>} : memref<864xf32, #tpu.memory_space<vmem>>, vector<16xf32>,
    %get3A_817 = arith.constant 160 : index
    %get3A_818 = tpu.vector_load %arg8[%get3A_817] {strides = array<i32>} : memref<864xf32, #tpu.memory_space<vmem>>, vector<16xf32>,
    %get3A_819 = arith.constant 160 : index
    %get3A_820 = tpu.vector_load %arg7[%get3A_819] {strides = array<i32>} : memref<864xf32, #tpu.memory_space<vmem>>, vector<16xf32>,
    %add3A_821 = arith.addf %get3A_818, %get3A_820 : vector<16xf32>
    %swap3A_822 = arith.constant 160 : index
    %swap3A_823 = tpu.vector_load %arg8[%swap3A_822] {strides = array<i32>} : memref<864xf32, #tpu.memory_space<vmem>>, vector<16xf32>,
    tpu.vector_store %arg8[%swap3A_822], %add3A_821 {strides = array<i32>} : memref<864xf32, #tpu.memory_space<vmem>>, vector<16xf32>,
    %get3A_824 = arith.constant 176 : index
    %get3A_825 = tpu.vector_load %arg8[%get3A_824] {strides = array<i32>} : memref<864xf32, #tpu.memory_space<vmem>>, vector<16xf32>,
    %get3A_826 = arith.constant 176 : index
    %get3A_827 = tpu.vector_load %arg7[%get3A_826] {strides = array<i32>} : memref<864xf32, #tpu.memory_space<vmem>>, vector<16xf32>,
    %add3A_828 = arith.addf %get3A_825, %get3A_827 : vector<16xf32>
    %swap3A_829 = arith.constant 176 : index
    %swap3A_830 = tpu.vector_load %arg8[%swap3A_829] {strides = array<i32>} : memref<864xf32, #tpu.memory_space<vmem>>, vector<16xf32>,
    tpu.vector_store %arg8[%swap3A_829], %add3A_828 {strides = array<i32>} : memref<864xf32, #tpu.memory_space<vmem>>, vector<16xf32>,
    %get3A_831 = arith.constant 192 : index
    %get3A_832 = tpu.vector_load %arg8[%get3A_831] {strides = array<i32>} : memref<864xf32, #tpu.memory_space<vmem>>, vector<16xf32>,
    %get3A_833 = arith.constant 192 : index
    %get3A_834 = tpu.vector_load %arg7[%get3A_833] {strides = array<i32>} : memref<864xf32, #tpu.memory_space<vmem>>, vector<16xf32>,
    %add3A_835 = arith.addf %get3A_832, %get3A_834 : vector<16xf32>
    %swap3A_836 = arith.constant 192 : index
    %swap3A_837 = tpu.vector_load %arg8[%swap3A_836] {strides = array<i32>} : memref<864xf32, #tpu.memory_space<vmem>>, vector<16xf32>,
    tpu.vector_store %arg8[%swap3A_836], %add3A_835 {strides = array<i32>} : memref<864xf32, #tpu.memory_space<vmem>>, vector<16xf32>,
    %get3A_838 = arith.constant 208 : index
    %get3A_839 = tpu.vector_load %arg8[%get3A_838] {strides = array<i32>} : memref<864xf32, #tpu.memory_space<vmem>>, vector<16xf32>,
    %get3A_840 = arith.constant 208 : index
    %get3A_841 = tpu.vector_load %arg7[%get3A_840] {strides = array<i32>} : memref<864xf32, #tpu.memory_space<vmem>>, vector<16xf32>,
    %add3A_842 = arith.addf %get3A_839, %get3A_841 : vector<16xf32>
    %swap3A_843 = arith.constant 208 : index
    %swap3A_844 = tpu.vector_load %arg8[%swap3A_843] {strides = array<i32>} : memref<864xf32, #tpu.memory_space<vmem>>, vector<16xf32>,
    tpu.vector_store %arg8[%swap3A_843], %add3A_842 {strides = array<i32>} : memref<864xf32, #tpu.memory_space<vmem>>, vector<16xf32>,
    %get3A_845 = arith.constant 224 : index
    %get3A_846 = tpu.vector_load %arg8[%get3A_845] {strides = array<i32>} : memref<864xf32, #tpu.memory_space<vmem>>, vector<16xf32>,
    %get3A_847 = arith.constant 224 : index
    %get3A_848 = tpu.vector_load %arg7[%get3A_847] {strides = array<i32>} : memref<864xf32, #tpu.memory_space<vmem>>, vector<16xf32>,
    %add3A_849 = arith.addf %get3A_846, %get3A_848 : vector<16xf32>
    %swap3A_850 = arith.constant 224 : index
    %swap3A_851 = tpu.vector_load %arg8[%swap3A_850] {strides = array<i32>} : memref<864xf32, #tpu.memory_space<vmem>>, vector<16xf32>,
    tpu.vector_store %arg8[%swap3A_850], %add3A_849 {strides = array<i32>} : memref<864xf32, #tpu.memory_space<vmem>>, vector<16xf32>,
    %get3A_852 = arith.constant 240 : index
    %get3A_853 = tpu.vector_load %arg8[%get3A_852] {strides = array<i32>} : memref<864xf32, #tpu.memory_space<vmem>>, vector<16xf32>,
    %get3A_854 = arith.constant 240 : index
    %get3A_855 = tpu.vector_load %arg7[%get3A_854] {strides = array<i32>} : memref<864xf32, #tpu.memory_space<vmem>>, vector<16xf32>,
    %add3A_856 = arith.addf %get3A_853, %get3A_855 : vector<16xf32>
    %swap3A_857 = arith.constant 240 : index
    %swap3A_858 = tpu.vector_load %arg8[%swap3A_857] {strides = array<i32>} : memref<864xf32, #tpu.memory_space<vmem>>, vector<16xf32>,
    tpu.vector_store %arg8[%swap3A_857], %add3A_856 {strides = array<i32>} : memref<864xf32, #tpu.memory_space<vmem>>, vector<16xf32>,
    %get3A_859 = arith.constant 256 : index
    %get3A_860 = tpu.vector_load %arg8[%get3A_859] {strides = array<i32>} : memref<864xf32, #tpu.memory_space<vmem>>, vector<16xf32>,
    %get3A_861 = arith.constant 256 : index
    %get3A_862 = tpu.vector_load %arg7[%get3A_861] {strides = array<i32>} : memref<864xf32, #tpu.memory_space<vmem>>, vector<16xf32>,
    %add3A_863 = arith.addf %get3A_860, %get3A_862 : vector<16xf32>
    %swap3A_864 = arith.constant 256 : index
    %swap3A_865 = tpu.vector_load %arg8[%swap3A_864] {strides = array<i32>} : memref<864xf32, #tpu.memory_space<vmem>>, vector<16xf32>,
    tpu.vector_store %arg8[%swap3A_864], %add3A_863 {strides = array<i32>} : memref<864xf32, #tpu.memory_space<vmem>>, vector<16xf32>,
    %get3A_866 = arith.constant 272 : index
    %get3A_867 = tpu.vector_load %arg8[%get3A_866] {strides = array<i32>} : memref<864xf32, #tpu.memory_space<vmem>>, vector<16xf32>,
    %get3A_868 = arith.constant 272 : index
    %get3A_869 = tpu.vector_load %arg7[%get3A_868] {strides = array<i32>} : memref<864xf32, #tpu.memory_space<vmem>>, vector<16xf32>,
    %add3A_870 = arith.addf %get3A_867, %get3A_869 : vector<16xf32>
    %swap3A_871 = arith.constant 272 : index
    %swap3A_872 = tpu.vector_load %arg8[%swap3A_871] {strides = array<i32>} : memref<864xf32, #tpu.memory_space<vmem>>, vector<16xf32>,
    tpu.vector_store %arg8[%swap3A_871], %add3A_870 {strides = array<i32>} : memref<864xf32, #tpu.memory_space<vmem>>, vector<16xf32>,
    %get3A_873 = arith.constant 288 : index
    %get3A_874 = tpu.vector_load %arg8[%get3A_873] {strides = array<i32>} : memref<864xf32, #tpu.memory_space<vmem>>, vector<16xf32>,
    %get3A_875 = arith.constant 288 : index
    %get3A_876 = tpu.vector_load %arg7[%get3A_875] {strides = array<i32>} : memref<864xf32, #tpu.memory_space<vmem>>, vector<16xf32>,
    %add3A_877 = arith.addf %get3A_874, %get3A_876 : vector<16xf32>
    %swap3A_878 = arith.constant 288 : index
    %swap3A_879 = tpu.vector_load %arg8[%swap3A_878] {strides = array<i32>} : memref<864xf32, #tpu.memory_space<vmem>>, vector<16xf32>,
    tpu.vector_store %arg8[%swap3A_878], %add3A_877 {strides = array<i32>} : memref<864xf32, #tpu.memory_space<vmem>>, vector<16xf32>,
    %get3A_880 = arith.constant 304 : index
    %get3A_881 = tpu.vector_load %arg8[%get3A_880] {strides = array<i32>} : memref<864xf32, #tpu.memory_space<vmem>>, vector<16xf32>,
    %get3A_882 = arith.constant 304 : index
    %get3A_883 = tpu.vector_load %arg7[%get3A_882] {strides = array<i32>} : memref<864xf32, #tpu.memory_space<vmem>>, vector<16xf32>,
    %add3A_884 = arith.addf %get3A_881, %get3A_883 : vector<16xf32>
    %swap3A_885 = arith.constant 304 : index
    %swap3A_886 = tpu.vector_load %arg8[%swap3A_885] {strides = array<i32>} : memref<864xf32, #tpu.memory_space<vmem>>, vector<16xf32>,
    tpu.vector_store %arg8[%swap3A_885], %add3A_884 {strides = array<i32>} : memref<864xf32, #tpu.memory_space<vmem>>, vector<16xf32>,
    %get3A_887 = arith.constant 320 : index
    %get3A_888 = tpu.vector_load %arg8[%get3A_887] {strides = array<i32>} : memref<864xf32, #tpu.memory_space<vmem>>, vector<16xf32>,
    %get3A_889 = arith.constant 320 : index
    %get3A_890 = tpu.vector_load %arg7[%get3A_889] {strides = array<i32>} : memref<864xf32, #tpu.memory_space<vmem>>, vector<16xf32>,
    %add3A_891 = arith.addf %get3A_888, %get3A_890 : vector<16xf32>
    %swap3A_892 = arith.constant 320 : index
    %swap3A_893 = tpu.vector_load %arg8[%swap3A_892] {strides = array<i32>} : memref<864xf32, #tpu.memory_space<vmem>>, vector<16xf32>,
    tpu.vector_store %arg8[%swap3A_892], %add3A_891 {strides = array<i32>} : memref<864xf32, #tpu.memory_space<vmem>>, vector<16xf32>,
    %get3A_894 = arith.constant 336 : index
    %get3A_895 = tpu.vector_load %arg8[%get3A_894] {strides = array<i32>} : memref<864xf32, #tpu.memory_space<vmem>>, vector<16xf32>,
    %get3A_896 = arith.constant 336 : index
    %get3A_897 = tpu.vector_load %arg7[%get3A_896] {strides = array<i32>} : memref<864xf32, #tpu.memory_space<vmem>>, vector<16xf32>,
    %add3A_898 = arith.addf %get3A_895, %get3A_897 : vector<16xf32>
    %swap3A_899 = arith.constant 336 : index
    %swap3A_900 = tpu.vector_load %arg8[%swap3A_899] {strides = array<i32>} : memref<864xf32, #tpu.memory_space<vmem>>, vector<16xf32>,
    tpu.vector_store %arg8[%swap3A_899], %add3A_898 {strides = array<i32>} : memref<864xf32, #tpu.memory_space<vmem>>, vector<16xf32>,
    %get3A_901 = arith.constant 352 : index
    %get3A_902 = tpu.vector_load %arg8[%get3A_901] {strides = array<i32>} : memref<864xf32, #tpu.memory_space<vmem>>, vector<16xf32>,
    %get3A_903 = arith.constant 352 : index
    %get3A_904 = tpu.vector_load %arg7[%get3A_903] {strides = array<i32>} : memref<864xf32, #tpu.memory_space<vmem>>, vector<16xf32>,
    %add3A_905 = arith.addf %get3A_902, %get3A_904 : vector<16xf32>
    %swap3A_906 = arith.constant 352 : index
    %swap3A_907 = tpu.vector_load %arg8[%swap3A_906] {strides = array<i32>} : memref<864xf32, #tpu.memory_space<vmem>>, vector<16xf32>,
    tpu.vector_store %arg8[%swap3A_906], %add3A_905 {strides = array<i32>} : memref<864xf32, #tpu.memory_space<vmem>>, vector<16xf32>,
    %get3A_908 = arith.constant 368 : index
    %get3A_909 = tpu.vector_load %arg8[%get3A_908] {strides = array<i32>} : memref<864xf32, #tpu.memory_space<vmem>>, vector<16xf32>,
    %get3A_910 = arith.constant 368 : index
    %get3A_911 = tpu.vector_load %arg7[%get3A_910] {strides = array<i32>} : memref<864xf32, #tpu.memory_space<vmem>>, vector<16xf32>,
    %add3A_912 = arith.addf %get3A_909, %get3A_911 : vector<16xf32>
    %swap3A_913 = arith.constant 368 : index
    %swap3A_914 = tpu.vector_load %arg8[%swap3A_913] {strides = array<i32>} : memref<864xf32, #tpu.memory_space<vmem>>, vector<16xf32>,
    tpu.vector_store %arg8[%swap3A_913], %add3A_912 {strides = array<i32>} : memref<864xf32, #tpu.memory_space<vmem>>, vector<16xf32>,
    %get3A_915 = arith.constant 384 : index
    %get3A_916 = tpu.vector_load %arg8[%get3A_915] {strides = array<i32>} : memref<864xf32, #tpu.memory_space<vmem>>, vector<16xf32>,
    %get3A_917 = arith.constant 384 : index
    %get3A_918 = tpu.vector_load %arg7[%get3A_917] {strides = array<i32>} : memref<864xf32, #tpu.memory_space<vmem>>, vector<16xf32>,
    %add3A_919 = arith.addf %get3A_916, %get3A_918 : vector<16xf32>
    %swap3A_920 = arith.constant 384 : index
    %swap3A_921 = tpu.vector_load %arg8[%swap3A_920] {strides = array<i32>} : memref<864xf32, #tpu.memory_space<vmem>>, vector<16xf32>,
    tpu.vector_store %arg8[%swap3A_920], %add3A_919 {strides = array<i32>} : memref<864xf32, #tpu.memory_space<vmem>>, vector<16xf32>,
    %get3A_922 = arith.constant 400 : index
    %get3A_923 = tpu.vector_load %arg8[%get3A_922] {strides = array<i32>} : memref<864xf32, #tpu.memory_space<vmem>>, vector<16xf32>,
    %get3A_924 = arith.constant 400 : index
    %get3A_925 = tpu.vector_load %arg7[%get3A_924] {strides = array<i32>} : memref<864xf32, #tpu.memory_space<vmem>>, vector<16xf32>,
    %add3A_926 = arith.addf %get3A_923, %get3A_925 : vector<16xf32>
    %swap3A_927 = arith.constant 400 : index
    %swap3A_928 = tpu.vector_load %arg8[%swap3A_927] {strides = array<i32>} : memref<864xf32, #tpu.memory_space<vmem>>, vector<16xf32>,
    tpu.vector_store %arg8[%swap3A_927], %add3A_926 {strides = array<i32>} : memref<864xf32, #tpu.memory_space<vmem>>, vector<16xf32>,
    %get3A_929 = arith.constant 416 : index
    %get3A_930 = tpu.vector_load %arg8[%get3A_929] {strides = array<i32>} : memref<864xf32, #tpu.memory_space<vmem>>, vector<16xf32>,
    %get3A_931 = arith.constant 416 : index
    %get3A_932 = tpu.vector_load %arg7[%get3A_931] {strides = array<i32>} : memref<864xf32, #tpu.memory_space<vmem>>, vector<16xf32>,
    %add3A_933 = arith.addf %get3A_930, %get3A_932 : vector<16xf32>
    %swap3A_934 = arith.constant 416 : index
    %swap3A_935 = tpu.vector_load %arg8[%swap3A_934] {strides = array<i32>} : memref<864xf32, #tpu.memory_space<vmem>>, vector<16xf32>,
    tpu.vector_store %arg8[%swap3A_934], %add3A_933 {strides = array<i32>} : memref<864xf32, #tpu.memory_space<vmem>>, vector<16xf32>,
    %get3A_936 = arith.constant 432 : index
    %get3A_937 = tpu.vector_load %arg8[%get3A_936] {strides = array<i32>} : memref<864xf32, #tpu.memory_space<vmem>>, vector<16xf32>,
    %get3A_938 = arith.constant 432 : index
    %get3A_939 = tpu.vector_load %arg7[%get3A_938] {strides = array<i32>} : memref<864xf32, #tpu.memory_space<vmem>>, vector<16xf32>,
    %add3A_940 = arith.addf %get3A_937, %get3A_939 : vector<16xf32>
    %swap3A_941 = arith.constant 432 : index
    %swap3A_942 = tpu.vector_load %arg8[%swap3A_941] {strides = array<i32>} : memref<864xf32, #tpu.memory_space<vmem>>, vector<16xf32>,
    tpu.vector_store %arg8[%swap3A_941], %add3A_940 {strides = array<i32>} : memref<864xf32, #tpu.memory_space<vmem>>, vector<16xf32>,
    %get3A_943 = arith.constant 448 : index
    %get3A_944 = tpu.vector_load %arg8[%get3A_943] {strides = array<i32>} : memref<864xf32, #tpu.memory_space<vmem>>, vector<16xf32>,
    %get3A_945 = arith.constant 448 : index
    %get3A_946 = tpu.vector_load %arg7[%get3A_945] {strides = array<i32>} : memref<864xf32, #tpu.memory_space<vmem>>, vector<16xf32>,
    %add3A_947 = arith.addf %get3A_944, %get3A_946 : vector<16xf32>
    %swap3A_948 = arith.constant 448 : index
    %swap3A_949 = tpu.vector_load %arg8[%swap3A_948] {strides = array<i32>} : memref<864xf32, #tpu.memory_space<vmem>>, vector<16xf32>,
    tpu.vector_store %arg8[%swap3A_948], %add3A_947 {strides = array<i32>} : memref<864xf32, #tpu.memory_space<vmem>>, vector<16xf32>,
    %get3A_950 = arith.constant 464 : index
    %get3A_951 = tpu.vector_load %arg8[%get3A_950] {strides = array<i32>} : memref<864xf32, #tpu.memory_space<vmem>>, vector<16xf32>,
    %get3A_952 = arith.constant 464 : index
    %get3A_953 = tpu.vector_load %arg7[%get3A_952] {strides = array<i32>} : memref<864xf32, #tpu.memory_space<vmem>>, vector<16xf32>,
    %add3A_954 = arith.addf %get3A_951, %get3A_953 : vector<16xf32>
    %swap3A_955 = arith.constant 464 : index
    %swap3A_956 = tpu.vector_load %arg8[%swap3A_955] {strides = array<i32>} : memref<864xf32, #tpu.memory_space<vmem>>, vector<16xf32>,
    tpu.vector_store %arg8[%swap3A_955], %add3A_954 {strides = array<i32>} : memref<864xf32, #tpu.memory_space<vmem>>, vector<16xf32>,
    %get3A_957 = arith.constant 480 : index
    %get3A_958 = tpu.vector_load %arg8[%get3A_957] {strides = array<i32>} : memref<864xf32, #tpu.memory_space<vmem>>, vector<16xf32>,
    %get3A_959 = arith.constant 480 : index
    %get3A_960 = tpu.vector_load %arg7[%get3A_959] {strides = array<i32>} : memref<864xf32, #tpu.memory_space<vmem>>, vector<16xf32>,
    %add3A_961 = arith.addf %get3A_958, %get3A_960 : vector<16xf32>
    %swap3A_962 = arith.constant 480 : index
    %swap3A_963 = tpu.vector_load %arg8[%swap3A_962] {strides = array<i32>} : memref<864xf32, #tpu.memory_space<vmem>>, vector<16xf32>,
    tpu.vector_store %arg8[%swap3A_962], %add3A_961 {strides = array<i32>} : memref<864xf32, #tpu.memory_space<vmem>>, vector<16xf32>,
    %get3A_964 = arith.constant 496 : index
    %get3A_965 = tpu.vector_load %arg8[%get3A_964] {strides = array<i32>} : memref<864xf32, #tpu.memory_space<vmem>>, vector<16xf32>,
    %get3A_966 = arith.constant 496 : index
    %get3A_967 = tpu.vector_load %arg7[%get3A_966] {strides = array<i32>} : memref<864xf32, #tpu.memory_space<vmem>>, vector<16xf32>,
    %add3A_968 = arith.addf %get3A_965, %get3A_967 : vector<16xf32>
    %swap3A_969 = arith.constant 496 : index
    %swap3A_970 = tpu.vector_load %arg8[%swap3A_969] {strides = array<i32>} : memref<864xf32, #tpu.memory_space<vmem>>, vector<16xf32>,
    tpu.vector_store %arg8[%swap3A_969], %add3A_968 {strides = array<i32>} : memref<864xf32, #tpu.memory_space<vmem>>, vector<16xf32>,
    %get3A_971 = arith.constant 512 : index
    %get3A_972 = tpu.vector_load %arg8[%get3A_971] {strides = array<i32>} : memref<864xf32, #tpu.memory_space<vmem>>, vector<16xf32>,
    %get3A_973 = arith.constant 512 : index
    %get3A_974 = tpu.vector_load %arg7[%get3A_973] {strides = array<i32>} : memref<864xf32, #tpu.memory_space<vmem>>, vector<16xf32>,
    %add3A_975 = arith.addf %get3A_972, %get3A_974 : vector<16xf32>
    %swap3A_976 = arith.constant 512 : index
    %swap3A_977 = tpu.vector_load %arg8[%swap3A_976] {strides = array<i32>} : memref<864xf32, #tpu.memory_space<vmem>>, vector<16xf32>,
    tpu.vector_store %arg8[%swap3A_976], %add3A_975 {strides = array<i32>} : memref<864xf32, #tpu.memory_space<vmem>>, vector<16xf32>,
    %get3A_978 = arith.constant 528 : index
    %get3A_979 = tpu.vector_load %arg8[%get3A_978] {strides = array<i32>} : memref<864xf32, #tpu.memory_space<vmem>>, vector<16xf32>,
    %get3A_980 = arith.constant 528 : index
    %get3A_981 = tpu.vector_load %arg7[%get3A_980] {strides = array<i32>} : memref<864xf32, #tpu.memory_space<vmem>>, vector<16xf32>,
    %add3A_982 = arith.addf %get3A_979, %get3A_981 : vector<16xf32>
    %swap3A_983 = arith.constant 528 : index
    %swap3A_984 = tpu.vector_load %arg8[%swap3A_983] {strides = array<i32>} : memref<864xf32, #tpu.memory_space<vmem>>, vector<16xf32>,
    tpu.vector_store %arg8[%swap3A_983], %add3A_982 {strides = array<i32>} : memref<864xf32, #tpu.memory_space<vmem>>, vector<16xf32>,
    %get3A_985 = arith.constant 544 : index
    %get3A_986 = tpu.vector_load %arg8[%get3A_985] {strides = array<i32>} : memref<864xf32, #tpu.memory_space<vmem>>, vector<16xf32>,
    %get3A_987 = arith.constant 544 : index
    %get3A_988 = tpu.vector_load %arg7[%get3A_987] {strides = array<i32>} : memref<864xf32, #tpu.memory_space<vmem>>, vector<16xf32>,
    %add3A_989 = arith.addf %get3A_986, %get3A_988 : vector<16xf32>
    %swap3A_990 = arith.constant 544 : index
    %swap3A_991 = tpu.vector_load %arg8[%swap3A_990] {strides = array<i32>} : memref<864xf32, #tpu.memory_space<vmem>>, vector<16xf32>,
    tpu.vector_store %arg8[%swap3A_990], %add3A_989 {strides = array<i32>} : memref<864xf32, #tpu.memory_space<vmem>>, vector<16xf32>,
    %get3A_992 = arith.constant 560 : index
    %get3A_993 = tpu.vector_load %arg8[%get3A_992] {strides = array<i32>} : memref<864xf32, #tpu.memory_space<vmem>>, vector<16xf32>,
    %get3A_994 = arith.constant 560 : index
    %get3A_995 = tpu.vector_load %arg7[%get3A_994] {strides = array<i32>} : memref<864xf32, #tpu.memory_space<vmem>>, vector<16xf32>,
    %add3A_996 = arith.addf %get3A_993, %get3A_995 : vector<16xf32>
    %swap3A_997 = arith.constant 560 : index
    %swap3A_998 = tpu.vector_load %arg8[%swap3A_997] {strides = array<i32>} : memref<864xf32, #tpu.memory_space<vmem>>, vector<16xf32>,
    tpu.vector_store %arg8[%swap3A_997], %add3A_996 {strides = array<i32>} : memref<864xf32, #tpu.memory_space<vmem>>, vector<16xf32>,
    %get3A_999 = arith.constant 576 : index
    %get3A_1000 = tpu.vector_load %arg8[%get3A_999] {strides = array<i32>} : memref<864xf32, #tpu.memory_space<vmem>>, vector<16xf32>,
    %get3A_1001 = arith.constant 576 : index
    %get3A_1002 = tpu.vector_load %arg7[%get3A_1001] {strides = array<i32>} : memref<864xf32, #tpu.memory_space<vmem>>, vector<16xf32>,
    %add3A_1003 = arith.addf %get3A_1000, %get3A_1002 : vector<16xf32>
    %swap3A_1004 = arith.constant 576 : index
    %swap3A_1005 = tpu.vector_load %arg8[%swap3A_1004] {strides = array<i32>} : memref<864xf32, #tpu.memory_space<vmem>>, vector<16xf32>,
    tpu.vector_store %arg8[%swap3A_1004], %add3A_1003 {strides = array<i32>} : memref<864xf32, #tpu.memory_space<vmem>>, vector<16xf32>,
    %get3A_1006 = arith.constant 592 : index
    %get3A_1007 = tpu.vector_load %arg8[%get3A_1006] {strides = array<i32>} : memref<864xf32, #tpu.memory_space<vmem>>, vector<16xf32>,
    %get3A_1008 = arith.constant 592 : index
    %get3A_1009 = tpu.vector_load %arg7[%get3A_1008] {strides = array<i32>} : memref<864xf32, #tpu.memory_space<vmem>>, vector<16xf32>,
    %add3A_1010 = arith.addf %get3A_1007, %get3A_1009 : vector<16xf32>
    %swap3A_1011 = arith.constant 592 : index
    %swap3A_1012 = tpu.vector_load %arg8[%swap3A_1011] {strides = array<i32>} : memref<864xf32, #tpu.memory_space<vmem>>, vector<16xf32>,
    tpu.vector_store %arg8[%swap3A_1011], %add3A_1010 {strides = array<i32>} : memref<864xf32, #tpu.memory_space<vmem>>, vector<16xf32>,
    %get3A_1013 = arith.constant 608 : index
    %get3A_1014 = tpu.vector_load %arg8[%get3A_1013] {strides = array<i32>} : memref<864xf32, #tpu.memory_space<vmem>>, vector<16xf32>,
    %get3A_1015 = arith.constant 608 : index
    %get3A_1016 = tpu.vector_load %arg7[%get3A_1015] {strides = array<i32>} : memref<864xf32, #tpu.memory_space<vmem>>, vector<16xf32>,
    %add3A_1017 = arith.addf %get3A_1014, %get3A_1016 : vector<16xf32>
    %swap3A_1018 = arith.constant 608 : index
    %swap3A_1019 = tpu.vector_load %arg8[%swap3A_1018] {strides = array<i32>} : memref<864xf32, #tpu.memory_space<vmem>>, vector<16xf32>,
    tpu.vector_store %arg8[%swap3A_1018], %add3A_1017 {strides = array<i32>} : memref<864xf32, #tpu.memory_space<vmem>>, vector<16xf32>,
    %get3A_1020 = arith.constant 624 : index
    %get3A_1021 = tpu.vector_load %arg8[%get3A_1020] {strides = array<i32>} : memref<864xf32, #tpu.memory_space<vmem>>, vector<16xf32>,
    %get3A_1022 = arith.constant 624 : index
    %get3A_1023 = tpu.vector_load %arg7[%get3A_1022] {strides = array<i32>} : memref<864xf32, #tpu.memory_space<vmem>>, vector<16xf32>,
    %add3A_1024 = arith.addf %get3A_1021, %get3A_1023 : vector<16xf32>
    %swap3A_1025 = arith.constant 624 : index
    %swap3A_1026 = tpu.vector_load %arg8[%swap3A_1025] {strides = array<i32>} : memref<864xf32, #tpu.memory_space<vmem>>, vector<16xf32>,
    tpu.vector_store %arg8[%swap3A_1025], %add3A_1024 {strides = array<i32>} : memref<864xf32, #tpu.memory_space<vmem>>, vector<16xf32>,
    %get3A_1027 = arith.constant 640 : index
    %get3A_1028 = tpu.vector_load %arg8[%get3A_1027] {strides = array<i32>} : memref<864xf32, #tpu.memory_space<vmem>>, vector<16xf32>,
    %get3A_1029 = arith.constant 640 : index
    %get3A_1030 = tpu.vector_load %arg7[%get3A_1029] {strides = array<i32>} : memref<864xf32, #tpu.memory_space<vmem>>, vector<16xf32>,
    %add3A_1031 = arith.addf %get3A_1028, %get3A_1030 : vector<16xf32>
    %swap3A_1032 = arith.constant 640 : index
    %swap3A_1033 = tpu.vector_load %arg8[%swap3A_1032] {strides = array<i32>} : memref<864xf32, #tpu.memory_space<vmem>>, vector<16xf32>,
    tpu.vector_store %arg8[%swap3A_1032], %add3A_1031 {strides = array<i32>} : memref<864xf32, #tpu.memory_space<vmem>>, vector<16xf32>,
    %get3A_1034 = arith.constant 656 : index
    %get3A_1035 = tpu.vector_load %arg8[%get3A_1034] {strides = array<i32>} : memref<864xf32, #tpu.memory_space<vmem>>, vector<16xf32>,
    %get3A_1036 = arith.constant 656 : index
    %get3A_1037 = tpu.vector_load %arg7[%get3A_1036] {strides = array<i32>} : memref<864xf32, #tpu.memory_space<vmem>>, vector<16xf32>,
    %add3A_1038 = arith.addf %get3A_1035, %get3A_1037 : vector<16xf32>
    %swap3A_1039 = arith.constant 656 : index
    %swap3A_1040 = tpu.vector_load %arg8[%swap3A_1039] {strides = array<i32>} : memref<864xf32, #tpu.memory_space<vmem>>, vector<16xf32>,
    tpu.vector_store %arg8[%swap3A_1039], %add3A_1038 {strides = array<i32>} : memref<864xf32, #tpu.memory_space<vmem>>, vector<16xf32>,
    %get3A_1041 = arith.constant 672 : index
    %get3A_1042 = tpu.vector_load %arg8[%get3A_1041] {strides = array<i32>} : memref<864xf32, #tpu.memory_space<vmem>>, vector<16xf32>,
    %get3A_1043 = arith.constant 672 : index
    %get3A_1044 = tpu.vector_load %arg7[%get3A_1043] {strides = array<i32>} : memref<864xf32, #tpu.memory_space<vmem>>, vector<16xf32>,
    %add3A_1045 = arith.addf %get3A_1042, %get3A_1044 : vector<16xf32>
    %swap3A_1046 = arith.constant 672 : index
    %swap3A_1047 = tpu.vector_load %arg8[%swap3A_1046] {strides = array<i32>} : memref<864xf32, #tpu.memory_space<vmem>>, vector<16xf32>,
    tpu.vector_store %arg8[%swap3A_1046], %add3A_1045 {strides = array<i32>} : memref<864xf32, #tpu.memory_space<vmem>>, vector<16xf32>,
    %get3A_1048 = arith.constant 688 : index
    %get3A_1049 = tpu.vector_load %arg8[%get3A_1048] {strides = array<i32>} : memref<864xf32, #tpu.memory_space<vmem>>, vector<16xf32>,
    %get3A_1050 = arith.constant 688 : index
    %get3A_1051 = tpu.vector_load %arg7[%get3A_1050] {strides = array<i32>} : memref<864xf32, #tpu.memory_space<vmem>>, vector<16xf32>,
    %add3A_1052 = arith.addf %get3A_1049, %get3A_1051 : vector<16xf32>
    %swap3A_1053 = arith.constant 688 : index
    %swap3A_1054 = tpu.vector_load %arg8[%swap3A_1053] {strides = array<i32>} : memref<864xf32, #tpu.memory_space<vmem>>, vector<16xf32>,
    tpu.vector_store %arg8[%swap3A_1053], %add3A_1052 {strides = array<i32>} : memref<864xf32, #tpu.memory_space<vmem>>, vector<16xf32>,
    %get3A_1055 = arith.constant 704 : index
    %get3A_1056 = tpu.vector_load %arg8[%get3A_1055] {strides = array<i32>} : memref<864xf32, #tpu.memory_space<vmem>>, vector<16xf32>,
    %get3A_1057 = arith.constant 704 : index
    %get3A_1058 = tpu.vector_load %arg7[%get3A_1057] {strides = array<i32>} : memref<864xf32, #tpu.memory_space<vmem>>, vector<16xf32>,
    %add3A_1059 = arith.addf %get3A_1056, %get3A_1058 : vector<16xf32>
    %swap3A_1060 = arith.constant 704 : index
    %swap3A_1061 = tpu.vector_load %arg8[%swap3A_1060] {strides = array<i32>} : memref<864xf32, #tpu.memory_space<vmem>>, vector<16xf32>,
    tpu.vector_store %arg8[%swap3A_1060], %add3A_1059 {strides = array<i32>} : memref<864xf32, #tpu.memory_space<vmem>>, vector<16xf32>,
    %get3A_1062 = arith.constant 720 : index
    %get3A_1063 = tpu.vector_load %arg8[%get3A_1062] {strides = array<i32>} : memref<864xf32, #tpu.memory_space<vmem>>, vector<16xf32>,
    %get3A_1064 = arith.constant 720 : index
    %get3A_1065 = tpu.vector_load %arg7[%get3A_1064] {strides = array<i32>} : memref<864xf32, #tpu.memory_space<vmem>>, vector<16xf32>,
    %add3A_1066 = arith.addf %get3A_1063, %get3A_1065 : vector<16xf32>
    %swap3A_1067 = arith.constant 720 : index
    %swap3A_1068 = tpu.vector_load %arg8[%swap3A_1067] {strides = array<i32>} : memref<864xf32, #tpu.memory_space<vmem>>, vector<16xf32>,
    tpu.vector_store %arg8[%swap3A_1067], %add3A_1066 {strides = array<i32>} : memref<864xf32, #tpu.memory_space<vmem>>, vector<16xf32>,
    %get3A_1069 = arith.constant 736 : index
    %get3A_1070 = tpu.vector_load %arg8[%get3A_1069] {strides = array<i32>} : memref<864xf32, #tpu.memory_space<vmem>>, vector<16xf32>,
    %get3A_1071 = arith.constant 736 : index
    %get3A_1072 = tpu.vector_load %arg7[%get3A_1071] {strides = array<i32>} : memref<864xf32, #tpu.memory_space<vmem>>, vector<16xf32>,
    %add3A_1073 = arith.addf %get3A_1070, %get3A_1072 : vector<16xf32>
    %swap3A_1074 = arith.constant 736 : index
    %swap3A_1075 = tpu.vector_load %arg8[%swap3A_1074] {strides = array<i32>} : memref<864xf32, #tpu.memory_space<vmem>>, vector<16xf32>,
    tpu.vector_store %arg8[%swap3A_1074], %add3A_1073 {strides = array<i32>} : memref<864xf32, #tpu.memory_space<vmem>>, vector<16xf32>,
    %get3A_1076 = arith.constant 752 : index
    %get3A_1077 = tpu.vector_load %arg8[%get3A_1076] {strides = array<i32>} : memref<864xf32, #tpu.memory_space<vmem>>, vector<16xf32>,
    %get3A_1078 = arith.constant 752 : index
    %get3A_1079 = tpu.vector_load %arg7[%get3A_1078] {strides = array<i32>} : memref<864xf32, #tpu.memory_space<vmem>>, vector<16xf32>,
    %add3A_1080 = arith.addf %get3A_1077, %get3A_1079 : vector<16xf32>
    %swap3A_1081 = arith.constant 752 : index
    %swap3A_1082 = tpu.vector_load %arg8[%swap3A_1081] {strides = array<i32>} : memref<864xf32, #tpu.memory_space<vmem>>, vector<16xf32>,
    tpu.vector_store %arg8[%swap3A_1081], %add3A_1080 {strides = array<i32>} : memref<864xf32, #tpu.memory_space<vmem>>, vector<16xf32>,
    %get3A_1083 = arith.constant 768 : index
    %get3A_1084 = tpu.vector_load %arg8[%get3A_1083] {strides = array<i32>} : memref<864xf32, #tpu.memory_space<vmem>>, vector<16xf32>,
    %get3A_1085 = arith.constant 768 : index
    %get3A_1086 = tpu.vector_load %arg7[%get3A_1085] {strides = array<i32>} : memref<864xf32, #tpu.memory_space<vmem>>, vector<16xf32>,
    %add3A_1087 = arith.addf %get3A_1084, %get3A_1086 : vector<16xf32>
    %swap3A_1088 = arith.constant 768 : index
    %swap3A_1089 = tpu.vector_load %arg8[%swap3A_1088] {strides = array<i32>} : memref<864xf32, #tpu.memory_space<vmem>>, vector<16xf32>,
    tpu.vector_store %arg8[%swap3A_1088], %add3A_1087 {strides = array<i32>} : memref<864xf32, #tpu.memory_space<vmem>>, vector<16xf32>,
    %get3A_1090 = arith.constant 784 : index
    %get3A_1091 = tpu.vector_load %arg8[%get3A_1090] {strides = array<i32>} : memref<864xf32, #tpu.memory_space<vmem>>, vector<16xf32>,
    %get3A_1092 = arith.constant 784 : index
    %get3A_1093 = tpu.vector_load %arg7[%get3A_1092] {strides = array<i32>} : memref<864xf32, #tpu.memory_space<vmem>>, vector<16xf32>,
    %add3A_1094 = arith.addf %get3A_1091, %get3A_1093 : vector<16xf32>
    %swap3A_1095 = arith.constant 784 : index
    %swap3A_1096 = tpu.vector_load %arg8[%swap3A_1095] {strides = array<i32>} : memref<864xf32, #tpu.memory_space<vmem>>, vector<16xf32>,
    tpu.vector_store %arg8[%swap3A_1095], %add3A_1094 {strides = array<i32>} : memref<864xf32, #tpu.memory_space<vmem>>, vector<16xf32>,
    %get3A_1097 = arith.constant 800 : index
    %get3A_1098 = tpu.vector_load %arg8[%get3A_1097] {strides = array<i32>} : memref<864xf32, #tpu.memory_space<vmem>>, vector<16xf32>,
    %get3A_1099 = arith.constant 800 : index
    %get3A_1100 = tpu.vector_load %arg7[%get3A_1099] {strides = array<i32>} : memref<864xf32, #tpu.memory_space<vmem>>, vector<16xf32>,
    %add3A_1101 = arith.addf %get3A_1098, %get3A_1100 : vector<16xf32>
    %swap3A_1102 = arith.constant 800 : index
    %swap3A_1103 = tpu.vector_load %arg8[%swap3A_1102] {strides = array<i32>} : memref<864xf32, #tpu.memory_space<vmem>>, vector<16xf32>,
    tpu.vector_store %arg8[%swap3A_1102], %add3A_1101 {strides = array<i32>} : memref<864xf32, #tpu.memory_space<vmem>>, vector<16xf32>,
    %get3A_1104 = arith.constant 816 : index
    %get3A_1105 = tpu.vector_load %arg8[%get3A_1104] {strides = array<i32>} : memref<864xf32, #tpu.memory_space<vmem>>, vector<16xf32>,
    %get3A_1106 = arith.constant 816 : index
    %get3A_1107 = tpu.vector_load %arg7[%get3A_1106] {strides = array<i32>} : memref<864xf32, #tpu.memory_space<vmem>>, vector<16xf32>,
    %add3A_1108 = arith.addf %get3A_1105, %get3A_1107 : vector<16xf32>
    %swap3A_1109 = arith.constant 816 : index
    %swap3A_1110 = tpu.vector_load %arg8[%swap3A_1109] {strides = array<i32>} : memref<864xf32, #tpu.memory_space<vmem>>, vector<16xf32>,
    tpu.vector_store %arg8[%swap3A_1109], %add3A_1108 {strides = array<i32>} : memref<864xf32, #tpu.memory_space<vmem>>, vector<16xf32>,
    %get3A_1111 = arith.constant 832 : index
    %get3A_1112 = tpu.vector_load %arg8[%get3A_1111] {strides = array<i32>} : memref<864xf32, #tpu.memory_space<vmem>>, vector<16xf32>,
    %get3A_1113 = arith.constant 832 : index
    %get3A_1114 = tpu.vector_load %arg7[%get3A_1113] {strides = array<i32>} : memref<864xf32, #tpu.memory_space<vmem>>, vector<16xf32>,
    %add3A_1115 = arith.addf %get3A_1112, %get3A_1114 : vector<16xf32>
    %swap3A_1116 = arith.constant 832 : index
    %swap3A_1117 = tpu.vector_load %arg8[%swap3A_1116] {strides = array<i32>} : memref<864xf32, #tpu.memory_space<vmem>>, vector<16xf32>,
    tpu.vector_store %arg8[%swap3A_1116], %add3A_1115 {strides = array<i32>} : memref<864xf32, #tpu.memory_space<vmem>>, vector<16xf32>,
    %get3A_1118 = arith.constant 848 : index
    %get3A_1119 = tpu.vector_load %arg8[%get3A_1118] {strides = array<i32>} : memref<864xf32, #tpu.memory_space<vmem>>, vector<16xf32>,
    %get3A_1120 = arith.constant 848 : index
    %get3A_1121 = tpu.vector_load %arg7[%get3A_1120] {strides = array<i32>} : memref<864xf32, #tpu.memory_space<vmem>>, vector<16xf32>,
    %add3A_1122 = arith.addf %get3A_1119, %get3A_1121 : vector<16xf32>
    %swap3A_1123 = arith.constant 848 : index
    %swap3A_1124 = tpu.vector_load %arg8[%swap3A_1123] {strides = array<i32>} : memref<864xf32, #tpu.memory_space<vmem>>, vector<16xf32>,
    tpu.vector_store %arg8[%swap3A_1123], %add3A_1122 {strides = array<i32>} : memref<864xf32, #tpu.memory_space<vmem>>, vector<16xf32>,
    %iota3A = tpu.iota {dimensions = array<i32: 0>} : vector<16xi32>
    %swap3A_1125 = arith.constant 0 : index
    %swap3A_1126 = tpu.vector_load %arg10[%swap3A_1125] {strides = array<i32>} : memref<96xf32, #tpu.memory_space<vmem>>, vector<16xf32>,
    tpu.vector_store %arg10[%swap3A_1125], %broadcast_in_dim3A_36 {strides = array<i32>} : memref<96xf32, #tpu.memory_space<vmem>>, vector<16xf32>,
    %get3A_1127 = arith.constant 272 : index
    %get3A_1128 = tpu.vector_load %arg8[%get3A_1127] {strides = array<i32>} : memref<864xf32, #tpu.memory_space<vmem>>, vector<16xf32>,
    %reduce_sum3A = arith.constant true
    %reduce_sum3A_1129 = vector.broadcast %reduce_sum3A : i1 to vector<16xi1>
    %reduce_sum3A_1130 = tpu.scan <sum>, %get3A_1128 masked %reduce_sum3A_1129 : vector<16xf32>, vector<16xi1> -> vector<16xf32>
    %reduce_sum3A_1131 = vector.extract %reduce_sum3A_1130[15] : f32 from vector<16xf32>
    %broadcast_in_dim3A_1132 = vector.broadcast %reduce_sum3A_1131 : f32 to vector<16xf32>
    %max3A = arith.constant 1.000000e+00 : f32
    %max3A_1133 = vector.broadcast %max3A : f32 to vector<16xf32>
    %max3A_1134 = arith.maximumf %broadcast_in_dim3A_1132, %max3A_1133 : vector<16xf32>
    %gt3A = arith.constant 1.500000e+00 : f32
    %gt3A_1135 = vector.broadcast %gt3A : f32 to vector<16xf32>
    %gt3A_1136 = arith.cmpf ogt, %broadcast_in_dim3A_1132, %gt3A_1135 : vector<16xf32>
    %jit3A_1137 = arith.constant 1.000000e+00 : f32
    %jit3A_1138 = arith.constant 0.000000e+00 : f32
    %broadcast_in_dim3A_1139 = vector.broadcast %jit3A_1137 : f32 to vector<16xf32>
    %broadcast_in_dim3A_1140 = vector.broadcast %jit3A_1138 : f32 to vector<16xf32>
    %select_n3A_1141 = arith.select %gt3A_1136, %broadcast_in_dim3A_1139, %broadcast_in_dim3A_1140 : vector<16xi1>, vector<16xf32>
    %eq3A_1142 = arith.constant 1 : i32
    %eq3A_1143 = vector.broadcast %eq3A_1142 : i32 to vector<16xi32>
    %eq3A_1144 = arith.cmpi eq, %iota3A, %eq3A_1143 : vector<16xi32>
    %select_n3A_1145 = arith.select %eq3A_1144, %select_n3A_1141, %broadcast_in_dim3A_36 : vector<16xi1>, vector<16xf32>
    %mul3A_1146 = arith.mulf %select_n3A_1141, %broadcast_in_dim3A_1132 : vector<16xf32>
    %add3A_1147 = arith.addf %broadcast_in_dim3A_36, %mul3A_1146 : vector<16xf32>
    %eq3A_1148 = arith.constant 0 : i32
    %eq3A_1149 = vector.broadcast %eq3A_1148 : i32 to vector<16xi32>
    %eq3A_1150 = arith.cmpi eq, %iota3A, %eq3A_1149 : vector<16xi32>
    %get3A_1151 = arith.constant 144 : index
    %get3A_1152 = tpu.vector_load %arg8[%get3A_1151] {strides = array<i32>} : memref<864xf32, #tpu.memory_space<vmem>>, vector<16xf32>,
    %reduce_sum3A_1153 = arith.constant true
    %reduce_sum3A_1154 = vector.broadcast %reduce_sum3A_1153 : i1 to vector<16xi1>
    %reduce_sum3A_1155 = tpu.scan <sum>, %get3A_1152 masked %reduce_sum3A_1154 : vector<16xf32>, vector<16xi1> -> vector<16xf32>
    %reduce_sum3A_1156 = vector.extract %reduce_sum3A_1155[15] : f32 from vector<16xf32>
    %broadcast_in_dim3A_1157 = vector.broadcast %reduce_sum3A_1156 : f32 to vector<16xf32>
    %select_n3A_1158 = arith.select %eq3A_1150, %broadcast_in_dim3A_1157, %broadcast_in_dim3A_36 : vector<16xi1>, vector<16xf32>
    %eq3A_1159 = arith.constant 1 : i32
    %eq3A_1160 = vector.broadcast %eq3A_1159 : i32 to vector<16xi32>
    %eq3A_1161 = arith.cmpi eq, %iota3A, %eq3A_1160 : vector<16xi32>
    %get3A_1162 = arith.constant 160 : index
    %get3A_1163 = tpu.vector_load %arg8[%get3A_1162] {strides = array<i32>} : memref<864xf32, #tpu.memory_space<vmem>>, vector<16xf32>,
    %reduce_sum3A_1164 = arith.constant true
    %reduce_sum3A_1165 = vector.broadcast %reduce_sum3A_1164 : i1 to vector<16xi1>
    %reduce_sum3A_1166 = tpu.scan <sum>, %get3A_1163 masked %reduce_sum3A_1165 : vector<16xf32>, vector<16xi1> -> vector<16xf32>
    %reduce_sum3A_1167 = vector.extract %reduce_sum3A_1166[15] : f32 from vector<16xf32>
    %broadcast_in_dim3A_1168 = vector.broadcast %reduce_sum3A_1167 : f32 to vector<16xf32>
    %select_n3A_1169 = arith.select %eq3A_1161, %broadcast_in_dim3A_1168, %select_n3A_1158 : vector<16xi1>, vector<16xf32>
    %eq3A_1170 = arith.constant 2 : i32
    %eq3A_1171 = vector.broadcast %eq3A_1170 : i32 to vector<16xi32>
    %eq3A_1172 = arith.cmpi eq, %iota3A, %eq3A_1171 : vector<16xi32>
    %get3A_1173 = arith.constant 176 : index
    %get3A_1174 = tpu.vector_load %arg8[%get3A_1173] {strides = array<i32>} : memref<864xf32, #tpu.memory_space<vmem>>, vector<16xf32>,
    %reduce_sum3A_1175 = arith.constant true
    %reduce_sum3A_1176 = vector.broadcast %reduce_sum3A_1175 : i1 to vector<16xi1>
    %reduce_sum3A_1177 = tpu.scan <sum>, %get3A_1174 masked %reduce_sum3A_1176 : vector<16xf32>, vector<16xi1> -> vector<16xf32>
    %reduce_sum3A_1178 = vector.extract %reduce_sum3A_1177[15] : f32 from vector<16xf32>
    %broadcast_in_dim3A_1179 = vector.broadcast %reduce_sum3A_1178 : f32 to vector<16xf32>
    %select_n3A_1180 = arith.select %eq3A_1172, %broadcast_in_dim3A_1179, %select_n3A_1169 : vector<16xi1>, vector<16xf32>
    %eq3A_1181 = arith.constant 3 : i32
    %eq3A_1182 = vector.broadcast %eq3A_1181 : i32 to vector<16xi32>
    %eq3A_1183 = arith.cmpi eq, %iota3A, %eq3A_1182 : vector<16xi32>
    %get3A_1184 = arith.constant 192 : index
    %get3A_1185 = tpu.vector_load %arg8[%get3A_1184] {strides = array<i32>} : memref<864xf32, #tpu.memory_space<vmem>>, vector<16xf32>,
    %reduce_sum3A_1186 = arith.constant true
    %reduce_sum3A_1187 = vector.broadcast %reduce_sum3A_1186 : i1 to vector<16xi1>
    %reduce_sum3A_1188 = tpu.scan <sum>, %get3A_1185 masked %reduce_sum3A_1187 : vector<16xf32>, vector<16xi1> -> vector<16xf32>
    %reduce_sum3A_1189 = vector.extract %reduce_sum3A_1188[15] : f32 from vector<16xf32>
    %broadcast_in_dim3A_1190 = vector.broadcast %reduce_sum3A_1189 : f32 to vector<16xf32>
    %select_n3A_1191 = arith.select %eq3A_1183, %broadcast_in_dim3A_1190, %select_n3A_1180 : vector<16xi1>, vector<16xf32>
    %eq3A_1192 = arith.constant 4 : i32
    %eq3A_1193 = vector.broadcast %eq3A_1192 : i32 to vector<16xi32>
    %eq3A_1194 = arith.cmpi eq, %iota3A, %eq3A_1193 : vector<16xi32>
    %get3A_1195 = arith.constant 208 : index
    %get3A_1196 = tpu.vector_load %arg8[%get3A_1195] {strides = array<i32>} : memref<864xf32, #tpu.memory_space<vmem>>, vector<16xf32>,
    %reduce_sum3A_1197 = arith.constant true
    %reduce_sum3A_1198 = vector.broadcast %reduce_sum3A_1197 : i1 to vector<16xi1>
    %reduce_sum3A_1199 = tpu.scan <sum>, %get3A_1196 masked %reduce_sum3A_1198 : vector<16xf32>, vector<16xi1> -> vector<16xf32>
    %reduce_sum3A_1200 = vector.extract %reduce_sum3A_1199[15] : f32 from vector<16xf32>
    %broadcast_in_dim3A_1201 = vector.broadcast %reduce_sum3A_1200 : f32 to vector<16xf32>
    %select_n3A_1202 = arith.select %eq3A_1194, %broadcast_in_dim3A_1201, %select_n3A_1191 : vector<16xi1>, vector<16xf32>
    %eq3A_1203 = arith.constant 5 : i32
    %eq3A_1204 = vector.broadcast %eq3A_1203 : i32 to vector<16xi32>
    %eq3A_1205 = arith.cmpi eq, %iota3A, %eq3A_1204 : vector<16xi32>
    %get3A_1206 = arith.constant 224 : index
    %get3A_1207 = tpu.vector_load %arg8[%get3A_1206] {strides = array<i32>} : memref<864xf32, #tpu.memory_space<vmem>>, vector<16xf32>,
    %reduce_sum3A_1208 = arith.constant true
    %reduce_sum3A_1209 = vector.broadcast %reduce_sum3A_1208 : i1 to vector<16xi1>
    %reduce_sum3A_1210 = tpu.scan <sum>, %get3A_1207 masked %reduce_sum3A_1209 : vector<16xf32>, vector<16xi1> -> vector<16xf32>
    %reduce_sum3A_1211 = vector.extract %reduce_sum3A_1210[15] : f32 from vector<16xf32>
    %broadcast_in_dim3A_1212 = vector.broadcast %reduce_sum3A_1211 : f32 to vector<16xf32>
    %select_n3A_1213 = arith.select %eq3A_1205, %broadcast_in_dim3A_1212, %select_n3A_1202 : vector<16xi1>, vector<16xf32>
    %eq3A_1214 = arith.constant 6 : i32
    %eq3A_1215 = vector.broadcast %eq3A_1214 : i32 to vector<16xi32>
    %eq3A_1216 = arith.cmpi eq, %iota3A, %eq3A_1215 : vector<16xi32>
    %get3A_1217 = arith.constant 240 : index
    %get3A_1218 = tpu.vector_load %arg8[%get3A_1217] {strides = array<i32>} : memref<864xf32, #tpu.memory_space<vmem>>, vector<16xf32>,
    %reduce_sum3A_1219 = arith.constant true
    %reduce_sum3A_1220 = vector.broadcast %reduce_sum3A_1219 : i1 to vector<16xi1>
    %reduce_sum3A_1221 = tpu.scan <sum>, %get3A_1218 masked %reduce_sum3A_1220 : vector<16xf32>, vector<16xi1> -> vector<16xf32>
    %reduce_sum3A_1222 = vector.extract %reduce_sum3A_1221[15] : f32 from vector<16xf32>
    %broadcast_in_dim3A_1223 = vector.broadcast %reduce_sum3A_1222 : f32 to vector<16xf32>
    %select_n3A_1224 = arith.select %eq3A_1216, %broadcast_in_dim3A_1223, %select_n3A_1213 : vector<16xi1>, vector<16xf32>
    %eq3A_1225 = arith.constant 7 : i32
    %eq3A_1226 = vector.broadcast %eq3A_1225 : i32 to vector<16xi32>
    %eq3A_1227 = arith.cmpi eq, %iota3A, %eq3A_1226 : vector<16xi32>
    %get3A_1228 = arith.constant 256 : index
    %get3A_1229 = tpu.vector_load %arg8[%get3A_1228] {strides = array<i32>} : memref<864xf32, #tpu.memory_space<vmem>>, vector<16xf32>,
    %reduce_sum3A_1230 = arith.constant true
    %reduce_sum3A_1231 = vector.broadcast %reduce_sum3A_1230 : i1 to vector<16xi1>
    %reduce_sum3A_1232 = tpu.scan <sum>, %get3A_1229 masked %reduce_sum3A_1231 : vector<16xf32>, vector<16xi1> -> vector<16xf32>
    %reduce_sum3A_1233 = vector.extract %reduce_sum3A_1232[15] : f32 from vector<16xf32>
    %broadcast_in_dim3A_1234 = vector.broadcast %reduce_sum3A_1233 : f32 to vector<16xf32>
    %select_n3A_1235 = arith.select %eq3A_1227, %broadcast_in_dim3A_1234, %select_n3A_1224 : vector<16xi1>, vector<16xf32>
    %div3A_1236 = arith.divf %select_n3A_1235, %max3A_1134 : vector<16xf32>
    %swap3A_1237 = arith.constant 16 : index
    %swap3A_1238 = tpu.vector_load %arg10[%swap3A_1237] {strides = array<i32>} : memref<96xf32, #tpu.memory_space<vmem>>, vector<16xf32>,
    tpu.vector_store %arg10[%swap3A_1237], %div3A_1236 {strides = array<i32>} : memref<96xf32, #tpu.memory_space<vmem>>, vector<16xf32>,
    %get3A_1239 = arith.constant 416 : index
    %get3A_1240 = tpu.vector_load %arg8[%get3A_1239] {strides = array<i32>} : memref<864xf32, #tpu.memory_space<vmem>>, vector<16xf32>,
    %reduce_sum3A_1241 = arith.constant true
    %reduce_sum3A_1242 = vector.broadcast %reduce_sum3A_1241 : i1 to vector<16xi1>
    %reduce_sum3A_1243 = tpu.scan <sum>, %get3A_1240 masked %reduce_sum3A_1242 : vector<16xf32>, vector<16xi1> -> vector<16xf32>
    %reduce_sum3A_1244 = vector.extract %reduce_sum3A_1243[15] : f32 from vector<16xf32>
    %broadcast_in_dim3A_1245 = vector.broadcast %reduce_sum3A_1244 : f32 to vector<16xf32>
    %max3A_1246 = arith.constant 1.000000e+00 : f32
    %max3A_1247 = vector.broadcast %max3A_1246 : f32 to vector<16xf32>
    %max3A_1248 = arith.maximumf %broadcast_in_dim3A_1245, %max3A_1247 : vector<16xf32>
    %gt3A_1249 = arith.constant 1.500000e+00 : f32
    %gt3A_1250 = vector.broadcast %gt3A_1249 : f32 to vector<16xf32>
    %gt3A_1251 = arith.cmpf ogt, %broadcast_in_dim3A_1245, %gt3A_1250 : vector<16xf32>
    %jit3A_1252 = arith.constant 1.000000e+00 : f32
    %jit3A_1253 = arith.constant 0.000000e+00 : f32
    %broadcast_in_dim3A_1254 = vector.broadcast %jit3A_1252 : f32 to vector<16xf32>
    %broadcast_in_dim3A_1255 = vector.broadcast %jit3A_1253 : f32 to vector<16xf32>
    %select_n3A_1256 = arith.select %gt3A_1251, %broadcast_in_dim3A_1254, %broadcast_in_dim3A_1255 : vector<16xi1>, vector<16xf32>
    %eq3A_1257 = arith.constant 2 : i32
    %eq3A_1258 = vector.broadcast %eq3A_1257 : i32 to vector<16xi32>
    %eq3A_1259 = arith.cmpi eq, %iota3A, %eq3A_1258 : vector<16xi32>
    %select_n3A_1260 = arith.select %eq3A_1259, %select_n3A_1256, %select_n3A_1145 : vector<16xi1>, vector<16xf32>
    %mul3A_1261 = arith.mulf %select_n3A_1256, %broadcast_in_dim3A_1245 : vector<16xf32>
    %add3A_1262 = arith.addf %add3A_1147, %mul3A_1261 : vector<16xf32>
    %eq3A_1263 = arith.constant 0 : i32
    %eq3A_1264 = vector.broadcast %eq3A_1263 : i32 to vector<16xi32>
    %eq3A_1265 = arith.cmpi eq, %iota3A, %eq3A_1264 : vector<16xi32>
    %get3A_1266 = arith.constant 288 : index
    %get3A_1267 = tpu.vector_load %arg8[%get3A_1266] {strides = array<i32>} : memref<864xf32, #tpu.memory_space<vmem>>, vector<16xf32>,
    %reduce_sum3A_1268 = arith.constant true
    %reduce_sum3A_1269 = vector.broadcast %reduce_sum3A_1268 : i1 to vector<16xi1>
    %reduce_sum3A_1270 = tpu.scan <sum>, %get3A_1267 masked %reduce_sum3A_1269 : vector<16xf32>, vector<16xi1> -> vector<16xf32>
    %reduce_sum3A_1271 = vector.extract %reduce_sum3A_1270[15] : f32 from vector<16xf32>
    %broadcast_in_dim3A_1272 = vector.broadcast %reduce_sum3A_1271 : f32 to vector<16xf32>
    %select_n3A_1273 = arith.select %eq3A_1265, %broadcast_in_dim3A_1272, %broadcast_in_dim3A_36 : vector<16xi1>, vector<16xf32>
    %eq3A_1274 = arith.constant 1 : i32
    %eq3A_1275 = vector.broadcast %eq3A_1274 : i32 to vector<16xi32>
    %eq3A_1276 = arith.cmpi eq, %iota3A, %eq3A_1275 : vector<16xi32>
    %get3A_1277 = arith.constant 304 : index
    %get3A_1278 = tpu.vector_load %arg8[%get3A_1277] {strides = array<i32>} : memref<864xf32, #tpu.memory_space<vmem>>, vector<16xf32>,
    %reduce_sum3A_1279 = arith.constant true
    %reduce_sum3A_1280 = vector.broadcast %reduce_sum3A_1279 : i1 to vector<16xi1>
    %reduce_sum3A_1281 = tpu.scan <sum>, %get3A_1278 masked %reduce_sum3A_1280 : vector<16xf32>, vector<16xi1> -> vector<16xf32>
    %reduce_sum3A_1282 = vector.extract %reduce_sum3A_1281[15] : f32 from vector<16xf32>
    %broadcast_in_dim3A_1283 = vector.broadcast %reduce_sum3A_1282 : f32 to vector<16xf32>
    %select_n3A_1284 = arith.select %eq3A_1276, %broadcast_in_dim3A_1283, %select_n3A_1273 : vector<16xi1>, vector<16xf32>
    %eq3A_1285 = arith.constant 2 : i32
    %eq3A_1286 = vector.broadcast %eq3A_1285 : i32 to vector<16xi32>
    %eq3A_1287 = arith.cmpi eq, %iota3A, %eq3A_1286 : vector<16xi32>
    %get3A_1288 = arith.constant 320 : index
    %get3A_1289 = tpu.vector_load %arg8[%get3A_1288] {strides = array<i32>} : memref<864xf32, #tpu.memory_space<vmem>>, vector<16xf32>,
    %reduce_sum3A_1290 = arith.constant true
    %reduce_sum3A_1291 = vector.broadcast %reduce_sum3A_1290 : i1 to vector<16xi1>
    %reduce_sum3A_1292 = tpu.scan <sum>, %get3A_1289 masked %reduce_sum3A_1291 : vector<16xf32>, vector<16xi1> -> vector<16xf32>
    %reduce_sum3A_1293 = vector.extract %reduce_sum3A_1292[15] : f32 from vector<16xf32>
    %broadcast_in_dim3A_1294 = vector.broadcast %reduce_sum3A_1293 : f32 to vector<16xf32>
    %select_n3A_1295 = arith.select %eq3A_1287, %broadcast_in_dim3A_1294, %select_n3A_1284 : vector<16xi1>, vector<16xf32>
    %eq3A_1296 = arith.constant 3 : i32
    %eq3A_1297 = vector.broadcast %eq3A_1296 : i32 to vector<16xi32>
    %eq3A_1298 = arith.cmpi eq, %iota3A, %eq3A_1297 : vector<16xi32>
    %get3A_1299 = arith.constant 336 : index
    %get3A_1300 = tpu.vector_load %arg8[%get3A_1299] {strides = array<i32>} : memref<864xf32, #tpu.memory_space<vmem>>, vector<16xf32>,
    %reduce_sum3A_1301 = arith.constant true
    %reduce_sum3A_1302 = vector.broadcast %reduce_sum3A_1301 : i1 to vector<16xi1>
    %reduce_sum3A_1303 = tpu.scan <sum>, %get3A_1300 masked %reduce_sum3A_1302 : vector<16xf32>, vector<16xi1> -> vector<16xf32>
    %reduce_sum3A_1304 = vector.extract %reduce_sum3A_1303[15] : f32 from vector<16xf32>
    %broadcast_in_dim3A_1305 = vector.broadcast %reduce_sum3A_1304 : f32 to vector<16xf32>
    %select_n3A_1306 = arith.select %eq3A_1298, %broadcast_in_dim3A_1305, %select_n3A_1295 : vector<16xi1>, vector<16xf32>
    %eq3A_1307 = arith.constant 4 : i32
    %eq3A_1308 = vector.broadcast %eq3A_1307 : i32 to vector<16xi32>
    %eq3A_1309 = arith.cmpi eq, %iota3A, %eq3A_1308 : vector<16xi32>
    %get3A_1310 = arith.constant 352 : index
    %get3A_1311 = tpu.vector_load %arg8[%get3A_1310] {strides = array<i32>} : memref<864xf32, #tpu.memory_space<vmem>>, vector<16xf32>,
    %reduce_sum3A_1312 = arith.constant true
    %reduce_sum3A_1313 = vector.broadcast %reduce_sum3A_1312 : i1 to vector<16xi1>
    %reduce_sum3A_1314 = tpu.scan <sum>, %get3A_1311 masked %reduce_sum3A_1313 : vector<16xf32>, vector<16xi1> -> vector<16xf32>
    %reduce_sum3A_1315 = vector.extract %reduce_sum3A_1314[15] : f32 from vector<16xf32>
    %broadcast_in_dim3A_1316 = vector.broadcast %reduce_sum3A_1315 : f32 to vector<16xf32>
    %select_n3A_1317 = arith.select %eq3A_1309, %broadcast_in_dim3A_1316, %select_n3A_1306 : vector<16xi1>, vector<16xf32>
    %eq3A_1318 = arith.constant 5 : i32
    %eq3A_1319 = vector.broadcast %eq3A_1318 : i32 to vector<16xi32>
    %eq3A_1320 = arith.cmpi eq, %iota3A, %eq3A_1319 : vector<16xi32>
    %get3A_1321 = arith.constant 368 : index
    %get3A_1322 = tpu.vector_load %arg8[%get3A_1321] {strides = array<i32>} : memref<864xf32, #tpu.memory_space<vmem>>, vector<16xf32>,
    %reduce_sum3A_1323 = arith.constant true
    %reduce_sum3A_1324 = vector.broadcast %reduce_sum3A_1323 : i1 to vector<16xi1>
    %reduce_sum3A_1325 = tpu.scan <sum>, %get3A_1322 masked %reduce_sum3A_1324 : vector<16xf32>, vector<16xi1> -> vector<16xf32>
    %reduce_sum3A_1326 = vector.extract %reduce_sum3A_1325[15] : f32 from vector<16xf32>
    %broadcast_in_dim3A_1327 = vector.broadcast %reduce_sum3A_1326 : f32 to vector<16xf32>
    %select_n3A_1328 = arith.select %eq3A_1320, %broadcast_in_dim3A_1327, %select_n3A_1317 : vector<16xi1>, vector<16xf32>
    %eq3A_1329 = arith.constant 6 : i32
    %eq3A_1330 = vector.broadcast %eq3A_1329 : i32 to vector<16xi32>
    %eq3A_1331 = arith.cmpi eq, %iota3A, %eq3A_1330 : vector<16xi32>
    %get3A_1332 = arith.constant 384 : index
    %get3A_1333 = tpu.vector_load %arg8[%get3A_1332] {strides = array<i32>} : memref<864xf32, #tpu.memory_space<vmem>>, vector<16xf32>,
    %reduce_sum3A_1334 = arith.constant true
    %reduce_sum3A_1335 = vector.broadcast %reduce_sum3A_1334 : i1 to vector<16xi1>
    %reduce_sum3A_1336 = tpu.scan <sum>, %get3A_1333 masked %reduce_sum3A_1335 : vector<16xf32>, vector<16xi1> -> vector<16xf32>
    %reduce_sum3A_1337 = vector.extract %reduce_sum3A_1336[15] : f32 from vector<16xf32>
    %broadcast_in_dim3A_1338 = vector.broadcast %reduce_sum3A_1337 : f32 to vector<16xf32>
    %select_n3A_1339 = arith.select %eq3A_1331, %broadcast_in_dim3A_1338, %select_n3A_1328 : vector<16xi1>, vector<16xf32>
    %eq3A_1340 = arith.constant 7 : i32
    %eq3A_1341 = vector.broadcast %eq3A_1340 : i32 to vector<16xi32>
    %eq3A_1342 = arith.cmpi eq, %iota3A, %eq3A_1341 : vector<16xi32>
    %get3A_1343 = arith.constant 400 : index
    %get3A_1344 = tpu.vector_load %arg8[%get3A_1343] {strides = array<i32>} : memref<864xf32, #tpu.memory_space<vmem>>, vector<16xf32>,
    %reduce_sum3A_1345 = arith.constant true
    %reduce_sum3A_1346 = vector.broadcast %reduce_sum3A_1345 : i1 to vector<16xi1>
    %reduce_sum3A_1347 = tpu.scan <sum>, %get3A_1344 masked %reduce_sum3A_1346 : vector<16xf32>, vector<16xi1> -> vector<16xf32>
    %reduce_sum3A_1348 = vector.extract %reduce_sum3A_1347[15] : f32 from vector<16xf32>
    %broadcast_in_dim3A_1349 = vector.broadcast %reduce_sum3A_1348 : f32 to vector<16xf32>
    %select_n3A_1350 = arith.select %eq3A_1342, %broadcast_in_dim3A_1349, %select_n3A_1339 : vector<16xi1>, vector<16xf32>
    %div3A_1351 = arith.divf %select_n3A_1350, %max3A_1248 : vector<16xf32>
    %swap3A_1352 = arith.constant 32 : index
    %swap3A_1353 = tpu.vector_load %arg10[%swap3A_1352] {strides = array<i32>} : memref<96xf32, #tpu.memory_space<vmem>>, vector<16xf32>,
    tpu.vector_store %arg10[%swap3A_1352], %div3A_1351 {strides = array<i32>} : memref<96xf32, #tpu.memory_space<vmem>>, vector<16xf32>,
    %get3A_1354 = arith.constant 560 : index
    %get3A_1355 = tpu.vector_load %arg8[%get3A_1354] {strides = array<i32>} : memref<864xf32, #tpu.memory_space<vmem>>, vector<16xf32>,
    %reduce_sum3A_1356 = arith.constant true
    %reduce_sum3A_1357 = vector.broadcast %reduce_sum3A_1356 : i1 to vector<16xi1>
    %reduce_sum3A_1358 = tpu.scan <sum>, %get3A_1355 masked %reduce_sum3A_1357 : vector<16xf32>, vector<16xi1> -> vector<16xf32>
    %reduce_sum3A_1359 = vector.extract %reduce_sum3A_1358[15] : f32 from vector<16xf32>
    %broadcast_in_dim3A_1360 = vector.broadcast %reduce_sum3A_1359 : f32 to vector<16xf32>
    %max3A_1361 = arith.constant 1.000000e+00 : f32
    %max3A_1362 = vector.broadcast %max3A_1361 : f32 to vector<16xf32>
    %max3A_1363 = arith.maximumf %broadcast_in_dim3A_1360, %max3A_1362 : vector<16xf32>
    %gt3A_1364 = arith.constant 1.500000e+00 : f32
    %gt3A_1365 = vector.broadcast %gt3A_1364 : f32 to vector<16xf32>
    %gt3A_1366 = arith.cmpf ogt, %broadcast_in_dim3A_1360, %gt3A_1365 : vector<16xf32>
    %jit3A_1367 = arith.constant 1.000000e+00 : f32
    %jit3A_1368 = arith.constant 0.000000e+00 : f32
    %broadcast_in_dim3A_1369 = vector.broadcast %jit3A_1367 : f32 to vector<16xf32>
    %broadcast_in_dim3A_1370 = vector.broadcast %jit3A_1368 : f32 to vector<16xf32>
    %select_n3A_1371 = arith.select %gt3A_1366, %broadcast_in_dim3A_1369, %broadcast_in_dim3A_1370 : vector<16xi1>, vector<16xf32>
    %eq3A_1372 = arith.constant 3 : i32
    %eq3A_1373 = vector.broadcast %eq3A_1372 : i32 to vector<16xi32>
    %eq3A_1374 = arith.cmpi eq, %iota3A, %eq3A_1373 : vector<16xi32>
    %select_n3A_1375 = arith.select %eq3A_1374, %select_n3A_1371, %select_n3A_1260 : vector<16xi1>, vector<16xf32>
    %mul3A_1376 = arith.mulf %select_n3A_1371, %broadcast_in_dim3A_1360 : vector<16xf32>
    %add3A_1377 = arith.addf %add3A_1262, %mul3A_1376 : vector<16xf32>
    %eq3A_1378 = arith.constant 0 : i32
    %eq3A_1379 = vector.broadcast %eq3A_1378 : i32 to vector<16xi32>
    %eq3A_1380 = arith.cmpi eq, %iota3A, %eq3A_1379 : vector<16xi32>
    %get3A_1381 = arith.constant 432 : index
    %get3A_1382 = tpu.vector_load %arg8[%get3A_1381] {strides = array<i32>} : memref<864xf32, #tpu.memory_space<vmem>>, vector<16xf32>,
    %reduce_sum3A_1383 = arith.constant true
    %reduce_sum3A_1384 = vector.broadcast %reduce_sum3A_1383 : i1 to vector<16xi1>
    %reduce_sum3A_1385 = tpu.scan <sum>, %get3A_1382 masked %reduce_sum3A_1384 : vector<16xf32>, vector<16xi1> -> vector<16xf32>
    %reduce_sum3A_1386 = vector.extract %reduce_sum3A_1385[15] : f32 from vector<16xf32>
    %broadcast_in_dim3A_1387 = vector.broadcast %reduce_sum3A_1386 : f32 to vector<16xf32>
    %select_n3A_1388 = arith.select %eq3A_1380, %broadcast_in_dim3A_1387, %broadcast_in_dim3A_36 : vector<16xi1>, vector<16xf32>
    %eq3A_1389 = arith.constant 1 : i32
    %eq3A_1390 = vector.broadcast %eq3A_1389 : i32 to vector<16xi32>
    %eq3A_1391 = arith.cmpi eq, %iota3A, %eq3A_1390 : vector<16xi32>
    %get3A_1392 = arith.constant 448 : index
    %get3A_1393 = tpu.vector_load %arg8[%get3A_1392] {strides = array<i32>} : memref<864xf32, #tpu.memory_space<vmem>>, vector<16xf32>,
    %reduce_sum3A_1394 = arith.constant true
    %reduce_sum3A_1395 = vector.broadcast %reduce_sum3A_1394 : i1 to vector<16xi1>
    %reduce_sum3A_1396 = tpu.scan <sum>, %get3A_1393 masked %reduce_sum3A_1395 : vector<16xf32>, vector<16xi1> -> vector<16xf32>
    %reduce_sum3A_1397 = vector.extract %reduce_sum3A_1396[15] : f32 from vector<16xf32>
    %broadcast_in_dim3A_1398 = vector.broadcast %reduce_sum3A_1397 : f32 to vector<16xf32>
    %select_n3A_1399 = arith.select %eq3A_1391, %broadcast_in_dim3A_1398, %select_n3A_1388 : vector<16xi1>, vector<16xf32>
    %eq3A_1400 = arith.constant 2 : i32
    %eq3A_1401 = vector.broadcast %eq3A_1400 : i32 to vector<16xi32>
    %eq3A_1402 = arith.cmpi eq, %iota3A, %eq3A_1401 : vector<16xi32>
    %get3A_1403 = arith.constant 464 : index
    %get3A_1404 = tpu.vector_load %arg8[%get3A_1403] {strides = array<i32>} : memref<864xf32, #tpu.memory_space<vmem>>, vector<16xf32>,
    %reduce_sum3A_1405 = arith.constant true
    %reduce_sum3A_1406 = vector.broadcast %reduce_sum3A_1405 : i1 to vector<16xi1>
    %reduce_sum3A_1407 = tpu.scan <sum>, %get3A_1404 masked %reduce_sum3A_1406 : vector<16xf32>, vector<16xi1> -> vector<16xf32>
    %reduce_sum3A_1408 = vector.extract %reduce_sum3A_1407[15] : f32 from vector<16xf32>
    %broadcast_in_dim3A_1409 = vector.broadcast %reduce_sum3A_1408 : f32 to vector<16xf32>
    %select_n3A_1410 = arith.select %eq3A_1402, %broadcast_in_dim3A_1409, %select_n3A_1399 : vector<16xi1>, vector<16xf32>
    %eq3A_1411 = arith.constant 3 : i32
    %eq3A_1412 = vector.broadcast %eq3A_1411 : i32 to vector<16xi32>
    %eq3A_1413 = arith.cmpi eq, %iota3A, %eq3A_1412 : vector<16xi32>
    %get3A_1414 = arith.constant 480 : index
    %get3A_1415 = tpu.vector_load %arg8[%get3A_1414] {strides = array<i32>} : memref<864xf32, #tpu.memory_space<vmem>>, vector<16xf32>,
    %reduce_sum3A_1416 = arith.constant true
    %reduce_sum3A_1417 = vector.broadcast %reduce_sum3A_1416 : i1 to vector<16xi1>
    %reduce_sum3A_1418 = tpu.scan <sum>, %get3A_1415 masked %reduce_sum3A_1417 : vector<16xf32>, vector<16xi1> -> vector<16xf32>
    %reduce_sum3A_1419 = vector.extract %reduce_sum3A_1418[15] : f32 from vector<16xf32>
    %broadcast_in_dim3A_1420 = vector.broadcast %reduce_sum3A_1419 : f32 to vector<16xf32>
    %select_n3A_1421 = arith.select %eq3A_1413, %broadcast_in_dim3A_1420, %select_n3A_1410 : vector<16xi1>, vector<16xf32>
    %eq3A_1422 = arith.constant 4 : i32
    %eq3A_1423 = vector.broadcast %eq3A_1422 : i32 to vector<16xi32>
    %eq3A_1424 = arith.cmpi eq, %iota3A, %eq3A_1423 : vector<16xi32>
    %get3A_1425 = arith.constant 496 : index
    %get3A_1426 = tpu.vector_load %arg8[%get3A_1425] {strides = array<i32>} : memref<864xf32, #tpu.memory_space<vmem>>, vector<16xf32>,
    %reduce_sum3A_1427 = arith.constant true
    %reduce_sum3A_1428 = vector.broadcast %reduce_sum3A_1427 : i1 to vector<16xi1>
    %reduce_sum3A_1429 = tpu.scan <sum>, %get3A_1426 masked %reduce_sum3A_1428 : vector<16xf32>, vector<16xi1> -> vector<16xf32>
    %reduce_sum3A_1430 = vector.extract %reduce_sum3A_1429[15] : f32 from vector<16xf32>
    %broadcast_in_dim3A_1431 = vector.broadcast %reduce_sum3A_1430 : f32 to vector<16xf32>
    %select_n3A_1432 = arith.select %eq3A_1424, %broadcast_in_dim3A_1431, %select_n3A_1421 : vector<16xi1>, vector<16xf32>
    %eq3A_1433 = arith.constant 5 : i32
    %eq3A_1434 = vector.broadcast %eq3A_1433 : i32 to vector<16xi32>
    %eq3A_1435 = arith.cmpi eq, %iota3A, %eq3A_1434 : vector<16xi32>
    %get3A_1436 = arith.constant 512 : index
    %get3A_1437 = tpu.vector_load %arg8[%get3A_1436] {strides = array<i32>} : memref<864xf32, #tpu.memory_space<vmem>>, vector<16xf32>,
    %reduce_sum3A_1438 = arith.constant true
    %reduce_sum3A_1439 = vector.broadcast %reduce_sum3A_1438 : i1 to vector<16xi1>
    %reduce_sum3A_1440 = tpu.scan <sum>, %get3A_1437 masked %reduce_sum3A_1439 : vector<16xf32>, vector<16xi1> -> vector<16xf32>
    %reduce_sum3A_1441 = vector.extract %reduce_sum3A_1440[15] : f32 from vector<16xf32>
    %broadcast_in_dim3A_1442 = vector.broadcast %reduce_sum3A_1441 : f32 to vector<16xf32>
    %select_n3A_1443 = arith.select %eq3A_1435, %broadcast_in_dim3A_1442, %select_n3A_1432 : vector<16xi1>, vector<16xf32>
    %eq3A_1444 = arith.constant 6 : i32
    %eq3A_1445 = vector.broadcast %eq3A_1444 : i32 to vector<16xi32>
    %eq3A_1446 = arith.cmpi eq, %iota3A, %eq3A_1445 : vector<16xi32>
    %get3A_1447 = arith.constant 528 : index
    %get3A_1448 = tpu.vector_load %arg8[%get3A_1447] {strides = array<i32>} : memref<864xf32, #tpu.memory_space<vmem>>, vector<16xf32>,
    %reduce_sum3A_1449 = arith.constant true
    %reduce_sum3A_1450 = vector.broadcast %reduce_sum3A_1449 : i1 to vector<16xi1>
    %reduce_sum3A_1451 = tpu.scan <sum>, %get3A_1448 masked %reduce_sum3A_1450 : vector<16xf32>, vector<16xi1> -> vector<16xf32>
    %reduce_sum3A_1452 = vector.extract %reduce_sum3A_1451[15] : f32 from vector<16xf32>
    %broadcast_in_dim3A_1453 = vector.broadcast %reduce_sum3A_1452 : f32 to vector<16xf32>
    %select_n3A_1454 = arith.select %eq3A_1446, %broadcast_in_dim3A_1453, %select_n3A_1443 : vector<16xi1>, vector<16xf32>
    %eq3A_1455 = arith.constant 7 : i32
    %eq3A_1456 = vector.broadcast %eq3A_1455 : i32 to vector<16xi32>
    %eq3A_1457 = arith.cmpi eq, %iota3A, %eq3A_1456 : vector<16xi32>
    %get3A_1458 = arith.constant 544 : index
    %get3A_1459 = tpu.vector_load %arg8[%get3A_1458] {strides = array<i32>} : memref<864xf32, #tpu.memory_space<vmem>>, vector<16xf32>,
    %reduce_sum3A_1460 = arith.constant true
    %reduce_sum3A_1461 = vector.broadcast %reduce_sum3A_1460 : i1 to vector<16xi1>
    %reduce_sum3A_1462 = tpu.scan <sum>, %get3A_1459 masked %reduce_sum3A_1461 : vector<16xf32>, vector<16xi1> -> vector<16xf32>
    %reduce_sum3A_1463 = vector.extract %reduce_sum3A_1462[15] : f32 from vector<16xf32>
    %broadcast_in_dim3A_1464 = vector.broadcast %reduce_sum3A_1463 : f32 to vector<16xf32>
    %select_n3A_1465 = arith.select %eq3A_1457, %broadcast_in_dim3A_1464, %select_n3A_1454 : vector<16xi1>, vector<16xf32>
    %div3A_1466 = arith.divf %select_n3A_1465, %max3A_1363 : vector<16xf32>
    %swap3A_1467 = arith.constant 48 : index
    %swap3A_1468 = tpu.vector_load %arg10[%swap3A_1467] {strides = array<i32>} : memref<96xf32, #tpu.memory_space<vmem>>, vector<16xf32>,
    tpu.vector_store %arg10[%swap3A_1467], %div3A_1466 {strides = array<i32>} : memref<96xf32, #tpu.memory_space<vmem>>, vector<16xf32>,
    %get3A_1469 = arith.constant 704 : index
    %get3A_1470 = tpu.vector_load %arg8[%get3A_1469] {strides = array<i32>} : memref<864xf32, #tpu.memory_space<vmem>>, vector<16xf32>,
    %reduce_sum3A_1471 = arith.constant true
    %reduce_sum3A_1472 = vector.broadcast %reduce_sum3A_1471 : i1 to vector<16xi1>
    %reduce_sum3A_1473 = tpu.scan <sum>, %get3A_1470 masked %reduce_sum3A_1472 : vector<16xf32>, vector<16xi1> -> vector<16xf32>
    %reduce_sum3A_1474 = vector.extract %reduce_sum3A_1473[15] : f32 from vector<16xf32>
    %broadcast_in_dim3A_1475 = vector.broadcast %reduce_sum3A_1474 : f32 to vector<16xf32>
    %max3A_1476 = arith.constant 1.000000e+00 : f32
    %max3A_1477 = vector.broadcast %max3A_1476 : f32 to vector<16xf32>
    %max3A_1478 = arith.maximumf %broadcast_in_dim3A_1475, %max3A_1477 : vector<16xf32>
    %gt3A_1479 = arith.constant 1.500000e+00 : f32
    %gt3A_1480 = vector.broadcast %gt3A_1479 : f32 to vector<16xf32>
    %gt3A_1481 = arith.cmpf ogt, %broadcast_in_dim3A_1475, %gt3A_1480 : vector<16xf32>
    %jit3A_1482 = arith.constant 1.000000e+00 : f32
    %jit3A_1483 = arith.constant 0.000000e+00 : f32
    %broadcast_in_dim3A_1484 = vector.broadcast %jit3A_1482 : f32 to vector<16xf32>
    %broadcast_in_dim3A_1485 = vector.broadcast %jit3A_1483 : f32 to vector<16xf32>
    %select_n3A_1486 = arith.select %gt3A_1481, %broadcast_in_dim3A_1484, %broadcast_in_dim3A_1485 : vector<16xi1>, vector<16xf32>
    %eq3A_1487 = arith.constant 4 : i32
    %eq3A_1488 = vector.broadcast %eq3A_1487 : i32 to vector<16xi32>
    %eq3A_1489 = arith.cmpi eq, %iota3A, %eq3A_1488 : vector<16xi32>
    %select_n3A_1490 = arith.select %eq3A_1489, %select_n3A_1486, %select_n3A_1375 : vector<16xi1>, vector<16xf32>
    %mul3A_1491 = arith.mulf %select_n3A_1486, %broadcast_in_dim3A_1475 : vector<16xf32>
    %add3A_1492 = arith.addf %add3A_1377, %mul3A_1491 : vector<16xf32>
    %eq3A_1493 = arith.constant 0 : i32
    %eq3A_1494 = vector.broadcast %eq3A_1493 : i32 to vector<16xi32>
    %eq3A_1495 = arith.cmpi eq, %iota3A, %eq3A_1494 : vector<16xi32>
    %get3A_1496 = arith.constant 576 : index
    %get3A_1497 = tpu.vector_load %arg8[%get3A_1496] {strides = array<i32>} : memref<864xf32, #tpu.memory_space<vmem>>, vector<16xf32>,
    %reduce_sum3A_1498 = arith.constant true
    %reduce_sum3A_1499 = vector.broadcast %reduce_sum3A_1498 : i1 to vector<16xi1>
    %reduce_sum3A_1500 = tpu.scan <sum>, %get3A_1497 masked %reduce_sum3A_1499 : vector<16xf32>, vector<16xi1> -> vector<16xf32>
    %reduce_sum3A_1501 = vector.extract %reduce_sum3A_1500[15] : f32 from vector<16xf32>
    %broadcast_in_dim3A_1502 = vector.broadcast %reduce_sum3A_1501 : f32 to vector<16xf32>
    %select_n3A_1503 = arith.select %eq3A_1495, %broadcast_in_dim3A_1502, %broadcast_in_dim3A_36 : vector<16xi1>, vector<16xf32>
    %eq3A_1504 = arith.constant 1 : i32
    %eq3A_1505 = vector.broadcast %eq3A_1504 : i32 to vector<16xi32>
    %eq3A_1506 = arith.cmpi eq, %iota3A, %eq3A_1505 : vector<16xi32>
    %get3A_1507 = arith.constant 592 : index
    %get3A_1508 = tpu.vector_load %arg8[%get3A_1507] {strides = array<i32>} : memref<864xf32, #tpu.memory_space<vmem>>, vector<16xf32>,
    %reduce_sum3A_1509 = arith.constant true
    %reduce_sum3A_1510 = vector.broadcast %reduce_sum3A_1509 : i1 to vector<16xi1>
    %reduce_sum3A_1511 = tpu.scan <sum>, %get3A_1508 masked %reduce_sum3A_1510 : vector<16xf32>, vector<16xi1> -> vector<16xf32>
    %reduce_sum3A_1512 = vector.extract %reduce_sum3A_1511[15] : f32 from vector<16xf32>
    %broadcast_in_dim3A_1513 = vector.broadcast %reduce_sum3A_1512 : f32 to vector<16xf32>
    %select_n3A_1514 = arith.select %eq3A_1506, %broadcast_in_dim3A_1513, %select_n3A_1503 : vector<16xi1>, vector<16xf32>
    %eq3A_1515 = arith.constant 2 : i32
    %eq3A_1516 = vector.broadcast %eq3A_1515 : i32 to vector<16xi32>
    %eq3A_1517 = arith.cmpi eq, %iota3A, %eq3A_1516 : vector<16xi32>
    %get3A_1518 = arith.constant 608 : index
    %get3A_1519 = tpu.vector_load %arg8[%get3A_1518] {strides = array<i32>} : memref<864xf32, #tpu.memory_space<vmem>>, vector<16xf32>,
    %reduce_sum3A_1520 = arith.constant true
    %reduce_sum3A_1521 = vector.broadcast %reduce_sum3A_1520 : i1 to vector<16xi1>
    %reduce_sum3A_1522 = tpu.scan <sum>, %get3A_1519 masked %reduce_sum3A_1521 : vector<16xf32>, vector<16xi1> -> vector<16xf32>
    %reduce_sum3A_1523 = vector.extract %reduce_sum3A_1522[15] : f32 from vector<16xf32>
    %broadcast_in_dim3A_1524 = vector.broadcast %reduce_sum3A_1523 : f32 to vector<16xf32>
    %select_n3A_1525 = arith.select %eq3A_1517, %broadcast_in_dim3A_1524, %select_n3A_1514 : vector<16xi1>, vector<16xf32>
    %eq3A_1526 = arith.constant 3 : i32
    %eq3A_1527 = vector.broadcast %eq3A_1526 : i32 to vector<16xi32>
    %eq3A_1528 = arith.cmpi eq, %iota3A, %eq3A_1527 : vector<16xi32>
    %get3A_1529 = arith.constant 624 : index
    %get3A_1530 = tpu.vector_load %arg8[%get3A_1529] {strides = array<i32>} : memref<864xf32, #tpu.memory_space<vmem>>, vector<16xf32>,
    %reduce_sum3A_1531 = arith.constant true
    %reduce_sum3A_1532 = vector.broadcast %reduce_sum3A_1531 : i1 to vector<16xi1>
    %reduce_sum3A_1533 = tpu.scan <sum>, %get3A_1530 masked %reduce_sum3A_1532 : vector<16xf32>, vector<16xi1> -> vector<16xf32>
    %reduce_sum3A_1534 = vector.extract %reduce_sum3A_1533[15] : f32 from vector<16xf32>
    %broadcast_in_dim3A_1535 = vector.broadcast %reduce_sum3A_1534 : f32 to vector<16xf32>
    %select_n3A_1536 = arith.select %eq3A_1528, %broadcast_in_dim3A_1535, %select_n3A_1525 : vector<16xi1>, vector<16xf32>
    %eq3A_1537 = arith.constant 4 : i32
    %eq3A_1538 = vector.broadcast %eq3A_1537 : i32 to vector<16xi32>
    %eq3A_1539 = arith.cmpi eq, %iota3A, %eq3A_1538 : vector<16xi32>
    %get3A_1540 = arith.constant 640 : index
    %get3A_1541 = tpu.vector_load %arg8[%get3A_1540] {strides = array<i32>} : memref<864xf32, #tpu.memory_space<vmem>>, vector<16xf32>,
    %reduce_sum3A_1542 = arith.constant true
    %reduce_sum3A_1543 = vector.broadcast %reduce_sum3A_1542 : i1 to vector<16xi1>
    %reduce_sum3A_1544 = tpu.scan <sum>, %get3A_1541 masked %reduce_sum3A_1543 : vector<16xf32>, vector<16xi1> -> vector<16xf32>
    %reduce_sum3A_1545 = vector.extract %reduce_sum3A_1544[15] : f32 from vector<16xf32>
    %broadcast_in_dim3A_1546 = vector.broadcast %reduce_sum3A_1545 : f32 to vector<16xf32>
    %select_n3A_1547 = arith.select %eq3A_1539, %broadcast_in_dim3A_1546, %select_n3A_1536 : vector<16xi1>, vector<16xf32>
    %eq3A_1548 = arith.constant 5 : i32
    %eq3A_1549 = vector.broadcast %eq3A_1548 : i32 to vector<16xi32>
    %eq3A_1550 = arith.cmpi eq, %iota3A, %eq3A_1549 : vector<16xi32>
    %get3A_1551 = arith.constant 656 : index
    %get3A_1552 = tpu.vector_load %arg8[%get3A_1551] {strides = array<i32>} : memref<864xf32, #tpu.memory_space<vmem>>, vector<16xf32>,
    %reduce_sum3A_1553 = arith.constant true
    %reduce_sum3A_1554 = vector.broadcast %reduce_sum3A_1553 : i1 to vector<16xi1>
    %reduce_sum3A_1555 = tpu.scan <sum>, %get3A_1552 masked %reduce_sum3A_1554 : vector<16xf32>, vector<16xi1> -> vector<16xf32>
    %reduce_sum3A_1556 = vector.extract %reduce_sum3A_1555[15] : f32 from vector<16xf32>
    %broadcast_in_dim3A_1557 = vector.broadcast %reduce_sum3A_1556 : f32 to vector<16xf32>
    %select_n3A_1558 = arith.select %eq3A_1550, %broadcast_in_dim3A_1557, %select_n3A_1547 : vector<16xi1>, vector<16xf32>
    %eq3A_1559 = arith.constant 6 : i32
    %eq3A_1560 = vector.broadcast %eq3A_1559 : i32 to vector<16xi32>
    %eq3A_1561 = arith.cmpi eq, %iota3A, %eq3A_1560 : vector<16xi32>
    %get3A_1562 = arith.constant 672 : index
    %get3A_1563 = tpu.vector_load %arg8[%get3A_1562] {strides = array<i32>} : memref<864xf32, #tpu.memory_space<vmem>>, vector<16xf32>,
    %reduce_sum3A_1564 = arith.constant true
    %reduce_sum3A_1565 = vector.broadcast %reduce_sum3A_1564 : i1 to vector<16xi1>
    %reduce_sum3A_1566 = tpu.scan <sum>, %get3A_1563 masked %reduce_sum3A_1565 : vector<16xf32>, vector<16xi1> -> vector<16xf32>
    %reduce_sum3A_1567 = vector.extract %reduce_sum3A_1566[15] : f32 from vector<16xf32>
    %broadcast_in_dim3A_1568 = vector.broadcast %reduce_sum3A_1567 : f32 to vector<16xf32>
    %select_n3A_1569 = arith.select %eq3A_1561, %broadcast_in_dim3A_1568, %select_n3A_1558 : vector<16xi1>, vector<16xf32>
    %eq3A_1570 = arith.constant 7 : i32
    %eq3A_1571 = vector.broadcast %eq3A_1570 : i32 to vector<16xi32>
    %eq3A_1572 = arith.cmpi eq, %iota3A, %eq3A_1571 : vector<16xi32>
    %get3A_1573 = arith.constant 688 : index
    %get3A_1574 = tpu.vector_load %arg8[%get3A_1573] {strides = array<i32>} : memref<864xf32, #tpu.memory_space<vmem>>, vector<16xf32>,
    %reduce_sum3A_1575 = arith.constant true
    %reduce_sum3A_1576 = vector.broadcast %reduce_sum3A_1575 : i1 to vector<16xi1>
    %reduce_sum3A_1577 = tpu.scan <sum>, %get3A_1574 masked %reduce_sum3A_1576 : vector<16xf32>, vector<16xi1> -> vector<16xf32>
    %reduce_sum3A_1578 = vector.extract %reduce_sum3A_1577[15] : f32 from vector<16xf32>
    %broadcast_in_dim3A_1579 = vector.broadcast %reduce_sum3A_1578 : f32 to vector<16xf32>
    %select_n3A_1580 = arith.select %eq3A_1572, %broadcast_in_dim3A_1579, %select_n3A_1569 : vector<16xi1>, vector<16xf32>
    %div3A_1581 = arith.divf %select_n3A_1580, %max3A_1478 : vector<16xf32>
    %swap3A_1582 = arith.constant 64 : index
    %swap3A_1583 = tpu.vector_load %arg10[%swap3A_1582] {strides = array<i32>} : memref<96xf32, #tpu.memory_space<vmem>>, vector<16xf32>,
    tpu.vector_store %arg10[%swap3A_1582], %div3A_1581 {strides = array<i32>} : memref<96xf32, #tpu.memory_space<vmem>>, vector<16xf32>,
    %get3A_1584 = arith.constant 848 : index
    %get3A_1585 = tpu.vector_load %arg8[%get3A_1584] {strides = array<i32>} : memref<864xf32, #tpu.memory_space<vmem>>, vector<16xf32>,
    %reduce_sum3A_1586 = arith.constant true
    %reduce_sum3A_1587 = vector.broadcast %reduce_sum3A_1586 : i1 to vector<16xi1>
    %reduce_sum3A_1588 = tpu.scan <sum>, %get3A_1585 masked %reduce_sum3A_1587 : vector<16xf32>, vector<16xi1> -> vector<16xf32>
    %reduce_sum3A_1589 = vector.extract %reduce_sum3A_1588[15] : f32 from vector<16xf32>
    %broadcast_in_dim3A_1590 = vector.broadcast %reduce_sum3A_1589 : f32 to vector<16xf32>
    %max3A_1591 = arith.constant 1.000000e+00 : f32
    %max3A_1592 = vector.broadcast %max3A_1591 : f32 to vector<16xf32>
    %max3A_1593 = arith.maximumf %broadcast_in_dim3A_1590, %max3A_1592 : vector<16xf32>
    %gt3A_1594 = arith.constant 1.500000e+00 : f32
    %gt3A_1595 = vector.broadcast %gt3A_1594 : f32 to vector<16xf32>
    %gt3A_1596 = arith.cmpf ogt, %broadcast_in_dim3A_1590, %gt3A_1595 : vector<16xf32>
    %jit3A_1597 = arith.constant 1.000000e+00 : f32
    %jit3A_1598 = arith.constant 0.000000e+00 : f32
    %broadcast_in_dim3A_1599 = vector.broadcast %jit3A_1597 : f32 to vector<16xf32>
    %broadcast_in_dim3A_1600 = vector.broadcast %jit3A_1598 : f32 to vector<16xf32>
    %select_n3A_1601 = arith.select %gt3A_1596, %broadcast_in_dim3A_1599, %broadcast_in_dim3A_1600 : vector<16xi1>, vector<16xf32>
    %eq3A_1602 = arith.constant 5 : i32
    %eq3A_1603 = vector.broadcast %eq3A_1602 : i32 to vector<16xi32>
    %eq3A_1604 = arith.cmpi eq, %iota3A, %eq3A_1603 : vector<16xi32>
    %select_n3A_1605 = arith.select %eq3A_1604, %select_n3A_1601, %select_n3A_1490 : vector<16xi1>, vector<16xf32>
    %mul3A_1606 = arith.mulf %select_n3A_1601, %broadcast_in_dim3A_1590 : vector<16xf32>
    %add3A_1607 = arith.addf %add3A_1492, %mul3A_1606 : vector<16xf32>
    %eq3A_1608 = arith.constant 0 : i32
    %eq3A_1609 = vector.broadcast %eq3A_1608 : i32 to vector<16xi32>
    %eq3A_1610 = arith.cmpi eq, %iota3A, %eq3A_1609 : vector<16xi32>
    %get3A_1611 = arith.constant 720 : index
    %get3A_1612 = tpu.vector_load %arg8[%get3A_1611] {strides = array<i32>} : memref<864xf32, #tpu.memory_space<vmem>>, vector<16xf32>,
    %reduce_sum3A_1613 = arith.constant true
    %reduce_sum3A_1614 = vector.broadcast %reduce_sum3A_1613 : i1 to vector<16xi1>
    %reduce_sum3A_1615 = tpu.scan <sum>, %get3A_1612 masked %reduce_sum3A_1614 : vector<16xf32>, vector<16xi1> -> vector<16xf32>
    %reduce_sum3A_1616 = vector.extract %reduce_sum3A_1615[15] : f32 from vector<16xf32>
    %broadcast_in_dim3A_1617 = vector.broadcast %reduce_sum3A_1616 : f32 to vector<16xf32>
    %select_n3A_1618 = arith.select %eq3A_1610, %broadcast_in_dim3A_1617, %broadcast_in_dim3A_36 : vector<16xi1>, vector<16xf32>
    %eq3A_1619 = arith.constant 1 : i32
    %eq3A_1620 = vector.broadcast %eq3A_1619 : i32 to vector<16xi32>
    %eq3A_1621 = arith.cmpi eq, %iota3A, %eq3A_1620 : vector<16xi32>
    %get3A_1622 = arith.constant 736 : index
    %get3A_1623 = tpu.vector_load %arg8[%get3A_1622] {strides = array<i32>} : memref<864xf32, #tpu.memory_space<vmem>>, vector<16xf32>,
    %reduce_sum3A_1624 = arith.constant true
    %reduce_sum3A_1625 = vector.broadcast %reduce_sum3A_1624 : i1 to vector<16xi1>
    %reduce_sum3A_1626 = tpu.scan <sum>, %get3A_1623 masked %reduce_sum3A_1625 : vector<16xf32>, vector<16xi1> -> vector<16xf32>
    %reduce_sum3A_1627 = vector.extract %reduce_sum3A_1626[15] : f32 from vector<16xf32>
    %broadcast_in_dim3A_1628 = vector.broadcast %reduce_sum3A_1627 : f32 to vector<16xf32>
    %select_n3A_1629 = arith.select %eq3A_1621, %broadcast_in_dim3A_1628, %select_n3A_1618 : vector<16xi1>, vector<16xf32>
    %eq3A_1630 = arith.constant 2 : i32
    %eq3A_1631 = vector.broadcast %eq3A_1630 : i32 to vector<16xi32>
    %eq3A_1632 = arith.cmpi eq, %iota3A, %eq3A_1631 : vector<16xi32>
    %get3A_1633 = arith.constant 752 : index
    %get3A_1634 = tpu.vector_load %arg8[%get3A_1633] {strides = array<i32>} : memref<864xf32, #tpu.memory_space<vmem>>, vector<16xf32>,
    %reduce_sum3A_1635 = arith.constant true
    %reduce_sum3A_1636 = vector.broadcast %reduce_sum3A_1635 : i1 to vector<16xi1>
    %reduce_sum3A_1637 = tpu.scan <sum>, %get3A_1634 masked %reduce_sum3A_1636 : vector<16xf32>, vector<16xi1> -> vector<16xf32>
    %reduce_sum3A_1638 = vector.extract %reduce_sum3A_1637[15] : f32 from vector<16xf32>
    %broadcast_in_dim3A_1639 = vector.broadcast %reduce_sum3A_1638 : f32 to vector<16xf32>
    %select_n3A_1640 = arith.select %eq3A_1632, %broadcast_in_dim3A_1639, %select_n3A_1629 : vector<16xi1>, vector<16xf32>
    %eq3A_1641 = arith.constant 3 : i32
    %eq3A_1642 = vector.broadcast %eq3A_1641 : i32 to vector<16xi32>
    %eq3A_1643 = arith.cmpi eq, %iota3A, %eq3A_1642 : vector<16xi32>
    %get3A_1644 = arith.constant 768 : index
    %get3A_1645 = tpu.vector_load %arg8[%get3A_1644] {strides = array<i32>} : memref<864xf32, #tpu.memory_space<vmem>>, vector<16xf32>,
    %reduce_sum3A_1646 = arith.constant true
    %reduce_sum3A_1647 = vector.broadcast %reduce_sum3A_1646 : i1 to vector<16xi1>
    %reduce_sum3A_1648 = tpu.scan <sum>, %get3A_1645 masked %reduce_sum3A_1647 : vector<16xf32>, vector<16xi1> -> vector<16xf32>
    %reduce_sum3A_1649 = vector.extract %reduce_sum3A_1648[15] : f32 from vector<16xf32>
    %broadcast_in_dim3A_1650 = vector.broadcast %reduce_sum3A_1649 : f32 to vector<16xf32>
    %select_n3A_1651 = arith.select %eq3A_1643, %broadcast_in_dim3A_1650, %select_n3A_1640 : vector<16xi1>, vector<16xf32>
    %eq3A_1652 = arith.constant 4 : i32
    %eq3A_1653 = vector.broadcast %eq3A_1652 : i32 to vector<16xi32>
    %eq3A_1654 = arith.cmpi eq, %iota3A, %eq3A_1653 : vector<16xi32>
    %get3A_1655 = arith.constant 784 : index
    %get3A_1656 = tpu.vector_load %arg8[%get3A_1655] {strides = array<i32>} : memref<864xf32, #tpu.memory_space<vmem>>, vector<16xf32>,
    %reduce_sum3A_1657 = arith.constant true
    %reduce_sum3A_1658 = vector.broadcast %reduce_sum3A_1657 : i1 to vector<16xi1>
    %reduce_sum3A_1659 = tpu.scan <sum>, %get3A_1656 masked %reduce_sum3A_1658 : vector<16xf32>, vector<16xi1> -> vector<16xf32>
    %reduce_sum3A_1660 = vector.extract %reduce_sum3A_1659[15] : f32 from vector<16xf32>
    %broadcast_in_dim3A_1661 = vector.broadcast %reduce_sum3A_1660 : f32 to vector<16xf32>
    %select_n3A_1662 = arith.select %eq3A_1654, %broadcast_in_dim3A_1661, %select_n3A_1651 : vector<16xi1>, vector<16xf32>
    %eq3A_1663 = arith.constant 5 : i32
    %eq3A_1664 = vector.broadcast %eq3A_1663 : i32 to vector<16xi32>
    %eq3A_1665 = arith.cmpi eq, %iota3A, %eq3A_1664 : vector<16xi32>
    %get3A_1666 = arith.constant 800 : index
    %get3A_1667 = tpu.vector_load %arg8[%get3A_1666] {strides = array<i32>} : memref<864xf32, #tpu.memory_space<vmem>>, vector<16xf32>,
    %reduce_sum3A_1668 = arith.constant true
    %reduce_sum3A_1669 = vector.broadcast %reduce_sum3A_1668 : i1 to vector<16xi1>
    %reduce_sum3A_1670 = tpu.scan <sum>, %get3A_1667 masked %reduce_sum3A_1669 : vector<16xf32>, vector<16xi1> -> vector<16xf32>
    %reduce_sum3A_1671 = vector.extract %reduce_sum3A_1670[15] : f32 from vector<16xf32>
    %broadcast_in_dim3A_1672 = vector.broadcast %reduce_sum3A_1671 : f32 to vector<16xf32>
    %select_n3A_1673 = arith.select %eq3A_1665, %broadcast_in_dim3A_1672, %select_n3A_1662 : vector<16xi1>, vector<16xf32>
    %eq3A_1674 = arith.constant 6 : i32
    %eq3A_1675 = vector.broadcast %eq3A_1674 : i32 to vector<16xi32>
    %eq3A_1676 = arith.cmpi eq, %iota3A, %eq3A_1675 : vector<16xi32>
    %get3A_1677 = arith.constant 816 : index
    %get3A_1678 = tpu.vector_load %arg8[%get3A_1677] {strides = array<i32>} : memref<864xf32, #tpu.memory_space<vmem>>, vector<16xf32>,
    %reduce_sum3A_1679 = arith.constant true
    %reduce_sum3A_1680 = vector.broadcast %reduce_sum3A_1679 : i1 to vector<16xi1>
    %reduce_sum3A_1681 = tpu.scan <sum>, %get3A_1678 masked %reduce_sum3A_1680 : vector<16xf32>, vector<16xi1> -> vector<16xf32>
    %reduce_sum3A_1682 = vector.extract %reduce_sum3A_1681[15] : f32 from vector<16xf32>
    %broadcast_in_dim3A_1683 = vector.broadcast %reduce_sum3A_1682 : f32 to vector<16xf32>
    %select_n3A_1684 = arith.select %eq3A_1676, %broadcast_in_dim3A_1683, %select_n3A_1673 : vector<16xi1>, vector<16xf32>
    %eq3A_1685 = arith.constant 7 : i32
    %eq3A_1686 = vector.broadcast %eq3A_1685 : i32 to vector<16xi32>
    %eq3A_1687 = arith.cmpi eq, %iota3A, %eq3A_1686 : vector<16xi32>
    %get3A_1688 = arith.constant 832 : index
    %get3A_1689 = tpu.vector_load %arg8[%get3A_1688] {strides = array<i32>} : memref<864xf32, #tpu.memory_space<vmem>>, vector<16xf32>,
    %reduce_sum3A_1690 = arith.constant true
    %reduce_sum3A_1691 = vector.broadcast %reduce_sum3A_1690 : i1 to vector<16xi1>
    %reduce_sum3A_1692 = tpu.scan <sum>, %get3A_1689 masked %reduce_sum3A_1691 : vector<16xf32>, vector<16xi1> -> vector<16xf32>
    %reduce_sum3A_1693 = vector.extract %reduce_sum3A_1692[15] : f32 from vector<16xf32>
    %broadcast_in_dim3A_1694 = vector.broadcast %reduce_sum3A_1693 : f32 to vector<16xf32>
    %select_n3A_1695 = arith.select %eq3A_1687, %broadcast_in_dim3A_1694, %select_n3A_1684 : vector<16xi1>, vector<16xf32>
    %div3A_1696 = arith.divf %select_n3A_1695, %max3A_1593 : vector<16xf32>
    %swap3A_1697 = arith.constant 80 : index
    %swap3A_1698 = tpu.vector_load %arg10[%swap3A_1697] {strides = array<i32>} : memref<96xf32, #tpu.memory_space<vmem>>, vector<16xf32>,
    tpu.vector_store %arg10[%swap3A_1697], %div3A_1696 {strides = array<i32>} : memref<96xf32, #tpu.memory_space<vmem>>, vector<16xf32>,
    %swap3A_1699 = arith.constant 0 : index
    %swap3A_1700 = tpu.vector_load %arg11[%swap3A_1699] {strides = array<i32>} : memref<16xf32, #tpu.memory_space<vmem>>, vector<16xf32>,
    tpu.vector_store %arg11[%swap3A_1699], %select_n3A_1605 {strides = array<i32>} : memref<16xf32, #tpu.memory_space<vmem>>, vector<16xf32>,
    %scan3A_1701 = arith.constant 0 : i32
    %scan3A_1702 = arith.constant 576 : i32
    %scan3A_1703 = arith.addi %scan3A_1701, %scan3A_1702 : i32
    %scan3A_1704 = arith.constant 1 : i32
    %scan3A_1705 = scf.for %scan3A_1992 = %scan3A_1701 to %scan3A_1703 step %scan3A_1704 iter_args(%scan3A_1993 = %broadcast_in_dim3A_36) -> (vector<16xf32>)  : i32 {
      %mul3A_1994 = arith.constant 16 : i32
      %mul3A_1995 = arith.muli %scan3A_1992, %mul3A_1994 : i32
      %multiple_of3A = tpu.assume_multiple %mul3A_1995, 16 : i32
      %get3A_1996 = arith.index_cast %multiple_of3A : i32 to index
      %get3A_1997 = tpu.vector_load %arg6[%get3A_1996] {strides = array<i32>} : memref<9216xi32, #tpu.memory_space<vmem>>, vector<16xi32>,
      %mul3A_1998 = arith.constant 16 : i32
      %mul3A_1999 = vector.broadcast %mul3A_1998 : i32 to vector<16xi32>
      %mul3A_2000 = arith.muli %get3A_1997, %mul3A_1999 : vector<16xi32>
      %broadcast_in_dim3A_2001 = arith.constant 9.99999996E-13 : f32
      %broadcast_in_dim3A_2002 = vector.broadcast %broadcast_in_dim3A_2001 : f32 to vector<16xf32>
      %get3A_2003 = arith.constant 0 : i32
      %get3A_2004 = arith.index_cast %get3A_2003 : i32 to index
      %get3A_2005 = arith.index_cast %multiple_of3A : i32 to index
      %get3A_2006 = tpu.vector_load %arg5[%get3A_2004, %get3A_2005] {strides = array<i32>} : memref<8x9216xf32, #tpu.memory_space<vmem>>, vector<16xf32>,
      %add3A_2007 = arith.constant 0 : i32
      %add3A_2008 = vector.broadcast %add3A_2007 : i32 to vector<16xi32>
      %add3A_2009 = arith.addi %mul3A_2000, %add3A_2008 : vector<16xi32>
      %gather3A_2010 = tpu.vector_load_idx %arg10[%add3A_2009] : memref<96xf32, #tpu.memory_space<vmem>>[vector<16xi32>], vector<16xf32>,
      %sub3A_2011 = arith.subf %get3A_2006, %gather3A_2010 : vector<16xf32>
      %mul3A_2012 = arith.mulf %sub3A_2011, %sub3A_2011 : vector<16xf32>
      %add3A_2013 = arith.addf %broadcast_in_dim3A_2002, %mul3A_2012 : vector<16xf32>
      %get3A_2014 = arith.constant 1 : i32
      %get3A_2015 = arith.index_cast %get3A_2014 : i32 to index
      %get3A_2016 = arith.index_cast %multiple_of3A : i32 to index
      %get3A_2017 = tpu.vector_load %arg5[%get3A_2015, %get3A_2016] {strides = array<i32>} : memref<8x9216xf32, #tpu.memory_space<vmem>>, vector<16xf32>,
      %add3A_2018 = arith.constant 1 : i32
      %add3A_2019 = vector.broadcast %add3A_2018 : i32 to vector<16xi32>
      %add3A_2020 = arith.addi %mul3A_2000, %add3A_2019 : vector<16xi32>
      %gather3A_2021 = tpu.vector_load_idx %arg10[%add3A_2020] : memref<96xf32, #tpu.memory_space<vmem>>[vector<16xi32>], vector<16xf32>,
      %sub3A_2022 = arith.subf %get3A_2017, %gather3A_2021 : vector<16xf32>
      %mul3A_2023 = arith.mulf %sub3A_2022, %sub3A_2022 : vector<16xf32>
      %add3A_2024 = arith.addf %add3A_2013, %mul3A_2023 : vector<16xf32>
      %get3A_2025 = arith.constant 2 : i32
      %get3A_2026 = arith.index_cast %get3A_2025 : i32 to index
      %get3A_2027 = arith.index_cast %multiple_of3A : i32 to index
      %get3A_2028 = tpu.vector_load %arg5[%get3A_2026, %get3A_2027] {strides = array<i32>} : memref<8x9216xf32, #tpu.memory_space<vmem>>, vector<16xf32>,
      %add3A_2029 = arith.constant 2 : i32
      %add3A_2030 = vector.broadcast %add3A_2029 : i32 to vector<16xi32>
      %add3A_2031 = arith.addi %mul3A_2000, %add3A_2030 : vector<16xi32>
      %gather3A_2032 = tpu.vector_load_idx %arg10[%add3A_2031] : memref<96xf32, #tpu.memory_space<vmem>>[vector<16xi32>], vector<16xf32>,
      %sub3A_2033 = arith.subf %get3A_2028, %gather3A_2032 : vector<16xf32>
      %mul3A_2034 = arith.mulf %sub3A_2033, %sub3A_2033 : vector<16xf32>
      %add3A_2035 = arith.addf %add3A_2024, %mul3A_2034 : vector<16xf32>
      %get3A_2036 = arith.constant 3 : i32
      %get3A_2037 = arith.index_cast %get3A_2036 : i32 to index
      %get3A_2038 = arith.index_cast %multiple_of3A : i32 to index
      %get3A_2039 = tpu.vector_load %arg5[%get3A_2037, %get3A_2038] {strides = array<i32>} : memref<8x9216xf32, #tpu.memory_space<vmem>>, vector<16xf32>,
      %add3A_2040 = arith.constant 3 : i32
      %add3A_2041 = vector.broadcast %add3A_2040 : i32 to vector<16xi32>
      %add3A_2042 = arith.addi %mul3A_2000, %add3A_2041 : vector<16xi32>
      %gather3A_2043 = tpu.vector_load_idx %arg10[%add3A_2042] : memref<96xf32, #tpu.memory_space<vmem>>[vector<16xi32>], vector<16xf32>,
      %sub3A_2044 = arith.subf %get3A_2039, %gather3A_2043 : vector<16xf32>
      %mul3A_2045 = arith.mulf %sub3A_2044, %sub3A_2044 : vector<16xf32>
      %add3A_2046 = arith.addf %add3A_2035, %mul3A_2045 : vector<16xf32>
      %get3A_2047 = arith.constant 4 : i32
      %get3A_2048 = arith.index_cast %get3A_2047 : i32 to index
      %get3A_2049 = arith.index_cast %multiple_of3A : i32 to index
      %get3A_2050 = tpu.vector_load %arg5[%get3A_2048, %get3A_2049] {strides = array<i32>} : memref<8x9216xf32, #tpu.memory_space<vmem>>, vector<16xf32>,
      %add3A_2051 = arith.constant 4 : i32
      %add3A_2052 = vector.broadcast %add3A_2051 : i32 to vector<16xi32>
      %add3A_2053 = arith.addi %mul3A_2000, %add3A_2052 : vector<16xi32>
      %gather3A_2054 = tpu.vector_load_idx %arg10[%add3A_2053] : memref<96xf32, #tpu.memory_space<vmem>>[vector<16xi32>], vector<16xf32>,
      %sub3A_2055 = arith.subf %get3A_2050, %gather3A_2054 : vector<16xf32>
      %mul3A_2056 = arith.mulf %sub3A_2055, %sub3A_2055 : vector<16xf32>
      %add3A_2057 = arith.addf %add3A_2046, %mul3A_2056 : vector<16xf32>
      %get3A_2058 = arith.constant 5 : i32
      %get3A_2059 = arith.index_cast %get3A_2058 : i32 to index
      %get3A_2060 = arith.index_cast %multiple_of3A : i32 to index
      %get3A_2061 = tpu.vector_load %arg5[%get3A_2059, %get3A_2060] {strides = array<i32>} : memref<8x9216xf32, #tpu.memory_space<vmem>>, vector<16xf32>,
      %add3A_2062 = arith.constant 5 : i32
      %add3A_2063 = vector.broadcast %add3A_2062 : i32 to vector<16xi32>
      %add3A_2064 = arith.addi %mul3A_2000, %add3A_2063 : vector<16xi32>
      %gather3A_2065 = tpu.vector_load_idx %arg10[%add3A_2064] : memref<96xf32, #tpu.memory_space<vmem>>[vector<16xi32>], vector<16xf32>,
      %sub3A_2066 = arith.subf %get3A_2061, %gather3A_2065 : vector<16xf32>
      %mul3A_2067 = arith.mulf %sub3A_2066, %sub3A_2066 : vector<16xf32>
      %add3A_2068 = arith.addf %add3A_2057, %mul3A_2067 : vector<16xf32>
      %get3A_2069 = arith.constant 6 : i32
      %get3A_2070 = arith.index_cast %get3A_2069 : i32 to index
      %get3A_2071 = arith.index_cast %multiple_of3A : i32 to index
      %get3A_2072 = tpu.vector_load %arg5[%get3A_2070, %get3A_2071] {strides = array<i32>} : memref<8x9216xf32, #tpu.memory_space<vmem>>, vector<16xf32>,
      %add3A_2073 = arith.constant 6 : i32
      %add3A_2074 = vector.broadcast %add3A_2073 : i32 to vector<16xi32>
      %add3A_2075 = arith.addi %mul3A_2000, %add3A_2074 : vector<16xi32>
      %gather3A_2076 = tpu.vector_load_idx %arg10[%add3A_2075] : memref<96xf32, #tpu.memory_space<vmem>>[vector<16xi32>], vector<16xf32>,
      %sub3A_2077 = arith.subf %get3A_2072, %gather3A_2076 : vector<16xf32>
      %mul3A_2078 = arith.mulf %sub3A_2077, %sub3A_2077 : vector<16xf32>
      %add3A_2079 = arith.addf %add3A_2068, %mul3A_2078 : vector<16xf32>
      %get3A_2080 = arith.constant 7 : i32
      %get3A_2081 = arith.index_cast %get3A_2080 : i32 to index
      %get3A_2082 = arith.index_cast %multiple_of3A : i32 to index
      %get3A_2083 = tpu.vector_load %arg5[%get3A_2081, %get3A_2082] {strides = array<i32>} : memref<8x9216xf32, #tpu.memory_space<vmem>>, vector<16xf32>,
      %add3A_2084 = arith.constant 7 : i32
      %add3A_2085 = vector.broadcast %add3A_2084 : i32 to vector<16xi32>
      %add3A_2086 = arith.addi %mul3A_2000, %add3A_2085 : vector<16xi32>
      %gather3A_2087 = tpu.vector_load_idx %arg10[%add3A_2086] : memref<96xf32, #tpu.memory_space<vmem>>[vector<16xi32>], vector<16xf32>,
      %sub3A_2088 = arith.subf %get3A_2083, %gather3A_2087 : vector<16xf32>
      %mul3A_2089 = arith.mulf %sub3A_2088, %sub3A_2088 : vector<16xf32>
      %add3A_2090 = arith.addf %add3A_2079, %mul3A_2089 : vector<16xf32>
      %bitcast3A_2091 = vector.bitcast %add3A_2090 : vector<16xf32> to vector<16xi32>
      %shift_right_arithmetic3A_2092 = arith.constant 1 : i32
      %shift_right_arithmetic3A_2093 = vector.broadcast %shift_right_arithmetic3A_2092 : i32 to vector<16xi32>
      %shift_right_arithmetic3A_2094 = arith.shrsi %bitcast3A_2091, %shift_right_arithmetic3A_2093 : vector<16xi32>
      %sub3A_2095 = arith.constant 1597463007 : i32
      %sub3A_2096 = vector.broadcast %sub3A_2095 : i32 to vector<16xi32>
      %sub3A_2097 = arith.subi %sub3A_2096, %shift_right_arithmetic3A_2094 : vector<16xi32>
      %bitcast3A_2098 = vector.bitcast %sub3A_2097 : vector<16xi32> to vector<16xf32>
      %mul3A_2099 = arith.constant 5.000000e-01 : f32
      %mul3A_2100 = vector.broadcast %mul3A_2099 : f32 to vector<16xf32>
      %mul3A_2101 = arith.mulf %mul3A_2100, %add3A_2090 : vector<16xf32>
      %mul3A_2102 = arith.mulf %mul3A_2101, %bitcast3A_2098 : vector<16xf32>
      %mul3A_2103 = arith.mulf %mul3A_2102, %bitcast3A_2098 : vector<16xf32>
      %sub3A_2104 = arith.constant 1.500000e+00 : f32
      %sub3A_2105 = vector.broadcast %sub3A_2104 : f32 to vector<16xf32>
      %sub3A_2106 = arith.subf %sub3A_2105, %mul3A_2103 : vector<16xf32>
      %mul3A_2107 = arith.mulf %bitcast3A_2098, %sub3A_2106 : vector<16xf32>
      %mul3A_2108 = arith.constant 5.000000e-01 : f32
      %mul3A_2109 = vector.broadcast %mul3A_2108 : f32 to vector<16xf32>
      %mul3A_2110 = arith.mulf %mul3A_2109, %add3A_2090 : vector<16xf32>
      %mul3A_2111 = arith.mulf %mul3A_2110, %mul3A_2107 : vector<16xf32>
      %mul3A_2112 = arith.mulf %mul3A_2111, %mul3A_2107 : vector<16xf32>
      %sub3A_2113 = arith.constant 1.500000e+00 : f32
      %sub3A_2114 = vector.broadcast %sub3A_2113 : f32 to vector<16xf32>
      %sub3A_2115 = arith.subf %sub3A_2114, %mul3A_2112 : vector<16xf32>
      %mul3A_2116 = arith.mulf %mul3A_2107, %sub3A_2115 : vector<16xf32>
      %mul3A_2117 = arith.constant 5.000000e-01 : f32
      %mul3A_2118 = vector.broadcast %mul3A_2117 : f32 to vector<16xf32>
      %mul3A_2119 = arith.mulf %mul3A_2118, %add3A_2090 : vector<16xf32>
      %mul3A_2120 = arith.mulf %mul3A_2119, %mul3A_2116 : vector<16xf32>
      %mul3A_2121 = arith.mulf %mul3A_2120, %mul3A_2116 : vector<16xf32>
      %sub3A_2122 = arith.constant 1.500000e+00 : f32
      %sub3A_2123 = vector.broadcast %sub3A_2122 : f32 to vector<16xf32>
      %sub3A_2124 = arith.subf %sub3A_2123, %mul3A_2121 : vector<16xf32>
      %mul3A_2125 = arith.mulf %mul3A_2116, %sub3A_2124 : vector<16xf32>
      %mul3A_2126 = arith.mulf %add3A_2090, %mul3A_2125 : vector<16xf32>
      %sub3A_2127 = arith.constant 1.000000e+00 : f32
      %sub3A_2128 = vector.broadcast %sub3A_2127 : f32 to vector<16xf32>
      %sub3A_2129 = arith.subf %mul3A_2126, %sub3A_2128 : vector<16xf32>
      %max3A_2130 = arith.constant 0.000000e+00 : f32
      %max3A_2131 = vector.broadcast %max3A_2130 : f32 to vector<16xf32>
      %max3A_2132 = arith.maximumf %sub3A_2129, %max3A_2131 : vector<16xf32>
      %gather3A_2133 = tpu.vector_load_idx %arg11[%get3A_1997] : memref<16xf32, #tpu.memory_space<vmem>>[vector<16xi32>], vector<16xf32>,
      %mul3A_2134 = arith.mulf %gather3A_2133, %max3A_2132 : vector<16xf32>
      %mul3A_2135 = arith.mulf %mul3A_2134, %max3A_2132 : vector<16xf32>
      %add3A_2136 = arith.addf %scan3A_1993, %mul3A_2135 : vector<16xf32>
      scf.yield %add3A_2136 : vector<16xf32>
    }
    %scan3A_1706 = arith.constant 576 : i32
    %reduce_sum3A_1707 = arith.constant true
    %reduce_sum3A_1708 = vector.broadcast %reduce_sum3A_1707 : i1 to vector<16xi1>
    %reduce_sum3A_1709 = tpu.scan <sum>, %scan3A_1705 masked %reduce_sum3A_1708 : vector<16xf32>, vector<16xi1> -> vector<16xf32>
    %reduce_sum3A_1710 = vector.extract %reduce_sum3A_1709[15] : f32 from vector<16xf32>
    %ge3A = arith.constant 4 : i32
    %ge3A_1711 = vector.broadcast %ge3A : i32 to vector<16xi32>
    %ge3A_1712 = arith.cmpi sge, %iota3A, %ge3A_1711 : vector<16xi32>
    %jit3A_1713 = arith.constant 1 : i32
    %jit3A_1714 = arith.constant 0 : i32
    %broadcast_in_dim3A_1715 = vector.broadcast %jit3A_1713 : i32 to vector<16xi32>
    %broadcast_in_dim3A_1716 = vector.broadcast %jit3A_1714 : i32 to vector<16xi32>
    %select_n3A_1717 = arith.select %ge3A_1712, %broadcast_in_dim3A_1715, %broadcast_in_dim3A_1716 : vector<16xi1>, vector<16xi32>
    %ge3A_1718 = arith.constant 7 : i32
    %ge3A_1719 = vector.broadcast %ge3A_1718 : i32 to vector<16xi32>
    %ge3A_1720 = arith.cmpi sge, %iota3A, %ge3A_1719 : vector<16xi32>
    %jit3A_1721 = arith.constant 1 : i32
    %jit3A_1722 = arith.constant 0 : i32
    %broadcast_in_dim3A_1723 = vector.broadcast %jit3A_1721 : i32 to vector<16xi32>
    %broadcast_in_dim3A_1724 = vector.broadcast %jit3A_1722 : i32 to vector<16xi32>
    %select_n3A_1725 = arith.select %ge3A_1720, %broadcast_in_dim3A_1723, %broadcast_in_dim3A_1724 : vector<16xi1>, vector<16xi32>
    %ge3A_1726 = arith.constant 9 : i32
    %ge3A_1727 = vector.broadcast %ge3A_1726 : i32 to vector<16xi32>
    %ge3A_1728 = arith.cmpi sge, %iota3A, %ge3A_1727 : vector<16xi32>
    %jit3A_1729 = arith.constant 1 : i32
    %jit3A_1730 = arith.constant 0 : i32
    %broadcast_in_dim3A_1731 = vector.broadcast %jit3A_1729 : i32 to vector<16xi32>
    %broadcast_in_dim3A_1732 = vector.broadcast %jit3A_1730 : i32 to vector<16xi32>
    %select_n3A_1733 = arith.select %ge3A_1728, %broadcast_in_dim3A_1731, %broadcast_in_dim3A_1732 : vector<16xi1>, vector<16xi32>
    %add3A_1734 = arith.addi %select_n3A_1717, %select_n3A_1725 : vector<16xi32>
    %add3A_1735 = arith.addi %add3A_1734, %select_n3A_1733 : vector<16xi32>
    %add3A_1736 = arith.constant 1 : i32
    %add3A_1737 = vector.broadcast %add3A_1736 : i32 to vector<16xi32>
    %add3A_1738 = arith.addi %add3A_1735, %add3A_1737 : vector<16xi32>
    %add3A_1739 = arith.constant 2 : i32
    %add3A_1740 = vector.broadcast %add3A_1739 : i32 to vector<16xi32>
    %add3A_1741 = arith.addi %iota3A, %add3A_1740 : vector<16xi32>
    %mul3A_1742 = arith.constant 3 : i32
    %mul3A_1743 = vector.broadcast %mul3A_1742 : i32 to vector<16xi32>
    %mul3A_1744 = arith.muli %mul3A_1743, %select_n3A_1717 : vector<16xi32>
    %mul3A_1745 = arith.constant 2 : i32
    %mul3A_1746 = vector.broadcast %mul3A_1745 : i32 to vector<16xi32>
    %mul3A_1747 = arith.muli %mul3A_1746, %select_n3A_1725 : vector<16xi32>
    %add3A_1748 = arith.addi %mul3A_1744, %mul3A_1747 : vector<16xi32>
    %add3A_1749 = arith.addi %add3A_1748, %select_n3A_1733 : vector<16xi32>
    %sub3A_1750 = arith.subi %add3A_1741, %add3A_1749 : vector<16xi32>
    %min3A = arith.constant 5 : i32
    %min3A_1751 = vector.broadcast %min3A : i32 to vector<16xi32>
    %min3A_1752 = arith.minsi %sub3A_1750, %min3A_1751 : vector<16xi32>
    %broadcast_in_dim3A_1753 = arith.constant 9.99999996E-13 : f32
    %broadcast_in_dim3A_1754 = vector.broadcast %broadcast_in_dim3A_1753 : f32 to vector<16xf32>
    %mul3A_1755 = arith.constant 16 : i32
    %mul3A_1756 = vector.broadcast %mul3A_1755 : i32 to vector<16xi32>
    %mul3A_1757 = arith.muli %add3A_1738, %mul3A_1756 : vector<16xi32>
    %add3A_1758 = arith.constant 0 : i32
    %add3A_1759 = vector.broadcast %add3A_1758 : i32 to vector<16xi32>
    %add3A_1760 = arith.addi %mul3A_1757, %add3A_1759 : vector<16xi32>
    %gather3A = tpu.vector_load_idx %arg10[%add3A_1760] : memref<96xf32, #tpu.memory_space<vmem>>[vector<16xi32>], vector<16xf32>,
    %mul3A_1761 = arith.constant 16 : i32
    %mul3A_1762 = vector.broadcast %mul3A_1761 : i32 to vector<16xi32>
    %mul3A_1763 = arith.muli %min3A_1752, %mul3A_1762 : vector<16xi32>
    %add3A_1764 = arith.constant 0 : i32
    %add3A_1765 = vector.broadcast %add3A_1764 : i32 to vector<16xi32>
    %add3A_1766 = arith.addi %mul3A_1763, %add3A_1765 : vector<16xi32>
    %gather3A_1767 = tpu.vector_load_idx %arg10[%add3A_1766] : memref<96xf32, #tpu.memory_space<vmem>>[vector<16xi32>], vector<16xf32>,
    %sub3A_1768 = arith.subf %gather3A, %gather3A_1767 : vector<16xf32>
    %mul3A_1769 = arith.mulf %sub3A_1768, %sub3A_1768 : vector<16xf32>
    %add3A_1770 = arith.addf %broadcast_in_dim3A_1754, %mul3A_1769 : vector<16xf32>
    %mul3A_1771 = arith.constant 16 : i32
    %mul3A_1772 = vector.broadcast %mul3A_1771 : i32 to vector<16xi32>
    %mul3A_1773 = arith.muli %add3A_1738, %mul3A_1772 : vector<16xi32>
    %add3A_1774 = arith.constant 1 : i32
    %add3A_1775 = vector.broadcast %add3A_1774 : i32 to vector<16xi32>
    %add3A_1776 = arith.addi %mul3A_1773, %add3A_1775 : vector<16xi32>
    %gather3A_1777 = tpu.vector_load_idx %arg10[%add3A_1776] : memref<96xf32, #tpu.memory_space<vmem>>[vector<16xi32>], vector<16xf32>,
    %mul3A_1778 = arith.constant 16 : i32
    %mul3A_1779 = vector.broadcast %mul3A_1778 : i32 to vector<16xi32>
    %mul3A_1780 = arith.muli %min3A_1752, %mul3A_1779 : vector<16xi32>
    %add3A_1781 = arith.constant 1 : i32
    %add3A_1782 = vector.broadcast %add3A_1781 : i32 to vector<16xi32>
    %add3A_1783 = arith.addi %mul3A_1780, %add3A_1782 : vector<16xi32>
    %gather3A_1784 = tpu.vector_load_idx %arg10[%add3A_1783] : memref<96xf32, #tpu.memory_space<vmem>>[vector<16xi32>], vector<16xf32>,
    %sub3A_1785 = arith.subf %gather3A_1777, %gather3A_1784 : vector<16xf32>
    %mul3A_1786 = arith.mulf %sub3A_1785, %sub3A_1785 : vector<16xf32>
    %add3A_1787 = arith.addf %add3A_1770, %mul3A_1786 : vector<16xf32>
    %mul3A_1788 = arith.constant 16 : i32
    %mul3A_1789 = vector.broadcast %mul3A_1788 : i32 to vector<16xi32>
    %mul3A_1790 = arith.muli %add3A_1738, %mul3A_1789 : vector<16xi32>
    %add3A_1791 = arith.constant 2 : i32
    %add3A_1792 = vector.broadcast %add3A_1791 : i32 to vector<16xi32>
    %add3A_1793 = arith.addi %mul3A_1790, %add3A_1792 : vector<16xi32>
    %gather3A_1794 = tpu.vector_load_idx %arg10[%add3A_1793] : memref<96xf32, #tpu.memory_space<vmem>>[vector<16xi32>], vector<16xf32>,
    %mul3A_1795 = arith.constant 16 : i32
    %mul3A_1796 = vector.broadcast %mul3A_1795 : i32 to vector<16xi32>
    %mul3A_1797 = arith.muli %min3A_1752, %mul3A_1796 : vector<16xi32>
    %add3A_1798 = arith.constant 2 : i32
    %add3A_1799 = vector.broadcast %add3A_1798 : i32 to vector<16xi32>
    %add3A_1800 = arith.addi %mul3A_1797, %add3A_1799 : vector<16xi32>
    %gather3A_1801 = tpu.vector_load_idx %arg10[%add3A_1800] : memref<96xf32, #tpu.memory_space<vmem>>[vector<16xi32>], vector<16xf32>,
    %sub3A_1802 = arith.subf %gather3A_1794, %gather3A_1801 : vector<16xf32>
    %mul3A_1803 = arith.mulf %sub3A_1802, %sub3A_1802 : vector<16xf32>
    %add3A_1804 = arith.addf %add3A_1787, %mul3A_1803 : vector<16xf32>
    %mul3A_1805 = arith.constant 16 : i32
    %mul3A_1806 = vector.broadcast %mul3A_1805 : i32 to vector<16xi32>
    %mul3A_1807 = arith.muli %add3A_1738, %mul3A_1806 : vector<16xi32>
    %add3A_1808 = arith.constant 3 : i32
    %add3A_1809 = vector.broadcast %add3A_1808 : i32 to vector<16xi32>
    %add3A_1810 = arith.addi %mul3A_1807, %add3A_1809 : vector<16xi32>
    %gather3A_1811 = tpu.vector_load_idx %arg10[%add3A_1810] : memref<96xf32, #tpu.memory_space<vmem>>[vector<16xi32>], vector<16xf32>,
    %mul3A_1812 = arith.constant 16 : i32
    %mul3A_1813 = vector.broadcast %mul3A_1812 : i32 to vector<16xi32>
    %mul3A_1814 = arith.muli %min3A_1752, %mul3A_1813 : vector<16xi32>
    %add3A_1815 = arith.constant 3 : i32
    %add3A_1816 = vector.broadcast %add3A_1815 : i32 to vector<16xi32>
    %add3A_1817 = arith.addi %mul3A_1814, %add3A_1816 : vector<16xi32>
    %gather3A_1818 = tpu.vector_load_idx %arg10[%add3A_1817] : memref<96xf32, #tpu.memory_space<vmem>>[vector<16xi32>], vector<16xf32>,
    %sub3A_1819 = arith.subf %gather3A_1811, %gather3A_1818 : vector<16xf32>
    %mul3A_1820 = arith.mulf %sub3A_1819, %sub3A_1819 : vector<16xf32>
    %add3A_1821 = arith.addf %add3A_1804, %mul3A_1820 : vector<16xf32>
    %mul3A_1822 = arith.constant 16 : i32
    %mul3A_1823 = vector.broadcast %mul3A_1822 : i32 to vector<16xi32>
    %mul3A_1824 = arith.muli %add3A_1738, %mul3A_1823 : vector<16xi32>
    %add3A_1825 = arith.constant 4 : i32
    %add3A_1826 = vector.broadcast %add3A_1825 : i32 to vector<16xi32>
    %add3A_1827 = arith.addi %mul3A_1824, %add3A_1826 : vector<16xi32>
    %gather3A_1828 = tpu.vector_load_idx %arg10[%add3A_1827] : memref<96xf32, #tpu.memory_space<vmem>>[vector<16xi32>], vector<16xf32>,
    %mul3A_1829 = arith.constant 16 : i32
    %mul3A_1830 = vector.broadcast %mul3A_1829 : i32 to vector<16xi32>
    %mul3A_1831 = arith.muli %min3A_1752, %mul3A_1830 : vector<16xi32>
    %add3A_1832 = arith.constant 4 : i32
    %add3A_1833 = vector.broadcast %add3A_1832 : i32 to vector<16xi32>
    %add3A_1834 = arith.addi %mul3A_1831, %add3A_1833 : vector<16xi32>
    %gather3A_1835 = tpu.vector_load_idx %arg10[%add3A_1834] : memref<96xf32, #tpu.memory_space<vmem>>[vector<16xi32>], vector<16xf32>,
    %sub3A_1836 = arith.subf %gather3A_1828, %gather3A_1835 : vector<16xf32>
    %mul3A_1837 = arith.mulf %sub3A_1836, %sub3A_1836 : vector<16xf32>
    %add3A_1838 = arith.addf %add3A_1821, %mul3A_1837 : vector<16xf32>
    %mul3A_1839 = arith.constant 16 : i32
    %mul3A_1840 = vector.broadcast %mul3A_1839 : i32 to vector<16xi32>
    %mul3A_1841 = arith.muli %add3A_1738, %mul3A_1840 : vector<16xi32>
    %add3A_1842 = arith.constant 5 : i32
    %add3A_1843 = vector.broadcast %add3A_1842 : i32 to vector<16xi32>
    %add3A_1844 = arith.addi %mul3A_1841, %add3A_1843 : vector<16xi32>
    %gather3A_1845 = tpu.vector_load_idx %arg10[%add3A_1844] : memref<96xf32, #tpu.memory_space<vmem>>[vector<16xi32>], vector<16xf32>,
    %mul3A_1846 = arith.constant 16 : i32
    %mul3A_1847 = vector.broadcast %mul3A_1846 : i32 to vector<16xi32>
    %mul3A_1848 = arith.muli %min3A_1752, %mul3A_1847 : vector<16xi32>
    %add3A_1849 = arith.constant 5 : i32
    %add3A_1850 = vector.broadcast %add3A_1849 : i32 to vector<16xi32>
    %add3A_1851 = arith.addi %mul3A_1848, %add3A_1850 : vector<16xi32>
    %gather3A_1852 = tpu.vector_load_idx %arg10[%add3A_1851] : memref<96xf32, #tpu.memory_space<vmem>>[vector<16xi32>], vector<16xf32>,
    %sub3A_1853 = arith.subf %gather3A_1845, %gather3A_1852 : vector<16xf32>
    %mul3A_1854 = arith.mulf %sub3A_1853, %sub3A_1853 : vector<16xf32>
    %add3A_1855 = arith.addf %add3A_1838, %mul3A_1854 : vector<16xf32>
    %mul3A_1856 = arith.constant 16 : i32
    %mul3A_1857 = vector.broadcast %mul3A_1856 : i32 to vector<16xi32>
    %mul3A_1858 = arith.muli %add3A_1738, %mul3A_1857 : vector<16xi32>
    %add3A_1859 = arith.constant 6 : i32
    %add3A_1860 = vector.broadcast %add3A_1859 : i32 to vector<16xi32>
    %add3A_1861 = arith.addi %mul3A_1858, %add3A_1860 : vector<16xi32>
    %gather3A_1862 = tpu.vector_load_idx %arg10[%add3A_1861] : memref<96xf32, #tpu.memory_space<vmem>>[vector<16xi32>], vector<16xf32>,
    %mul3A_1863 = arith.constant 16 : i32
    %mul3A_1864 = vector.broadcast %mul3A_1863 : i32 to vector<16xi32>
    %mul3A_1865 = arith.muli %min3A_1752, %mul3A_1864 : vector<16xi32>
    %add3A_1866 = arith.constant 6 : i32
    %add3A_1867 = vector.broadcast %add3A_1866 : i32 to vector<16xi32>
    %add3A_1868 = arith.addi %mul3A_1865, %add3A_1867 : vector<16xi32>
    %gather3A_1869 = tpu.vector_load_idx %arg10[%add3A_1868] : memref<96xf32, #tpu.memory_space<vmem>>[vector<16xi32>], vector<16xf32>,
    %sub3A_1870 = arith.subf %gather3A_1862, %gather3A_1869 : vector<16xf32>
    %mul3A_1871 = arith.mulf %sub3A_1870, %sub3A_1870 : vector<16xf32>
    %add3A_1872 = arith.addf %add3A_1855, %mul3A_1871 : vector<16xf32>
    %mul3A_1873 = arith.constant 16 : i32
    %mul3A_1874 = vector.broadcast %mul3A_1873 : i32 to vector<16xi32>
    %mul3A_1875 = arith.muli %add3A_1738, %mul3A_1874 : vector<16xi32>
    %add3A_1876 = arith.constant 7 : i32
    %add3A_1877 = vector.broadcast %add3A_1876 : i32 to vector<16xi32>
    %add3A_1878 = arith.addi %mul3A_1875, %add3A_1877 : vector<16xi32>
    %gather3A_1879 = tpu.vector_load_idx %arg10[%add3A_1878] : memref<96xf32, #tpu.memory_space<vmem>>[vector<16xi32>], vector<16xf32>,
    %mul3A_1880 = arith.constant 16 : i32
    %mul3A_1881 = vector.broadcast %mul3A_1880 : i32 to vector<16xi32>
    %mul3A_1882 = arith.muli %min3A_1752, %mul3A_1881 : vector<16xi32>
    %add3A_1883 = arith.constant 7 : i32
    %add3A_1884 = vector.broadcast %add3A_1883 : i32 to vector<16xi32>
    %add3A_1885 = arith.addi %mul3A_1882, %add3A_1884 : vector<16xi32>
    %gather3A_1886 = tpu.vector_load_idx %arg10[%add3A_1885] : memref<96xf32, #tpu.memory_space<vmem>>[vector<16xi32>], vector<16xf32>,
    %sub3A_1887 = arith.subf %gather3A_1879, %gather3A_1886 : vector<16xf32>
    %mul3A_1888 = arith.mulf %sub3A_1887, %sub3A_1887 : vector<16xf32>
    %add3A_1889 = arith.addf %add3A_1872, %mul3A_1888 : vector<16xf32>
    %bitcast3A = vector.bitcast %add3A_1889 : vector<16xf32> to vector<16xi32>
    %shift_right_arithmetic3A = arith.constant 1 : i32
    %shift_right_arithmetic3A_1890 = vector.broadcast %shift_right_arithmetic3A : i32 to vector<16xi32>
    %shift_right_arithmetic3A_1891 = arith.shrsi %bitcast3A, %shift_right_arithmetic3A_1890 : vector<16xi32>
    %sub3A_1892 = arith.constant 1597463007 : i32
    %sub3A_1893 = vector.broadcast %sub3A_1892 : i32 to vector<16xi32>
    %sub3A_1894 = arith.subi %sub3A_1893, %shift_right_arithmetic3A_1891 : vector<16xi32>
    %bitcast3A_1895 = vector.bitcast %sub3A_1894 : vector<16xi32> to vector<16xf32>
    %mul3A_1896 = arith.constant 5.000000e-01 : f32
    %mul3A_1897 = vector.broadcast %mul3A_1896 : f32 to vector<16xf32>
    %mul3A_1898 = arith.mulf %mul3A_1897, %add3A_1889 : vector<16xf32>
    %mul3A_1899 = arith.mulf %mul3A_1898, %bitcast3A_1895 : vector<16xf32>
    %mul3A_1900 = arith.mulf %mul3A_1899, %bitcast3A_1895 : vector<16xf32>
    %sub3A_1901 = arith.constant 1.500000e+00 : f32
    %sub3A_1902 = vector.broadcast %sub3A_1901 : f32 to vector<16xf32>
    %sub3A_1903 = arith.subf %sub3A_1902, %mul3A_1900 : vector<16xf32>
    %mul3A_1904 = arith.mulf %bitcast3A_1895, %sub3A_1903 : vector<16xf32>
    %mul3A_1905 = arith.constant 5.000000e-01 : f32
    %mul3A_1906 = vector.broadcast %mul3A_1905 : f32 to vector<16xf32>
    %mul3A_1907 = arith.mulf %mul3A_1906, %add3A_1889 : vector<16xf32>
    %mul3A_1908 = arith.mulf %mul3A_1907, %mul3A_1904 : vector<16xf32>
    %mul3A_1909 = arith.mulf %mul3A_1908, %mul3A_1904 : vector<16xf32>
    %sub3A_1910 = arith.constant 1.500000e+00 : f32
    %sub3A_1911 = vector.broadcast %sub3A_1910 : f32 to vector<16xf32>
    %sub3A_1912 = arith.subf %sub3A_1911, %mul3A_1909 : vector<16xf32>
    %mul3A_1913 = arith.mulf %mul3A_1904, %sub3A_1912 : vector<16xf32>
    %mul3A_1914 = arith.constant 5.000000e-01 : f32
    %mul3A_1915 = vector.broadcast %mul3A_1914 : f32 to vector<16xf32>
    %mul3A_1916 = arith.mulf %mul3A_1915, %add3A_1889 : vector<16xf32>
    %mul3A_1917 = arith.mulf %mul3A_1916, %mul3A_1913 : vector<16xf32>
    %mul3A_1918 = arith.mulf %mul3A_1917, %mul3A_1913 : vector<16xf32>
    %sub3A_1919 = arith.constant 1.500000e+00 : f32
    %sub3A_1920 = vector.broadcast %sub3A_1919 : f32 to vector<16xf32>
    %sub3A_1921 = arith.subf %sub3A_1920, %mul3A_1918 : vector<16xf32>
    %mul3A_1922 = arith.mulf %mul3A_1913, %sub3A_1921 : vector<16xf32>
    %mul3A_1923 = arith.mulf %add3A_1889, %mul3A_1922 : vector<16xf32>
    %sub3A_1924 = arith.constant 6.000000e+00 : f32
    %sub3A_1925 = vector.broadcast %sub3A_1924 : f32 to vector<16xf32>
    %sub3A_1926 = arith.subf %sub3A_1925, %mul3A_1923 : vector<16xf32>
    %max3A_1927 = arith.constant 0.000000e+00 : f32
    %max3A_1928 = vector.broadcast %max3A_1927 : f32 to vector<16xf32>
    %max3A_1929 = arith.maximumf %sub3A_1926, %max3A_1928 : vector<16xf32>
    %mul3A_1930 = arith.mulf %max3A_1929, %max3A_1929 : vector<16xf32>
    %gather3A_1931 = tpu.vector_load_idx %arg11[%add3A_1738] : memref<16xf32, #tpu.memory_space<vmem>>[vector<16xi32>], vector<16xf32>,
    %gather3A_1932 = tpu.vector_load_idx %arg11[%min3A_1752] : memref<16xf32, #tpu.memory_space<vmem>>[vector<16xi32>], vector<16xf32>,
    %mul3A_1933 = arith.mulf %gather3A_1931, %gather3A_1932 : vector<16xf32>
    %lt3A_1934 = arith.constant 10 : i32
    %lt3A_1935 = vector.broadcast %lt3A_1934 : i32 to vector<16xi32>
    %lt3A_1936 = arith.cmpi slt, %iota3A, %lt3A_1935 : vector<16xi32>
    %jit3A_1937 = arith.constant 1.000000e+00 : f32
    %jit3A_1938 = arith.constant 0.000000e+00 : f32
    %broadcast_in_dim3A_1939 = vector.broadcast %jit3A_1937 : f32 to vector<16xf32>
    %broadcast_in_dim3A_1940 = vector.broadcast %jit3A_1938 : f32 to vector<16xf32>
    %select_n3A_1941 = arith.select %lt3A_1936, %broadcast_in_dim3A_1939, %broadcast_in_dim3A_1940 : vector<16xi1>, vector<16xf32>
    %mul3A_1942 = arith.mulf %mul3A_1933, %select_n3A_1941 : vector<16xf32>
    %mul3A_1943 = arith.mulf %mul3A_1930, %mul3A_1942 : vector<16xf32>
    %reduce_sum3A_1944 = arith.constant true
    %reduce_sum3A_1945 = vector.broadcast %reduce_sum3A_1944 : i1 to vector<16xi1>
    %reduce_sum3A_1946 = tpu.scan <sum>, %mul3A_1943 masked %reduce_sum3A_1945 : vector<16xf32>, vector<16xi1> -> vector<16xf32>
    %reduce_sum3A_1947 = vector.extract %reduce_sum3A_1946[15] : f32 from vector<16xf32>
    %broadcast_in_dim3A_1948 = vector.broadcast %reduce_sum3A_1947 : f32 to vector<16xf32>
    %reduce_sum3A_1949 = arith.constant true
    %reduce_sum3A_1950 = vector.broadcast %reduce_sum3A_1949 : i1 to vector<16xi1>
    %reduce_sum3A_1951 = tpu.scan <sum>, %mul3A_1942 masked %reduce_sum3A_1950 : vector<16xf32>, vector<16xi1> -> vector<16xf32>
    %reduce_sum3A_1952 = vector.extract %reduce_sum3A_1951[15] : f32 from vector<16xf32>
    %broadcast_in_dim3A_1953 = vector.broadcast %reduce_sum3A_1952 : f32 to vector<16xf32>
    %gt3A_1954 = arith.constant 5.000000e-01 : f32
    %gt3A_1955 = vector.broadcast %gt3A_1954 : f32 to vector<16xf32>
    %gt3A_1956 = arith.cmpf ogt, %broadcast_in_dim3A_1953, %gt3A_1955 : vector<16xf32>
    %max3A_1957 = arith.constant 1.000000e+00 : f32
    %max3A_1958 = vector.broadcast %max3A_1957 : f32 to vector<16xf32>
    %max3A_1959 = arith.maximumf %broadcast_in_dim3A_1953, %max3A_1958 : vector<16xf32>
    %div3A_1960 = arith.divf %broadcast_in_dim3A_1948, %max3A_1959 : vector<16xf32>
    %jit3A_1961 = arith.constant 0.000000e+00 : f32
    %broadcast_in_dim3A_1962 = vector.broadcast %jit3A_1961 : f32 to vector<16xf32>
    %select_n3A_1963 = arith.select %gt3A_1956, %div3A_1960, %broadcast_in_dim3A_1962 : vector<16xi1>, vector<16xf32>
    %broadcast_in_dim3A_1964 = vector.broadcast %select_n3A_33 : i32 to vector<16xi32>
    %eq3A_1965 = arith.constant 0 : i32
    %eq3A_1966 = vector.broadcast %eq3A_1965 : i32 to vector<16xi32>
    %eq3A_1967 = arith.cmpi eq, %broadcast_in_dim3A_1964, %eq3A_1966 : vector<16xi32>
    %jit3A_1968 = arith.constant 1.000000e+00 : f32
    %jit3A_1969 = arith.constant 0.000000e+00 : f32
    %broadcast_in_dim3A_1970 = vector.broadcast %jit3A_1968 : f32 to vector<16xf32>
    %broadcast_in_dim3A_1971 = vector.broadcast %jit3A_1969 : f32 to vector<16xf32>
    %select_n3A_1972 = arith.select %eq3A_1967, %broadcast_in_dim3A_1970, %broadcast_in_dim3A_1971 : vector<16xi1>, vector<16xf32>
    %eq3A_1973 = arith.constant 0 : i32
    %eq3A_1974 = vector.broadcast %eq3A_1973 : i32 to vector<16xi32>
    %eq3A_1975 = arith.cmpi eq, %iota3A, %eq3A_1974 : vector<16xi32>
    %broadcast_in_dim3A_1976 = vector.broadcast %reduce_sum3A_1710 : f32 to vector<16xf32>
    %eq3A_1977 = arith.constant 1 : i32
    %eq3A_1978 = vector.broadcast %eq3A_1977 : i32 to vector<16xi32>
    %eq3A_1979 = arith.cmpi eq, %iota3A, %eq3A_1978 : vector<16xi32>
    %mul3A_1980 = arith.mulf %select_n3A_1972, %select_n3A_1963 : vector<16xf32>
    %eq3A_1981 = arith.constant 2 : i32
    %eq3A_1982 = vector.broadcast %eq3A_1981 : i32 to vector<16xi32>
    %eq3A_1983 = arith.cmpi eq, %iota3A, %eq3A_1982 : vector<16xi32>
    %mul3A_1984 = arith.mulf %select_n3A_1972, %add3A_1607 : vector<16xf32>
    %jit3A_1985 = arith.constant 0.000000e+00 : f32
    %broadcast_in_dim3A_1986 = vector.broadcast %jit3A_1985 : f32 to vector<16xf32>
    %select_n3A_1987 = arith.select %eq3A_1983, %mul3A_1984, %broadcast_in_dim3A_1986 : vector<16xi1>, vector<16xf32>
    %select_n3A_1988 = arith.select %eq3A_1979, %mul3A_1980, %select_n3A_1987 : vector<16xi1>, vector<16xf32>
    %select_n3A_1989 = arith.select %eq3A_1975, %broadcast_in_dim3A_1976, %select_n3A_1988 : vector<16xi1>, vector<16xf32>
    %swap3A_1990 = arith.constant 0 : index
    %swap3A_1991 = tpu.vector_load %arg12[%swap3A_1990] {strides = array<i32>} : memref<16xf32, #tpu.memory_space<vmem>>, vector<16xf32>,
    tpu.vector_store %arg12[%swap3A_1990], %select_n3A_1989 {strides = array<i32>} : memref<16xf32, #tpu.memory_space<vmem>>, vector<16xf32>,
    "tpu.region"() ({
      %run_scoped3A = tpu.sem_alloc : memref<!tpu.dma_semaphore, #tpu.memory_space<semaphore_mem>>
      %dma_start3A = arith.constant 0 : i32
      %dma_start3A_1992 = tpu.memref_slice %arg4[%add3A, %dma_start3A] : memref<32x16xf32, #tpu.memory_space<hbm>> -> memref<1x16xf32, #tpu.memory_space<hbm>>
      %dma_start3A_1993 = tpu.memref_squeeze %dma_start3A_1992 : memref<1x16xf32, #tpu.memory_space<hbm>> -> memref<16xf32, #tpu.memory_space<hbm>>
      %dma_start3A_1994 = arith.constant 0 : i32
      %dma_start3A_1995 = tpu.memref_slice %arg4[%add3A, %dma_start3A_1994] : memref<32x16xf32, #tpu.memory_space<hbm>> -> memref<1x16xf32, #tpu.memory_space<hbm>>
      %dma_start3A_1996 = tpu.memref_squeeze %dma_start3A_1995 : memref<1x16xf32, #tpu.memory_space<hbm>> -> memref<16xf32, #tpu.memory_space<hbm>>
      tpu.enqueue_dma source(%arg12 : memref<16xf32, #tpu.memory_space<vmem>>) target(%dma_start3A_1996 : memref<16xf32, #tpu.memory_space<hbm>>) target_semaphore(%run_scoped3A : memref<!tpu.dma_semaphore, #tpu.memory_space<semaphore_mem>>)
      %dma_wait3A = arith.constant 0 : i32
      %dma_wait3A_1997 = tpu.memref_slice %arg4[%add3A, %dma_wait3A] : memref<32x16xf32, #tpu.memory_space<hbm>> -> memref<1x16xf32, #tpu.memory_space<hbm>>
      %dma_wait3A_1998 = tpu.memref_squeeze %dma_wait3A_1997 : memref<1x16xf32, #tpu.memory_space<hbm>> -> memref<16xf32, #tpu.memory_space<hbm>>
      %dma_wait3A_1999 = arith.constant 0 : i32
      %dma_wait3A_2000 = tpu.memref_slice %arg4[%add3A, %dma_wait3A_1999] : memref<32x16xf32, #tpu.memory_space<hbm>> -> memref<1x16xf32, #tpu.memory_space<hbm>>
      %dma_wait3A_2001 = tpu.memref_squeeze %dma_wait3A_2000 : memref<1x16xf32, #tpu.memory_space<hbm>> -> memref<16xf32, #tpu.memory_space<hbm>>
      tpu.wait_dma2 semaphore(%run_scoped3A : memref<!tpu.dma_semaphore, #tpu.memory_space<semaphore_mem>>) src(%arg12 : memref<16xf32, #tpu.memory_space<vmem>>) dst(%dma_wait3A_2001 : memref<16xf32, #tpu.memory_space<hbm>>)
      tpu.yield
    }) : () -> ()
    return
  }
}

</mosaic_0001>

<sc_bundles>
// kernel: kernel.3.cloned.1.call-start
scs
__scs_entry_jumppad:
0x0: {  	(pc) =	sbr.rel $0x88, $3  }
0x1: {  	(tag) =	ssettag $0x0;
	lr =	simm.s32 $0x1  }
0x2: {  	[smem:$0x3F9F] =	sst lr;
	_ =	strace $0xD0000000  }
0x3: {  	_ = 	snop  }
0x4: {  	_ = 	snop  }
0x5: {  	_ = 	snop  }
0x6: {  	_ = 	snop  }
0x7: {  	_ = 	snop  }
__scs_overlays_trampoline_lowered:
0x8: {  	[smem:$0x3FAE] =	sst s0  }
0x9: {  	[smem:$0x3FAF] =	sst s1  }
0xa: {  	[smem:$0x3FB0] =	sst s2  }
0xb: {  	[smem:$0x3FB1] =	sst s3  }
0xc: {  	[smem:$0x3FB2] =	sst s4  }
0xd: {  	[smem:$0x3FB3] =	sst s5  }
0xe: {  	[smem:$0x3FB4] =	sst s6  }
0xf: {  	[smem:$0x3FB5] =	sst s7  }
0x10: {  	[smem:$0x3FB6] =	sst s8  }
0x11: {  	[smem:$0x3FB7] =	sst s9;
	s0 =	simm.s32 @!p0 $0x0  }
0x12: {  	s1 =	sld [smem:$0x3F9D];
	s0 =	simm.s32 @p0 $0x1  }
0x13: {  	[smem:$0x3FB8] =	sst s0;
	s0 =	simm.s32 @!p1 $0x0  }
0x14: {  	s2 =	sld [smem:$0x3F9C];
	s0 =	simm.s32 @p1 $0x1  }
0x15: {  	[smem:$0x3FB9] =	sst s0;
	s0 =	simm.s32 @!p2 $0x0  }
0x16: {  	s3 =	sld [smem:$0x3FDB];
	s0 =	simm.s32 @p2 $0x1  }
0x17: {  	s4 =	simm.s32 $0x1BF5;
	[smem:$0x3FBB] =	sst s0  }
0x18: {  	s0 =	sld [smem:$0x3F9E];
	_ =	swait.ge [sflag:s4], $0x0  }
0x19: {  	s7 =	sld [smem:$0x3F9F]  }
0x1a: {  	s8 =	sadd.s32 $0xFFFFE003, lr  }
0x1b: {  	s9 =	sadd.s32 $0xFFFFFEF7, lr;
	s5 =	simm.s32 $0xFFFFFFFF;
	p2 =	slt.u32 s8, $0xFFFFF086  }
0x1c: {  	p1 =	slt.u32 s9, $0xF7A;
	s5 =	simm.s32 @!p2 $0x0  }
0x1d: {  	s5 =	simm.s32 @p1 $0x1;
	p0 =	seq.s32 s7, s2  }
0x1e: {  	s7 =	smul.u32 @!p0 $0xF7A, s2;
	p2 =	seq.s32 @!p0 s5, $0x0  }
0x1f: {  	s9 =	smul.u32 $0xF7A, s1;
	s8 =	simm.s32 @!p0 $0x1BF5;
	p2 =	por !p2, p0  }
0x20: {  	[sflag:s8] =	ssyncset.s32 @!p0 $0xFFFFF086;
	s6 =	sadd.s32 @!p0 s3, s7;
	s7 =	simm.s32 @!p0 $0x108  }
0x21: {  	s3 =	sadd.s32 s3, s9;
	s6 =	sadd.s32 @!p0 $0x88, s6;
	s7 =	simm.s32 @p2 $0x1082  }
0x22: {  	[simem:s7], [sflag:s8] =	dma.local @!p0 [hbm:s6], $0xF7A  }
0x23: {  	s9 =	sor.u32 $0xD0000000, s2;
	s6 =	simm.s32 $0x108;
	_ =	swait.ge @!p0 [sflag:s8], $0x0  }
0x24: {  	s3 =	sadd.s32 $0x88, s3;
	s6 =	simm.s32 @!p1 $0x1082;
	[sflag:s4] =	ssyncset.s32 $0xFFFFF086  }
0x25: {  	[simem:s6], [sflag:s4] =	dma.local [hbm:s3], $0xF7A  }
0x26: {  	[smem:$0x3F9F] =	sst s1;
	(tag) =	ssettag s2;
	_ =	strace s9  }
0x27: {  	s1 =	sld [smem:$0x3FAF]  }
0x28: {  	s2 =	sld [smem:$0x3FB0]  }
0x29: {  	s4 =	sld [smem:$0x3FB2]  }
0x2a: {  	p0 =	seq.s32 s5, $0x0;
	s5 =	sld [smem:$0x3FB3]  }
0x2b: {  	s6 =	sld [smem:$0x3FB4]  }
0x2c: {  	s7 =	sld [smem:$0x3FB5]  }
0x2d: {  	s3 =	simm.s32 $0x108;
	s8 =	sld [smem:$0x3FB6]  }
0x2e: {  	s3 =	simm.s32 @!p0 $0x1082;
	s9 =	sld [smem:$0x3FB7]  }
0x2f: {  	lr =	sadd.s32 s0, s3;
	s0 =	sld [smem:$0x3FAE]  }
0x30: {  	s3 =	sld [smem:$0x3FB1]  }
0x31: {  	[smem:$0x3FBA] =	sst s10  }
0x32: {  	s10 =	sld [smem:$0x3FB8];
	_ =	sdelay $0x3  }
0x33: {  	p0 =	seq.s32 s10, $0x1;
	s10 =	sld [smem:$0x3FBA];
	_ =	sdelay $0x3  }
0x34: {  	[smem:$0x3FBA] =	sst s10  }
0x35: {  	s10 =	sld [smem:$0x3FB9];
	_ =	sdelay $0x3  }
0x36: {  	p1 =	seq.s32 s10, $0x1;
	s10 =	sld [smem:$0x3FBA];
	_ =	sdelay $0x3  }
0x37: {  	[smem:$0x3FBA] =	sst s10  }
0x38: {  	s10 =	sld [smem:$0x3FBB]  }
0x39: {  	_ = 	snop;
	(pc) =	sbr.ind lr, $3  }
0x3a: {  	_ = 	snop  }
0x3b: {  	_ = 	snop  }
0x3c: {  	p2 =	seq.s32 s10, $0x1;
	s10 =	sld [smem:$0x3FBA]  }
0x3d: {  	_ =	shalt  }
0x3e: {  	_ =	shalt  }
0x3f: {  	_ =	shalt  }
0x40: {  	_ =	shalt  }
0x41: {  	_ =	shalt  }
0x42: {  	_ =	shalt  }
0x43: {  	_ =	shalt  }
0x44: {  	_ =	shalt  }
0x45: {  	_ =	shalt  }
0x46: {  	_ =	shalt  }
0x47: {  	_ =	shalt  }
0x48: {  	_ =	shalt  }
0x49: {  	_ =	shalt  }
0x4a: {  	_ =	shalt  }
0x4b: {  	_ =	shalt  }
0x4c: {  	_ =	shalt  }
0x4d: {  	_ =	shalt  }
0x4e: {  	_ =	shalt  }
0x4f: {  	_ =	shalt  }
0x50: {  	_ =	shalt  }
0x51: {  	_ =	shalt  }
0x52: {  	_ =	shalt  }
0x53: {  	_ =	shalt  }
0x54: {  	_ =	shalt  }
0x55: {  	_ =	shalt  }
0x56: {  	_ =	shalt  }
0x57: {  	_ =	shalt  }
0x58: {  	_ =	shalt  }
0x59: {  	_ =	shalt  }
0x5a: {  	_ =	shalt  }
0x5b: {  	_ =	shalt  }
0x5c: {  	_ =	shalt  }
0x5d: {  	_ =	shalt  }
0x5e: {  	_ =	shalt  }
0x5f: {  	_ =	shalt  }
0x60: {  	_ =	shalt  }
0x61: {  	_ =	shalt  }
0x62: {  	_ =	shalt  }
0x63: {  	_ =	shalt  }
0x64: {  	_ =	shalt  }
0x65: {  	_ =	shalt  }
0x66: {  	_ =	shalt  }
0x67: {  	_ =	shalt  }
0x68: {  	_ =	shalt  }
0x69: {  	_ =	shalt  }
0x6a: {  	_ =	shalt  }
0x6b: {  	_ =	shalt  }
0x6c: {  	_ =	shalt  }
0x6d: {  	_ =	shalt  }
0x6e: {  	_ =	shalt  }
0x6f: {  	_ =	shalt  }
0x70: {  	_ =	shalt  }
0x71: {  	_ =	shalt  }
0x72: {  	_ =	shalt  }
0x73: {  	_ =	shalt  }
0x74: {  	_ =	shalt  }
0x75: {  	_ =	shalt  }
0x76: {  	_ =	shalt  }
0x77: {  	_ =	shalt  }
0x78: {  	_ =	shalt  }
0x79: {  	_ =	shalt  }
0x7a: {  	_ =	shalt  }
0x7b: {  	_ =	shalt  }
0x7c: {  	_ =	shalt  }
0x7d: {  	_ =	shalt  }
0x7e: {  	_ =	shalt  }
0x7f: {  	_ =	shalt  }
0x80: {  	_ =	shalt  }
0x81: {  	_ =	shalt  }
0x82: {  	_ =	shalt  }
0x83: {  	_ =	shalt  }
0x84: {  	_ =	shalt  }
0x85: {  	_ =	shalt  }
0x86: {  	_ =	shalt  }
0x87: {  	_ =	shalt  }
.Lfunc_end0:
.L_simem_size_0:
called_computation_lowered:
.L_overlay_start_0:
0x88: {  	s2 =	sld [smem:$0x3FD9]  }
0x89: {  	s3 =	sld [smem:$0x3FFE];
	_ =	sdelay $0x1  }
0x8a: {  	s1 =	srdreg.scid  }
0x8b: {  	s0 =	sand.u32 $0x1, s1  }
0x8c: {  	s16 =	sshll.u32 s0, $0xA;
	s2 =	sadd.s32 s3, s2  }
0x8d: {  	s2 =	sadd.s32 s2, s16  }
0x8e: {  	[smem:$0x3FC6] =	sst s2  }
0x8f: {  	_ = 	snop  }
0x90: {  	(tm) =	ssettm $0x1  }
0x91: {  	s17 =	sld [smem:$0x3FFB];
	_ =	sdelay $0x3  }
0x92: {  	_ =	strace s17  }
0x93: {  	s2 =	sld [smem:$0x3FFC];
	_ =	sdelay $0x3  }
0x94: {  	_ =	strace s2  }
0x95: {  	s2 =	sld [smem:$0x3FFD];
	_ =	sdelay $0x3  }
0x96: {  	_ =	strace s2  }
0x97: {  	_ =	strace $0x8FFFFFFF  }
0x98: {  	s18 =	sld [smem:$0x3FDB];
	_ =	sdelay $0x1  }
0x99: {  	s19 =	simm.s32 $_scs_section_size  }
0x9a: {  	s4 =	simm.s32 $_size__tile_overlayer_lowered;
	s5 =	simm.s32 $_tile_overlayer_lowered  }
0x9b: {  	s22 =	simm.s32 $0x1BFF;
	s21 =	sshll.u32 s5, $0x1;
	s2 =	sadd.s32 s19, s18  }
0x9c: {  	s6 =	simm.s32 $0x0;
	s20 =	sshll.u32 s4, $0x1;
	s4 =	sadd.s32 s21, s2  }
0x9d: {  	[timem:s6], [sflag:s22] =	dma.local [hbm:s4], s20  }
0x9e: {  	_ =	swait.ge [sflag:s22], s20  }
0x9f: {  	s3 =	ssub.s32 $0x0, s20;
	[sflag:s22] =	ssyncset.done $0x0  }
0xa0: {  	[sflag:s22] =	ssyncadd.s32 s3;
	_ =	sdelay $0x1  }
0xa1: {  	s23 =	simm.s32 $0x1B8B  }
0xa2: {  	_ =	swait.ge [sflag:s23], $0x1  }
0xa3: {  	[sflag:s23] =	ssyncset.done $0x0  }
0xa4: {  	s25 =	simm.s32 $0x1B8E;
	s24 =	sld [smem:$0x3FFE];
	[sflag:s23] =	ssyncadd.s32 $0xFFFFFFFF  }
0xa5: {  	s26 =	simm.s32 $execute0_lowered;
	[smem:$0x3FD2] =	sst s25  }
0xa6: {  	s4 =	sshll.u32 s26, $0x1;
	_ =	strace $0x80000046;
	[dreg:$0x1] =	wrdreg $0xFFFFFFFF  }
0xa7: {  	s28 =	simm.s32 $_size_execute0_lowered;
	s2 =	sadd.s32 s2, s4;
	[dreg:$0x0] =	wrdreg $0x0  }
0xa8: {  	s4 =	sshll.u32 s28, $0x1;
	[dreg:$0x2] =	wrdreg s2  }
0xa9: {  	[dreg:$0x3] =	wrdreg s4  }
0xaa: {  	[dreg:$0x4] =	wrdreg $0xC0  }
0xab: {  	_ =	task [dreg:s6], $0x5FFFF  }
0xac: {  	[dreg:$0x1] =	wrdreg $0xFFFFFFFF  }
0xad: {  	[dreg:$0x0] =	wrdreg $0x60  }
0xae: {  	[dreg:$0x2] =	wrdreg s24  }
0xaf: {  	[dreg:$0x3] =	wrdreg $0x14B000  }
0xb0: {  	[dreg:$0x4] =	wrdreg $0x9  }
0xb1: {  	_ =	task.clear_ibuf [dreg:s6], $0x5FFFF;
	_ =	strace $0x90000046  }
0xb2: {  	s29 =	simm.s32 $0x9;
	_ =	strace $0x80000048  }
0xb3: {  	_ =	swait.ge [sflag:s29], $0x1  }
0xb4: {  	[sflag:s29] =	ssyncadd.s32 $0xFFFFFFFF  }
0xb5: {  	_ =	strace $0x90000048  }
0xb6: {  	_ =	sfence  }
0xb7: {  	s30 =	sld [smem:$0x0];
	_ =	sdelay $0x2  }
0xb8: {  	s31 =	sshll.u32 s1, $0xD;
	s1 =	sshrl.u32 s1, $0x2  }
0xb9: {  	s3 =	sand.u32 $0x4000, s31;
	s1 =	sadd.s32 s1, s30  }
0xba: {  	s0 =	sor.u32 s3, s0;
	s1 =	sshll.u32 s1, $0x11  }
0xbb: {  	s0 =	sor.u32 s1, s0  }
0xbc: {  	s0 =	sadd.s32 $0x8F2B, s0  }
0xbd: {  	[sflag:s0] =	ssyncadd.remote.s32 $0x1  }
0xbe: {  	_ =	sfence.sel $0xFFFF  }
0xbf: {  	[dreg:$0x0] =	wrdreg $0xFFFFFFFF;
	(pc) =	sbr.abs _section_cstart, $3  }
0xc0: {  	[dreg:$0x1] =	wrdreg $0xFFFFFFFF  }
0xc1: {  	_ =	task.clear_ibuf [dreg:s6], $0x2FFFF;
	_ =	strace $0x9FFFFFFF  }
0xc2: {  	(tm) =	ssettm $0x7FFFFFFF  }
0xc3: {  	_ =	shalt  }
tec
execute0_lowered:
.L_overlay_start_1:
0x0: {  	(tag) =	ssettag $0x1  }
0x1: {  	s11 =	stileid.u32  }
0x2: {  	s0 =	srdreg.scid;
	s12 =	simm.s32 $0x0;
	s25 =	sand.u32 $0x3, s11  }
0x3: {  	v0 =	vimm.f32 $1.000000000e+00;
	s5 =	sand.u32 $0x1, s0;
	s0 =	rddreg [dreg:$0x1];
	p0 =	seq.s32 s25, $0x0  }
0x4: {  	s1 =	sshrl.u32 s11, $0x2;
	[smem:$0x7FF] =	sst s12;
	s2 =	sshll.u32 s5, $0x2;
	v0 =	vpsel !p0, $0x0, v0  }
0x5: {  	s9 =	simm.s32 $0x14490;
	s6 =	sor.u32 s1, s2;
	s2 =	rddreg [dreg:$0x0];
	[tilespmem:$0x1FED0] =	vst v0  }
0x6: {  	s26 =	simm.s32 $0x144A0;
	_ =	strace $0x80000047;
	[dreg:$0x3] =	wrdreg s9  }
0x7: {  	vm2 =	vcmask $0x320;
	vm3 =	vcmask $0x720;
	vm4 =	vcmask $0xB20;
	s13 =	simm.s32 $0x144C0;
	[dreg:$0x4] =	wrdreg s26  }
0x8: {  	vm5 =	vcmask $0xF20;
	vm6 =	vcmask $0x1320;
	vm7 =	vcmask $0x1720;
	s14 =	simm.s32 $0x144D0;
	[dreg:$0x6] =	wrdreg s13  }
0x9: {  	vm8 =	vcmask $0x1B20;
	v2 =	vimm.s32 $0x40;
	v3 =	vimm.s32 $0x30202020;
	s15 =	simm.s32 $0x144E0;
	[dreg:$0x7] =	wrdreg s14  }
0xa: {  	v4 =	vimm.s32 $0x50403020;
	vm13 =	vcmask $0xF00;
	v32 =	vimm.s32 $0x31212121;
	s16 =	simm.s32 $0x144F0;
	[dreg:$0x8] =	wrdreg s15  }
0xb: {  	vm14 =	vcmask $0x1F10;
	v5 =	vimm.s32 $0x51413121;
	v33 =	vimm.s32 $0x41514131;
	s18 =	simm.s32 $0x14500;
	[dreg:$0x9] =	wrdreg s16  }
0xc: {  	v6 =	vimm.s32 $0x41;
	v34 =	vimm.s32 $0x32222222;
	v35 =	vimm.s32 $0x52423222;
	s19 =	simm.s32 $0x14510;
	[dreg:$0xa] =	wrdreg s18  }
0xd: {  	vm0 =	vcmask $0x2320;
	v7 =	vimm.s32 $0x42;
	v37 =	vimm.s32 $0x42524232;
	s20 =	simm.s32 $0x14520;
	s21 =	simm.s32 $0x14530;
	[dreg:$0xb] =	wrdreg s19  }
0xe: {  	v40 =	vimm.s32 $0x43;
	v41 =	vimm.s32 $0x33232323;
	v8 =	vimm.s32 $0x53433323;
	s22 =	simm.s32 $0x14540;
	[dreg:$0xc] =	wrdreg s20  }
0xf: {  	v10 =	vimm.s32 $0x43534333;
	v47 =	vimm.s32 $0x54443424;
	v48 =	vimm.s32 $0x34242424;
	[dreg:$0xd] =	wrdreg s21  }
0x10: {  	s23 =	simm.s32 $0x14550;
	v49 =	vimm.s32 $0x44544434;
	v14 =	vimm.s32 $0x35252525;
	s28 =	simm.s32 $0x14700;
	[dreg:$0xe] =	wrdreg s22  }
0x11: {  	v45 =	vimm.s32 $0x44;
	v15 =	vimm.s32 $0x45;
	v51 =	vimm.s32 $0x55453525;
	s7 =	smul.u32 $0x12000, s25;
	s25 =	simm.s32 $0x14560;
	[dreg:$0xf] =	wrdreg s23  }
0x12: {  	v1 =	vimm.f32 $0.0e+00;
	v52 =	vimm.s32 $0x45554535;
	v53 =	vimm.s32 $0x56463626;
	s29 =	simm.s32 $0x14710;
	[dreg:$0x10] =	wrdreg s25;
	s26 =	simm.s32 $0x14570  }
0x13: {  	vm1 =	vmmov $0x1;
	v54 =	vimm.s32 $0x36262626;
	v17 =	vimm.s32 $0x46564636;
	s30 =	simm.s32 $0x14720;
	s9 =	simm.s32 $0x14580;
	[dreg:$0x11] =	wrdreg s26  }
0x14: {  	v18 =	vimm.s32 $0x46;
	v56 =	vimm.s32 $0x37272727;
	s31 =	simm.s32 $0x14730;
	v3 =	vunpack.c.0.s8.s32 v3;
	s13 =	simm.s32 $0x145A0;
	[dreg:$0x12] =	wrdreg s9  }
0x15: {  	v4 =	vunpack.c.0.s8.s32 v4;
	v2 =	vsel vm13, $0x10, v2;
	v5 =	vunpack.c.0.s8.s32 v5;
	s24 =	sshrl.u32 s11, $0x3;
	s14 =	simm.s32 $0x145B0;
	[dreg:$0x14] =	wrdreg s13  }
0x16: {  	v36 =	vsel vm13, $0x12, v7;
	s3 =	sshll.u32 s5, $0xB;
	v9 =	vsel vm14, v3, v2;
	v3 =	vimm.s32 $0x40504030;
	s15 =	simm.s32 $0x145C0;
	[dreg:$0x15] =	wrdreg s14  }
0x17: {  	v39 =	vunpack.c.0.s8.s32 v37;
	v7 =	vunpack.c.0.s8.s32 v41;
	s5 =	ssub.s32 $0x2, s5;
	v3 =	vunpack.c.0.s8.s32 v3;
	s16 =	simm.s32 $0x145D0;
	[dreg:$0x16] =	wrdreg s15  }
0x18: {  	v8 =	vunpack.c.0.s8.s32 v8;
	v2 =	vnsel vm13, $0x50, v4;
	v4 =	vunpack.c.0.s8.s32 v32;
	s17 =	sshrl.u32 s5, $0x1;
	s18 =	simm.s32 $0x145E0;
	[dreg:$0x17] =	wrdreg s16  }
0x19: {  	v42 =	vsel vm13, $0x13, v40;
	s1 =	smul.u32 $0x48000, s6;
	s20 =	simm.s32 $0x145F0;
	v0 =	vsel vm14, v3, v2;
	v3 =	vsel vm13, $0x11, v6;
	[dreg:$0x18] =	wrdreg s18  }
0x1a: {  	s5 =	ssub.s32 s5, s17;
	s21 =	simm.s32 $0x14600;
	v6 =	vunpack.c.0.s8.s32 v35;
	[dreg:$0x19] =	wrdreg s20;
	v11 =	vsel vm14, v4, v3;
	v4 =	vunpack.c.0.s8.s32 v33  }
0x1b: {  	v43 =	vunpack.c.0.s8.s32 v10;
	v13 =	vsel vm14, v7, v42;
	s6 =	sshll.u32 s6, $0x7;
	s23 =	simm.s32 $0x14610;
	[dreg:$0x1a] =	wrdreg s21;
	v3 =	vnsel vm13, $0x51, v5  }
0x1c: {  	v7 =	vunpack.c.0.s8.s32 v47;
	s6 =	sor.u32 s7, s6;
	s25 =	simm.s32 $0x14620;
	[dreg:$0x1b] =	wrdreg s23;
	[tilespmem:$0x1FEE0] =	vst v0;
	v38 =	vnsel vm13, $0x52, v6;
	v0 =	vsel vm14, v4, v3  }
0x1d: {  	v10 =	vunpack.c.0.s8.s32 v49;
	v44 =	vnsel vm13, $0x53, v8;
	s1 =	sadd.s32 s7, s1;
	s6 =	sshrl.u32 s6, $0x3;
	[dreg:$0x1c] =	wrdreg s25;
	[tilespmem:$0x1FEF0] =	vst v0;
	v0 =	vsel vm14, v39, v38  }
0x1e: {  	v8 =	vunpack.c.0.s8.s32 v48;
	v7 =	vnsel vm13, $0x54, v7;
	s26 =	simm.s32 $0x14630;
	s13 =	simm.s32 $0x80;
	s14 =	simm.s32 $0x400;
	[tilespmem:$0x1FF00] =	vst v0;
	v0 =	vsel vm14, v43, v44  }
0x1f: {  	v46 =	vsel vm13, $0x14, v45;
	s15 =	simm.s32 $0x14640;
	s16 =	simm.s32 $0x14650;
	s18 =	simm.s32 $0x14670;
	[tilespmem:$0x1FF10] =	vst v0;
	v0 =	vsel vm14, v10, v7;
	v7 =	vunpack.c.0.s8.s32 v51  }
0x20: {  	v16 =	vsel vm14, v8, v46;
	v8 =	vunpack.c.0.s8.s32 v52;
	s20 =	simm.s32 $0x14690;
	s21 =	simm.s32 $0x146A0;
	s23 =	simm.s32 $0x146C0;
	v10 =	vunpack.c.0.s8.s32 v53  }
0x21: {  	v57 =	vimm.s32 $0x57473727;
	v17 =	vunpack.c.0.s8.s32 v17;
	s25 =	simm.s32 $0x146E0;
	s1 =	sshrl.u32 s1, $0x3;
	[dreg:$0x1d] =	wrdreg s26;
	v7 =	vnsel vm13, $0x55, v7  }
0x22: {  	v19 =	vimm.s32 $0x47574737;
	s26 =	simm.s32 $0x146F0;
	s8 =	sadd.s32 s1, s2;
	s1 =	sshll.u32 s11, $0x7;
	[tilespmem:$0x1FF20] =	vst v0;
	v10 =	vnsel vm13, $0x56, v10;
	v0 =	vsel vm14, v8, v7  }
0x23: {  	v55 =	vimm.s32 $0x47;
	s11 =	simm.s32 $0x14590;
	s4 =	sand.u32 $0x380, s1;
	s10 =	sand.u32 $0x400, s1;
	[tilespmem:$0x1FF30] =	vst v0;
	v0 =	vsel vm14, v17, v10;
	v17 =	vunpack.c.0.s8.s32 v57  }
0x24: {  	v59 =	vimm.s32 $0x32221111;
	v61 =	vimm.s32 $0x45435432;
	v19 =	vunpack.c.0.s8.s32 v19;
	s8 =	sadd.s32 $0x9000, s8;
	[dreg:$0x13] =	wrdreg s11;
	s3 =	sor.u32 s3, s10  }
0x25: {  	v5 =	vunpack.c.0.s8.s32 v34;
	s10 =	simm.s32 $0x144B0;
	[dreg:$0x1e] =	wrdreg s8;
	s8 =	smul.u32 $0x7000, s24;
	[tilespmem:$0x1FF40] =	vst v0;
	v0 =	vsel vm0, $0x30, v9;
	v58 =	vnsel vm13, $0x57, v17  }
0x26: {  	v14 =	vunpack.c.0.s8.s32 v14;
	v50 =	vsel vm13, $0x15, v15;
	s24 =	smax.u32 s5, $0x1;
	s3 =	sor.u32 s4, s3;
	[dreg:$0x5] =	wrdreg s10;
	[tilespmem:$0x1FF50] =	vst v0;
	v0 =	vsel vm14, v19, v58  }
0x27: {  	v18 =	vsel vm13, $0x16, v18;
	v12 =	vsel vm14, v5, v36;
	[smem:$0x7FD] =	sst s24;
	s3 =	sshrl.u32 s3, $0x3;
	s10 =	sshrl.u32 s8, $0x2;
	[tilespmem:$0x1FF60] =	vst v0;
	v0 =	vsel vm0, $0x31, v11  }
0x28: {  	v15 =	vsel vm14, v14, v50;
	v14 =	vunpack.c.0.s8.s32 v54;
	s3 =	sadd.s32 s3, s2;
	s2 =	sadd.s32 s2, s6;
	s0 =	sadd.s32 s10, s0;
	[tilespmem:$0x1FF70] =	vst v0;
	v0 =	vsel vm0, $0x32, v12  }
0x29: {  	v60 =	vunpack.c.l.s4.s8 v59;
	v62 =	vunpack.c.l.s4.s8 v61;
	s1 =	sand.u32 $0x200, s1;
	[dreg:$0x1f] =	wrdreg s2;
	s4 =	sadd.s32 s4, s0;
	[tilespmem:$0x1FF80] =	vst v0;
	v0 =	vsel vm0, $0x33, v13  }
0x2a: {  	v18 =	vsel vm14, v14, v18;
	v14 =	vunpack.c.0.s8.s32 v56;
	s11 =	simm.s32 $0x1;
	s1 =	sadd.s32 s1, s0;
	[smem:$0x7F7] =	sst s4;
	[tilespmem:$0x1FF90] =	vst v0;
	v0 =	vsel vm0, $0x34, v16  }
0x2b: {  	v21 =	vunpack.c.0.s8.s32 v60;
	s5 =	simm.s32 $0x14EE0;
	s22 =	sadd.s32 $0x51000, s3;
	[smem:$0x7FA] =	sst s1;
	v10 =	vsel vm13, $0x17, v55;
	[tilespmem:$0x1FFA0] =	vst v0;
	v0 =	vsel vm0, $0x35, v15  }
0x2c: {  	vm9 =	vcmask $0x1F00;
	s24 =	simm.s32 $0x146D0;
	s17 =	sadd.s32 $0x80, s1;
	[smem:$0x7FC] =	sst s22;
	v20 =	vsel vm14, v14, v10;
	[tilespmem:$0x1FFB0] =	vst v0;
	v0 =	vsel vm0, $0x36, v18  }
0x2d: {  	v63 =	vnsel vm9, $0x4, v21;
	s0 =	simm.s32 $0x14750;
	s19 =	sadd.s32 $0x100, s1;
	[smem:$0x7F8] =	sst s17;
	v19 =	vunpack.c.0.s8.s32 v62;
	[tilespmem:$0x1FFC0] =	vst v0;
	v0 =	vsel vm0, $0x37, v20  }
0x2e: {  	vm10 =	vcmask $0xB18;
	vm11 =	vcmask $0xF18;
	s1 =	sadd.s32 $0x180, s1;
	s22 =	simm.s32 $0x146B0;
	[smem:$0x7F9] =	sst s19;
	[tilespmem:$0x1FFD0] =	vst v0;
	v0 =	vsel vm0, $0x3, v63  }
0x2f: {  	vm12 =	vcmask $0x1318;
	vm15 =	vcmask $0x3F08;
	s4 =	simm.s32 $0x14E60;
	[smem:$0x7FB] =	sst s1;
	s17 =	simm.s32 $0x14660;
	[tilespmem:$0x1FFE0] =	vst v0;
	v0 =	vnsel vm9, $0x5, v19  }
0x30: {  	s3 =	simm.s32 $0x0;
	s19 =	simm.s32 $0x14680;
	s1 =	simm.s32 $0x14740;
	vm13 =	vcmask $0x2700;
	vm14 =	vcmask $0x3F0C;
	vm0 =	vcmask $0x3F04;
	[tilespmem:$0x1FFF0] =	vst v0  }
.LBB2_1:
0x31: {  	[smem:$0x7F6] =	sst s3  }
0x32: {  	s2 =	rddreg [dreg:$0x1e]  }
0x33: {  	[tilespmem:s12], [sflag:$0x1] =	stream.linear.gather [hbm4b:s2+s12], $0x12000, $0x38;
	[tilespmem:$0x14FE0] =	vst v63  }
0x34: {  	_ =	swait.ge [sflag:s11], $0x12000  }
0x35: {  	[sflag:s11] =	ssyncset.done $0x0  }
0x36: {  	s9 =	simm.s32 $0x12000;
	s10 =	rddreg [dreg:$0x1f];
	[sflag:s11] =	ssyncadd.s32 $0xFFFEE000  }
0x37: {  	[tilespmem:s9], [sflag:$0x1] =	stream.strided.gather [hbm4b:s10+s13], $0x2400, s14, s13, $0x38;
	[tilespmem:$0x14FE0] =	vst v63  }
0x38: {  	_ =	swait.ge [sflag:s11], $0x2400  }
0x39: {  	[sflag:s11] =	ssyncset.done $0x0  }
0x3a: {  	[sflag:s11] =	ssyncadd.s32 $0xFFFFDC00  }
0x3b: {  	[tilespmem:$0x14400] =	vst v1  }
0x3c: {  	[tilespmem:$0x14410] =	vst v1  }
0x3d: {  	[tilespmem:$0x14420] =	vst v1  }
0x3e: {  	[tilespmem:$0x14430] =	vst v1  }
0x3f: {  	[tilespmem:$0x14440] =	vst v1  }
0x40: {  	[tilespmem:$0x14450] =	vst v1  }
0x41: {  	[tilespmem:$0x14460] =	vst v1  }
0x42: {  	[tilespmem:$0x14470] =	vst v1  }
0x43: {  	[tilespmem:$0x14480] =	vst v1  }
0x44: {  	[tilespmem:$0x14490] =	vst v1  }
0x45: {  	[tilespmem:$0x144A0] =	vst v1  }
0x46: {  	[tilespmem:$0x144B0] =	vst v1  }
0x47: {  	[tilespmem:$0x144C0] =	vst v1  }
0x48: {  	[tilespmem:$0x144D0] =	vst v1  }
0x49: {  	[tilespmem:$0x144E0] =	vst v1  }
0x4a: {  	[tilespmem:$0x144F0] =	vst v1  }
0x4b: {  	[tilespmem:$0x14500] =	vst v1  }
0x4c: {  	[tilespmem:$0x14510] =	vst v1  }
0x4d: {  	[tilespmem:$0x14520] =	vst v1  }
0x4e: {  	[tilespmem:$0x14530] =	vst v1  }
0x4f: {  	[tilespmem:$0x14540] =	vst v1  }
0x50: {  	[tilespmem:$0x14550] =	vst v1  }
0x51: {  	[tilespmem:$0x14560] =	vst v1  }
0x52: {  	[tilespmem:$0x14570] =	vst v1  }
0x53: {  	[tilespmem:$0x14580] =	vst v1  }
0x54: {  	[tilespmem:$0x14590] =	vst v1  }
0x55: {  	[tilespmem:$0x145A0] =	vst v1  }
0x56: {  	[tilespmem:$0x145B0] =	vst v1  }
0x57: {  	[tilespmem:$0x145C0] =	vst v1  }
0x58: {  	[tilespmem:$0x145D0] =	vst v1  }
0x59: {  	[tilespmem:$0x145E0] =	vst v1  }
0x5a: {  	[tilespmem:$0x145F0] =	vst v1  }
0x5b: {  	[tilespmem:$0x14600] =	vst v1  }
0x5c: {  	[tilespmem:$0x14610] =	vst v1  }
0x5d: {  	[tilespmem:$0x14620] =	vst v1  }
0x5e: {  	[tilespmem:$0x14630] =	vst v1  }
0x5f: {  	[tilespmem:$0x14640] =	vst v1  }
0x60: {  	[tilespmem:$0x14650] =	vst v1  }
0x61: {  	[tilespmem:$0x14660] =	vst v1  }
0x62: {  	[tilespmem:$0x14670] =	vst v1  }
0x63: {  	[tilespmem:$0x14680] =	vst v1  }
0x64: {  	[tilespmem:$0x14690] =	vst v1  }
0x65: {  	[tilespmem:$0x146A0] =	vst v1  }
0x66: {  	[tilespmem:$0x146B0] =	vst v1  }
0x67: {  	[tilespmem:$0x146C0] =	vst v1  }
0x68: {  	[tilespmem:$0x146D0] =	vst v1  }
0x69: {  	[tilespmem:$0x146E0] =	vst v1  }
0x6a: {  	[tilespmem:$0x146F0] =	vst v1  }
0x6b: {  	[tilespmem:$0x14700] =	vst v1  }
0x6c: {  	[tilespmem:$0x14710] =	vst v1  }
0x6d: {  	[tilespmem:$0x14720] =	vst v1  }
0x6e: {  	[tilespmem:$0x14730] =	vst v1  }
0x6f: {  	[tilespmem:$0x14740] =	vst v1  }
0x70: {  	s6 =	sand.u32 $0x70, s12;
	s11 =	sand.u32 $0x1FC00, s12;
	[tilespmem:$0x14750] =	vst v1  }
0x71: {  	s2 =	sor.u32 s6, s11;
	v20 =	vld [tilespmem:s9+$0x0]  }
0x72: {  	v21 =	vld [tilespmem:s2+$0x0];
	_ =	sdelay $0x3  }
0x73: {  	vm9 =	veq.s32 v20, $0x1  }
0x74: {  	s13 =	rddreg [dreg:$0x3];
	v21 =	vnsel vm9, $0x0, v21  }
0x75: {  	[tilespmem:s13+$0x0] =	vst.add.f32.msk $0xffff, v21  }
0x76: {  	v21 =	vld [tilespmem:s2+$0x80];
	_ =	sdelay $0x4  }
0x77: {  	s14 =	rddreg [dreg:$0x4];
	v21 =	vnsel vm9, $0x0, v21  }
0x78: {  	[tilespmem:s14+$0x0] =	vst.add.f32.msk $0xffff, v21  }
0x79: {  	v21 =	vld [tilespmem:s2+$0x100];
	_ =	sdelay $0x4  }
0x7a: {  	s6 =	rddreg [dreg:$0x5];
	v21 =	vnsel vm9, $0x0, v21  }
0x7b: {  	[tilespmem:s6+$0x0] =	vst.add.f32.msk $0xffff, v21  }
0x7c: {  	v21 =	vld [tilespmem:s2+$0x180];
	_ =	sdelay $0x4  }
0x7d: {  	s7 =	rddreg [dreg:$0x6];
	v21 =	vnsel vm9, $0x0, v21  }
0x7e: {  	[tilespmem:s7+$0x0] =	vst.add.f32.msk $0xffff, v21  }
0x7f: {  	v21 =	vld [tilespmem:s2+$0x200];
	_ =	sdelay $0x4  }
0x80: {  	s8 =	rddreg [dreg:$0x7];
	v21 =	vnsel vm9, $0x0, v21  }
0x81: {  	[tilespmem:s8+$0x0] =	vst.add.f32.msk $0xffff, v21  }
0x82: {  	v21 =	vld [tilespmem:s2+$0x280];
	_ =	sdelay $0x4  }
0x83: {  	s9 =	rddreg [dreg:$0x8];
	v21 =	vnsel vm9, $0x0, v21  }
0x84: {  	[tilespmem:s9+$0x0] =	vst.add.f32.msk $0xffff, v21  }
0x85: {  	v21 =	vld [tilespmem:s2+$0x300];
	_ =	sdelay $0x2  }
0x86: {  	s10 =	sand.u32 $0x7, s12  }
0x87: {  	s3 =	sshll.u32 s10, $0x4  }
0x88: {  	s3 =	sadd.s32 $0x0, s3;
	s11 =	rddreg [dreg:$0x9];
	v21 =	vnsel vm9, $0x0, v21  }
0x89: {  	s3 =	sor.u32 $0x380, s3;
	[tilespmem:s11+$0x0] =	vst.add.f32.msk $0xffff, v21  }
0x8a: {  	v21 =	vld [tilespmem:s3+$0x0];
	_ =	sdelay $0x4  }
0x8b: {  	s12 =	rddreg [dreg:$0xa];
	v21 =	vnsel vm9, $0x0, v21  }
0x8c: {  	s8 =	rddreg [dreg:$0xb];
	[tilespmem:s12+$0x0] =	vst.add.f32.msk $0xffff, v21;
	v21 =	vsel vm9, $0x3F800000, v1  }
0x8d: {  	[tilespmem:s8+$0x0] =	vst.add.f32.msk $0xffff, v21  }
0x8e: {  	v21 =	vld [tilespmem:s2+$0x0];
	_ =	sdelay $0x3  }
0x8f: {  	vm9 =	veq.s32 v20, $0x2  }
0x90: {  	s13 =	rddreg [dreg:$0xc];
	v21 =	vnsel vm9, $0x0, v21  }
0x91: {  	[tilespmem:s13+$0x0] =	vst.add.f32.msk $0xffff, v21  }
0x92: {  	v21 =	vld [tilespmem:s2+$0x80];
	_ =	sdelay $0x4  }
0x93: {  	s14 =	rddreg [dreg:$0xd];
	v21 =	vnsel vm9, $0x0, v21  }
0x94: {  	[tilespmem:s14+$0x0] =	vst.add.f32.msk $0xffff, v21  }
0x95: {  	v21 =	vld [tilespmem:s2+$0x100];
	_ =	sdelay $0x4  }
0x96: {  	s7 =	rddreg [dreg:$0xe];
	v21 =	vnsel vm9, $0x0, v21  }
0x97: {  	[tilespmem:s7+$0x0] =	vst.add.f32.msk $0xffff, v21  }
0x98: {  	v21 =	vld [tilespmem:s2+$0x180];
	_ =	sdelay $0x4  }
0x99: {  	s8 =	rddreg [dreg:$0xf];
	v21 =	vnsel vm9, $0x0, v21  }
0x9a: {  	[tilespmem:s8+$0x0] =	vst.add.f32.msk $0xffff, v21  }
0x9b: {  	v21 =	vld [tilespmem:s2+$0x200];
	_ =	sdelay $0x4  }
0x9c: {  	s9 =	rddreg [dreg:$0x10];
	v21 =	vnsel vm9, $0x0, v21  }
0x9d: {  	[tilespmem:s9+$0x0] =	vst.add.f32.msk $0xffff, v21  }
0x9e: {  	v21 =	vld [tilespmem:s2+$0x280];
	_ =	sdelay $0x4  }
0x9f: {  	s10 =	rddreg [dreg:$0x11];
	v21 =	vnsel vm9, $0x0, v21  }
0xa0: {  	[tilespmem:s10+$0x0] =	vst.add.f32.msk $0xffff, v21  }
0xa1: {  	v21 =	vld [tilespmem:s2+$0x300];
	_ =	sdelay $0x4  }
0xa2: {  	s11 =	rddreg [dreg:$0x12];
	v21 =	vnsel vm9, $0x0, v21  }
0xa3: {  	[tilespmem:s11+$0x0] =	vst.add.f32.msk $0xffff, v21  }
0xa4: {  	v21 =	vld [tilespmem:s3+$0x0];
	_ =	sdelay $0x4  }
0xa5: {  	s12 =	rddreg [dreg:$0x13];
	v21 =	vnsel vm9, $0x0, v21  }
0xa6: {  	s13 =	rddreg [dreg:$0x14];
	[tilespmem:s12+$0x0] =	vst.add.f32.msk $0xffff, v21;
	v21 =	vsel vm9, $0x3F800000, v1  }
0xa7: {  	[tilespmem:s13+$0x0] =	vst.add.f32.msk $0xffff, v21  }
0xa8: {  	v21 =	vld [tilespmem:s2+$0x0];
	_ =	sdelay $0x3  }
0xa9: {  	vm9 =	veq.s32 v20, $0x3  }
0xaa: {  	s14 =	rddreg [dreg:$0x15];
	v21 =	vnsel vm9, $0x0, v21  }
0xab: {  	[tilespmem:s14+$0x0] =	vst.add.f32.msk $0xffff, v21  }
0xac: {  	v21 =	vld [tilespmem:s2+$0x80];
	_ =	sdelay $0x4  }
0xad: {  	s7 =	rddreg [dreg:$0x16];
	v21 =	vnsel vm9, $0x0, v21  }
0xae: {  	[tilespmem:s7+$0x0] =	vst.add.f32.msk $0xffff, v21  }
0xaf: {  	v21 =	vld [tilespmem:s2+$0x100];
	_ =	sdelay $0x4  }
0xb0: {  	s8 =	rddreg [dreg:$0x17];
	v21 =	vnsel vm9, $0x0, v21  }
0xb1: {  	[tilespmem:s8+$0x0] =	vst.add.f32.msk $0xffff, v21  }
0xb2: {  	v21 =	vld [tilespmem:s2+$0x180];
	_ =	sdelay $0x4  }
0xb3: {  	s9 =	rddreg [dreg:$0x18];
	v21 =	vnsel vm9, $0x0, v21  }
0xb4: {  	[tilespmem:s9+$0x0] =	vst.add.f32.msk $0xffff, v21  }
0xb5: {  	v21 =	vld [tilespmem:s2+$0x200];
	_ =	sdelay $0x4  }
0xb6: {  	s10 =	rddreg [dreg:$0x19];
	v21 =	vnsel vm9, $0x0, v21  }
0xb7: {  	[tilespmem:s10+$0x0] =	vst.add.f32.msk $0xffff, v21  }
0xb8: {  	v21 =	vld [tilespmem:s2+$0x280];
	_ =	sdelay $0x4  }
0xb9: {  	s11 =	rddreg [dreg:$0x1a];
	v21 =	vnsel vm9, $0x0, v21  }
0xba: {  	[tilespmem:s11+$0x0] =	vst.add.f32.msk $0xffff, v21  }
0xbb: {  	v21 =	vld [tilespmem:s2+$0x300];
	_ =	sdelay $0x4  }
0xbc: {  	s12 =	rddreg [dreg:$0x1b];
	v21 =	vnsel vm9, $0x0, v21  }
0xbd: {  	[tilespmem:s12+$0x0] =	vst.add.f32.msk $0xffff, v21  }
0xbe: {  	v21 =	vld [tilespmem:s3+$0x0];
	_ =	sdelay $0x4  }
0xbf: {  	s13 =	rddreg [dreg:$0x1c];
	v21 =	vnsel vm9, $0x0, v21  }
0xc0: {  	s14 =	rddreg [dreg:$0x1d];
	[tilespmem:s13+$0x0] =	vst.add.f32.msk $0xffff, v21;
	v21 =	vsel vm9, $0x3F800000, v1  }
0xc1: {  	[tilespmem:s14+$0x0] =	vst.add.f32.msk $0xffff, v21  }
0xc2: {  	v21 =	vld [tilespmem:s2+$0x0];
	_ =	sdelay $0x3  }
0xc3: {  	vm9 =	veq.s32 v20, $0x4  }
0xc4: {  	v21 =	vnsel vm9, $0x0, v21  }
0xc5: {  	[tilespmem:s15+$0x0] =	vst.add.f32.msk $0xffff, v21  }
0xc6: {  	v21 =	vld [tilespmem:s2+$0x80];
	_ =	sdelay $0x4  }
0xc7: {  	v21 =	vnsel vm9, $0x0, v21  }
0xc8: {  	[tilespmem:s16+$0x0] =	vst.add.f32.msk $0xffff, v21  }
0xc9: {  	v21 =	vld [tilespmem:s2+$0x100];
	_ =	sdelay $0x4  }
0xca: {  	v21 =	vnsel vm9, $0x0, v21  }
0xcb: {  	[tilespmem:s17+$0x0] =	vst.add.f32.msk $0xffff, v21  }
0xcc: {  	v21 =	vld [tilespmem:s2+$0x180];
	_ =	sdelay $0x4  }
0xcd: {  	v21 =	vnsel vm9, $0x0, v21  }
0xce: {  	[tilespmem:s18+$0x0] =	vst.add.f32.msk $0xffff, v21  }
0xcf: {  	v21 =	vld [tilespmem:s2+$0x200];
	_ =	sdelay $0x4  }
0xd0: {  	v21 =	vnsel vm9, $0x0, v21  }
0xd1: {  	[tilespmem:s19+$0x0] =	vst.add.f32.msk $0xffff, v21  }
0xd2: {  	v21 =	vld [tilespmem:s2+$0x280];
	_ =	sdelay $0x4  }
0xd3: {  	v21 =	vnsel vm9, $0x0, v21  }
0xd4: {  	[tilespmem:s20+$0x0] =	vst.add.f32.msk $0xffff, v21  }
0xd5: {  	v21 =	vld [tilespmem:s2+$0x300];
	_ =	sdelay $0x4  }
0xd6: {  	v21 =	vnsel vm9, $0x0, v21  }
0xd7: {  	[tilespmem:s21+$0x0] =	vst.add.f32.msk $0xffff, v21  }
0xd8: {  	v21 =	vld [tilespmem:s3+$0x0];
	_ =	sdelay $0x4  }
0xd9: {  	v21 =	vnsel vm9, $0x0, v21  }
0xda: {  	[tilespmem:s22+$0x0] =	vst.add.f32.msk $0xffff, v21;
	v21 =	vsel vm9, $0x3F800000, v1  }
0xdb: {  	[tilespmem:s23+$0x0] =	vst.add.f32.msk $0xffff, v21  }
0xdc: {  	v21 =	vld [tilespmem:s2+$0x0];
	_ =	sdelay $0x3  }
0xdd: {  	vm9 =	veq.s32 v20, $0x5  }
0xde: {  	v20 =	vnsel vm9, $0x0, v21  }
0xdf: {  	[tilespmem:s24+$0x0] =	vst.add.f32.msk $0xffff, v20  }
0xe0: {  	v20 =	vld [tilespmem:s2+$0x80];
	_ =	sdelay $0x4  }
0xe1: {  	v20 =	vnsel vm9, $0x0, v20  }
0xe2: {  	[tilespmem:s25+$0x0] =	vst.add.f32.msk $0xffff, v20  }
0xe3: {  	v20 =	vld [tilespmem:s2+$0x100];
	_ =	sdelay $0x4  }
0xe4: {  	v20 =	vnsel vm9, $0x0, v20  }
0xe5: {  	[tilespmem:s26+$0x0] =	vst.add.f32.msk $0xffff, v20  }
0xe6: {  	v20 =	vld [tilespmem:s2+$0x180];
	_ =	sdelay $0x4  }
0xe7: {  	v20 =	vnsel vm9, $0x0, v20  }
0xe8: {  	[tilespmem:s28+$0x0] =	vst.add.f32.msk $0xffff, v20  }
0xe9: {  	v20 =	vld [tilespmem:s2+$0x200];
	_ =	sdelay $0x4  }
0xea: {  	v20 =	vnsel vm9, $0x0, v20  }
0xeb: {  	[tilespmem:s29+$0x0] =	vst.add.f32.msk $0xffff, v20  }
0xec: {  	v20 =	vld [tilespmem:s2+$0x280];
	_ =	sdelay $0x4  }
0xed: {  	v20 =	vnsel vm9, $0x0, v20  }
0xee: {  	[tilespmem:s30+$0x0] =	vst.add.f32.msk $0xffff, v20  }
0xef: {  	v20 =	vld [tilespmem:s2+$0x300];
	_ =	sdelay $0x4  }
0xf0: {  	v20 =	vnsel vm9, $0x0, v20  }
0xf1: {  	[tilespmem:s31+$0x0] =	vst.add.f32.msk $0xffff, v20  }
0xf2: {  	v20 =	vld [tilespmem:s3+$0x0];
	_ =	sdelay $0x3  }
0xf3: {  	s8 =	simm.s32 $0x80  }
0xf4: {  	s6 =	simm.s32 $0x100;
	s9 =	simm.s32 $0x1;
	s10 =	sand.u32 $0x1FC00, s8;
	v20 =	vnsel vm9, $0x0, v20  }
0xf5: {  	s11 =	simm.s32 $0x10;
	s13 =	simm.s32 $0x20;
	s3 =	simm.s32 $0x12010;
	[tilespmem:s1+$0x0] =	vst.add.f32.msk $0xffff, v20;
	v20 =	vsel vm9, $0x3F800000, v1  }
.LBB2_2:
0xf6: {  	s7 =	sand.u32 $0x70, s11;
	[tilespmem:s0+$0x0] =	vst.add.f32.msk $0xffff, v20;
	s11 =	smov.u32 s13  }
0xf7: {  	s2 =	sadd.s32 $0x10, s13;
	p0 =	sne.s32 s13, $0x23F0;
	v20 =	vld [tilespmem:s3+$0x0];
	s13 =	sor.u32 s7, s10  }
0xf8: {  	v21 =	vld [tilespmem:s13+$0x0];
	_ =	sdelay $0x3  }
0xf9: {  	s14 =	sand.u32 $0x1FC00, s6;
	vm9 =	veq.s32 v20, $0x1  }
0xfa: {  	s10 =	smov.u32 s14;
	s14 =	rddreg [dreg:$0x3];
	v21 =	vnsel vm9, $0x0, v21  }
0xfb: {  	[tilespmem:s14+$0x0] =	vst.add.f32.msk $0xffff, v21  }
0xfc: {  	v21 =	vld [tilespmem:s13+$0x80];
	_ =	sdelay $0x4  }
0xfd: {  	s12 =	rddreg [dreg:$0x4];
	v21 =	vnsel vm9, $0x0, v21  }
0xfe: {  	[tilespmem:s12+$0x0] =	vst.add.f32.msk $0xffff, v21  }
0xff: {  	v21 =	vld [tilespmem:s13+$0x100];
	_ =	sdelay $0x4  }
0x100: {  	s14 =	rddreg [dreg:$0x5];
	v21 =	vnsel vm9, $0x0, v21  }
0x101: {  	[tilespmem:s14+$0x0] =	vst.add.f32.msk $0xffff, v21  }
0x102: {  	v21 =	vld [tilespmem:s13+$0x180];
	_ =	sdelay $0x4  }
0x103: {  	s12 =	rddreg [dreg:$0x6];
	v21 =	vnsel vm9, $0x0, v21  }
0x104: {  	[tilespmem:s12+$0x0] =	vst.add.f32.msk $0xffff, v21  }
0x105: {  	v21 =	vld [tilespmem:s13+$0x200];
	_ =	sdelay $0x4  }
0x106: {  	s14 =	rddreg [dreg:$0x7];
	v21 =	vnsel vm9, $0x0, v21  }
0x107: {  	[tilespmem:s14+$0x0] =	vst.add.f32.msk $0xffff, v21  }
0x108: {  	v21 =	vld [tilespmem:s13+$0x280];
	_ =	sdelay $0x4  }
0x109: {  	s12 =	rddreg [dreg:$0x8];
	v21 =	vnsel vm9, $0x0, v21  }
0x10a: {  	[tilespmem:s12+$0x0] =	vst.add.f32.msk $0xffff, v21  }
0x10b: {  	v21 =	vld [tilespmem:s13+$0x300];
	_ =	sdelay $0x2  }
0x10c: {  	s14 =	sand.u32 $0x7, s9  }
0x10d: {  	s7 =	sshll.u32 s14, $0x4  }
0x10e: {  	s7 =	sadd.s32 s7, s8;
	s12 =	rddreg [dreg:$0x9];
	v21 =	vnsel vm9, $0x0, v21  }
0x10f: {  	s14 =	sor.u32 $0x380, s7;
	[tilespmem:s12+$0x0] =	vst.add.f32.msk $0xffff, v21  }
0x110: {  	v21 =	vld [tilespmem:s14+$0x0];
	_ =	sdelay $0x4  }
0x111: {  	s7 =	rddreg [dreg:$0xa];
	v21 =	vnsel vm9, $0x0, v21  }
0x112: {  	s12 =	rddreg [dreg:$0xb];
	[tilespmem:s7+$0x0] =	vst.add.f32.msk $0xffff, v21;
	v21 =	vsel vm9, $0x3F800000, v1  }
0x113: {  	[tilespmem:s12+$0x0] =	vst.add.f32.msk $0xffff, v21  }
0x114: {  	v21 =	vld [tilespmem:s13+$0x0];
	_ =	sdelay $0x3  }
0x115: {  	vm9 =	veq.s32 v20, $0x2  }
0x116: {  	s12 =	rddreg [dreg:$0xc];
	v21 =	vnsel vm9, $0x0, v21  }
0x117: {  	[tilespmem:s12+$0x0] =	vst.add.f32.msk $0xffff, v21  }
0x118: {  	v21 =	vld [tilespmem:s13+$0x80];
	_ =	sdelay $0x4  }
0x119: {  	s12 =	rddreg [dreg:$0xd];
	v21 =	vnsel vm9, $0x0, v21  }
0x11a: {  	[tilespmem:s12+$0x0] =	vst.add.f32.msk $0xffff, v21  }
0x11b: {  	v21 =	vld [tilespmem:s13+$0x100];
	_ =	sdelay $0x4  }
0x11c: {  	s12 =	rddreg [dreg:$0xe];
	v21 =	vnsel vm9, $0x0, v21  }
0x11d: {  	[tilespmem:s12+$0x0] =	vst.add.f32.msk $0xffff, v21  }
0x11e: {  	v21 =	vld [tilespmem:s13+$0x180];
	_ =	sdelay $0x4  }
0x11f: {  	s12 =	rddreg [dreg:$0xf];
	v21 =	vnsel vm9, $0x0, v21  }
0x120: {  	[tilespmem:s12+$0x0] =	vst.add.f32.msk $0xffff, v21  }
0x121: {  	v21 =	vld [tilespmem:s13+$0x200];
	_ =	sdelay $0x4  }
0x122: {  	s12 =	rddreg [dreg:$0x10];
	v21 =	vnsel vm9, $0x0, v21  }
0x123: {  	[tilespmem:s12+$0x0] =	vst.add.f32.msk $0xffff, v21  }
0x124: {  	v21 =	vld [tilespmem:s13+$0x280];
	_ =	sdelay $0x4  }
0x125: {  	s12 =	rddreg [dreg:$0x11];
	v21 =	vnsel vm9, $0x0, v21  }
0x126: {  	[tilespmem:s12+$0x0] =	vst.add.f32.msk $0xffff, v21  }
0x127: {  	v21 =	vld [tilespmem:s13+$0x300];
	_ =	sdelay $0x4  }
0x128: {  	s12 =	rddreg [dreg:$0x12];
	v21 =	vnsel vm9, $0x0, v21  }
0x129: {  	[tilespmem:s12+$0x0] =	vst.add.f32.msk $0xffff, v21  }
0x12a: {  	v21 =	vld [tilespmem:s14+$0x0];
	_ =	sdelay $0x4  }
0x12b: {  	s7 =	rddreg [dreg:$0x13];
	v21 =	vnsel vm9, $0x0, v21  }
0x12c: {  	s12 =	rddreg [dreg:$0x14];
	[tilespmem:s7+$0x0] =	vst.add.f32.msk $0xffff, v21;
	v21 =	vsel vm9, $0x3F800000, v1  }
0x12d: {  	[tilespmem:s12+$0x0] =	vst.add.f32.msk $0xffff, v21  }
0x12e: {  	v21 =	vld [tilespmem:s13+$0x0];
	_ =	sdelay $0x3  }
0x12f: {  	vm9 =	veq.s32 v20, $0x3  }
0x130: {  	s12 =	rddreg [dreg:$0x15];
	v21 =	vnsel vm9, $0x0, v21  }
0x131: {  	[tilespmem:s12+$0x0] =	vst.add.f32.msk $0xffff, v21  }
0x132: {  	v21 =	vld [tilespmem:s13+$0x80];
	_ =	sdelay $0x4  }
0x133: {  	s12 =	rddreg [dreg:$0x16];
	v21 =	vnsel vm9, $0x0, v21  }
0x134: {  	[tilespmem:s12+$0x0] =	vst.add.f32.msk $0xffff, v21  }
0x135: {  	v21 =	vld [tilespmem:s13+$0x100];
	_ =	sdelay $0x4  }
0x136: {  	s12 =	rddreg [dreg:$0x17];
	v21 =	vnsel vm9, $0x0, v21  }
0x137: {  	[tilespmem:s12+$0x0] =	vst.add.f32.msk $0xffff, v21  }
0x138: {  	v21 =	vld [tilespmem:s13+$0x180];
	_ =	sdelay $0x4  }
0x139: {  	s12 =	rddreg [dreg:$0x18];
	v21 =	vnsel vm9, $0x0, v21  }
0x13a: {  	[tilespmem:s12+$0x0] =	vst.add.f32.msk $0xffff, v21  }
0x13b: {  	v21 =	vld [tilespmem:s13+$0x200];
	_ =	sdelay $0x4  }
0x13c: {  	s12 =	rddreg [dreg:$0x19];
	v21 =	vnsel vm9, $0x0, v21  }
0x13d: {  	[tilespmem:s12+$0x0] =	vst.add.f32.msk $0xffff, v21  }
0x13e: {  	v21 =	vld [tilespmem:s13+$0x280];
	_ =	sdelay $0x4  }
0x13f: {  	s12 =	rddreg [dreg:$0x1a];
	v21 =	vnsel vm9, $0x0, v21  }
0x140: {  	[tilespmem:s12+$0x0] =	vst.add.f32.msk $0xffff, v21  }
0x141: {  	v21 =	vld [tilespmem:s13+$0x300];
	_ =	sdelay $0x4  }
0x142: {  	s12 =	rddreg [dreg:$0x1b];
	v21 =	vnsel vm9, $0x0, v21  }
0x143: {  	[tilespmem:s12+$0x0] =	vst.add.f32.msk $0xffff, v21  }
0x144: {  	v21 =	vld [tilespmem:s14+$0x0];
	_ =	sdelay $0x4  }
0x145: {  	s7 =	rddreg [dreg:$0x1c];
	v21 =	vnsel vm9, $0x0, v21  }
0x146: {  	s12 =	rddreg [dreg:$0x1d];
	[tilespmem:s7+$0x0] =	vst.add.f32.msk $0xffff, v21;
	v21 =	vsel vm9, $0x3F800000, v1  }
0x147: {  	[tilespmem:s12+$0x0] =	vst.add.f32.msk $0xffff, v21  }
0x148: {  	v21 =	vld [tilespmem:s13+$0x0];
	_ =	sdelay $0x3  }
0x149: {  	vm9 =	veq.s32 v20, $0x4  }
0x14a: {  	v21 =	vnsel vm9, $0x0, v21  }
0x14b: {  	[tilespmem:s15+$0x0] =	vst.add.f32.msk $0xffff, v21  }
0x14c: {  	v21 =	vld [tilespmem:s13+$0x80];
	_ =	sdelay $0x4  }
0x14d: {  	v21 =	vnsel vm9, $0x0, v21  }
0x14e: {  	[tilespmem:s16+$0x0] =	vst.add.f32.msk $0xffff, v21  }
0x14f: {  	v21 =	vld [tilespmem:s13+$0x100];
	_ =	sdelay $0x4  }
0x150: {  	v21 =	vnsel vm9, $0x0, v21  }
0x151: {  	[tilespmem:s17+$0x0] =	vst.add.f32.msk $0xffff, v21  }
0x152: {  	v21 =	vld [tilespmem:s13+$0x180];
	_ =	sdelay $0x4  }
0x153: {  	v21 =	vnsel vm9, $0x0, v21  }
0x154: {  	[tilespmem:s18+$0x0] =	vst.add.f32.msk $0xffff, v21  }
0x155: {  	v21 =	vld [tilespmem:s13+$0x200];
	_ =	sdelay $0x4  }
0x156: {  	v21 =	vnsel vm9, $0x0, v21  }
0x157: {  	[tilespmem:s19+$0x0] =	vst.add.f32.msk $0xffff, v21  }
0x158: {  	v21 =	vld [tilespmem:s13+$0x280];
	_ =	sdelay $0x4  }
0x159: {  	v21 =	vnsel vm9, $0x0, v21  }
0x15a: {  	[tilespmem:s20+$0x0] =	vst.add.f32.msk $0xffff, v21  }
0x15b: {  	v21 =	vld [tilespmem:s13+$0x300];
	_ =	sdelay $0x4  }
0x15c: {  	v21 =	vnsel vm9, $0x0, v21  }
0x15d: {  	[tilespmem:s21+$0x0] =	vst.add.f32.msk $0xffff, v21  }
0x15e: {  	v21 =	vld [tilespmem:s14+$0x0];
	_ =	sdelay $0x4  }
0x15f: {  	v21 =	vnsel vm9, $0x0, v21  }
0x160: {  	[tilespmem:s22+$0x0] =	vst.add.f32.msk $0xffff, v21;
	v21 =	vsel vm9, $0x3F800000, v1  }
0x161: {  	[tilespmem:s23+$0x0] =	vst.add.f32.msk $0xffff, v21  }
0x162: {  	v21 =	vld [tilespmem:s13+$0x0];
	_ =	sdelay $0x3  }
0x163: {  	vm9 =	veq.s32 v20, $0x5  }
0x164: {  	v20 =	vnsel vm9, $0x0, v21  }
0x165: {  	[tilespmem:s24+$0x0] =	vst.add.f32.msk $0xffff, v20  }
0x166: {  	v20 =	vld [tilespmem:s13+$0x80];
	_ =	sdelay $0x4  }
0x167: {  	v20 =	vnsel vm9, $0x0, v20  }
0x168: {  	[tilespmem:s25+$0x0] =	vst.add.f32.msk $0xffff, v20  }
0x169: {  	v20 =	vld [tilespmem:s13+$0x100];
	_ =	sdelay $0x4  }
0x16a: {  	v20 =	vnsel vm9, $0x0, v20  }
0x16b: {  	[tilespmem:s26+$0x0] =	vst.add.f32.msk $0xffff, v20  }
0x16c: {  	v20 =	vld [tilespmem:s13+$0x180];
	_ =	sdelay $0x4  }
0x16d: {  	v20 =	vnsel vm9, $0x0, v20  }
0x16e: {  	[tilespmem:s28+$0x0] =	vst.add.f32.msk $0xffff, v20  }
0x16f: {  	v20 =	vld [tilespmem:s13+$0x200];
	_ =	sdelay $0x4  }
0x170: {  	v20 =	vnsel vm9, $0x0, v20  }
0x171: {  	[tilespmem:s29+$0x0] =	vst.add.f32.msk $0xffff, v20  }
0x172: {  	v20 =	vld [tilespmem:s13+$0x280];
	_ =	sdelay $0x4  }
0x173: {  	v20 =	vnsel vm9, $0x0, v20  }
0x174: {  	[tilespmem:s30+$0x0] =	vst.add.f32.msk $0xffff, v20  }
0x175: {  	v20 =	vld [tilespmem:s13+$0x300];
	_ =	sdelay $0x4  }
0x176: {  	v20 =	vnsel vm9, $0x0, v20  }
0x177: {  	[tilespmem:s31+$0x0] =	vst.add.f32.msk $0xffff, v20  }
0x178: {  	v20 =	vld [tilespmem:s14+$0x0];
	_ =	sdelay $0x1  }
.Ltmp0:
0x179: {  	_ = 	snop;
	(pc) =	sbr.rel @p0 .LBB2_2-.Ltmp0, $3  }
0x17a: {  	_ =	sdelay $0x1  }
0x17b: {  	s3 =	sadd.s32 $0x10, s3;
	s9 =	sadd.s32 $0x1, s9;
	v20 =	vnsel vm9, $0x0, v20  }
0x17c: {  	s8 =	smov.u32 s6;
	s6 =	sadd.s32 $0x80, s6;
	s13 =	smov.u32 s2;
	[tilespmem:s1+$0x0] =	vst.add.f32.msk $0xffff, v20;
	v20 =	vsel vm9, $0x3F800000, v1  }
0x17d: {  	s2 =	sand.u32 $0x70, s11;
	[tilespmem:s0+$0x0] =	vst.add.f32.msk $0xffff, v20  }
0x17e: {  	v20 =	vld [tilespmem:s3+$0x0];
	s2 =	sor.u32 s2, s10  }
0x17f: {  	v21 =	vld [tilespmem:s2+$0x0];
	_ =	sdelay $0x3  }
0x180: {  	vm9 =	veq.s32 v20, $0x1  }
0x181: {  	s13 =	rddreg [dreg:$0x3];
	v21 =	vnsel vm9, $0x0, v21  }
0x182: {  	[tilespmem:s13+$0x0] =	vst.add.f32.msk $0xffff, v21  }
0x183: {  	v21 =	vld [tilespmem:s2+$0x80];
	_ =	sdelay $0x4  }
0x184: {  	s14 =	rddreg [dreg:$0x4];
	v21 =	vnsel vm9, $0x0, v21  }
0x185: {  	[tilespmem:s14+$0x0] =	vst.add.f32.msk $0xffff, v21  }
0x186: {  	v21 =	vld [tilespmem:s2+$0x100];
	_ =	sdelay $0x4  }
0x187: {  	s6 =	rddreg [dreg:$0x5];
	v21 =	vnsel vm9, $0x0, v21  }
0x188: {  	[tilespmem:s6+$0x0] =	vst.add.f32.msk $0xffff, v21  }
0x189: {  	v21 =	vld [tilespmem:s2+$0x180];
	_ =	sdelay $0x4  }
0x18a: {  	s7 =	rddreg [dreg:$0x6];
	v21 =	vnsel vm9, $0x0, v21  }
0x18b: {  	[tilespmem:s7+$0x0] =	vst.add.f32.msk $0xffff, v21  }
0x18c: {  	v21 =	vld [tilespmem:s2+$0x200];
	_ =	sdelay $0x4  }
0x18d: {  	s10 =	rddreg [dreg:$0x7];
	v21 =	vnsel vm9, $0x0, v21  }
0x18e: {  	[tilespmem:s10+$0x0] =	vst.add.f32.msk $0xffff, v21  }
0x18f: {  	v21 =	vld [tilespmem:s2+$0x280];
	_ =	sdelay $0x4  }
0x190: {  	s11 =	rddreg [dreg:$0x8];
	v21 =	vnsel vm9, $0x0, v21  }
0x191: {  	[tilespmem:s11+$0x0] =	vst.add.f32.msk $0xffff, v21  }
0x192: {  	v21 =	vld [tilespmem:s2+$0x300];
	_ =	sdelay $0x2  }
0x193: {  	s12 =	sand.u32 $0x7, s9  }
0x194: {  	s3 =	sshll.u32 s12, $0x4  }
0x195: {  	s3 =	sadd.s32 s3, s8;
	s6 =	rddreg [dreg:$0x9];
	v21 =	vnsel vm9, $0x0, v21  }
0x196: {  	s3 =	sor.u32 $0x380, s3;
	[tilespmem:s6+$0x0] =	vst.add.f32.msk $0xffff, v21  }
0x197: {  	v21 =	vld [tilespmem:s3+$0x0];
	_ =	sdelay $0x4  }
0x198: {  	s13 =	rddreg [dreg:$0xa];
	v21 =	vnsel vm9, $0x0, v21  }
0x199: {  	s7 =	rddreg [dreg:$0xb];
	[tilespmem:s13+$0x0] =	vst.add.f32.msk $0xffff, v21;
	v21 =	vsel vm9, $0x3F800000, v1  }
0x19a: {  	[tilespmem:s7+$0x0] =	vst.add.f32.msk $0xffff, v21  }
0x19b: {  	v21 =	vld [tilespmem:s2+$0x0];
	_ =	sdelay $0x3  }
0x19c: {  	vm9 =	veq.s32 v20, $0x2  }
0x19d: {  	s14 =	rddreg [dreg:$0xc];
	v21 =	vnsel vm9, $0x0, v21  }
0x19e: {  	[tilespmem:s14+$0x0] =	vst.add.f32.msk $0xffff, v21  }
0x19f: {  	v21 =	vld [tilespmem:s2+$0x80];
	_ =	sdelay $0x4  }
0x1a0: {  	s7 =	rddreg [dreg:$0xd];
	v21 =	vnsel vm9, $0x0, v21  }
0x1a1: {  	[tilespmem:s7+$0x0] =	vst.add.f32.msk $0xffff, v21  }
0x1a2: {  	v21 =	vld [tilespmem:s2+$0x100];
	_ =	sdelay $0x4  }
0x1a3: {  	s8 =	rddreg [dreg:$0xe];
	v21 =	vnsel vm9, $0x0, v21  }
0x1a4: {  	[tilespmem:s8+$0x0] =	vst.add.f32.msk $0xffff, v21  }
0x1a5: {  	v21 =	vld [tilespmem:s2+$0x180];
	_ =	sdelay $0x4  }
0x1a6: {  	s9 =	rddreg [dreg:$0xf];
	v21 =	vnsel vm9, $0x0, v21  }
0x1a7: {  	[tilespmem:s9+$0x0] =	vst.add.f32.msk $0xffff, v21  }
0x1a8: {  	v21 =	vld [tilespmem:s2+$0x200];
	_ =	sdelay $0x4  }
0x1a9: {  	s10 =	rddreg [dreg:$0x10];
	v21 =	vnsel vm9, $0x0, v21  }
0x1aa: {  	[tilespmem:s10+$0x0] =	vst.add.f32.msk $0xffff, v21  }
0x1ab: {  	v21 =	vld [tilespmem:s2+$0x280];
	_ =	sdelay $0x4  }
0x1ac: {  	s11 =	rddreg [dreg:$0x11];
	v21 =	vnsel vm9, $0x0, v21  }
0x1ad: {  	[tilespmem:s11+$0x0] =	vst.add.f32.msk $0xffff, v21  }
0x1ae: {  	v21 =	vld [tilespmem:s2+$0x300];
	_ =	sdelay $0x4  }
0x1af: {  	s12 =	rddreg [dreg:$0x12];
	v21 =	vnsel vm9, $0x0, v21  }
0x1b0: {  	[tilespmem:s12+$0x0] =	vst.add.f32.msk $0xffff, v21  }
0x1b1: {  	v21 =	vld [tilespmem:s3+$0x0];
	_ =	sdelay $0x4  }
0x1b2: {  	s13 =	rddreg [dreg:$0x13];
	v21 =	vnsel vm9, $0x0, v21  }
0x1b3: {  	s14 =	rddreg [dreg:$0x14];
	[tilespmem:s13+$0x0] =	vst.add.f32.msk $0xffff, v21;
	v21 =	vsel vm9, $0x3F800000, v1  }
0x1b4: {  	[tilespmem:s14+$0x0] =	vst.add.f32.msk $0xffff, v21  }
0x1b5: {  	v21 =	vld [tilespmem:s2+$0x0];
	_ =	sdelay $0x3  }
0x1b6: {  	vm9 =	veq.s32 v20, $0x3  }
0x1b7: {  	s8 =	rddreg [dreg:$0x15];
	v21 =	vnsel vm9, $0x0, v21  }
0x1b8: {  	[tilespmem:s8+$0x0] =	vst.add.f32.msk $0xffff, v21  }
0x1b9: {  	v21 =	vld [tilespmem:s2+$0x80];
	_ =	sdelay $0x4  }
0x1ba: {  	s9 =	rddreg [dreg:$0x16];
	v21 =	vnsel vm9, $0x0, v21  }
0x1bb: {  	[tilespmem:s9+$0x0] =	vst.add.f32.msk $0xffff, v21  }
0x1bc: {  	v21 =	vld [tilespmem:s2+$0x100];
	_ =	sdelay $0x4  }
0x1bd: {  	s10 =	rddreg [dreg:$0x17];
	v21 =	vnsel vm9, $0x0, v21  }
0x1be: {  	[tilespmem:s10+$0x0] =	vst.add.f32.msk $0xffff, v21  }
0x1bf: {  	v21 =	vld [tilespmem:s2+$0x180];
	_ =	sdelay $0x4  }
0x1c0: {  	s11 =	rddreg [dreg:$0x18];
	v21 =	vnsel vm9, $0x0, v21  }
0x1c1: {  	[tilespmem:s11+$0x0] =	vst.add.f32.msk $0xffff, v21  }
0x1c2: {  	v21 =	vld [tilespmem:s2+$0x200];
	_ =	sdelay $0x4  }
0x1c3: {  	s12 =	rddreg [dreg:$0x19];
	v21 =	vnsel vm9, $0x0, v21  }
0x1c4: {  	[tilespmem:s12+$0x0] =	vst.add.f32.msk $0xffff, v21  }
0x1c5: {  	v21 =	vld [tilespmem:s2+$0x280];
	_ =	sdelay $0x4  }
0x1c6: {  	s13 =	rddreg [dreg:$0x1a];
	v21 =	vnsel vm9, $0x0, v21  }
0x1c7: {  	[tilespmem:s13+$0x0] =	vst.add.f32.msk $0xffff, v21  }
0x1c8: {  	v21 =	vld [tilespmem:s2+$0x300];
	_ =	sdelay $0x4  }
0x1c9: {  	s14 =	rddreg [dreg:$0x1b];
	v21 =	vnsel vm9, $0x0, v21  }
0x1ca: {  	[tilespmem:s14+$0x0] =	vst.add.f32.msk $0xffff, v21  }
0x1cb: {  	v21 =	vld [tilespmem:s3+$0x0];
	_ =	sdelay $0x4  }
0x1cc: {  	s7 =	rddreg [dreg:$0x1c];
	v21 =	vnsel vm9, $0x0, v21  }
0x1cd: {  	s8 =	rddreg [dreg:$0x1d];
	[tilespmem:s7+$0x0] =	vst.add.f32.msk $0xffff, v21;
	v21 =	vsel vm9, $0x3F800000, v1  }
0x1ce: {  	[tilespmem:s8+$0x0] =	vst.add.f32.msk $0xffff, v21  }
0x1cf: {  	v21 =	vld [tilespmem:s2+$0x0];
	_ =	sdelay $0x3  }
0x1d0: {  	vm9 =	veq.s32 v20, $0x4  }
0x1d1: {  	v21 =	vnsel vm9, $0x0, v21  }
0x1d2: {  	[tilespmem:s15+$0x0] =	vst.add.f32.msk $0xffff, v21  }
0x1d3: {  	v21 =	vld [tilespmem:s2+$0x80];
	_ =	sdelay $0x4  }
0x1d4: {  	v21 =	vnsel vm9, $0x0, v21  }
0x1d5: {  	[tilespmem:s16+$0x0] =	vst.add.f32.msk $0xffff, v21  }
0x1d6: {  	v21 =	vld [tilespmem:s2+$0x100];
	_ =	sdelay $0x4  }
0x1d7: {  	v21 =	vnsel vm9, $0x0, v21  }
0x1d8: {  	[tilespmem:s17+$0x0] =	vst.add.f32.msk $0xffff, v21  }
0x1d9: {  	v21 =	vld [tilespmem:s2+$0x180];
	_ =	sdelay $0x4  }
0x1da: {  	v21 =	vnsel vm9, $0x0, v21  }
0x1db: {  	[tilespmem:s18+$0x0] =	vst.add.f32.msk $0xffff, v21  }
0x1dc: {  	v21 =	vld [tilespmem:s2+$0x200];
	_ =	sdelay $0x4  }
0x1dd: {  	v21 =	vnsel vm9, $0x0, v21  }
0x1de: {  	[tilespmem:s19+$0x0] =	vst.add.f32.msk $0xffff, v21  }
0x1df: {  	v21 =	vld [tilespmem:s2+$0x280];
	_ =	sdelay $0x4  }
0x1e0: {  	v21 =	vnsel vm9, $0x0, v21  }
0x1e1: {  	[tilespmem:s20+$0x0] =	vst.add.f32.msk $0xffff, v21  }
0x1e2: {  	v21 =	vld [tilespmem:s2+$0x300];
	_ =	sdelay $0x4  }
0x1e3: {  	v21 =	vnsel vm9, $0x0, v21  }
0x1e4: {  	[tilespmem:s21+$0x0] =	vst.add.f32.msk $0xffff, v21  }
0x1e5: {  	v21 =	vld [tilespmem:s3+$0x0];
	_ =	sdelay $0x4  }
0x1e6: {  	v21 =	vnsel vm9, $0x0, v21  }
0x1e7: {  	[tilespmem:s22+$0x0] =	vst.add.f32.msk $0xffff, v21;
	v21 =	vsel vm9, $0x3F800000, v1  }
0x1e8: {  	[tilespmem:s23+$0x0] =	vst.add.f32.msk $0xffff, v21  }
0x1e9: {  	v21 =	vld [tilespmem:s2+$0x0];
	_ =	sdelay $0x3  }
0x1ea: {  	vm9 =	veq.s32 v20, $0x5  }
0x1eb: {  	v20 =	vnsel vm9, $0x0, v21  }
0x1ec: {  	[tilespmem:s24+$0x0] =	vst.add.f32.msk $0xffff, v20  }
0x1ed: {  	v20 =	vld [tilespmem:s2+$0x80];
	_ =	sdelay $0x4  }
0x1ee: {  	v20 =	vnsel vm9, $0x0, v20  }
0x1ef: {  	[tilespmem:s25+$0x0] =	vst.add.f32.msk $0xffff, v20  }
0x1f0: {  	v20 =	vld [tilespmem:s2+$0x100];
	_ =	sdelay $0x4  }
0x1f1: {  	v20 =	vnsel vm9, $0x0, v20  }
0x1f2: {  	[tilespmem:s26+$0x0] =	vst.add.f32.msk $0xffff, v20  }
0x1f3: {  	v20 =	vld [tilespmem:s2+$0x180];
	_ =	sdelay $0x4  }
0x1f4: {  	v20 =	vnsel vm9, $0x0, v20  }
0x1f5: {  	[tilespmem:s28+$0x0] =	vst.add.f32.msk $0xffff, v20  }
0x1f6: {  	v20 =	vld [tilespmem:s2+$0x200];
	_ =	sdelay $0x4  }
0x1f7: {  	v20 =	vnsel vm9, $0x0, v20  }
0x1f8: {  	[tilespmem:s29+$0x0] =	vst.add.f32.msk $0xffff, v20  }
0x1f9: {  	v20 =	vld [tilespmem:s2+$0x280];
	_ =	sdelay $0x4  }
0x1fa: {  	v20 =	vnsel vm9, $0x0, v20  }
0x1fb: {  	[tilespmem:s30+$0x0] =	vst.add.f32.msk $0xffff, v20  }
0x1fc: {  	v20 =	vld [tilespmem:s2+$0x300];
	_ =	sdelay $0x4  }
0x1fd: {  	v20 =	vnsel vm9, $0x0, v20  }
0x1fe: {  	[tilespmem:s31+$0x0] =	vst.add.f32.msk $0xffff, v20  }
0x1ff: {  	v20 =	vld [tilespmem:s3+$0x0];
	_ =	sdelay $0x4  }
0x200: {  	s9 =	sld [smem:$0x7F7];
	v20 =	vnsel vm9, $0x0, v20  }
0x201: {  	s11 =	simm.s32 $0x1;
	[tilespmem:s1+$0x0] =	vst.add.f32.msk $0xffff, v20;
	v20 =	vsel vm9, $0x3F800000, v1  }
0x202: {  	s13 =	simm.s32 $0x80;
	s14 =	simm.s32 $0x400;
	s3 =	simm.s32 $0x14400;
	[tilespmem:s0+$0x0] =	vst.add.f32.msk $0xffff, v20  }
0x203: {  	[spmem:s9] =	stream.strided.scatter [tilespmem:s3], [sflag:$0x1], $0x380, s14, s13, $0x38;
	[tilespmem:$0x14FE0] =	vst v63  }
0x204: {  	_ =	swait.ge [sflag:s11], $0x380  }
0x205: {  	[sflag:s11] =	ssyncset.done $0x0  }
0x206: {  	[sflag:s11] =	ssyncadd.s32 $0xFFFFFC80  }
0x207: {  	[bflag:$0x0] =	sbarrier.arrive $0xFFFF  }
0x208: {  	s10 =	sld [smem:$0x7FA];
	_ =	sdelay $0x1  }
0x209: {  	s12 =	simm.s32 $0x14780  }
0x20a: {  	[tilespmem:s12], [sflag:$0x1] =	stream.strided.gather [spmem:s10], $0x380, s14, s13, $0x38;
	[tilespmem:$0x14FE0] =	vst v63  }
0x20b: {  	_ =	swait.ge [sflag:s11], $0x380  }
0x20c: {  	s7 =	sld [smem:$0x7F8]  }
0x20d: {  	[sflag:s11] =	ssyncset.done $0x0  }
0x20e: {  	[sflag:s11] =	ssyncadd.s32 $0xFFFFFC80  }
0x20f: {  	[tilespmem:s3], [sflag:$0x1] =	stream.strided.gather [spmem:s7], $0x380, s14, s13, $0x38;
	[tilespmem:$0x14FE0] =	vst v63  }
0x210: {  	_ =	swait.ge [sflag:s11], $0x380  }
0x211: {  	[sflag:s11] =	ssyncset.done $0x0  }
0x212: {  	[sflag:s11] =	ssyncadd.s32 $0xFFFFFC80  }
0x213: {  	v20 =	vld [tilespmem:$0x14810]  }
0x214: {  	v21 =	vld [tilespmem:$0x14490]  }
0x215: {  	v22 =	vld [tilespmem:$0x14820]  }
0x216: {  	v23 =	vld [tilespmem:$0x144A0]  }
0x217: {  	v24 =	vld [tilespmem:$0x14830]  }
0x218: {  	v25 =	vld [tilespmem:$0x144B0]  }
0x219: {  	v26 =	vld [tilespmem:$0x14840]  }
0x21a: {  	v27 =	vld [tilespmem:$0x144C0]  }
0x21b: {  	v28 =	vld [tilespmem:$0x14850]  }
0x21c: {  	v29 =	vld [tilespmem:$0x144D0]  }
0x21d: {  	v30 =	vld [tilespmem:$0x14860]  }
0x21e: {  	v31 =	vld [tilespmem:$0x144E0]  }
0x21f: {  	v32 =	vld [tilespmem:$0x14870]  }
0x220: {  	v33 =	vld [tilespmem:$0x144F0]  }
0x221: {  	v34 =	vld [tilespmem:$0x14880]  }
0x222: {  	v35 =	vld [tilespmem:$0x14500]  }
0x223: {  	v36 =	vld [tilespmem:$0x14890]  }
0x224: {  	v37 =	vld [tilespmem:$0x14510]  }
0x225: {  	v38 =	vld [tilespmem:$0x148A0]  }
0x226: {  	v39 =	vld [tilespmem:$0x14520]  }
0x227: {  	v40 =	vld [tilespmem:$0x148B0]  }
0x228: {  	v41 =	vld [tilespmem:$0x14530]  }
0x229: {  	v42 =	vld [tilespmem:$0x148C0]  }
0x22a: {  	v43 =	vld [tilespmem:$0x14540]  }
0x22b: {  	v44 =	vld [tilespmem:$0x148D0]  }
0x22c: {  	v45 =	vld [tilespmem:$0x14550]  }
0x22d: {  	v46 =	vld [tilespmem:$0x148E0]  }
0x22e: {  	v47 =	vld [tilespmem:$0x14560]  }
0x22f: {  	v48 =	vld [tilespmem:$0x148F0]  }
0x230: {  	v49 =	vld [tilespmem:$0x14570]  }
0x231: {  	v50 =	vld [tilespmem:$0x14900]  }
0x232: {  	v51 =	vld [tilespmem:$0x14580]  }
0x233: {  	v52 =	vld [tilespmem:$0x14910]  }
0x234: {  	v53 =	vld [tilespmem:$0x14590]  }
0x235: {  	v54 =	vld [tilespmem:$0x14920]  }
0x236: {  	v55 =	vld [tilespmem:$0x145A0]  }
0x237: {  	v56 =	vld [tilespmem:$0x14930]  }
0x238: {  	v57 =	vld [tilespmem:$0x145B0]  }
0x239: {  	v58 =	vld [tilespmem:$0x14940]  }
0x23a: {  	v59 =	vld [tilespmem:$0x145C0]  }
0x23b: {  	v60 =	vld [tilespmem:$0x14950]  }
0x23c: {  	v16 =	vld [tilespmem:$0x14620]  }
0x23d: {  	v17 =	vld [tilespmem:$0x149B0]  }
0x23e: {  	v61 =	vld [tilespmem:$0x14640];
	v20 =	vadd.f32 v21, v20  }
0x23f: {  	v62 =	vld [tilespmem:$0x149D0];
	v22 =	vadd.f32 v23, v22  }
0x240: {  	v63 =	vld [tilespmem:$0x14650];
	[tilespmem:$0x14810] =	vst v20;
	v20 =	vadd.f32 v25, v24  }
0x241: {  	v4 =	vld [tilespmem:$0x149E0];
	[tilespmem:$0x14820] =	vst v22;
	v22 =	vadd.f32 v27, v26  }
0x242: {  	v5 =	vld [tilespmem:$0x14660];
	[tilespmem:$0x14830] =	vst v20;
	v20 =	vadd.f32 v29, v28  }
0x243: {  	v6 =	vld [tilespmem:$0x149F0];
	[tilespmem:$0x14840] =	vst v22;
	v22 =	vadd.f32 v31, v30  }
0x244: {  	v7 =	vld [tilespmem:$0x14AB0];
	[tilespmem:$0x14850] =	vst v20;
	v20 =	vadd.f32 v33, v32  }
0x245: {  	v8 =	vld [tilespmem:$0x14730];
	[tilespmem:$0x14860] =	vst v22;
	v22 =	vadd.f32 v35, v34  }
0x246: {  	v21 =	vld [tilespmem:$0x145D0];
	[tilespmem:$0x14870] =	vst v20;
	v20 =	vadd.f32 v37, v36  }
0x247: {  	v23 =	vld [tilespmem:$0x14960];
	[tilespmem:$0x14880] =	vst v22;
	v22 =	vadd.f32 v39, v38  }
0x248: {  	v24 =	vld [tilespmem:$0x145E0];
	[tilespmem:$0x14890] =	vst v20;
	v20 =	vadd.f32 v41, v40  }
0x249: {  	v25 =	vld [tilespmem:$0x14970];
	[tilespmem:$0x148A0] =	vst v22;
	v22 =	vadd.f32 v43, v42  }
0x24a: {  	v26 =	vld [tilespmem:$0x145F0];
	[tilespmem:$0x148B0] =	vst v20;
	v20 =	vadd.f32 v45, v44  }
0x24b: {  	v27 =	vld [tilespmem:$0x14980];
	[tilespmem:$0x148C0] =	vst v22;
	v22 =	vadd.f32 v47, v46  }
0x24c: {  	v28 =	vld [tilespmem:$0x14600];
	[tilespmem:$0x148D0] =	vst v20;
	v20 =	vadd.f32 v49, v48  }
0x24d: {  	v29 =	vld [tilespmem:$0x14990];
	[tilespmem:$0x148E0] =	vst v22;
	v22 =	vadd.f32 v51, v50  }
0x24e: {  	v30 =	vld [tilespmem:$0x14610];
	[tilespmem:$0x148F0] =	vst v20;
	v20 =	vadd.f32 v53, v52  }
0x24f: {  	v31 =	vld [tilespmem:$0x149A0];
	[tilespmem:$0x14900] =	vst v22;
	v22 =	vadd.f32 v55, v54  }
0x250: {  	v45 =	vld [tilespmem:$0x14630];
	[tilespmem:$0x14910] =	vst v20;
	v20 =	vadd.f32 v57, v56  }
0x251: {  	v47 =	vld [tilespmem:$0x149C0];
	[tilespmem:$0x14920] =	vst v22;
	v22 =	vadd.f32 v59, v58  }
0x252: {  	[tilespmem:$0x14930] =	vst v20;
	v20 =	vadd.f32 v21, v60;
	v21 =	vld [tilespmem:$0x14670]  }
0x253: {  	[tilespmem:$0x14940] =	vst v22;
	v22 =	vadd.f32 v24, v23;
	v23 =	vld [tilespmem:$0x14A00]  }
0x254: {  	v24 =	vld [tilespmem:$0x14680];
	[tilespmem:$0x14950] =	vst v20;
	v20 =	vadd.f32 v26, v25  }
0x255: {  	[tilespmem:$0x14960] =	vst v22;
	v22 =	vadd.f32 v28, v27;
	v25 =	vld [tilespmem:$0x14A10]  }
0x256: {  	v26 =	vld [tilespmem:$0x14690];
	[tilespmem:$0x14970] =	vst v20;
	v20 =	vadd.f32 v30, v29  }
0x257: {  	v27 =	vld [tilespmem:$0x14A20];
	[tilespmem:$0x14980] =	vst v22;
	v22 =	vadd.f32 v16, v31  }
0x258: {  	v28 =	vld [tilespmem:$0x146A0];
	[tilespmem:$0x14990] =	vst v20;
	v20 =	vadd.f32 v45, v17  }
0x259: {  	v29 =	vld [tilespmem:$0x14A30];
	[tilespmem:$0x149A0] =	vst v22;
	v22 =	vadd.f32 v61, v47  }
0x25a: {  	v30 =	vld [tilespmem:$0x146B0];
	[tilespmem:$0x149B0] =	vst v20;
	v20 =	vadd.f32 v63, v62  }
0x25b: {  	v31 =	vld [tilespmem:$0x14A40];
	[tilespmem:$0x149C0] =	vst v22;
	v22 =	vadd.f32 v5, v4  }
0x25c: {  	[tilespmem:$0x149D0] =	vst v20;
	v20 =	vadd.f32 v21, v6;
	v21 =	vld [tilespmem:$0x146C0]  }
0x25d: {  	[tilespmem:$0x149E0] =	vst v22;
	v22 =	vadd.f32 v24, v23;
	v23 =	vld [tilespmem:$0x146E0]  }
0x25e: {  	v24 =	vld [tilespmem:$0x14A70]  }
0x25f: {  	[tilespmem:$0x149F0] =	vst v20;
	v20 =	vadd.f32 v26, v25;
	v25 =	vld [tilespmem:$0x146F0]  }
0x260: {  	[tilespmem:$0x14A00] =	vst v22;
	v22 =	vadd.f32 v28, v27;
	v26 =	vld [tilespmem:$0x14A80]  }
0x261: {  	v27 =	vld [tilespmem:$0x14700];
	[tilespmem:$0x14A10] =	vst v20;
	v20 =	vadd.f32 v30, v29  }
0x262: {  	[tilespmem:$0x14A20] =	vst v22;
	v22 =	vld [tilespmem:$0x14A60];
	v21 =	vadd.f32 v21, v31  }
0x263: {  	[tilespmem:$0x14A30] =	vst v20;
	v20 =	vld [tilespmem:$0x14A50]  }
0x264: {  	[tilespmem:$0x14A40] =	vst v21;
	v21 =	vld [tilespmem:$0x146D0]  }
0x265: {  	v28 =	vld [tilespmem:$0x14A90]  }
0x266: {  	v29 =	vld [tilespmem:$0x14710]  }
0x267: {  	v30 =	vld [tilespmem:$0x14AA0]  }
0x268: {  	v31 =	vld [tilespmem:$0x14720]  }
0x269: {  	v22 =	vadd.f32 v23, v22;
	v23 =	vld [tilespmem:$0x14740];
	v20 =	vadd.f32 v21, v20  }
0x26a: {  	v21 =	vld [tilespmem:$0x14AC0]  }
0x26b: {  	[tilespmem:$0x14A50] =	vst v20;
	v20 =	vadd.f32 v25, v24;
	v24 =	vld [tilespmem:$0x14AD0]  }
0x26c: {  	[tilespmem:$0x14A60] =	vst v22;
	v22 =	vadd.f32 v27, v26;
	v25 =	vld [tilespmem:$0x14750]  }
0x26d: {  	[tilespmem:$0x14A70] =	vst v20;
	v20 =	vadd.f32 v29, v28  }
0x26e: {  	[tilespmem:$0x14A80] =	vst v22;
	v22 =	vadd.f32 v31, v30  }
0x26f: {  	[tilespmem:$0x14A90] =	vst v20;
	v20 =	vadd.f32 v8, v7  }
0x270: {  	[tilespmem:$0x14AA0] =	vst v22;
	v21 =	vadd.f32 v23, v21  }
0x271: {  	s8 =	sld [smem:$0x7F9];
	[tilespmem:$0x14AB0] =	vst v20;
	v20 =	vadd.f32 v25, v24  }
0x272: {  	[tilespmem:$0x14AC0] =	vst v21  }
0x273: {  	[tilespmem:$0x14AD0] =	vst v20  }
0x274: {  	[tilespmem:s3], [sflag:$0x1] =	stream.strided.gather [spmem:s8], $0x380, s14, s13, $0x38;
	[tilespmem:$0x14FE0] =	vst v63  }
0x275: {  	_ =	swait.ge [sflag:s11], $0x380  }
0x276: {  	[sflag:s11] =	ssyncset.done $0x0  }
0x277: {  	[sflag:s11] =	ssyncadd.s32 $0xFFFFFC80  }
0x278: {  	v20 =	vld [tilespmem:$0x14810]  }
0x279: {  	v21 =	vld [tilespmem:$0x14490]  }
0x27a: {  	v22 =	vld [tilespmem:$0x14820]  }
0x27b: {  	v23 =	vld [tilespmem:$0x144A0]  }
0x27c: {  	v24 =	vld [tilespmem:$0x14830]  }
0x27d: {  	v25 =	vld [tilespmem:$0x144B0]  }
0x27e: {  	v26 =	vld [tilespmem:$0x14840]  }
0x27f: {  	v27 =	vld [tilespmem:$0x144C0]  }
0x280: {  	v28 =	vld [tilespmem:$0x14850]  }
0x281: {  	v29 =	vld [tilespmem:$0x144D0]  }
0x282: {  	v30 =	vld [tilespmem:$0x14860]  }
0x283: {  	v31 =	vld [tilespmem:$0x144E0]  }
0x284: {  	v32 =	vld [tilespmem:$0x14870]  }
0x285: {  	v33 =	vld [tilespmem:$0x144F0]  }
0x286: {  	v34 =	vld [tilespmem:$0x14880]  }
0x287: {  	v35 =	vld [tilespmem:$0x14500]  }
0x288: {  	v36 =	vld [tilespmem:$0x14890]  }
0x289: {  	v37 =	vld [tilespmem:$0x14510]  }
0x28a: {  	v38 =	vld [tilespmem:$0x148A0]  }
0x28b: {  	v39 =	vld [tilespmem:$0x14520]  }
0x28c: {  	v40 =	vld [tilespmem:$0x148B0]  }
0x28d: {  	v41 =	vld [tilespmem:$0x14530]  }
0x28e: {  	v42 =	vld [tilespmem:$0x148C0]  }
0x28f: {  	v43 =	vld [tilespmem:$0x14540]  }
0x290: {  	v44 =	vld [tilespmem:$0x148D0]  }
0x291: {  	v45 =	vld [tilespmem:$0x14550]  }
0x292: {  	v46 =	vld [tilespmem:$0x148E0]  }
0x293: {  	v47 =	vld [tilespmem:$0x14560]  }
0x294: {  	v48 =	vld [tilespmem:$0x148F0]  }
0x295: {  	v49 =	vld [tilespmem:$0x14570]  }
0x296: {  	v50 =	vld [tilespmem:$0x14900]  }
0x297: {  	v51 =	vld [tilespmem:$0x14580]  }
0x298: {  	v9 =	vld [tilespmem:$0x14910]  }
0x299: {  	v10 =	vld [tilespmem:$0x14590]  }
0x29a: {  	v11 =	vld [tilespmem:$0x14920]  }
0x29b: {  	v12 =	vld [tilespmem:$0x145A0]  }
0x29c: {  	v13 =	vld [tilespmem:$0x14930]  }
0x29d: {  	v14 =	vld [tilespmem:$0x145B0]  }
0x29e: {  	v15 =	vld [tilespmem:$0x14940]  }
0x29f: {  	v16 =	vld [tilespmem:$0x145C0]  }
0x2a0: {  	v17 =	vld [tilespmem:$0x14950]  }
0x2a1: {  	v61 =	vld [tilespmem:$0x145D0]  }
0x2a2: {  	v62 =	vld [tilespmem:$0x14960]  }
0x2a3: {  	v63 =	vld [tilespmem:$0x145E0]  }
0x2a4: {  	v2 =	vld [tilespmem:$0x14970]  }
0x2a5: {  	v3 =	vld [tilespmem:$0x145F0]  }
0x2a6: {  	v4 =	vld [tilespmem:$0x14980]  }
0x2a7: {  	v5 =	vld [tilespmem:$0x14600]  }
0x2a8: {  	v6 =	vld [tilespmem:$0x14990]  }
0x2a9: {  	v7 =	vld [tilespmem:$0x14610]  }
0x2aa: {  	v53 =	vld [tilespmem:$0x14A20];
	v20 =	vadd.f32 v21, v20  }
0x2ab: {  	v55 =	vld [tilespmem:$0x146A0];
	v22 =	vadd.f32 v23, v22  }
0x2ac: {  	v57 =	vld [tilespmem:$0x14A30];
	v2 =	vadd.f32 v3, v2;
	[tilespmem:$0x14810] =	vst v20  }
0x2ad: {  	v21 =	vld [tilespmem:$0x149A0];
	v4 =	vadd.f32 v5, v4;
	[tilespmem:$0x14820] =	vst v22  }
0x2ae: {  	v23 =	vld [tilespmem:$0x14620];
	v20 =	vadd.f32 v25, v24;
	[tilespmem:$0x14970] =	vst v2  }
0x2af: {  	v24 =	vld [tilespmem:$0x149B0];
	v22 =	vadd.f32 v27, v26;
	[tilespmem:$0x14980] =	vst v4  }
0x2b0: {  	v25 =	vld [tilespmem:$0x14630];
	v2 =	vadd.f32 v7, v6;
	[tilespmem:$0x14830] =	vst v20  }
0x2b1: {  	v3 =	vld [tilespmem:$0x14A50];
	v20 =	vadd.f32 v29, v28;
	[tilespmem:$0x14840] =	vst v22  }
0x2b2: {  	v22 =	vadd.f32 v31, v30;
	v28 =	vld [tilespmem:$0x149D0];
	[tilespmem:$0x14990] =	vst v2  }
0x2b3: {  	v29 =	vld [tilespmem:$0x14650];
	[tilespmem:$0x14850] =	vst v20;
	v20 =	vadd.f32 v33, v32  }
0x2b4: {  	v26 =	vld [tilespmem:$0x149C0];
	[tilespmem:$0x14860] =	vst v22;
	v22 =	vadd.f32 v35, v34  }
0x2b5: {  	v32 =	vld [tilespmem:$0x149F0];
	v2 =	vadd.f32 v25, v24;
	[tilespmem:$0x14870] =	vst v20  }
0x2b6: {  	v33 =	vld [tilespmem:$0x14670];
	v20 =	vadd.f32 v37, v36;
	[tilespmem:$0x14880] =	vst v22  }
0x2b7: {  	v27 =	vld [tilespmem:$0x14640];
	v22 =	vadd.f32 v39, v38;
	[tilespmem:$0x149B0] =	vst v2  }
0x2b8: {  	v30 =	vld [tilespmem:$0x149E0];
	v2 =	vadd.f32 v29, v28;
	[tilespmem:$0x14890] =	vst v20  }
0x2b9: {  	v31 =	vld [tilespmem:$0x14660];
	v20 =	vadd.f32 v41, v40;
	[tilespmem:$0x148A0] =	vst v22  }
0x2ba: {  	v24 =	vld [tilespmem:$0x14A90];
	v22 =	vadd.f32 v43, v42;
	[tilespmem:$0x149D0] =	vst v2  }
0x2bb: {  	v25 =	vld [tilespmem:$0x14710];
	v2 =	vadd.f32 v33, v32;
	[tilespmem:$0x148B0] =	vst v20  }
0x2bc: {  	v36 =	vld [tilespmem:$0x14740];
	v33 =	vadd.f32 v55, v53;
	[tilespmem:$0x148C0] =	vst v22  }
0x2bd: {  	v20 =	vadd.f32 v45, v44;
	v45 =	vld [tilespmem:$0x14A00];
	[tilespmem:$0x149F0] =	vst v2  }
0x2be: {  	v22 =	vadd.f32 v47, v46;
	v47 =	vld [tilespmem:$0x14680];
	[tilespmem:$0x14A20] =	vst v33  }
0x2bf: {  	v37 =	vld [tilespmem:$0x14AD0];
	[tilespmem:$0x148D0] =	vst v20;
	v20 =	vadd.f32 v49, v48  }
0x2c0: {  	v28 =	vld [tilespmem:$0x14AB0];
	[tilespmem:$0x148E0] =	vst v22;
	v22 =	vadd.f32 v51, v50  }
0x2c1: {  	v49 =	vld [tilespmem:$0x14A10];
	[tilespmem:$0x148F0] =	vst v20;
	v20 =	vadd.f32 v10, v9  }
0x2c2: {  	v51 =	vld [tilespmem:$0x14690];
	[tilespmem:$0x14900] =	vst v22;
	v22 =	vadd.f32 v12, v11  }
0x2c3: {  	v9 =	vld [tilespmem:$0x146B0];
	v32 =	vadd.f32 v47, v45;
	[tilespmem:$0x14910] =	vst v20  }
0x2c4: {  	v10 =	vld [tilespmem:$0x14A40];
	v20 =	vadd.f32 v14, v13;
	[tilespmem:$0x14920] =	vst v22  }
0x2c5: {  	v11 =	vld [tilespmem:$0x146C0];
	v22 =	vadd.f32 v16, v15;
	[tilespmem:$0x14A00] =	vst v32  }
0x2c6: {  	v12 =	vld [tilespmem:$0x146D0];
	v14 =	vadd.f32 v23, v21;
	[tilespmem:$0x14930] =	vst v20  }
0x2c7: {  	v13 =	vld [tilespmem:$0x14A60];
	v16 =	vadd.f32 v27, v26;
	[tilespmem:$0x14940] =	vst v22  }
0x2c8: {  	v15 =	vld [tilespmem:$0x146E0];
	v2 =	vadd.f32 v51, v49;
	[tilespmem:$0x149A0] =	vst v14  }
0x2c9: {  	v21 =	vld [tilespmem:$0x146F0];
	v20 =	vadd.f32 v61, v17;
	[tilespmem:$0x149C0] =	vst v16  }
0x2ca: {  	v26 =	vld [tilespmem:$0x14AA0];
	v22 =	vadd.f32 v63, v62;
	[tilespmem:$0x14A10] =	vst v2  }
0x2cb: {  	v17 =	vadd.f32 v31, v30;
	[tilespmem:$0x14950] =	vst v20;
	v20 =	vld [tilespmem:$0x14A70]  }
0x2cc: {  	v27 =	vld [tilespmem:$0x14720];
	v2 =	vadd.f32 v9, v57;
	[tilespmem:$0x14960] =	vst v22  }
0x2cd: {  	v23 =	vld [tilespmem:$0x14700];
	v34 =	vadd.f32 v11, v10;
	[tilespmem:$0x149E0] =	vst v17  }
0x2ce: {  	v22 =	vld [tilespmem:$0x14A80];
	[tilespmem:$0x14A30] =	vst v2;
	v2 =	vadd.f32 v12, v3  }
0x2cf: {  	v29 =	vld [tilespmem:$0x14730];
	[tilespmem:$0x14A40] =	vst v34;
	v35 =	vadd.f32 v15, v13  }
0x2d0: {  	v3 =	vld [tilespmem:$0x14AC0];
	[tilespmem:$0x14A50] =	vst v2;
	v2 =	vadd.f32 v21, v20  }
0x2d1: {  	v39 =	vld [tilespmem:$0x14750];
	v40 =	vadd.f32 v27, v26;
	[tilespmem:$0x14A60] =	vst v35  }
0x2d2: {  	[tilespmem:$0x14A70] =	vst v2;
	v2 =	vadd.f32 v25, v24  }
0x2d3: {  	[tilespmem:$0x14AA0] =	vst v40;
	v38 =	vadd.f32 v23, v22  }
0x2d4: {  	[tilespmem:$0x14A90] =	vst v2;
	v2 =	vadd.f32 v29, v28  }
0x2d5: {  	v3 =	vadd.f32 v36, v3;
	[tilespmem:$0x14A80] =	vst v38  }
0x2d6: {  	s9 =	sld [smem:$0x7FB];
	[tilespmem:$0x14AB0] =	vst v2;
	v2 =	vadd.f32 v39, v37  }
0x2d7: {  	[tilespmem:$0x14AC0] =	vst v3  }
0x2d8: {  	[tilespmem:$0x14AD0] =	vst v2  }
0x2d9: {  	[tilespmem:s3], [sflag:$0x1] =	stream.strided.gather [spmem:s9], $0x380, s14, s13, $0x38;
	[tilespmem:$0x14FE0] =	vst v63  }
0x2da: {  	_ =	swait.ge [sflag:s11], $0x380  }
0x2db: {  	[sflag:s11] =	ssyncset.done $0x0  }
0x2dc: {  	[sflag:s11] =	ssyncadd.s32 $0xFFFFFC80  }
0x2dd: {  	v2 =	vld [tilespmem:$0x14810]  }
0x2de: {  	v3 =	vld [tilespmem:$0x14490]  }
0x2df: {  	v4 =	vld [tilespmem:$0x14820]  }
0x2e0: {  	v5 =	vld [tilespmem:$0x144A0]  }
0x2e1: {  	v6 =	vld [tilespmem:$0x14830]  }
0x2e2: {  	v7 =	vld [tilespmem:$0x144B0]  }
0x2e3: {  	v21 =	vld [tilespmem:$0x14840]  }
0x2e4: {  	v24 =	vld [tilespmem:$0x144C0]  }
0x2e5: {  	v25 =	vld [tilespmem:$0x14850]  }
0x2e6: {  	v27 =	vld [tilespmem:$0x144D0]  }
0x2e7: {  	v28 =	vld [tilespmem:$0x14860]  }
0x2e8: {  	v32 =	vld [tilespmem:$0x144E0]  }
0x2e9: {  	v33 =	vld [tilespmem:$0x14870]  }
0x2ea: {  	v34 =	vld [tilespmem:$0x144F0]  }
0x2eb: {  	v35 =	vld [tilespmem:$0x14880]  }
0x2ec: {  	v41 =	vld [tilespmem:$0x14500]  }
0x2ed: {  	v42 =	vld [tilespmem:$0x14890]  }
0x2ee: {  	v43 =	vld [tilespmem:$0x14510]  }
0x2ef: {  	v44 =	vld [tilespmem:$0x148A0]  }
0x2f0: {  	v45 =	vld [tilespmem:$0x14520]  }
0x2f1: {  	v46 =	vld [tilespmem:$0x148B0]  }
0x2f2: {  	v47 =	vld [tilespmem:$0x14530]  }
0x2f3: {  	v48 =	vld [tilespmem:$0x148C0]  }
0x2f4: {  	v49 =	vld [tilespmem:$0x14540]  }
0x2f5: {  	v50 =	vld [tilespmem:$0x148D0]  }
0x2f6: {  	v51 =	vld [tilespmem:$0x14550]  }
0x2f7: {  	v52 =	vld [tilespmem:$0x148E0]  }
0x2f8: {  	v53 =	vld [tilespmem:$0x14560]  }
0x2f9: {  	v54 =	vld [tilespmem:$0x148F0]  }
0x2fa: {  	v55 =	vld [tilespmem:$0x14570]  }
0x2fb: {  	v56 =	vld [tilespmem:$0x14900]  }
0x2fc: {  	v57 =	vld [tilespmem:$0x14580]  }
0x2fd: {  	v58 =	vld [tilespmem:$0x14910]  }
0x2fe: {  	v59 =	vld [tilespmem:$0x14590]  }
0x2ff: {  	v60 =	vld [tilespmem:$0x14920]  }
0x300: {  	v61 =	vld [tilespmem:$0x145A0]  }
0x301: {  	v62 =	vld [tilespmem:$0x14930]  }
0x302: {  	v63 =	vld [tilespmem:$0x145B0]  }
0x303: {  	v8 =	vld [tilespmem:$0x14940]  }
0x304: {  	v9 =	vld [tilespmem:$0x145C0]  }
0x305: {  	v10 =	vld [tilespmem:$0x14950]  }
0x306: {  	v11 =	vld [tilespmem:$0x145D0]  }
0x307: {  	v12 =	vld [tilespmem:$0x14960]  }
0x308: {  	v13 =	vld [tilespmem:$0x145E0]  }
0x309: {  	v14 =	vld [tilespmem:$0x14970]  }
0x30a: {  	v15 =	vld [tilespmem:$0x145F0]  }
0x30b: {  	v16 =	vld [tilespmem:$0x14980]  }
0x30c: {  	v17 =	vld [tilespmem:$0x14600]  }
0x30d: {  	v18 =	vld [tilespmem:$0x14990]  }
0x30e: {  	v19 =	vld [tilespmem:$0x14610]  }
0x30f: {  	v0 =	vld [tilespmem:$0x149A0]  }
0x310: {  	v22 =	vld [tilespmem:$0x14620]  }
0x311: {  	v23 =	vld [tilespmem:$0x149B0]  }
0x312: {  	v26 =	vld [tilespmem:$0x14630]  }
0x313: {  	v40 =	vld [tilespmem:$0x14A00]  }
0x314: {  	v31 =	vld [tilespmem:$0x149C0]  }
0x315: {  	v20 =	vld [tilespmem:$0x14640]  }
0x316: {  	v30 =	vld [tilespmem:$0x149D0]  }
0x317: {  	v29 =	vld [tilespmem:$0x14650]  }
0x318: {  	[tilespmem:$0x1FE00] =	vst v40;
	v40 =	vld [tilespmem:$0x14680]  }
0x319: {  	v37 =	vld [tilespmem:$0x149E0]  }
0x31a: {  	v36 =	vld [tilespmem:$0x14660]  }
0x31b: {  	v39 =	vld [tilespmem:$0x149F0]  }
0x31c: {  	v38 =	vld [tilespmem:$0x14670]  }
0x31d: {  	[tilespmem:$0x1FE10] =	vst v40;
	v40 =	vld [tilespmem:$0x14A10]  }
0x31e: {  	v3 =	vadd.f32 v3, v2;
	v2 =	vld [tilespmem:$0x14A70]  }
0x31f: {  	v5 =	vadd.f32 v5, v4;
	v4 =	vld [tilespmem:$0x146F0]  }
0x320: {  	v6 =	vadd.f32 v7, v6;
	v7 =	vadd.f32 v24, v21;
	v24 =	vld [tilespmem:$0x14A90]  }
0x321: {  	v21 =	vld [tilespmem:$0x14AB0]  }
0x322: {  	[tilespmem:$0x1FE20] =	vst v40;
	v40 =	vld [tilespmem:$0x14690]  }
0x323: {  	[tilespmem:$0x14810] =	vst v3;
	v3 =	vld [tilespmem:$0x14A80]  }
0x324: {  	[tilespmem:$0x14820] =	vst v5;
	v5 =	vld [tilespmem:$0x14700]  }
0x325: {  	[tilespmem:$0x14840] =	vst v7;
	v7 =	vadd.f32 v32, v28;
	v32 =	vld [tilespmem:$0x14710]  }
0x326: {  	[tilespmem:$0x14830] =	vst v6;
	v6 =	vadd.f32 v27, v25;
	v27 =	vld [tilespmem:$0x14AA0]  }
0x327: {  	[tilespmem:$0x1FE30] =	vst v40;
	v40 =	vld [tilespmem:$0x14A20]  }
0x328: {  	v28 =	vld [tilespmem:$0x14730]  }
0x329: {  	v25 =	vld [tilespmem:$0x14AD0]  }
0x32a: {  	[tilespmem:$0x14850] =	vst v6;
	v6 =	vadd.f32 v34, v33;
	v34 =	vld [tilespmem:$0x14720]  }
0x32b: {  	v0 =	vadd.f32 v22, v0;
	[tilespmem:$0x14860] =	vst v7;
	v33 =	vld [tilespmem:$0x14AC0]  }
0x32c: {  	v7 =	vadd.f32 v41, v35;
	v41 =	vadd.f32 v43, v42;
	[tilespmem:$0x1FE40] =	vst v40;
	v40 =	vld [tilespmem:$0x146A0]  }
0x32d: {  	v42 =	vadd.f32 v45, v44;
	v44 =	vadd.f32 v49, v48;
	v49 =	vld [tilespmem:$0x14820]  }
0x32e: {  	[tilespmem:$0x149A0] =	vst v0;
	v0 =	vadd.f32 v20, v31;
	v45 =	vadd.f32 v51, v50;
	v51 =	vld [tilespmem:$0x14830]  }
0x32f: {  	v43 =	vadd.f32 v47, v46;
	v46 =	vadd.f32 v53, v52;
	v53 =	vld [tilespmem:$0x14840]  }
0x330: {  	v47 =	vadd.f32 v55, v54;
	[tilespmem:$0x149C0] =	vst v0;
	v55 =	vld [tilespmem:$0x14850]  }
0x331: {  	[tilespmem:$0x1FE50] =	vst v40;
	v40 =	vld [tilespmem:$0x14A30]  }
0x332: {  	v48 =	vadd.f32 v57, v56;
	v57 =	vld [tilespmem:$0x14860];
	[tilespmem:$0x14890] =	vst v41  }
0x333: {  	v0 =	vadd.f32 v36, v37;
	[tilespmem:$0x14870] =	vst v6;
	v41 =	vld [tilespmem:$0x14890]  }
0x334: {  	[tilespmem:$0x148A0] =	vst v42;
	v42 =	vld [tilespmem:$0x14810]  }
0x335: {  	[tilespmem:$0x149E0] =	vst v0;
	v0 =	vld [tilespmem:$0x1FE00]  }
0x336: {  	v52 =	vadd.f32 v61, v60;
	[tilespmem:$0x1FE60] =	vst v40;
	v40 =	vld [tilespmem:$0x146B0]  }
0x337: {  	v50 =	vadd.f32 v59, v58;
	[tilespmem:$0x14880] =	vst v7;
	v59 =	vld [tilespmem:$0x14870]  }
0x338: {  	[tilespmem:$0x14920] =	vst v52;
	v61 =	vld [tilespmem:$0x14880];
	(xrf2) =	vadd.scan.msk.f32 $0xffff, v41  }
0x339: {  	v54 =	vadd.f32 v63, v62;
	[tilespmem:$0x148B0] =	vst v43;
	v63 =	vld [tilespmem:$0x14920];
	(xrf2) =	vadd.scan.msk.f32 $0xffff, v42  }
0x33a: {  	[tilespmem:$0x148C0] =	vst v44;
	v44 =	vld [tilespmem:$0x148B0];
	(xrf2) =	vadd.scan.msk.f32 $0xffff, v49  }
0x33b: {  	(xrf2) =	vadd.scan.msk.f32 $0xffff, v51;
	[tilespmem:$0x1FE70] =	vst v40;
	v40 =	vld [tilespmem:$0x14A40]  }
0x33c: {  	[tilespmem:$0x148D0] =	vst v45;
	v45 =	vld [tilespmem:$0x148C0];
	(xrf2) =	vadd.scan.msk.f32 $0xffff, v53  }
0x33d: {  	[tilespmem:$0x148E0] =	vst v46;
	(xrf2) =	vadd.scan.msk.f32 $0xffff, v55;
	v55 =	vld [tilespmem:$0x1FE10]  }
0x33e: {  	[tilespmem:$0x148F0] =	vst v47;
	v47 =	vld [tilespmem:$0x148D0]  }
0x33f: {  	[tilespmem:$0x14900] =	vst v48;
	v48 =	vld [tilespmem:$0x148E0]  }
0x340: {  	[tilespmem:$0x1FE80] =	vst v40;
	v40 =	vld [tilespmem:$0x146C0]  }
0x341: {  	[tilespmem:$0x14910] =	vst v50;
	v52 =	vld [tilespmem:$0x14900]  }
0x342: {  	[tilespmem:$0x14930] =	vst v54;
	v54 =	vld [tilespmem:$0x14910];
	v0 =	vadd.f32 v55, v0  }
0x343: {  	v42 =	vld [tilespmem:$0x148A0]  }
0x344: {  	(xrf2) =	vadd.scan.msk.f32 $0xffff, v57;
	[tilespmem:$0x14A00] =	vst v0;
	v0 =	vld [tilespmem:$0x1FE40]  }
0x345: {  	(xrf2) =	vadd.scan.msk.f32 $0xffff, v59;
	[tilespmem:$0x1FE90] =	vst v40;
	v40 =	vld [tilespmem:$0x14A50]  }
0x346: {  	v58 =	vadd.f32 v11, v10;
	(xrf2) =	vadd.scan.msk.f32 $0xffff, v61;
	v61 =	vld [tilespmem:$0x1FE50]  }
0x347: {  	v51 =	vld [tilespmem:$0x148F0]  }
0x348: {  	[tilespmem:$0x14950] =	vst v58;
	v58 =	vld [tilespmem:$0x1FE30]  }
0x349: {  	v57 =	vld [tilespmem:$0x1FE20]  }
0x34a: {  	[tilespmem:$0x1FEA0] =	vst v40;
	v40 =	vld [tilespmem:$0x146D0]  }
0x34b: {  	v0 =	vadd.f32 v61, v0;
	v36 =	vld [tilespmem:$0x1FE60]  }
0x34c: {  	v56 =	vadd.f32 v9, v8;
	v43 =	vadd.f32 v19, v18;
	v18 =	vld [tilespmem:$0x1FE70]  }
0x34d: {  	[tilespmem:$0x14A20] =	vst v0;
	v0 =	vld [tilespmem:$0x1FE80]  }
0x34e: {  	v60 =	vadd.f32 v13, v12;
	[tilespmem:$0x14940] =	vst v56;
	v19 =	vld [tilespmem:$0x1FE90]  }
0x34f: {  	v62 =	vadd.f32 v15, v14;
	[tilespmem:$0x1FEB0] =	vst v40;
	v40 =	vld [tilespmem:$0x14A60]  }
0x350: {  	[tilespmem:$0x14960] =	vst v60;
	v46 =	vadd.f32 v26, v23;
	v53 =	vadd.f32 v38, v39;
	(xrf2) =	vadd.scan.msk.f32 $0xffff, v63;
	v39 =	vld [tilespmem:$0x1FEA0]  }
0x351: {  	[tilespmem:$0x14970] =	vst v62;
	v50, _, _ =	vpop (xrf2);
	(xrf2) =	vadd.scan.msk.f32 $0xffff, v42;
	v6 =	vadd.f32 v58, v57;
	v20 =	vld [tilespmem:$0x1FEB0]  }
0x352: {  	v60 =	vld [tilespmem:$0x14930];
	[tilespmem:$0x149B0] =	vst v46;
	v13, _, _ =	vpop (xrf2);
	(xrf2) =	vadd.scan.msk.f32 $0xffff, v44  }
0x353: {  	v56 =	vld [tilespmem:$0x149B0];
	v14, _, _ =	vpop (xrf2);
	(xrf2) =	vadd.scan.msk.f32 $0xffff, v45;
	[tilespmem:$0x14A10] =	vst v6;
	v0 =	vadd.f32 v19, v0  }
0x354: {  	v15, _, _ =	vpop (xrf2);
	(xrf2) =	vadd.scan.msk.f32 $0xffff, v47;
	v6 =	vadd.f32 v18, v36;
	[tilespmem:$0x1FEC0] =	vst v40;
	v40 =	vld [tilespmem:$0x146E0]  }
0x355: {  	v17 =	vadd.f32 v17, v16;
	v59, _, _ =	vpop (xrf2);
	(xrf2) =	vadd.scan.msk.f32 $0xffff, v48;
	[tilespmem:$0x14A40] =	vst v0;
	v0 =	vld [tilespmem:$0x1FEC0]  }
0x356: {  	v37 =	vld [tilespmem:$0x14940];
	v62, _, _ =	vpop (xrf2);
	(xrf2) =	vadd.scan.msk.f32 $0xffff, v51;
	[tilespmem:$0x14A30] =	vst v6;
	v6 =	vadd.f32 v20, v39;
	v20 =	vbroadcast v50, $0xF  }
0x357: {  	v2 =	vadd.f32 v4, v2;
	v38 =	vld [tilespmem:$0x14950];
	(xrf2) =	vadd.scan.msk.f32 $0xffff, v52;
	v18, _, _ =	vpop (xrf2)  }
0x358: {  	[tilespmem:$0x14980] =	vst v17;
	v63 =	vld [tilespmem:$0x14750];
	v19, _, _ =	vpop (xrf2);
	v44 =	vmax.f32 v20, $1.000000000e+00  }
0x359: {  	[tilespmem:$0x14A70] =	vst v2;
	v2 =	vadd.f32 v32, v24;
	v42 =	vld [tilespmem:$0x14960];
	(xrf2) =	vadd.scan.msk.f32 $0xffff, v54;
	v41, _, _ =	vpop (xrf2);
	(erf) = vrcp.f32 v44  }
0x35a: {  	[tilespmem:$0x14990] =	vst v43;
	v43 =	vld [tilespmem:$0x14970];
	v49 =	vadd.f32 v29, v30;
	(xrf2) =	vadd.scan.msk.f32 $0xffff, v56;
	v22, _, _ =	vpop (xrf2);
	v0 =	vadd.f32 v40, v0  }
0x35b: {  	[tilespmem:$0x14A90] =	vst v2;
	v45 =	vld [tilespmem:$0x14980];
	(xrf2) =	vadd.scan.msk.f32 $0xffff, v60;
	v26, _, _ =	vpop (xrf2)  }
0x35c: {  	v46 =	vld [tilespmem:$0x14990];
	(xrf2) =	vadd.scan.msk.f32 $0xffff, v37;
	[tilespmem:$0x14A60] =	vst v0;
	v0 =	vadd.f32 v5, v3;
	v3, _, _ =	vpop (xrf2)  }
0x35d: {  	v23 =	vimm.f32 $0.0e+00;
	[tilespmem:$0x149D0] =	vst v49;
	v14 =	vbroadcast v14, $0xF;
	v48 =	vld [tilespmem:$0x149A0];
	(xrf2) =	vadd.scan.msk.f32 $0xffff, v38;
	v47, _, _ =	vpop (xrf2)  }
0x35e: {  	v12 =	vadd.f32 v63, v25;
	v15 =	vbroadcast v15, $0xF;
	v57 =	vbroadcast v59, $0xF;
	(xrf2) =	vadd.scan.msk.f32 $0xffff, v42;
	v50 =	vld [tilespmem:$0x14A40];
	v49, _, _ =	vpop (xrf2)  }
0x35f: {  	v35 =	vld [tilespmem:$0x14740];
	[tilespmem:$0x149F0] =	vst v53;
	v52 =	vbroadcast v13, $0xF;
	v63 =	vbroadcast v18, $0xF;
	(xrf2) =	vadd.scan.msk.f32 $0xffff, v43;
	v2, _, _ =	vpop (xrf2)  }
0x360: {  	v51 =	vld [tilespmem:$0x149C0];
	[tilespmem:$0x14AD0] =	vst v12;
	v60 =	vbroadcast v62, $0xF;
	v11 =	vbroadcast v41, $0xF;
	(xrf2) =	vadd.scan.msk.f32 $0xffff, v45;
	v24, _, _ =	vpop (xrf2)  }
0x361: {  	v54 =	vld [tilespmem:$0x149D0];
	v22 =	vbroadcast v22, $0xF;
	v18 =	vbroadcast v26, $0xF;
	[tilespmem:$0x14A50] =	vst v6;
	(xrf2) =	vadd.scan.msk.f32 $0xffff, v46;
	v53, _, _ =	vpop (xrf2)  }
0x362: {  	v55 =	vld [tilespmem:$0x149E0];
	v6 =	vnsel vm1, $0x0, v52;
	[tilespmem:$0x14A80] =	vst v0;
	v0 =	vadd.f32 v34, v27;
	(xrf2) =	vadd.scan.msk.f32 $0xffff, v48;
	v61 =	vpop (erf)  }
0x363: {  	v56 =	vld [tilespmem:$0x149F0];
	v62 =	vmax.f32 v22, $1.000000000e+00;
	v38 =	vnsel vm1, $0x0, v18;
	v6 =	vsel vm2, v6, v14;
	(xrf2) =	vadd.scan.msk.f32 $0xffff, v50;
	v25, _, _ =	vpop (xrf2)  }
0x364: {  	v59 =	vld [tilespmem:$0x14A00];
	vm9 =	vgt.f32 v20, $1.500000000e+00;
	v6 =	vsel vm3, v6, v15;
	[tilespmem:$0x14AA0] =	vst v0;
	v0 =	vadd.f32 v28, v21;
	v28, _, _ =	vpop (xrf2)  }
0x365: {  	v30 =	vld [tilespmem:$0x14A10];
	(erf) = vrcp.f32 v62;
	v6 =	vsel vm4, v6, v57;
	v3 =	vbroadcast v3, $0xF;
	v58, _, _ =	vpop (xrf2);
	(xrf2) =	vadd.scan.msk.f32 $0xffff, v51  }
0x366: {  	v6 =	vsel vm5, v6, v60;
	v27 =	vadd.f32 v35, v33;
	v33 =	vld [tilespmem:$0x14A20];
	v5 =	vbroadcast v47, $0xF;
	v32, _, _ =	vpop (xrf2);
	(xrf2) =	vadd.scan.msk.f32 $0xffff, v54  }
0x367: {  	v34 =	vbroadcast v19, $0xF;
	v35 =	vld [tilespmem:$0x14A30];
	v3 =	vsel vm2, v38, v3;
	v8 =	vbroadcast v49, $0xF;
	v19, _, _ =	vpop (xrf2);
	(xrf2) =	vadd.scan.msk.f32 $0xffff, v55  }
0x368: {  	v37 =	vld [tilespmem:$0x14AD0];
	v6 =	vsel vm6, v6, v63;
	v3 =	vsel vm3, v3, v5;
	v2 =	vbroadcast v2, $0xF;
	v36, _, _ =	vpop (xrf2);
	(xrf2) =	vadd.scan.msk.f32 $0xffff, v56  }
0x369: {  	v21 =	vsel vm9, $0x3F800000, v23;
	vm9 =	vcmask $0x318;
	v3 =	vsel vm4, v3, v8;
	v18, _, _ =	vpop (xrf2);
	(xrf2) =	vadd.scan.msk.f32 $0xffff, v59  }
0x36a: {  	v6 =	vsel vm7, v6, v34;
	v2 =	vsel vm5, v3, v2;
	v3 =	vbroadcast v53, $0xF;
	v39, _, _ =	vpop (xrf2);
	(xrf2) =	vadd.scan.msk.f32 $0xffff, v30  }
0x36b: {  	v41 =	vld [tilespmem:$0x14A50];
	v29 =	vsel vm9, $0x0, v21;
	vm9 =	vgt.f32 v22, $1.500000000e+00;
	v42 =	vbroadcast v24, $0xF;
	v40, _, _ =	vpop (xrf2);
	(xrf2) =	vadd.scan.msk.f32 $0xffff, v33  }
0x36c: {  	v44 =	vld [tilespmem:$0x14A60];
	v6 =	vsel vm8, v6, v11;
	v24 =	vsel vm9, $0x3F800000, v23;
	v43, _, _ =	vpop (xrf2);
	(xrf2) =	vadd.scan.msk.f32 $0xffff, v35  }
0x36d: {  	v46 =	vld [tilespmem:$0x14A70];
	[tilespmem:$0x14AB0] =	vst v0;
	vm9 =	vcmask $0x718;
	v0 =	vsel vm6, v2, v42;
	v45, _, _ =	vpop (xrf2);
	(xrf2) =	vadd.scan.msk.f32 $0xffff, v37  }
0x36e: {  	v49 =	vld [tilespmem:$0x14A80];
	v2 =	vbroadcast v25, $0xF;
	v0 =	vsel vm7, v0, v3;
	v48 =	vbroadcast v58, $0xF;
	v3 =	vpop (erf)  }
0x36f: {  	v26 =	vld [tilespmem:$0x14A90];
	[tilespmem:$0x14AC0] =	vst v27;
	v6 =	vmul.f32 v6, v61;
	v50 =	vsel vm9, v29, v24;
	v17 =	vbroadcast v32, $0xF;
	v47, _, _ =	vpop (xrf2)  }
0x370: {  	v52 =	vld [tilespmem:$0x14AA0];
	v0 =	vsel vm8, v0, v2;
	v2 =	vnsel vm1, $0x0, v48;
	v51 =	vbroadcast v19, $0xF;
	v19, _, _ =	vpop (xrf2);
	(xrf2) =	vadd.scan.msk.f32 $0xffff, v41  }
0x371: {  	v25 =	vbroadcast v28, $0xF;
	v54 =	vld [tilespmem:$0x14AB0];
	v2 =	vsel vm2, v2, v17;
	v14 =	vbroadcast v36, $0xF;
	v53, _, _ =	vpop (xrf2);
	(xrf2) =	vadd.scan.msk.f32 $0xffff, v44  }
0x372: {  	v0 =	vmul.f32 v0, v3;
	v56 =	vld [tilespmem:$0x14AC0];
	v2 =	vsel vm3, v2, v51;
	v3 =	vbroadcast v18, $0xF;
	v55, _, _ =	vpop (xrf2);
	(xrf2) =	vadd.scan.msk.f32 $0xffff, v46  }
0x373: {  	vm9 =	vgt.f32 v25, $1.500000000e+00;
	v2 =	vsel vm4, v2, v14;
	v10 =	vbroadcast v39, $0xF;
	v57, _, _ =	vpop (xrf2);
	(xrf2) =	vadd.scan.msk.f32 $0xffff, v49  }
0x374: {  	v18 =	vmax.f32 v25, $1.000000000e+00;
	v2 =	vsel vm5, v2, v3;
	v3 =	vbroadcast v40, $0xF;
	v58, _, _ =	vpop (xrf2);
	(xrf2) =	vadd.scan.msk.f32 $0xffff, v26  }
0x375: {  	v2 =	vsel vm6, v2, v10;
	v59 =	vbroadcast v43, $0xF;
	v27 =	vbroadcast v45, $0xF;
	v60, _, _ =	vpop (xrf2);
	(xrf2) =	vadd.scan.msk.f32 $0xffff, v52  }
0x376: {  	(erf) = vrcp.f32 v18;
	v2 =	vsel vm7, v2, v3;
	v3 =	vbroadcast v47, $0xF;
	v62, _, _ =	vpop (xrf2);
	(xrf2) =	vadd.scan.msk.f32 $0xffff, v54  }
0x377: {  	v2 =	vsel vm8, v2, v59;
	v15 =	vmax.f32 v27, $1.000000000e+00;
	v63 =	vbroadcast v19, $0xF;
	v12, _, _ =	vpop (xrf2);
	(xrf2) =	vadd.scan.msk.f32 $0xffff, v56  }
0x378: {  	(erf) = vrcp.f32 v15;
	v3 =	vnsel vm1, $0x0, v3;
	v28 =	vbroadcast v12, $0xF  }
0x379: {  	v16 =	vbroadcast v53, $0xF;
	v3 =	vsel vm2, v3, v63;
	v8 =	vbroadcast v55, $0xF  }
0x37a: {  	v26 =	vsel vm9, $0x3F800000, v23;
	v36 =	vbroadcast v57, $0xF;
	v17, _, _ =	vpop (xrf2);
	v32 =	vmax.f32 v28, $1.000000000e+00  }
0x37b: {  	v3 =	vsel vm3, v3, v16;
	v33, _, _ =	vpop (xrf2);
	v34 =	vbroadcast v17, $0xF;
	(erf) = vrcp.f32 v32  }
0x37c: {  	v61 =	vsel vm10, v50, v26;
	v3 =	vsel vm4, v3, v8;
	v35, _, _ =	vpop (xrf2);
	v37 =	vbroadcast v33, $0xF  }
0x37d: {  	v5 =	vbroadcast v58, $0xF;
	v38, _, _ =	vpop (xrf2);
	v7 =	vnsel vm1, $0x0, v34;
	v9 =	vbroadcast v35, $0xF  }
0x37e: {  	v3 =	vsel vm5, v3, v36;
	v39, _, _ =	vpop (xrf2);
	v7 =	vsel vm2, v7, v37;
	v40 =	vbroadcast v38, $0xF  }
0x37f: {  	v11 =	vbroadcast v60, $0xF;
	v41, _, _ =	vpop (xrf2);
	v42 =	vsel vm3, v7, v9;
	v43 =	vbroadcast v39, $0xF  }
0x380: {  	v3 =	vsel vm6, v3, v5;
	v44, _, _ =	vpop (xrf2);
	v5 =	vsel vm4, v42, v40;
	v45 =	vbroadcast v41, $0xF  }
0x381: {  	v46 =	vbroadcast v62, $0xF;
	v5 =	vsel vm5, v5, v43;
	v47 =	vbroadcast v44, $0xF;
	v48, _, _ =	vpop (xrf2)  }
0x382: {  	[tilespmem:$0x14E60] =	vst v23;
	v49 =	vpop (erf);
	v3 =	vsel vm7, v3, v11;
	v5 =	vsel vm6, v5, v45;
	v50 =	vbroadcast v48, $0xF  }
0x383: {  	[tilespmem:$0x14E70] =	vst v6;
	v2 =	vmul.f32 v2, v49;
	v3 =	vsel vm8, v3, v46;
	v51 =	vpop (erf);
	v5 =	vsel vm7, v5, v47  }
0x384: {  	[tilespmem:$0x14E80] =	vst v0;
	vm9 =	vgt.f32 v27, $1.500000000e+00;
	v0 =	vmul.f32 v3, v51;
	v3 =	vsel vm8, v5, v50;
	v52 =	vpop (erf)  }
0x385: {  	v29 =	vsel vm9, $0x3F800000, v23;
	[tilespmem:$0x14E90] =	vst v2;
	vm9 =	vgt.f32 v28, $1.500000000e+00;
	v2 =	vmul.f32 v3, v52  }
0x386: {  	v30 =	vsel vm9, $0x3F800000, v23;
	[tilespmem:$0x14EA0] =	vst v0;
	v3 =	vsel vm11, v61, v29  }
0x387: {  	v0 =	vsel vm12, v3, v30;
	[tilespmem:$0x14EB0] =	vst v2  }
0x388: {  	s10 =	simm.s32 $0x12000;
	[tilespmem:$0x14EE0] =	vst v0  }
0x389: {  	v31 =	vld [tilespmem:s10+$0x0];
	_ =	sdelay $0x4  }
0x38a: {  	v0 =	vshll.u32 v31, $0x4  }
0x38b: {  	s12 =	simm.s32 $0x0  }
0x38c: {  	s6 =	simm.s32 $0x12010;
	s7 =	sand.u32 $0x70, s12;
	s8 =	sand.u32 $0x1FC00, s12;
	v2 =	vor.u32 $0x1, v0  }
0x38d: {  	s3 =	sor.u32 s7, s8;
	v32 =	vld [tilespmem:s6+$0x0]  }
0x38e: {  	v6 =	vld [tilespmem:s3+$0x0];
	v3 =	vor.u32 $0x2, v0  }
0x38f: {  	v53 =	vld.idx.msk [tilespmem:v0+s4+$0x0], $0xffff  }
0x390: {  	v56 =	vld [tilespmem:s3+$0x80];
	v54 =	vor.u32 $0x3, v0  }
0x391: {  	v2 =	vld.idx.msk [tilespmem:v2+s4+$0x0], $0xffff  }
0x392: {  	v58 =	vld [tilespmem:s3+$0x100];
	v55 =	vor.u32 $0x4, v0  }
0x393: {  	v3 =	vld.idx.msk [tilespmem:v3+s4+$0x0], $0xffff  }
0x394: {  	v59 =	vld [tilespmem:s3+$0x180];
	v57 =	vor.u32 $0x5, v0;
	v4 =	vsub.f32 v6, v53  }
0x395: {  	v5 =	vld.idx.msk [tilespmem:v54+s4+$0x0], $0xffff  }
0x396: {  	v61 =	vld [tilespmem:s3+$0x200];
	v60 =	vor.u32 $0x6, v0;
	v2 =	vsub.f32 v56, v2;
	v4 =	vmul.f32 v4, v4  }
0x397: {  	v0 =	vor.u32 $0x7, v0;
	v7 =	vld.idx.msk [tilespmem:v55+s4+$0x0], $0xffff  }
0x398: {  	v62 =	vld [tilespmem:s3+$0x280];
	v3 =	vsub.f32 v58, v3;
	v2 =	vmul.f32 v2, v2;
	v4 =	vadd.f32 $9.999999960e-13, v4  }
0x399: {  	s2 =	sand.u32 $0x7, s12;
	v9 =	vld.idx.msk [tilespmem:v57+s4+$0x0], $0xffff  }
0x39a: {  	s2 =	sshll.u32 s2, $0x4;
	v15 =	vld [tilespmem:s3+$0x300];
	v5 =	vsub.f32 v59, v5;
	v3 =	vmul.f32 v3, v3;
	v2 =	vadd.f32 v2, v4  }
0x39b: {  	s2 =	sadd.s32 $0x0, s2;
	v63 =	vshll.u32 v32, $0x4;
	v14 =	vld.idx.msk [tilespmem:v60+s4+$0x0], $0xffff  }
0x39c: {  	s2 =	sor.u32 $0x380, s2;
	s12 =	simm.s32 $0x80;
	s9 =	simm.s32 $0x10;
	v0 =	vld.idx.msk [tilespmem:v0+s4+$0x0], $0xffff;
	v7 =	vsub.f32 v61, v7;
	v5 =	vmul.f32 v5, v5;
	v2 =	vadd.f32 v3, v2  }
0x39d: {  	s7 =	sand.u32 $0x1FC00, s12;
	s10 =	simm.s32 $0x12020;
	s3 =	sand.u32 $0x70, s9;
	v16 =	vor.u32 $0x1, v63;
	v3 =	vld [tilespmem:s2+$0x0]  }
0x39e: {  	v33 =	vld [tilespmem:s10+$0x0];
	s3 =	sor.u32 s3, s7;
	v9 =	vsub.f32 v62, v9;
	v7 =	vmul.f32 v7, v7;
	v2 =	vadd.f32 v5, v2  }
0x39f: {  	v37 =	vld [tilespmem:s3+$0x0];
	v17 =	vor.u32 $0x2, v63  }
0x3a0: {  	v35 =	vld.idx.msk [tilespmem:v63+s4+$0x0], $0xffff;
	v9 =	vmul.f32 v9, v9;
	v4 =	vsub.f32 v15, v14;
	v2 =	vadd.f32 v7, v2  }
0x3a1: {  	v41 =	vld [tilespmem:s3+$0x100];
	v36 =	vor.u32 $0x3, v63  }
0x3a2: {  	v38 =	vld.idx.msk [tilespmem:v16+s4+$0x0], $0xffff;
	v4 =	vmul.f32 v4, v4;
	v0 =	vsub.f32 v3, v0;
	v2 =	vadd.f32 v9, v2  }
0x3a3: {  	v39 =	vor.u32 $0x4, v63;
	v3 =	vld [tilespmem:s3+$0x80]  }
0x3a4: {  	v8 =	vld.idx.msk [tilespmem:v17+s4+$0x0], $0xffff;
	v0 =	vmul.f32 v0, v0;
	v2 =	vadd.f32 v4, v2  }
0x3a5: {  	v44 =	vld [tilespmem:s3+$0x180];
	v40 =	vor.u32 $0x5, v63;
	v42 =	vsub.f32 v37, v35  }
0x3a6: {  	v46 =	vld [tilespmem:s3+$0x200];
	v45 =	vor.u32 $0x6, v63;
	v34 =	vadd.f32 v0, v2  }
0x3a7: {  	v12 =	vor.u32 $0x7, v63;
	v43 =	vld.idx.msk [tilespmem:v36+s4+$0x0], $0xffff;
	v0 =	vmul.f32 v42, v42  }
0x3a8: {  	v2 =	vld.idx.msk [tilespmem:v39+s4+$0x0], $0xffff;
	v3 =	vsub.f32 v3, v38;
	v47 =	vshra.s32 v34, $0x1;
	v11 =	vmul.f32 $5.000000000e-01, v34  }
0x3a9: {  	v48 =	vld [tilespmem:s3+$0x280];
	v8 =	vsub.f32 v41, v8;
	s2 =	simm.s32 $0x1;
	v7 =	vsub.s32 $0x5F3759DF, v47  }
0x3aa: {  	s8 =	sand.u32 $0x7, s2;
	v9 =	vld.idx.msk [tilespmem:v40+s4+$0x0], $0xffff;
	v3 =	vmul.f32 v3, v3;
	v0 =	vadd.f32 $9.999999960e-13, v0;
	v49 =	vmul.f32 v7, v11  }
0x3ab: {  	v10 =	vld.idx.msk [tilespmem:v45+s4+$0x0], $0xffff;
	v8 =	vmul.f32 v8, v8;
	v15 =	vshll.u32 v33, $0x4;
	s6 =	sshll.u32 s8, $0x4  }
0x3ac: {  	v53 =	vld.idx.msk [tilespmem:v12+s4+$0x0], $0xffff;
	v5 =	vsub.f32 v44, v43;
	s9 =	sadd.s32 $0x80, s6;
	v0 =	vadd.f32 v3, v0;
	v50 =	vmul.f32 v7, v49  }
0x3ad: {  	v51 =	vor.u32 $0x1, v15;
	v3 =	vld [tilespmem:s3+$0x300];
	s3 =	sor.u32 $0x380, s9;
	v2 =	vsub.f32 v46, v2  }
0x3ae: {  	v52 =	vmul.f32 v5, v5;
	v54 =	vld [tilespmem:s3+$0x0];
	v0 =	vadd.f32 v8, v0;
	v6 =	vsub.f32 $1.500000000e+00, v50  }
0x3af: {  	s10 =	simm.s32 $0x20;
	v55 =	vor.u32 $0x2, v15;
	v9 =	vsub.f32 v48, v9;
	s3 =	simm.s32 $0x100  }
0x3b0: {  	s7 =	sand.u32 $0x70, s10;
	s6 =	simm.s32 $0x12030;
	v57 =	vld.idx.msk [tilespmem:v15+s4+$0x0], $0xffff;
	s12 =	sand.u32 $0x1FC00, s3;
	v2 =	vmul.f32 v2, v2;
	v0 =	vadd.f32 v52, v0;
	v56 =	vmul.f32 v7, v6  }
0x3b1: {  	v58 =	vor.u32 $0x3, v15;
	v35 =	vld [tilespmem:s6+$0x0];
	v9 =	vmul.f32 v9, v9;
	s9 =	sor.u32 s7, s12  }
0x3b2: {  	v59 =	vld [tilespmem:s9+$0x0];
	v3 =	vsub.f32 v3, v10;
	v0 =	vadd.f32 v2, v0;
	v2 =	vmul.f32 v56, v11  }
0x3b3: {  	v61 =	vor.u32 $0x4, v15;
	v60 =	vld.idx.msk [tilespmem:v51+s4+$0x0], $0xffff;
	v5 =	vsub.f32 v54, v53  }
0x3b4: {  	v62 =	vld [tilespmem:s9+$0x80];
	v3 =	vmul.f32 v3, v3;
	v0 =	vadd.f32 v9, v0;
	v2 =	vmul.f32 v2, v56  }
0x3b5: {  	v42 =	vld.idx.msk [tilespmem:v55+s4+$0x0], $0xffff;
	v49 =	vor.u32 $0x5, v15  }
0x3b6: {  	v45 =	vld [tilespmem:s9+$0x100];
	v0 =	vadd.f32 v3, v0;
	v3 =	vmul.f32 v5, v5;
	v2 =	vsub.f32 $1.500000000e+00, v2  }
0x3b7: {  	v41 =	vld.idx.msk [tilespmem:v58+s4+$0x0], $0xffff;
	v63 =	vsub.f32 v59, v57  }
0x3b8: {  	v44 =	vld [tilespmem:s9+$0x180];
	v50 =	vor.u32 $0x6, v15;
	v36 =	vadd.f32 v3, v0;
	v38 =	vmul.f32 v2, v56  }
0x3b9: {  	v43 =	vld.idx.msk [tilespmem:v61+s4+$0x0], $0xffff;
	v47 =	vor.u32 $0x7, v15;
	v51 =	vsub.f32 v62, v60;
	v48 =	vmul.f32 v63, v63  }
0x3ba: {  	s10 =	simm.s32 $0x40;
	s8 =	simm.s32 $0x30;
	v46 =	vld [tilespmem:s9+$0x200];
	v40 =	vshra.s32 v36, $0x1;
	v37 =	vmul.f32 $5.000000000e-01, v36;
	v39 =	vmul.f32 v38, v11  }
.LBB2_4:
0x3bb: {  	p0 =	sne.s32 s10, $0x23F0;
	v0 =	vmul.f32 v51, v51;
	v2 =	vsub.f32 v45, v42;
	v3 =	vld.idx.msk [tilespmem:v49+s4+$0x0], $0xffff;
	v4 =	vsub.s32 $0x5F3759DF, v40;
	s2 =	sadd.s32 $0x1, s2  }
0x3bc: {  	v5 =	vadd.f32 $9.999999960e-13, v48;
	s7 =	sand.u32 $0x7, s2;
	v6 =	vld [tilespmem:s9+$0x280];
	v7 =	vmul.f32 v4, v37;
	v8 =	vmul.f32 v39, v38  }
0x3bd: {  	v9 =	vshll.u32 v35, $0x4;
	s7 =	sshll.u32 s7, $0x4;
	v2 =	vmul.f32 v2, v2;
	v10 =	vsub.f32 v44, v41;
	v11 =	vld.idx.msk [tilespmem:v50+s4+$0x0], $0xffff  }
0x3be: {  	v0 =	vadd.f32 v0, v5;
	s7 =	sadd.s32 s7, s3;
	v5 =	vld [tilespmem:s9+$0x300];
	v7 =	vmul.f32 v4, v7;
	v8 =	vsub.f32 $1.500000000e+00, v8  }
0x3bf: {  	v12 =	vor.u32 $0x1, v9;
	v10 =	vmul.f32 v10, v10;
	v13 =	vsub.f32 v46, v43;
	s7 =	sor.u32 $0x380, s7;
	v14 =	vld.idx.msk [tilespmem:v47+s4+$0x0], $0xffff  }
0x3c0: {  	v0 =	vadd.f32 v2, v0;
	v2 =	vld [tilespmem:s7+$0x0];
	v7 =	vsub.f32 $1.500000000e+00, v7;
	v8 =	vmul.f32 v8, v38  }
0x3c1: {  	s6 =	sadd.s32 $0x10, s6;
	v15 =	vor.u32 $0x2, v9;
	s3 =	sadd.s32 $0x80, s3;
	v13 =	vmul.f32 v13, v13;
	v3 =	vsub.f32 v6, v3;
	v6 =	vld.idx.msk [tilespmem:v31+s5+$0x0], $0xffff;
	v31 =	vmovc v32  }
0x3c2: {  	s9 =	sand.u32 $0x1FC00, s3;
	s7 =	sand.u32 $0x70, s8;
	s8 =	smov.u32 s10;
	v0 =	vadd.f32 v10, v0;
	v32 =	vmovc v33;
	v16 =	vld [tilespmem:s6+$0x0];
	v4 =	vmul.f32 v4, v7;
	v7 =	vmul.f32 v8, v34  }
0x3c3: {  	s9 =	sor.u32 s7, s9;
	v10 =	vor.u32 $0x3, v9;
	v33 =	vmovc v35;
	v8 =	vld.idx.msk [tilespmem:v9+s4+$0x0], $0xffff;
	v3 =	vmul.f32 v3, v3;
	v5 =	vsub.f32 v5, v11  }
0x3c4: {  	v34 =	vmovc v36;
	v0 =	vadd.f32 v13, v0;
	v11 =	vld [tilespmem:s9+$0x0];
	v13 =	vmul.f32 v4, v37;
	v7 =	vadd.f32 $-1.000000000e+00, v7  }
0x3c5: {  	v17 =	vor.u32 $0x4, v9;
	v12 =	vld.idx.msk [tilespmem:v12+s4+$0x0], $0xffff;
	v5 =	vmul.f32 v5, v5;
	v2 =	vsub.f32 v2, v14  }
0x3c6: {  	v0 =	vadd.f32 v3, v0;
	v14 =	vld [tilespmem:s9+$0x80];
	v3 =	vmul.f32 v13, v4;
	v7 =	vmax.f32 v7, $0.0e+00  }
0x3c7: {  	v49 =	vor.u32 $0x5, v9;
	v42 =	vld.idx.msk [tilespmem:v15+s4+$0x0], $0xffff;
	v6 =	vmul.f32 v7, v6;
	v35 =	vmov v16  }
.Ltmp1:
0x3c8: {  	v0 =	vadd.f32 v5, v0;
	v2 =	vmul.f32 v2, v2;
	v45 =	vld [tilespmem:s9+$0x100];
	v3 =	vsub.f32 $1.500000000e+00, v3;
	(pc) =	sbr.rel @p0 .LBB2_4-.Ltmp1, $4  }
0x3c9: {  	v47 =	vor.u32 $0x7, v9;
	v5 =	vsub.f32 v11, v8;
	v41 =	vld.idx.msk [tilespmem:v10+s4+$0x0], $0xffff;
	v6 =	vmul.f32 v6, v7  }
0x3ca: {  	v50 =	vor.u32 $0x6, v9;
	v36 =	vadd.f32 v2, v0;
	v44 =	vld [tilespmem:s9+$0x180];
	v38 =	vmul.f32 v3, v4  }
0x3cb: {  	v48 =	vmul.f32 v5, v5;
	v51 =	vsub.f32 v14, v12;
	v43 =	vld.idx.msk [tilespmem:v17+s4+$0x0], $0xffff;
	v23 =	vadd.f32 v6, v23  }
0x3cc: {  	s10 =	sadd.s32 $0x10, s10;
	v40 =	vshra.s32 v36, $0x1;
	v46 =	vld [tilespmem:s9+$0x200];
	v39 =	vmul.f32 v38, v37;
	v37 =	vmul.f32 $5.000000000e-01, v36  }
0x3cd: {  	_ =	sdelay $0x3  }
0x3ce: {  	v0 =	vld.idx.msk [tilespmem:v49+s4+$0x0], $0xffff  }
0x3cf: {  	v2 =	vld [tilespmem:s9+$0x280]  }
0x3d0: {  	v4 =	vld.idx.msk [tilespmem:v50+s4+$0x0], $0xffff  }
0x3d1: {  	v5 =	vld [tilespmem:s9+$0x300]  }
0x3d2: {  	v7 =	vld.idx.msk [tilespmem:v47+s4+$0x0], $0xffff  }
0x3d3: {  	v19 =	vadd.f32 $9.999999960e-13, v48;
	v48 =	vld [tilespmem:$0x1FEE0]  }
0x3d4: {  	v49 =	vld [tilespmem:$0x1FEF0]  }
0x3d5: {  	v17 =	vmul.f32 v51, v51;
	v51 =	vld [tilespmem:$0x1FF80]  }
0x3d6: {  	v54 =	vld [tilespmem:$0x1FF00]  }
0x3d7: {  	v55 =	vld [tilespmem:$0x1FF90]  }
0x3d8: {  	s6 =	sadd.s32 $0x1, s2;
	v56 =	vld [tilespmem:$0x1FF10]  }
0x3d9: {  	s9 =	sadd.s32 $0x80, s3;
	v60 =	vld [tilespmem:$0x1FFA0];
	s2 =	sand.u32 $0x7, s6  }
0x3da: {  	s10 =	sand.u32 $0x70, s8;
	v18 =	vsub.f32 v45, v42;
	v42 =	vld [tilespmem:$0x1FF40];
	s12 =	sand.u32 $0x1FC00, s9;
	s2 =	sshll.u32 s2, $0x4  }
0x3db: {  	v41 =	vsub.f32 v44, v41;
	v44 =	vld [tilespmem:$0x1FFD0];
	s2 =	sadd.s32 s2, s3;
	s3 =	sor.u32 s10, s12  }
0x3dc: {  	v12 =	vld [tilespmem:s3+$0x0]  }
0x3dd: {  	v14 =	vld [tilespmem:s3+$0x80]  }
0x3de: {  	v16 =	vld [tilespmem:s3+$0x100]  }
0x3df: {  	v18 =	vmul.f32 v18, v18;
	v17 =	vadd.f32 v17, v19;
	v61 =	vld [tilespmem:s3+$0x180]  }
0x3e0: {  	v3 =	vshll.u32 v35, $0x4;
	v63 =	vld [tilespmem:s3+$0x200]  }
0x3e1: {  	v6 =	vor.u32 $0x1, v3;
	v17 =	vadd.f32 v18, v17;
	v18 =	vld [tilespmem:s3+$0x280]  }
0x3e2: {  	v9 =	vor.u32 $0x2, v3;
	v45 =	vld [tilespmem:s3+$0x300]  }
0x3e3: {  	v11 =	vor.u32 $0x3, v3;
	s7 =	sor.u32 $0x380, s2;
	v43 =	vsub.f32 v46, v43;
	v46 =	vld [tilespmem:$0x1FF50]  }
0x3e4: {  	v13 =	vor.u32 $0x4, v3;
	v8 =	vld [tilespmem:s7+$0x0]  }
0x3e5: {  	v15 =	vor.u32 $0x5, v3;
	v10 =	vld.idx.msk [tilespmem:v3+s4+$0x0], $0xffff  }
0x3e6: {  	v62 =	vor.u32 $0x6, v3;
	v6 =	vld.idx.msk [tilespmem:v6+s4+$0x0], $0xffff  }
0x3e7: {  	v41 =	vmul.f32 v41, v41;
	v9 =	vld.idx.msk [tilespmem:v9+s4+$0x0], $0xffff  }
0x3e8: {  	v11 =	vld.idx.msk [tilespmem:v11+s4+$0x0], $0xffff  }
0x3e9: {  	s6 =	sadd.s32 $0x1, s6;
	v0 =	vsub.f32 v2, v0;
	v13 =	vld.idx.msk [tilespmem:v13+s4+$0x0], $0xffff;
	v2 =	vmul.f32 v43, v43;
	v17 =	vadd.f32 v41, v17  }
0x3ea: {  	s3 =	sand.u32 $0x7, s6;
	v15 =	vld.idx.msk [tilespmem:v15+s4+$0x0], $0xffff  }
0x3eb: {  	s3 =	sshll.u32 s3, $0x4;
	v41 =	vld.idx.msk [tilespmem:v62+s4+$0x0], $0xffff;
	v0 =	vmul.f32 v0, v0;
	v2 =	vadd.f32 v2, v17  }
0x3ec: {  	v3 =	vor.u32 $0x7, v3;
	s2 =	sadd.s32 s3, s9;
	v62 =	vld [tilespmem:$0x1FFB0]  }
0x3ed: {  	s2 =	sor.u32 $0x380, s2;
	v0 =	vadd.f32 v0, v2;
	v2 =	vld [tilespmem:$0x1FF70]  }
0x3ee: {  	v58 =	vld [tilespmem:s2+$0x0]  }
0x3ef: {  	v47 =	vsub.f32 v12, v10;
	v10 =	vld.idx.msk [tilespmem:v48+s4+$0x0], $0xffff  }
0x3f0: {  	v12 =	vld.idx.msk [tilespmem:v49+s4+$0x0], $0xffff  }
0x3f1: {  	v3 =	vld.idx.msk [tilespmem:v3+s4+$0x0], $0xffff  }
0x3f2: {  	v17 =	vld.idx.msk [tilespmem:v46+s4+$0x0], $0xffff  }
0x3f3: {  	v11 =	vsub.f32 v61, v11;
	v61 =	vld [tilespmem:$0x1FF20]  }
0x3f4: {  	v6 =	vsub.f32 v14, v6;
	v19 =	vsub.f32 v45, v41;
	v41 =	vld [tilespmem:$0x1FFC0]  }
0x3f5: {  	v4 =	vsub.f32 v5, v4;
	v5 =	vmul.f32 v47, v47;
	v2 =	vld.idx.msk [tilespmem:v2+s4+$0x0], $0xffff  }
0x3f6: {  	v50 =	vmul.f32 v6, v6;
	v6 =	vld.idx.msk [tilespmem:v51+s4+$0x0], $0xffff  }
0x3f7: {  	v4 =	vmul.f32 v4, v4;
	v5 =	vadd.f32 $9.999999960e-13, v5;
	v53 =	vsub.f32 v17, v10;
	v17 =	vld [tilespmem:$0x1FF30]  }
0x3f8: {  	v7 =	vsub.f32 v8, v7;
	v10 =	vld.idx.msk [tilespmem:v54+s4+$0x0], $0xffff  }
0x3f9: {  	v0 =	vadd.f32 v4, v0;
	v4 =	vadd.f32 v50, v5;
	v5 =	vld.idx.msk [tilespmem:v55+s4+$0x0], $0xffff  }
0x3fa: {  	v52 =	vsub.f32 v16, v9;
	v9 =	vmul.f32 v53, v53;
	v2 =	vsub.f32 v2, v12;
	v12 =	vld.idx.msk [tilespmem:v56+s4+$0x0], $0xffff  }
0x3fb: {  	v47 =	vld [tilespmem:$0x1FF60]  }
0x3fc: {  	v7 =	vmul.f32 v7, v7;
	v8 =	vmul.f32 v52, v52;
	v59 =	vadd.f32 $9.999999960e-13, v9;
	v9 =	vld.idx.msk [tilespmem:v60+s4+$0x0], $0xffff  }
0x3fd: {  	v13 =	vsub.f32 v63, v13;
	v6 =	vsub.f32 v6, v10;
	v10 =	vld.idx.msk [tilespmem:v61+s4+$0x0], $0xffff;
	v2 =	vmul.f32 v2, v2  }
0x3fe: {  	v57 =	vmul.f32 v11, v11;
	v0 =	vadd.f32 v7, v0;
	v7 =	vld.idx.msk [tilespmem:v62+s4+$0x0], $0xffff;
	v4 =	vadd.f32 v8, v4  }
0x3ff: {  	v6 =	vmul.f32 v6, v6;
	v2 =	vadd.f32 v2, v59;
	v5 =	vsub.f32 v5, v12;
	v12 =	vld.idx.msk [tilespmem:v17+s4+$0x0], $0xffff  }
0x400: {  	v18 =	vsub.f32 v18, v15;
	v45 =	vsub.s32 $0x5F3759DF, v40;
	v63 =	vmul.f32 v13, v13;
	v15 =	vld.idx.msk [tilespmem:v41+s4+$0x0], $0xffff  }
0x401: {  	v4 =	vadd.f32 v57, v4;
	v2 =	vadd.f32 v6, v2;
	v6 =	vld.idx.msk [tilespmem:v42+s4+$0x0], $0xffff;
	v5 =	vmul.f32 v5, v5  }
0x402: {  	v48 =	vmul.f32 v45, v37;
	v3 =	vsub.f32 v58, v3;
	v43 =	vsub.f32 v9, v10;
	v9 =	vld.idx.msk [tilespmem:v44+s4+$0x0], $0xffff  }
0x403: {  	v46 =	vmul.f32 v18, v18;
	v4 =	vadd.f32 v63, v4;
	v2 =	vadd.f32 v5, v2;
	v5 =	vld.idx.msk [tilespmem:v47+s4+$0x0], $0xffff  }
0x404: {  	v49 =	vshra.s32 v0, $0x1;
	v8 =	vmul.f32 v43, v43;
	v7 =	vsub.f32 v7, v12  }
0x405: {  	v50 =	vmul.f32 v19, v19;
	v51 =	vmul.f32 $5.000000000e-01, v0;
	v4 =	vadd.f32 v46, v4  }
0x406: {  	v2 =	vadd.f32 v8, v2;
	v6 =	vsub.f32 v15, v6;
	v7 =	vmul.f32 v7, v7  }
0x407: {  	v3 =	vmul.f32 v3, v3;
	v53 =	vsub.s32 $0x5F3759DF, v49;
	v4 =	vadd.f32 v50, v4  }
0x408: {  	v6 =	vmul.f32 v6, v6;
	v2 =	vadd.f32 v7, v2;
	v5 =	vsub.f32 v9, v5  }
0x409: {  	v54 =	vmul.f32 v53, v51;
	v3 =	vadd.f32 v3, v4  }
0x40a: {  	v52 =	vmul.f32 v45, v48;
	v2 =	vadd.f32 v6, v2;
	v5 =	vmul.f32 v5, v5  }
0x40b: {  	v4 =	vmul.f32 v53, v54;
	v56 =	vshra.s32 v3, $0x1;
	v57 =	vmul.f32 $5.000000000e-01, v3  }
0x40c: {  	v55 =	vsub.f32 $1.500000000e+00, v52;
	v7 =	vsub.s32 $0x5F3759DF, v56;
	v2 =	vadd.f32 v5, v2  }
0x40d: {  	v4 =	vsub.f32 $1.500000000e+00, v4;
	v59 =	vmul.f32 v7, v57  }
0x40e: {  	v58 =	vmul.f32 v45, v55;
	v60 =	vshra.s32 v2, $0x1;
	v61 =	vmul.f32 $5.000000000e-01, v2  }
0x40f: {  	v4 =	vmul.f32 v53, v4;
	v6 =	vmul.f32 v7, v59;
	v10 =	vsub.s32 $0x5F3759DF, v60  }
0x410: {  	v62 =	vmul.f32 v58, v37;
	v63 =	vmul.f32 v10, v61  }
0x411: {  	v16 =	vmul.f32 v4, v51;
	v6 =	vsub.f32 $1.500000000e+00, v6  }
0x412: {  	v13 =	vmul.f32 v62, v58;
	v9 =	vmul.f32 v10, v63  }
0x413: {  	v14 =	vmul.f32 v16, v4;
	v6 =	vmul.f32 v7, v6  }
0x414: {  	v13 =	vsub.f32 $1.500000000e+00, v13;
	v9 =	vsub.f32 $1.500000000e+00, v9  }
0x415: {  	v17 =	vmul.f32 v39, v38;
	v14 =	vsub.f32 $1.500000000e+00, v14;
	v18 =	vmul.f32 v6, v57  }
0x416: {  	v5 =	vmul.f32 v13, v58;
	v9 =	vmul.f32 v10, v9  }
0x417: {  	v4 =	vmul.f32 v14, v4;
	v13 =	vmul.f32 v18, v6  }
0x418: {  	v19 =	vmul.f32 v5, v37;
	v37 =	vmul.f32 v9, v61  }
0x419: {  	v13 =	vsub.f32 $1.500000000e+00, v13  }
0x41a: {  	v8 =	vmul.f32 v4, v51;
	v7 =	vsub.f32 $1.500000000e+00, v17;
	v14 =	vmul.f32 v37, v9  }
0x41b: {  	v10 =	vmul.f32 v19, v5;
	v6 =	vmul.f32 v13, v6  }
0x41c: {  	v48 =	vld [tilespmem:$0x1FFE0];
	v8 =	vmul.f32 v8, v4;
	v7 =	vmul.f32 v7, v38;
	v14 =	vsub.f32 $1.500000000e+00, v14  }
0x41d: {  	v49 =	vld [tilespmem:$0x1FFF0];
	v10 =	vsub.f32 $1.500000000e+00, v10;
	v40 =	vmul.f32 v6, v57  }
0x41e: {  	v39 =	vld.idx.msk [tilespmem:v31+s5+$0x0], $0xffff;
	v8 =	vsub.f32 $1.500000000e+00, v8;
	v7 =	vmul.f32 v7, v34;
	v9 =	vmul.f32 v14, v9  }
0x41f: {  	v5 =	vmul.f32 v10, v5;
	v10 =	vmul.f32 v40, v6  }
0x420: {  	v4 =	vmul.f32 v8, v4;
	v7 =	vadd.f32 $-1.000000000e+00, v7;
	v42 =	vmul.f32 v9, v61  }
0x421: {  	v41 =	vld.idx.msk [tilespmem:v32+s5+$0x0], $0xffff;
	v5 =	vmul.f32 v5, v36;
	v10 =	vsub.f32 $1.500000000e+00, v10  }
0x422: {  	v44 =	vld.idx.msk [tilespmem:v33+s5+$0x0], $0xffff;
	v0 =	vmul.f32 v4, v0;
	v7 =	vmax.f32 v7, $0.0e+00;
	v45 =	vmul.f32 v42, v9  }
0x423: {  	v43 =	vmul.f32 v7, v39;
	v5 =	vadd.f32 $-1.000000000e+00, v5;
	v6 =	vmul.f32 v10, v6  }
0x424: {  	v46 =	vld.idx.msk [tilespmem:v35+s5+$0x0], $0xffff;
	v0 =	vadd.f32 $-1.000000000e+00, v0;
	v4 =	vsub.f32 $1.500000000e+00, v45  }
0x425: {  	v7 =	vmul.f32 v43, v7;
	v5 =	vmax.f32 v5, $0.0e+00;
	v3 =	vmul.f32 v6, v3;
	v6 =	vld.idx.msk [tilespmem:v48+s5+$0x0], $0xffff  }
0x426: {  	v0 =	vmax.f32 v0, $0.0e+00;
	v47 =	vmul.f32 v5, v41;
	v4 =	vmul.f32 v4, v9;
	v9 =	vld.idx.msk [tilespmem:v49+s5+$0x0], $0xffff  }
0x427: {  	v50 =	vmul.f32 v0, v44;
	v3 =	vadd.f32 $-1.000000000e+00, v3  }
0x428: {  	v7 =	vadd.f32 v7, v23;
	v5 =	vmul.f32 v47, v5;
	v2 =	vmul.f32 v4, v2  }
0x429: {  	v0 =	vmul.f32 v50, v0;
	v3 =	vmax.f32 v3, $0.0e+00  }
0x42a: {  	v51 =	vadd.f32 v5, v7;
	v52 =	vmul.f32 v3, v46;
	v2 =	vsub.f32 $6.000000000e+00, v2  }
0x42b: {  	v54 =	vsel vm13, $0x3F800000, v1;
	v53 =	vmul.f32 v9, v6  }
0x42c: {  	v0 =	vadd.f32 v0, v51;
	v3 =	vmul.f32 v52, v3;
	v2 =	vmax.f32 v2, $0.0e+00  }
0x42d: {  	v2 =	vmul.f32 v2, v2;
	v4 =	vmul.f32 v54, v53  }
0x42e: {  	v0 =	vadd.f32 v3, v0  }
0x42f: {  	v2 =	vmul.f32 v2, v4  }
0x430: {  	(xrf2) =	vadd.scan.msk.f32 $0xffff, v0  }
0x431: {  	(xrf2) =	vadd.scan.msk.f32 $0xffff, v2  }
0x432: {  	(xrf2) =	vadd.scan.msk.f32 $0xffff, v4;
	_ =	sdelay $0x7  }
0x433: {  	v0, _, _ =	vpop (xrf2)  }
0x434: {  	v2, _, _ =	vpop (xrf2)  }
0x435: {  	v3, _, _ =	vpop (xrf2)  }
0x436: {  	v3 =	vbroadcast v3, $0xF;
	_ =	sdelay $0x1  }
0x437: {  	v55 =	vmax.f32 v3, $1.000000000e+00  }
0x438: {  	v56 =	vmul.f32 v21, v20;
	(erf) = vrcp.f32 v55;
	_ =	sdelay $0x1  }
0x439: {  	v58 =	vmul.f32 v24, v22;
	v57 =	vadd.f32 $0.0e+00, v56;
	_ =	sdelay $0x1  }
0x43a: {  	v59 =	vmul.f32 v26, v25;
	v4 =	vadd.f32 v58, v57;
	_ =	sdelay $0x1  }
0x43b: {  	v60 =	vmul.f32 v29, v27;
	v4 =	vadd.f32 v59, v4  }
0x43c: {  	v63 =	vld [tilespmem:$0x1FED0]  }
0x43d: {  	v61 =	vmul.f32 v30, v28;
	v4 =	vadd.f32 v60, v4;
	v2 =	vbroadcast v2, $0xF  }
0x43e: {  	v62 =	vpop (erf)  }
0x43f: {  	v4 =	vadd.f32 v61, v4;
	v2 =	vmul.f32 v2, v62  }
0x440: {  	vm9 =	vgt.f32 v3, $5.000000000e-01  }
0x441: {  	v3 =	vmul.f32 v4, v63;
	v2 =	vnsel vm9, $0x0, v2  }
0x442: {  	v2 =	vmul.f32 v2, v63  }
0x443: {  	v0 =	vbroadcast v0, $0xF;
	v3 =	vsel vm14, $0x0, v3  }
0x444: {  	s7 =	sld [smem:$0x7FC];
	v2 =	vsel vm15, v3, v2  }
0x445: {  	v0 =	vsel vm0, v2, v0  }
0x446: {  	s8 =	simm.s32 $0x14F60;
	s12 =	simm.s32 $0x0;
	[tilespmem:$0x14F60] =	vst v0  }
0x447: {  	[hbm4b:s7+s12] =	stream.linear.scatter [tilespmem:s8], [sflag:$0x1], $0x80, $0x38;
	[tilespmem:$0x14FE0] =	vst v63  }
0x448: {  	_ =	swait.ge [sflag:s11], $0x80  }
0x449: {  	s9 =	sld [smem:$0x7F6]  }
0x44a: {  	s10 =	sld [smem:$0x7FD];
	_ =	sdelay $0x1  }
0x44b: {  	s3 =	sadd.s32 $0x1, s9  }
0x44c: {  	p0 =	sne.s32 s3, s10  }
.Ltmp2:
0x44d: {  	_ = 	snop;
	(pc) =	sbr.rel @p0 .LBB2_1-.Ltmp2, $3  }
0x44e: {  	_ =	sdelay $0x1  }
0x44f: {  	[sflag:s11] =	ssyncset.done $0x0  }
0x450: {  	[sflag:s11] =	ssyncadd.s32 $0xFFFFFF80  }
0x451: {  	_ =	sfence.sel $0x180000  }
0x452: {  	[bflag:$0x0] =	sbarrier.arrive $0xFFFF  }
0x453: {  	_ =	strace $0x90000047  }
0x454: {  	s0 =	stileid.u32;
	[bflag:$0x2] =	sbarrier.arrive $0xFFFF  }
0x455: {  	p0 =	sne.s32 s0, $0x0;
	s0 =	rddreg [dreg:$0x2]  }
0x456: {  	s0 =	sadd.s32 @!p0 $0x100000, s0  }
0x457: {  	[sflag:s0] =	ssyncadd.tile.s32 @!p0 $0x1;
	_ =	shalt  }
.Lfunc_end2:
_tile_overlayer_lowered:
.L_overlay_start_2:
0x458: {  	(tag) =	ssettag $0x2  }
0x459: {  	s0 =	rddreg [dreg:$0x0];
	s2 =	stileid.u32  }
0x45a: {  	s1 =	rddreg [dreg:$0x1];
	p0 =	sne.s32 s2, $0x0  }
0x45b: {  	s3 =	rddreg [dreg:$0x2];
	[bflag:$0x3] =	sbarrier.arrive $0xFFFF;
	s2 =	simm.s32 @!p0 $0x1C01  }
0x45c: {  	[timem:s3], [sflag:s2] =	dma.local @!p0 [hbm:s0], s1  }
0x45d: {  	s0 =	simm.s32 @!p0 $0x1  }
0x45e: {  	_ =	swait.ge @!p0 [sflag:s0], s1  }
0x45f: {  	s1 =	ssub.s32 @!p0 $0x0, s1;
	[sflag:s0] =	ssyncset.done @!p0 $0x0  }
0x460: {  	[sflag:s0] =	ssyncadd.s32 @!p0 s1  }
0x461: {  	[bflag:$0x3] =	sbarrier.arrive $0xFFFF  }
0x462: {  	_ =	shalt  }

</sc_bundles>
